<compile_context>
chip_gen: v7x
topology: tpu7x:2x2x1
jax: 0.10.2.dev20260603
libtpu: 0.0.44.dev20260713+nightly
codegen_flags: <defaults>
</compile_context>

<pallas_src>
import functools

import jax
import jax.numpy as jnp
from jax import lax
from jax.experimental import pallas as pl
from jax.experimental.pallas import tpu as pltpu
from jax.experimental.pallas import tpu_sc as plsc

_N = 10000
_E = 320000
_D = 128
_G = 64
_C = 10

_NPAD = 10240
_WORKERS = 32
_CW = 128
_CHUNKS = 79
_EPAD = _WORKERS * _CHUNKS * _CW
_CH0 = 106
_CH1 = 52
_CHH = 54
_NH0 = (54, 52)
_NH1 = (52, 0)
_CHMAX = max(_CH0, _CH1)
_RPS = _NPAD // 16

_BLK = 640
_GRID = _NPAD // _BLK


@functools.lru_cache(maxsize=None)
def _sc_kernels():
    mesh = plsc.VectorSubcoreMesh(core_axis_name="c", subcore_axis_name="s")

    @functools.partial(
        pl.kernel,
        mesh=mesh,
        out_type=jax.ShapeDtypeStruct((2, _NPAD, _D), jnp.float32),
        scratch_types=[
            pltpu.VMEM((_CHUNKS, _CW), jnp.int32),
            pltpu.VMEM((_CW, _D), jnp.float32),
            pltpu.VMEM_SHARED((_NPAD, _D), jnp.float32),
            pltpu.SemaphoreType.DMA,
        ],
    )
    def _deg_pass(dst_hbm, ones_hbm, zeros_hbm, out_hbm,
                  dst_v, ones_v, acc_sh, sem):
        c = lax.axis_index("c")
        s = lax.axis_index("s")
        wid = s * 2 + c
        pltpu.sync_copy(ones_hbm, ones_v)
        pltpu.sync_copy(dst_hbm.at[wid], dst_v)
        pltpu.sync_copy(zeros_hbm.at[pl.ds(s * _RPS, _RPS)],
                        acc_sh.at[pl.ds(s * _RPS, _RPS)])
        plsc.subcore_barrier()

        def body(j, carry):
            pltpu.sync_copy(ones_v, acc_sh.at[dst_v.at[j]], add=True)
            return carry

        lax.fori_loop(0, _CHUNKS, body, 0)
        plsc.subcore_barrier()
        pltpu.sync_copy(acc_sh.at[pl.ds(s * _RPS, _RPS)],
                        out_hbm.at[c, pl.ds(s * _RPS, _RPS)])

    @functools.partial(
        pl.kernel,
        mesh=mesh,
        out_type=jax.ShapeDtypeStruct((2, _NPAD, _D), jnp.float32),
        scratch_types=[
            pltpu.VMEM((_CHH, _CW), jnp.int32),
            pltpu.VMEM((_CHH, _CW), jnp.int32),
            pltpu.VMEM((2, _CW, _D), jnp.float32),
            pltpu.VMEM_SHARED((_NPAD, _D), jnp.float32),
            pltpu.SemaphoreType.DMA,
            pltpu.SemaphoreType.DMA,
        ],
    )
    def _edge_pass(u_hbm, src_hbm, dst_hbm, zeros_hbm, out_hbm,
                   src_v, dst_v, rows_v, acc_sh, sem0, sem1):
        c = lax.axis_index("c")
        s = lax.axis_index("s")
        wid = s * 2 + c
        pltpu.sync_copy(zeros_hbm.at[pl.ds(s * _RPS, _RPS)],
                        acc_sh.at[pl.ds(s * _RPS, _RPS)])
        plsc.subcore_barrier()

        def body(t, carry):
            j0 = 2 * t
            j1 = j0 + 1
            cp0 = pltpu.async_copy(u_hbm.at[src_v.at[j0]], rows_v.at[0], sem0)
            cp1 = pltpu.async_copy(u_hbm.at[src_v.at[j1]], rows_v.at[1], sem1)
            cp0.wait()
            pltpu.sync_copy(rows_v.at[0], acc_sh.at[dst_v.at[j0]], add=True)
            cp1.wait()
            pltpu.sync_copy(rows_v.at[1], acc_sh.at[dst_v.at[j1]], add=True)
            return carry

        for h in range(2):
            nh = jnp.where(c == 0, _NH0[h], _NH1[h])

            @pl.when(nh > 0)
            def _(h=h, nh=nh):
                pltpu.sync_copy(src_hbm.at[wid, h], src_v)
                pltpu.sync_copy(dst_hbm.at[wid, h], dst_v)
                lax.fori_loop(0, nh // 2, body, 0)

        plsc.subcore_barrier()
        pltpu.sync_copy(acc_sh.at[pl.ds(s * _RPS, _RPS)],
                        out_hbm.at[c, pl.ds(s * _RPS, _RPS)])

    return _deg_pass, _edge_pass



def _tc_first_body(deg_ref, x_ref, w_ref, dinv_ref, u_ref):
    deg = deg_ref[0, :, 0:1] + deg_ref[1, :, 0:1] + 1.0
    v = lax.rsqrt(deg)
    vb = jnp.broadcast_to(v, (_BLK, _D))
    dinv_ref[...] = vb
    u_ref[...] = vb * jnp.dot(x_ref[...], w_ref[...],
                              preferred_element_type=jnp.float32)


_tc_first = pl.pallas_call(
    _tc_first_body,
    grid=(_GRID,),
    in_specs=[
        pl.BlockSpec((2, _BLK, _D), lambda i: (0, i, 0)),
        pl.BlockSpec((_BLK, _D), lambda i: (i, 0)),
        pl.BlockSpec((_D, _D), lambda i: (0, 0)),
    ],
    out_specs=[
        pl.BlockSpec((_BLK, _D), lambda i: (i, 0)),
        pl.BlockSpec((_BLK, _D), lambda i: (i, 0)),
    ],
    out_shape=[
        jax.ShapeDtypeStruct((_NPAD, _D), jnp.float32),
        jax.ShapeDtypeStruct((_NPAD, _D), jnp.float32),
    ],
)


def _tc_mid_body(acc_ref, u_ref, dinv_ref, b_ref, w_ref, out_ref):
    vb = dinv_ref[...]
    cc = vb * (acc_ref[0] + acc_ref[1] + u_ref[...]) + b_ref[...]
    h = jnp.maximum(cc, 0.0)
    out_ref[...] = vb * jnp.dot(h, w_ref[...],
                                preferred_element_type=jnp.float32)


_tc_mid = pl.pallas_call(
    _tc_mid_body,
    grid=(_GRID,),
    in_specs=[
        pl.BlockSpec((2, _BLK, _D), lambda i: (0, i, 0)),
        pl.BlockSpec((_BLK, _D), lambda i: (i, 0)),
        pl.BlockSpec((_BLK, _D), lambda i: (i, 0)),
        pl.BlockSpec((1, _D), lambda i: (0, 0)),
        pl.BlockSpec((_D, _D), lambda i: (0, 0)),
    ],
    out_specs=pl.BlockSpec((_BLK, _D), lambda i: (i, 0)),
    out_shape=jax.ShapeDtypeStruct((_NPAD, _D), jnp.float32),
)


def _tc_final_body(acc_ref, u_ref, dinv_ref, b4_ref, batch_ref,
                   wl1_ref, bl1_ref, gamma_ref, beta_ref, wl2_ref, bl2_ref,
                   out_ref, g_scr):
    i = pl.program_id(0)
    c4 = dinv_ref[...] * (acc_ref[0] + acc_ref[1] + u_ref[...]) + b4_ref[...]
    bb = batch_ref[0]
    gids = lax.broadcasted_iota(jnp.int32, (_G, _BLK), 0)
    onehot = (bb == gids).astype(jnp.float32)
    part = jnp.dot(onehot, c4, preferred_element_type=jnp.float32,
                   precision=lax.Precision.HIGHEST)

    @pl.when(i == 0)
    def _():
        g_scr[...] = part

    @pl.when(i > 0)
    def _():
        g_scr[...] = g_scr[...] + part

    @pl.when(i == pl.num_programs(0) - 1)
    def _():
        g = g_scr[...]
        z = jnp.dot(g, wl1_ref[...], preferred_element_type=jnp.float32)
        z = z + bl1_ref[...]
        mean = jnp.mean(z, axis=0, keepdims=True)
        var = jnp.mean((z - mean) * (z - mean), axis=0, keepdims=True)
        z = (z - mean) * lax.rsqrt(var + 1e-5) * gamma_ref[...] + beta_ref[...]
        z = jnp.maximum(z, 0.0)
        o = jnp.dot(z, wl2_ref[...], preferred_element_type=jnp.float32)
        o = o + bl2_ref[...]
        colmask = lax.broadcasted_iota(jnp.int32, (_G, _D), 1) < _C
        om = jnp.where(colmask, o, -jnp.inf)
        m = jnp.max(om, axis=1, keepdims=True)
        e = jnp.where(colmask, jnp.exp(o - m), 0.0)
        lse = jnp.log(jnp.sum(e, axis=1, keepdims=True))
        out_ref[...] = o - m - lse


_tc_final = pl.pallas_call(
    _tc_final_body,
    grid=(_GRID,),
    in_specs=[
        pl.BlockSpec((2, _BLK, _D), lambda i: (0, i, 0)),
        pl.BlockSpec((_BLK, _D), lambda i: (i, 0)),
        pl.BlockSpec((_BLK, _D), lambda i: (i, 0)),
        pl.BlockSpec((1, _D), lambda i: (0, 0)),
        pl.BlockSpec((1, 1, _BLK), lambda i: (i, 0, 0)),
        pl.BlockSpec((_D, _D), lambda i: (0, 0)),
        pl.BlockSpec((1, _D), lambda i: (0, 0)),
        pl.BlockSpec((1, _D), lambda i: (0, 0)),
        pl.BlockSpec((1, _D), lambda i: (0, 0)),
        pl.BlockSpec((_D, _D), lambda i: (0, 0)),
        pl.BlockSpec((1, _D), lambda i: (0, 0)),
    ],
    out_specs=pl.BlockSpec((_G, _D), lambda i: (0, 0)),
    out_shape=jax.ShapeDtypeStruct((_G, _D), jnp.float32),
    scratch_shapes=[pltpu.VMEM((_G, _D), jnp.float32)],
)


def kernel(x, edge_index, batch, W1, b1, W2, b2, W3, b3, W4, b4,
           Wl1, bl1, gamma, beta, Wl2, bl2):
    src = edge_index[0]
    dst = edge_index[1]
    idx_pad = jnp.full((_EPAD - _E,), _N, jnp.int32)
    srcp = jnp.concatenate([src, idx_pad]).reshape(_WORKERS, _CHUNKS, _CW)
    dstp = jnp.concatenate([dst, idx_pad]).reshape(_WORKERS, _CHUNKS, _CW)

    def _skew(e):
        ep = jnp.concatenate([e, idx_pad])
        n0 = 16 * _CH0 * _CW
        e0 = ep[:n0].reshape(16, _CH0, _CW)
        e0 = jnp.pad(e0, ((0, 0), (0, 2 * _CHH - _CH0), (0, 0)),
                     constant_values=_N)
        e1 = ep[n0:].reshape(16, _CH1, _CW)
        e1 = jnp.pad(e1, ((0, 0), (0, 2 * _CHH - _CH1), (0, 0)),
                     constant_values=_N)
        return jnp.stack([e0, e1], axis=1).reshape(_WORKERS, 2, _CHH, _CW)

    srcq = _skew(src)
    dstq = _skew(dst)

    xp = jnp.pad(x, ((0, _NPAD - _N), (0, 0)))
    batchp = jnp.pad(batch, (0, _NPAD - _N),
                     constant_values=_G).reshape(_GRID, 1, _BLK)
    zeros = jnp.zeros((_NPAD, _D), jnp.float32)
    ones_rows = jnp.ones((_CW, _D), jnp.float32)

    b1r = b1.reshape(1, _D)
    b2r = b2.reshape(1, _D)
    b3r = b3.reshape(1, _D)
    b4r = b4.reshape(1, _D)
    bl1r = bl1.reshape(1, _D)
    gammar = gamma.reshape(1, _D)
    betar = beta.reshape(1, _D)
    Wl2p = jnp.pad(Wl2, ((0, 0), (0, _D - _C)))
    bl2p = jnp.pad(bl2, (0, _D - _C)).reshape(1, _D)

    _deg_pass, _edge_pass = _sc_kernels()
    deg2 = _deg_pass(dstp, ones_rows, zeros)
    dinvb, u = _tc_first(deg2, xp, W1)

    acc = _edge_pass(u, srcq, dstq, zeros)
    u = _tc_mid(acc, u, dinvb, b1r, W2)
    acc = _edge_pass(u, srcq, dstq, zeros)
    u = _tc_mid(acc, u, dinvb, b2r, W3)
    acc = _edge_pass(u, srcq, dstq, zeros)
    u = _tc_mid(acc, u, dinvb, b3r, W4)
    acc = _edge_pass(u, srcq, dstq, zeros)

    out = _tc_final(acc, u, dinvb, b4r, batchp,
                    Wl1, bl1r, gammar, betar, Wl2p, bl2p)
    return out[:, :_C]

# --- scband reference (transcript-rebuilt; emitter-appended) ---
"""Pipeline reference for scband-gcn-52956946760183 (READ-ONLY COPY).

The authoritative reference and input builder live on the scoring server;
editing this copy changes nothing except your own understanding.
"""

import jax, jax.numpy as jnp
import numpy as np

N = 10000
E = 320000
D = 128
H = 128
C = 10
G = 64


def setup_inputs(seed: int = 0) -> dict:
    key = jax.random.key(seed)
    ks = jax.random.split(key, 20)
    x = jax.random.normal(ks[0], (N, D), dtype=jnp.float32)
    edge_index = jax.random.randint(ks[1], (2, E), 0, N, dtype=jnp.int32)
    batch = jnp.sort(jax.random.randint(ks[2], (N,), 0, G, dtype=jnp.int32))
    s = 0.08
    W1 = jax.random.normal(ks[3], (D, H), dtype=jnp.float32) * s
    b1 = jnp.zeros((H,), dtype=jnp.float32)
    W2 = jax.random.normal(ks[4], (H, H), dtype=jnp.float32) * s
    b2 = jnp.zeros((H,), dtype=jnp.float32)
    W3 = jax.random.normal(ks[5], (H, H), dtype=jnp.float32) * s
    b3 = jnp.zeros((H,), dtype=jnp.float32)
    W4 = jax.random.normal(ks[6], (H, H), dtype=jnp.float32) * s
    b4 = jnp.zeros((H,), dtype=jnp.float32)
    Wl1 = jax.random.normal(ks[7], (H, H), dtype=jnp.float32) * s
    bl1 = jnp.zeros((H,), dtype=jnp.float32)
    gamma = jnp.ones((H,), dtype=jnp.float32)
    beta = jnp.zeros((H,), dtype=jnp.float32)
    Wl2 = jax.random.normal(ks[8], (H, C), dtype=jnp.float32) * s
    bl2 = jnp.zeros((C,), dtype=jnp.float32)
    return {"x": x, "edge_index": edge_index, "batch": batch,
            "W1": W1, "b1": b1, "W2": W2, "b2": b2, "W3": W3, "b3": b3,
            "W4": W4, "b4": b4, "Wl1": Wl1, "bl1": bl1,
            "gamma": gamma, "beta": beta, "Wl2": Wl2, "bl2": bl2}


def _gcn_conv(x, src, dst, W, b):
    n = x.shape[0]
    loop = jnp.arange(n, dtype=src.dtype)
    s = jnp.concatenate([src, loop])
    d = jnp.concatenate([dst, loop])
    deg = jax.ops.segment_sum(jnp.ones(s.shape[0], dtype=jnp.float32), d, num_segments=n)
    dinv = jnp.where(deg > 0, 1.0 / jnp.sqrt(deg), 0.0)
    norm = dinv[s] * dinv[d]
    h = x @ W
    msg = h[s] * norm[:, None]
    out = jax.ops.segment_sum(msg, d, num_segments=n)
    return out + b


def reference(x, edge_index, batch, W1, b1, W2, b2, W3, b3, W4, b4, Wl1, bl1, gamma, beta, Wl2, bl2):
    src = edge_index[0]
    dst = edge_index[1]
    h = jax.nn.relu(_gcn_conv(x, src, dst, W1, b1))
    h = jax.nn.relu(_gcn_conv(h, src, dst, W2, b2))
    h = jax.nn.relu(_gcn_conv(h, src, dst, W3, b3))
    h = _gcn_conv(h, src, dst, W4, b4)
    g = jax.ops.segment_sum(h, batch, num_segments=G)
    z = g @ Wl1 + bl1
    mean = jnp.mean(z, axis=0)
    var = jnp.var(z, axis=0)
    z = (z - mean) / jnp.sqrt(var + 1e-5) * gamma + beta
    z = jax.nn.relu(z)
    out = z @ Wl2 + bl2
    return jax.nn.log_softmax(out, axis=1)

if __name__ == "__main__":
    import jax
    _d = setup_inputs()
    print(jax.jit(kernel)(*tuple(_d.values())))

</pallas_src>

<mosaic_0001>
#map = affine_map<(d0, d1) -> (0, 0)>
#map1 = affine_map<(d0, d1) -> (0, 0, 0, 0)>
#map2 = affine_map<(d0, d1) -> (0, 0, 0)>
module attributes {stable_mosaic.version = 14 : i64} {
  func.func @_edge_pass(%arg0: i32, %arg1: i32, %arg2: memref<10240x128xf32, #tpu.memory_space<hbm>>, %arg3: memref<32x2x54x128xi32, #tpu.memory_space<hbm>>, %arg4: memref<32x2x54x128xi32, #tpu.memory_space<hbm>>, %arg5: memref<10240x128xf32, #tpu.memory_space<hbm>>, %arg6: memref<2x10240x128xf32, #tpu.memory_space<hbm>>, %arg7: memref<54x128xi32, #tpu.memory_space<vmem>>, %arg8: memref<54x128xi32, #tpu.memory_space<vmem>>, %arg9: memref<2x128x128xf32, #tpu.memory_space<vmem>>, %arg10: memref<10240x128xf32, #tpu.memory_space<vmem_shared>>, %arg11: memref<!tpu.dma_semaphore, #tpu.memory_space<semaphore_mem>>, %arg12: memref<!tpu.dma_semaphore, #tpu.memory_space<semaphore_mem>>) attributes {dimension_semantics = [#tpu.dimension_semantics<core_parallel>, #tpu.dimension_semantics<subcore_parallel>], iteration_bounds = array<i64: 2, 16>, scalar_prefetch = 0 : i64, scratch_operands = 6 : i64, tpu.core_type = #tpu.core_type<sc_vector_subcore>, window_params = [{transform_indices = #map}, {transform_indices = #map1}, {transform_indices = #map1}, {transform_indices = #map}, {transform_indices = #map2}]} {
    %mul3A = arith.constant 2 : i32
    %mul3A_0 = arith.muli %arg1, %mul3A : i32
    %add3A = arith.addi %mul3A_0, %arg0 : i32
    %mul3A_1 = arith.constant 640 : i32
    %mul3A_2 = arith.muli %arg1, %mul3A_1 : i32
    %mul3A_3 = arith.constant 640 : i32
    %mul3A_4 = arith.muli %arg1, %mul3A_3 : i32
    "tpu.region"() ({
      %run_scoped3A = tpu.sem_alloc : memref<!tpu.dma_semaphore, #tpu.memory_space<semaphore_mem>>
      %dma_start3A = arith.constant 0 : i32
      %dma_start3A_24 = tpu.memref_slice %arg10[%mul3A_4, %dma_start3A] : memref<10240x128xf32, #tpu.memory_space<vmem_shared>> -> memref<640x128xf32, #tpu.memory_space<vmem_shared>>
      %dma_start3A_25 = arith.constant 0 : i32
      %dma_start3A_26 = tpu.memref_slice %arg5[%mul3A_2, %dma_start3A_25] : memref<10240x128xf32, #tpu.memory_space<hbm>> -> memref<640x128xf32, #tpu.memory_space<hbm>>
      tpu.enqueue_dma source(%dma_start3A_26 : memref<640x128xf32, #tpu.memory_space<hbm>>) target(%dma_start3A_24 : memref<640x128xf32, #tpu.memory_space<vmem_shared>>) target_semaphore(%run_scoped3A : memref<!tpu.dma_semaphore, #tpu.memory_space<semaphore_mem>>)
      %dma_wait3A = arith.constant 0 : i32
      %dma_wait3A_27 = tpu.memref_slice %arg10[%mul3A_4, %dma_wait3A] : memref<10240x128xf32, #tpu.memory_space<vmem_shared>> -> memref<640x128xf32, #tpu.memory_space<vmem_shared>>
      %dma_wait3A_28 = arith.constant 0 : i32
      %dma_wait3A_29 = tpu.memref_slice %arg5[%mul3A_2, %dma_wait3A_28] : memref<10240x128xf32, #tpu.memory_space<hbm>> -> memref<640x128xf32, #tpu.memory_space<hbm>>
      tpu.wait_dma2 semaphore(%run_scoped3A : memref<!tpu.dma_semaphore, #tpu.memory_space<semaphore_mem>>) src(%dma_wait3A_29 : memref<640x128xf32, #tpu.memory_space<hbm>>) dst(%dma_wait3A_27 : memref<640x128xf32, #tpu.memory_space<vmem_shared>>)
      tpu.yield
    }) : () -> ()
    %barrier3A = arith.constant 0 : index
    tpu.barrier barrier_id(%barrier3A)
    %eq3A = arith.constant 0 : i32
    %eq3A_5 = arith.cmpi eq, %arg0, %eq3A : i32
    %jit3A = arith.constant 54 : i32
    %jit3A_6 = arith.constant 52 : i32
    %select_n3A = arith.select %eq3A_5, %jit3A, %jit3A_6 : i32
    %gt3A = arith.constant 0 : i32
    %gt3A_7 = arith.cmpi sgt, %select_n3A, %gt3A : i32
    %convert_element_type3A = arith.extui %gt3A_7 : i1 to i32
    %cond3A = arith.constant 0 : i32
    %cond3A_8 = arith.cmpi ne, %convert_element_type3A, %cond3A : i32
    scf.if %cond3A_8 {
      %run_scoped3A = arith.constant 0 : i32
      "tpu.region"() ({
        %run_scoped3A_52 = tpu.sem_alloc : memref<!tpu.dma_semaphore, #tpu.memory_space<semaphore_mem>>
        %dma_start3A = arith.constant 0 : i32
        %dma_start3A_53 = arith.constant 0 : i32
        %dma_start3A_54 = tpu.memref_slice %arg3[%add3A, %run_scoped3A, %dma_start3A, %dma_start3A_53] : memref<32x2x54x128xi32, #tpu.memory_space<hbm>> -> memref<1x1x54x128xi32, #tpu.memory_space<hbm>>
        %dma_start3A_55 = tpu.memref_squeeze %dma_start3A_54 : memref<1x1x54x128xi32, #tpu.memory_space<hbm>> -> memref<54x128xi32, #tpu.memory_space<hbm>>
        %dma_start3A_56 = arith.constant 0 : i32
        %dma_start3A_57 = arith.constant 0 : i32
        %dma_start3A_58 = tpu.memref_slice %arg3[%add3A, %run_scoped3A, %dma_start3A_56, %dma_start3A_57] : memref<32x2x54x128xi32, #tpu.memory_space<hbm>> -> memref<1x1x54x128xi32, #tpu.memory_space<hbm>>
        %dma_start3A_59 = tpu.memref_squeeze %dma_start3A_58 : memref<1x1x54x128xi32, #tpu.memory_space<hbm>> -> memref<54x128xi32, #tpu.memory_space<hbm>>
        tpu.enqueue_dma source(%dma_start3A_59 : memref<54x128xi32, #tpu.memory_space<hbm>>) target(%arg7 : memref<54x128xi32, #tpu.memory_space<vmem>>) target_semaphore(%run_scoped3A_52 : memref<!tpu.dma_semaphore, #tpu.memory_space<semaphore_mem>>)
        %dma_wait3A = arith.constant 0 : i32
        %dma_wait3A_60 = arith.constant 0 : i32
        %dma_wait3A_61 = tpu.memref_slice %arg3[%add3A, %run_scoped3A, %dma_wait3A, %dma_wait3A_60] : memref<32x2x54x128xi32, #tpu.memory_space<hbm>> -> memref<1x1x54x128xi32, #tpu.memory_space<hbm>>
        %dma_wait3A_62 = tpu.memref_squeeze %dma_wait3A_61 : memref<1x1x54x128xi32, #tpu.memory_space<hbm>> -> memref<54x128xi32, #tpu.memory_space<hbm>>
        %dma_wait3A_63 = arith.constant 0 : i32
        %dma_wait3A_64 = arith.constant 0 : i32
        %dma_wait3A_65 = tpu.memref_slice %arg3[%add3A, %run_scoped3A, %dma_wait3A_63, %dma_wait3A_64] : memref<32x2x54x128xi32, #tpu.memory_space<hbm>> -> memref<1x1x54x128xi32, #tpu.memory_space<hbm>>
        %dma_wait3A_66 = tpu.memref_squeeze %dma_wait3A_65 : memref<1x1x54x128xi32, #tpu.memory_space<hbm>> -> memref<54x128xi32, #tpu.memory_space<hbm>>
        tpu.wait_dma2 semaphore(%run_scoped3A_52 : memref<!tpu.dma_semaphore, #tpu.memory_space<semaphore_mem>>) src(%dma_wait3A_66 : memref<54x128xi32, #tpu.memory_space<hbm>>) dst(%arg7 : memref<54x128xi32, #tpu.memory_space<vmem>>)
        tpu.yield
      }) : () -> ()
      %run_scoped3A_24 = arith.constant 0 : i32
      "tpu.region"() ({
        %run_scoped3A_52 = tpu.sem_alloc : memref<!tpu.dma_semaphore, #tpu.memory_space<semaphore_mem>>
        %dma_start3A = arith.constant 0 : i32
        %dma_start3A_53 = arith.constant 0 : i32
        %dma_start3A_54 = tpu.memref_slice %arg4[%add3A, %run_scoped3A_24, %dma_start3A, %dma_start3A_53] : memref<32x2x54x128xi32, #tpu.memory_space<hbm>> -> memref<1x1x54x128xi32, #tpu.memory_space<hbm>>
        %dma_start3A_55 = tpu.memref_squeeze %dma_start3A_54 : memref<1x1x54x128xi32, #tpu.memory_space<hbm>> -> memref<54x128xi32, #tpu.memory_space<hbm>>
        %dma_start3A_56 = arith.constant 0 : i32
        %dma_start3A_57 = arith.constant 0 : i32
        %dma_start3A_58 = tpu.memref_slice %arg4[%add3A, %run_scoped3A_24, %dma_start3A_56, %dma_start3A_57] : memref<32x2x54x128xi32, #tpu.memory_space<hbm>> -> memref<1x1x54x128xi32, #tpu.memory_space<hbm>>
        %dma_start3A_59 = tpu.memref_squeeze %dma_start3A_58 : memref<1x1x54x128xi32, #tpu.memory_space<hbm>> -> memref<54x128xi32, #tpu.memory_space<hbm>>
        tpu.enqueue_dma source(%dma_start3A_59 : memref<54x128xi32, #tpu.memory_space<hbm>>) target(%arg8 : memref<54x128xi32, #tpu.memory_space<vmem>>) target_semaphore(%run_scoped3A_52 : memref<!tpu.dma_semaphore, #tpu.memory_space<semaphore_mem>>)
        %dma_wait3A = arith.constant 0 : i32
        %dma_wait3A_60 = arith.constant 0 : i32
        %dma_wait3A_61 = tpu.memref_slice %arg4[%add3A, %run_scoped3A_24, %dma_wait3A, %dma_wait3A_60] : memref<32x2x54x128xi32, #tpu.memory_space<hbm>> -> memref<1x1x54x128xi32, #tpu.memory_space<hbm>>
        %dma_wait3A_62 = tpu.memref_squeeze %dma_wait3A_61 : memref<1x1x54x128xi32, #tpu.memory_space<hbm>> -> memref<54x128xi32, #tpu.memory_space<hbm>>
        %dma_wait3A_63 = arith.constant 0 : i32
        %dma_wait3A_64 = arith.constant 0 : i32
        %dma_wait3A_65 = tpu.memref_slice %arg4[%add3A, %run_scoped3A_24, %dma_wait3A_63, %dma_wait3A_64] : memref<32x2x54x128xi32, #tpu.memory_space<hbm>> -> memref<1x1x54x128xi32, #tpu.memory_space<hbm>>
        %dma_wait3A_66 = tpu.memref_squeeze %dma_wait3A_65 : memref<1x1x54x128xi32, #tpu.memory_space<hbm>> -> memref<54x128xi32, #tpu.memory_space<hbm>>
        tpu.wait_dma2 semaphore(%run_scoped3A_52 : memref<!tpu.dma_semaphore, #tpu.memory_space<semaphore_mem>>) src(%dma_wait3A_66 : memref<54x128xi32, #tpu.memory_space<hbm>>) dst(%arg8 : memref<54x128xi32, #tpu.memory_space<vmem>>)
        tpu.yield
      }) : () -> ()
      %jit3A_25 = arith.constant 2 : i32
      %div3A = arith.divsi %select_n3A, %jit3A_25 : i32
      %sign3A = arith.constant 0 : i32
      %sign3A_26 = arith.cmpi sgt, %select_n3A, %sign3A : i32
      %sign3A_27 = arith.extui %sign3A_26 : i1 to i32
      %sign3A_28 = arith.constant 0 : i32
      %sign3A_29 = arith.cmpi slt, %select_n3A, %sign3A_28 : i32
      %sign3A_30 = arith.extui %sign3A_29 : i1 to i32
      %sign3A_31 = arith.subi %sign3A_27, %sign3A_30 : i32
      %sign3A_32 = arith.constant 0 : i32
      %sign3A_33 = arith.cmpi sgt, %jit3A_25, %sign3A_32 : i32
      %sign3A_34 = arith.extui %sign3A_33 : i1 to i32
      %sign3A_35 = arith.constant 0 : i32
      %sign3A_36 = arith.cmpi slt, %jit3A_25, %sign3A_35 : i32
      %sign3A_37 = arith.extui %sign3A_36 : i1 to i32
      %sign3A_38 = arith.subi %sign3A_34, %sign3A_37 : i32
      %ne3A = arith.cmpi ne, %sign3A_31, %sign3A_38 : i32
      %rem3A = arith.remsi %select_n3A, %jit3A_25 : i32
      %ne3A_39 = arith.constant 0 : i32
      %ne3A_40 = arith.cmpi ne, %rem3A, %ne3A_39 : i32
      %and3A = arith.andi %ne3A, %ne3A_40 : i1
      %sub3A = arith.constant 1 : i32
      %sub3A_41 = arith.subi %div3A, %sub3A : i32
      %select_n3A_42 = arith.select %and3A, %sub3A_41, %div3A : i32
      %while3A = arith.constant 0 : i32
      %while3A_43 = arith.constant 0 : i32
      %while3A_44 = arith.subi %select_n3A_42, %while3A_43 : i32
      %while3A_45 = arith.addi %while3A_43, %while3A_44 : i32
      %while3A_46 = arith.constant 1 : i32
      %while3A_47 = arith.divsi %while3A_44, %while3A_46 : i32
      %while3A_48 = arith.muli %while3A_47, %while3A_46 : i32
      %while3A_49 = arith.addi %while3A_43, %while3A_48 : i32
      %while3A_50 = arith.constant 1 : i32
      scf.for %while3A_52 = %while3A_43 to %while3A_49 step %while3A_50  : i32 {
        %mul3A_53 = arith.constant 2 : i32
        %mul3A_54 = arith.muli %mul3A_53, %while3A_52 : i32
        %add3A_55 = arith.constant 1 : i32
        %add3A_56 = arith.addi %mul3A_54, %add3A_55 : i32
        %dma_start3A = arith.constant 0 : i32
        %dma_start3A_57 = arith.constant 0 : i32
        %dma_start3A_58 = arith.constant 0 : i32
        %dma_start3A_59 = tpu.memref_slice %arg9[%dma_start3A, %dma_start3A_57, %dma_start3A_58] : memref<2x128x128xf32, #tpu.memory_space<vmem>> -> memref<1x128x128xf32, #tpu.memory_space<vmem>>
        %dma_start3A_60 = tpu.memref_squeeze %dma_start3A_59 : memref<1x128x128xf32, #tpu.memory_space<vmem>> -> memref<128x128xf32, #tpu.memory_space<vmem>>
        %dma_start3A_61 = arith.constant 0 : i32
        %dma_start3A_62 = tpu.memref_slice %arg7[%mul3A_54, %dma_start3A_61] : memref<54x128xi32, #tpu.memory_space<vmem>> -> memref<1x128xi32, #tpu.memory_space<vmem>>
        %dma_start3A_63 = tpu.memref_squeeze %dma_start3A_62 : memref<1x128xi32, #tpu.memory_space<vmem>> -> memref<128xi32, #tpu.memory_space<vmem>>
        %dma_start3A_64 = arith.constant 0 : i32
        %dma_start3A_65 = arith.constant 0 : i32
        %dma_start3A_66 = tpu.memref_slice %arg2[%dma_start3A_64, %dma_start3A_65] : memref<10240x128xf32, #tpu.memory_space<hbm>> -> memref<10240x128xf32, #tpu.memory_space<hbm>>
        tpu.enqueue_indirect_dma source(%dma_start3A_66 : memref<10240x128xf32, #tpu.memory_space<hbm>>) target(%dma_start3A_60 : memref<128x128xf32, #tpu.memory_space<vmem>>) offsets(%dma_start3A_63 : memref<128xi32, #tpu.memory_space<vmem>>) semaphore(%arg11 : memref<!tpu.dma_semaphore, #tpu.memory_space<semaphore_mem>>)
        %dma_start3A_67 = arith.constant 1 : i32
        %dma_start3A_68 = arith.constant 0 : i32
        %dma_start3A_69 = arith.constant 0 : i32
        %dma_start3A_70 = tpu.memref_slice %arg9[%dma_start3A_67, %dma_start3A_68, %dma_start3A_69] : memref<2x128x128xf32, #tpu.memory_space<vmem>> -> memref<1x128x128xf32, #tpu.memory_space<vmem>>
        %dma_start3A_71 = tpu.memref_squeeze %dma_start3A_70 : memref<1x128x128xf32, #tpu.memory_space<vmem>> -> memref<128x128xf32, #tpu.memory_space<vmem>>
        %dma_start3A_72 = arith.constant 0 : i32
        %dma_start3A_73 = tpu.memref_slice %arg7[%add3A_56, %dma_start3A_72] : memref<54x128xi32, #tpu.memory_space<vmem>> -> memref<1x128xi32, #tpu.memory_space<vmem>>
        %dma_start3A_74 = tpu.memref_squeeze %dma_start3A_73 : memref<1x128xi32, #tpu.memory_space<vmem>> -> memref<128xi32, #tpu.memory_space<vmem>>
        %dma_start3A_75 = arith.constant 0 : i32
        %dma_start3A_76 = arith.constant 0 : i32
        %dma_start3A_77 = tpu.memref_slice %arg2[%dma_start3A_75, %dma_start3A_76] : memref<10240x128xf32, #tpu.memory_space<hbm>> -> memref<10240x128xf32, #tpu.memory_space<hbm>>
        tpu.enqueue_indirect_dma source(%dma_start3A_77 : memref<10240x128xf32, #tpu.memory_space<hbm>>) target(%dma_start3A_71 : memref<128x128xf32, #tpu.memory_space<vmem>>) offsets(%dma_start3A_74 : memref<128xi32, #tpu.memory_space<vmem>>) semaphore(%arg12 : memref<!tpu.dma_semaphore, #tpu.memory_space<semaphore_mem>>)
        %dma_wait3A = arith.constant 0 : i32
        %dma_wait3A_78 = arith.constant 0 : i32
        %dma_wait3A_79 = arith.constant 0 : i32
        %dma_wait3A_80 = tpu.memref_slice %arg9[%dma_wait3A, %dma_wait3A_78, %dma_wait3A_79] : memref<2x128x128xf32, #tpu.memory_space<vmem>> -> memref<1x128x128xf32, #tpu.memory_space<vmem>>
        %dma_wait3A_81 = tpu.memref_squeeze %dma_wait3A_80 : memref<1x128x128xf32, #tpu.memory_space<vmem>> -> memref<128x128xf32, #tpu.memory_space<vmem>>
        %dma_wait3A_82 = arith.constant 0 : i32
        %dma_wait3A_83 = tpu.memref_slice %arg7[%mul3A_54, %dma_wait3A_82] : memref<54x128xi32, #tpu.memory_space<vmem>> -> memref<1x128xi32, #tpu.memory_space<vmem>>
        %dma_wait3A_84 = tpu.memref_squeeze %dma_wait3A_83 : memref<1x128xi32, #tpu.memory_space<vmem>> -> memref<128xi32, #tpu.memory_space<vmem>>
        %dma_wait3A_85 = arith.constant 0 : i32
        %dma_wait3A_86 = arith.constant 0 : i32
        %dma_wait3A_87 = tpu.memref_slice %arg2[%dma_wait3A_85, %dma_wait3A_86] : memref<10240x128xf32, #tpu.memory_space<hbm>> -> memref<10240x128xf32, #tpu.memory_space<hbm>>
        tpu.wait_indirect_dma semaphore(%arg11 : memref<!tpu.dma_semaphore, #tpu.memory_space<semaphore_mem>>) src(%dma_wait3A_87 : memref<10240x128xf32, #tpu.memory_space<hbm>>) dst(%dma_wait3A_81 : memref<128x128xf32, #tpu.memory_space<vmem>>)
        %run_scoped3A_88 = arith.constant 0 : i32
        "tpu.region"() ({
          %run_scoped3A_101 = tpu.sem_alloc : memref<!tpu.dma_semaphore, #tpu.memory_space<semaphore_mem>>
          %dma_start3A_102 = arith.constant 0 : i32
          %dma_start3A_103 = arith.constant 0 : i32
          %dma_start3A_104 = tpu.memref_slice %arg9[%run_scoped3A_88, %dma_start3A_102, %dma_start3A_103] : memref<2x128x128xf32, #tpu.memory_space<vmem>> -> memref<1x128x128xf32, #tpu.memory_space<vmem>>
          %dma_start3A_105 = tpu.memref_squeeze %dma_start3A_104 : memref<1x128x128xf32, #tpu.memory_space<vmem>> -> memref<128x128xf32, #tpu.memory_space<vmem>>
          %dma_start3A_106 = arith.constant 0 : i32
          %dma_start3A_107 = tpu.memref_slice %arg8[%mul3A_54, %dma_start3A_106] : memref<54x128xi32, #tpu.memory_space<vmem>> -> memref<1x128xi32, #tpu.memory_space<vmem>>
          %dma_start3A_108 = tpu.memref_squeeze %dma_start3A_107 : memref<1x128xi32, #tpu.memory_space<vmem>> -> memref<128xi32, #tpu.memory_space<vmem>>
          %dma_start3A_109 = arith.constant 0 : i32
          %dma_start3A_110 = arith.constant 0 : i32
          %dma_start3A_111 = tpu.memref_slice %arg10[%dma_start3A_109, %dma_start3A_110] : memref<10240x128xf32, #tpu.memory_space<vmem_shared>> -> memref<10240x128xf32, #tpu.memory_space<vmem_shared>>
          tpu.enqueue_indirect_dma source(%dma_start3A_105 : memref<128x128xf32, #tpu.memory_space<vmem>>) target(%dma_start3A_111 : memref<10240x128xf32, #tpu.memory_space<vmem_shared>>) offsets(%dma_start3A_108 : memref<128xi32, #tpu.memory_space<vmem>>) semaphore(%run_scoped3A_101 : memref<!tpu.dma_semaphore, #tpu.memory_space<semaphore_mem>>) {add = true}
          %dma_wait3A_112 = arith.constant 0 : i32
          %dma_wait3A_113 = arith.constant 0 : i32
          %dma_wait3A_114 = tpu.memref_slice %arg9[%run_scoped3A_88, %dma_wait3A_112, %dma_wait3A_113] : memref<2x128x128xf32, #tpu.memory_space<vmem>> -> memref<1x128x128xf32, #tpu.memory_space<vmem>>
          %dma_wait3A_115 = tpu.memref_squeeze %dma_wait3A_114 : memref<1x128x128xf32, #tpu.memory_space<vmem>> -> memref<128x128xf32, #tpu.memory_space<vmem>>
          %dma_wait3A_116 = arith.constant 0 : i32
          %dma_wait3A_117 = tpu.memref_slice %arg8[%mul3A_54, %dma_wait3A_116] : memref<54x128xi32, #tpu.memory_space<vmem>> -> memref<1x128xi32, #tpu.memory_space<vmem>>
          %dma_wait3A_118 = tpu.memref_squeeze %dma_wait3A_117 : memref<1x128xi32, #tpu.memory_space<vmem>> -> memref<128xi32, #tpu.memory_space<vmem>>
          %dma_wait3A_119 = arith.constant 0 : i32
          %dma_wait3A_120 = arith.constant 0 : i32
          %dma_wait3A_121 = tpu.memref_slice %arg10[%dma_wait3A_119, %dma_wait3A_120] : memref<10240x128xf32, #tpu.memory_space<vmem_shared>> -> memref<10240x128xf32, #tpu.memory_space<vmem_shared>>
          tpu.wait_indirect_dma semaphore(%run_scoped3A_101 : memref<!tpu.dma_semaphore, #tpu.memory_space<semaphore_mem>>) src(%dma_wait3A_115 : memref<128x128xf32, #tpu.memory_space<vmem>>) dst(%dma_wait3A_121 : memref<10240x128xf32, #tpu.memory_space<vmem_shared>>)
          tpu.yield
        }) : () -> ()
        %dma_wait3A_89 = arith.constant 1 : i32
        %dma_wait3A_90 = arith.constant 0 : i32
        %dma_wait3A_91 = arith.constant 0 : i32
        %dma_wait3A_92 = tpu.memref_slice %arg9[%dma_wait3A_89, %dma_wait3A_90, %dma_wait3A_91] : memref<2x128x128xf32, #tpu.memory_space<vmem>> -> memref<1x128x128xf32, #tpu.memory_space<vmem>>
        %dma_wait3A_93 = tpu.memref_squeeze %dma_wait3A_92 : memref<1x128x128xf32, #tpu.memory_space<vmem>> -> memref<128x128xf32, #tpu.memory_space<vmem>>
        %dma_wait3A_94 = arith.constant 0 : i32
        %dma_wait3A_95 = tpu.memref_slice %arg7[%add3A_56, %dma_wait3A_94] : memref<54x128xi32, #tpu.memory_space<vmem>> -> memref<1x128xi32, #tpu.memory_space<vmem>>
        %dma_wait3A_96 = tpu.memref_squeeze %dma_wait3A_95 : memref<1x128xi32, #tpu.memory_space<vmem>> -> memref<128xi32, #tpu.memory_space<vmem>>
        %dma_wait3A_97 = arith.constant 0 : i32
        %dma_wait3A_98 = arith.constant 0 : i32
        %dma_wait3A_99 = tpu.memref_slice %arg2[%dma_wait3A_97, %dma_wait3A_98] : memref<10240x128xf32, #tpu.memory_space<hbm>> -> memref<10240x128xf32, #tpu.memory_space<hbm>>
        tpu.wait_indirect_dma semaphore(%arg12 : memref<!tpu.dma_semaphore, #tpu.memory_space<semaphore_mem>>) src(%dma_wait3A_99 : memref<10240x128xf32, #tpu.memory_space<hbm>>) dst(%dma_wait3A_93 : memref<128x128xf32, #tpu.memory_space<vmem>>)
        %run_scoped3A_100 = arith.constant 1 : i32
        "tpu.region"() ({
          %run_scoped3A_101 = tpu.sem_alloc : memref<!tpu.dma_semaphore, #tpu.memory_space<semaphore_mem>>
          %dma_start3A_102 = arith.constant 0 : i32
          %dma_start3A_103 = arith.constant 0 : i32
          %dma_start3A_104 = tpu.memref_slice %arg9[%run_scoped3A_100, %dma_start3A_102, %dma_start3A_103] : memref<2x128x128xf32, #tpu.memory_space<vmem>> -> memref<1x128x128xf32, #tpu.memory_space<vmem>>
          %dma_start3A_105 = tpu.memref_squeeze %dma_start3A_104 : memref<1x128x128xf32, #tpu.memory_space<vmem>> -> memref<128x128xf32, #tpu.memory_space<vmem>>
          %dma_start3A_106 = arith.constant 0 : i32
          %dma_start3A_107 = tpu.memref_slice %arg8[%add3A_56, %dma_start3A_106] : memref<54x128xi32, #tpu.memory_space<vmem>> -> memref<1x128xi32, #tpu.memory_space<vmem>>
          %dma_start3A_108 = tpu.memref_squeeze %dma_start3A_107 : memref<1x128xi32, #tpu.memory_space<vmem>> -> memref<128xi32, #tpu.memory_space<vmem>>
          %dma_start3A_109 = arith.constant 0 : i32
          %dma_start3A_110 = arith.constant 0 : i32
          %dma_start3A_111 = tpu.memref_slice %arg10[%dma_start3A_109, %dma_start3A_110] : memref<10240x128xf32, #tpu.memory_space<vmem_shared>> -> memref<10240x128xf32, #tpu.memory_space<vmem_shared>>
          tpu.enqueue_indirect_dma source(%dma_start3A_105 : memref<128x128xf32, #tpu.memory_space<vmem>>) target(%dma_start3A_111 : memref<10240x128xf32, #tpu.memory_space<vmem_shared>>) offsets(%dma_start3A_108 : memref<128xi32, #tpu.memory_space<vmem>>) semaphore(%run_scoped3A_101 : memref<!tpu.dma_semaphore, #tpu.memory_space<semaphore_mem>>) {add = true}
          %dma_wait3A_112 = arith.constant 0 : i32
          %dma_wait3A_113 = arith.constant 0 : i32
          %dma_wait3A_114 = tpu.memref_slice %arg9[%run_scoped3A_100, %dma_wait3A_112, %dma_wait3A_113] : memref<2x128x128xf32, #tpu.memory_space<vmem>> -> memref<1x128x128xf32, #tpu.memory_space<vmem>>
          %dma_wait3A_115 = tpu.memref_squeeze %dma_wait3A_114 : memref<1x128x128xf32, #tpu.memory_space<vmem>> -> memref<128x128xf32, #tpu.memory_space<vmem>>
          %dma_wait3A_116 = arith.constant 0 : i32
          %dma_wait3A_117 = tpu.memref_slice %arg8[%add3A_56, %dma_wait3A_116] : memref<54x128xi32, #tpu.memory_space<vmem>> -> memref<1x128xi32, #tpu.memory_space<vmem>>
          %dma_wait3A_118 = tpu.memref_squeeze %dma_wait3A_117 : memref<1x128xi32, #tpu.memory_space<vmem>> -> memref<128xi32, #tpu.memory_space<vmem>>
          %dma_wait3A_119 = arith.constant 0 : i32
          %dma_wait3A_120 = arith.constant 0 : i32
          %dma_wait3A_121 = tpu.memref_slice %arg10[%dma_wait3A_119, %dma_wait3A_120] : memref<10240x128xf32, #tpu.memory_space<vmem_shared>> -> memref<10240x128xf32, #tpu.memory_space<vmem_shared>>
          tpu.wait_indirect_dma semaphore(%run_scoped3A_101 : memref<!tpu.dma_semaphore, #tpu.memory_space<semaphore_mem>>) src(%dma_wait3A_115 : memref<128x128xf32, #tpu.memory_space<vmem>>) dst(%dma_wait3A_121 : memref<10240x128xf32, #tpu.memory_space<vmem_shared>>)
          tpu.yield
        }) : () -> ()
      }
      %while3A_51 = arith.constant 1 : i32
      scf.for %while3A_52 = %while3A_49 to %while3A_45 step %while3A_51  : i32 {
        %mul3A_53 = arith.constant 2 : i32
        %mul3A_54 = arith.muli %mul3A_53, %while3A_52 : i32
        %add3A_55 = arith.constant 1 : i32
        %add3A_56 = arith.addi %mul3A_54, %add3A_55 : i32
        %dma_start3A = arith.constant 0 : i32
        %dma_start3A_57 = arith.constant 0 : i32
        %dma_start3A_58 = arith.constant 0 : i32
        %dma_start3A_59 = tpu.memref_slice %arg9[%dma_start3A, %dma_start3A_57, %dma_start3A_58] : memref<2x128x128xf32, #tpu.memory_space<vmem>> -> memref<1x128x128xf32, #tpu.memory_space<vmem>>
        %dma_start3A_60 = tpu.memref_squeeze %dma_start3A_59 : memref<1x128x128xf32, #tpu.memory_space<vmem>> -> memref<128x128xf32, #tpu.memory_space<vmem>>
        %dma_start3A_61 = arith.constant 0 : i32
        %dma_start3A_62 = tpu.memref_slice %arg7[%mul3A_54, %dma_start3A_61] : memref<54x128xi32, #tpu.memory_space<vmem>> -> memref<1x128xi32, #tpu.memory_space<vmem>>
        %dma_start3A_63 = tpu.memref_squeeze %dma_start3A_62 : memref<1x128xi32, #tpu.memory_space<vmem>> -> memref<128xi32, #tpu.memory_space<vmem>>
        %dma_start3A_64 = arith.constant 0 : i32
        %dma_start3A_65 = arith.constant 0 : i32
        %dma_start3A_66 = tpu.memref_slice %arg2[%dma_start3A_64, %dma_start3A_65] : memref<10240x128xf32, #tpu.memory_space<hbm>> -> memref<10240x128xf32, #tpu.memory_space<hbm>>
        tpu.enqueue_indirect_dma source(%dma_start3A_66 : memref<10240x128xf32, #tpu.memory_space<hbm>>) target(%dma_start3A_60 : memref<128x128xf32, #tpu.memory_space<vmem>>) offsets(%dma_start3A_63 : memref<128xi32, #tpu.memory_space<vmem>>) semaphore(%arg11 : memref<!tpu.dma_semaphore, #tpu.memory_space<semaphore_mem>>)
        %dma_start3A_67 = arith.constant 1 : i32
        %dma_start3A_68 = arith.constant 0 : i32
        %dma_start3A_69 = arith.constant 0 : i32
        %dma_start3A_70 = tpu.memref_slice %arg9[%dma_start3A_67, %dma_start3A_68, %dma_start3A_69] : memref<2x128x128xf32, #tpu.memory_space<vmem>> -> memref<1x128x128xf32, #tpu.memory_space<vmem>>
        %dma_start3A_71 = tpu.memref_squeeze %dma_start3A_70 : memref<1x128x128xf32, #tpu.memory_space<vmem>> -> memref<128x128xf32, #tpu.memory_space<vmem>>
        %dma_start3A_72 = arith.constant 0 : i32
        %dma_start3A_73 = tpu.memref_slice %arg7[%add3A_56, %dma_start3A_72] : memref<54x128xi32, #tpu.memory_space<vmem>> -> memref<1x128xi32, #tpu.memory_space<vmem>>
        %dma_start3A_74 = tpu.memref_squeeze %dma_start3A_73 : memref<1x128xi32, #tpu.memory_space<vmem>> -> memref<128xi32, #tpu.memory_space<vmem>>
        %dma_start3A_75 = arith.constant 0 : i32
        %dma_start3A_76 = arith.constant 0 : i32
        %dma_start3A_77 = tpu.memref_slice %arg2[%dma_start3A_75, %dma_start3A_76] : memref<10240x128xf32, #tpu.memory_space<hbm>> -> memref<10240x128xf32, #tpu.memory_space<hbm>>
        tpu.enqueue_indirect_dma source(%dma_start3A_77 : memref<10240x128xf32, #tpu.memory_space<hbm>>) target(%dma_start3A_71 : memref<128x128xf32, #tpu.memory_space<vmem>>) offsets(%dma_start3A_74 : memref<128xi32, #tpu.memory_space<vmem>>) semaphore(%arg12 : memref<!tpu.dma_semaphore, #tpu.memory_space<semaphore_mem>>)
        %dma_wait3A = arith.constant 0 : i32
        %dma_wait3A_78 = arith.constant 0 : i32
        %dma_wait3A_79 = arith.constant 0 : i32
        %dma_wait3A_80 = tpu.memref_slice %arg9[%dma_wait3A, %dma_wait3A_78, %dma_wait3A_79] : memref<2x128x128xf32, #tpu.memory_space<vmem>> -> memref<1x128x128xf32, #tpu.memory_space<vmem>>
        %dma_wait3A_81 = tpu.memref_squeeze %dma_wait3A_80 : memref<1x128x128xf32, #tpu.memory_space<vmem>> -> memref<128x128xf32, #tpu.memory_space<vmem>>
        %dma_wait3A_82 = arith.constant 0 : i32
        %dma_wait3A_83 = tpu.memref_slice %arg7[%mul3A_54, %dma_wait3A_82] : memref<54x128xi32, #tpu.memory_space<vmem>> -> memref<1x128xi32, #tpu.memory_space<vmem>>
        %dma_wait3A_84 = tpu.memref_squeeze %dma_wait3A_83 : memref<1x128xi32, #tpu.memory_space<vmem>> -> memref<128xi32, #tpu.memory_space<vmem>>
        %dma_wait3A_85 = arith.constant 0 : i32
        %dma_wait3A_86 = arith.constant 0 : i32
        %dma_wait3A_87 = tpu.memref_slice %arg2[%dma_wait3A_85, %dma_wait3A_86] : memref<10240x128xf32, #tpu.memory_space<hbm>> -> memref<10240x128xf32, #tpu.memory_space<hbm>>
        tpu.wait_indirect_dma semaphore(%arg11 : memref<!tpu.dma_semaphore, #tpu.memory_space<semaphore_mem>>) src(%dma_wait3A_87 : memref<10240x128xf32, #tpu.memory_space<hbm>>) dst(%dma_wait3A_81 : memref<128x128xf32, #tpu.memory_space<vmem>>)
        %run_scoped3A_88 = arith.constant 0 : i32
        "tpu.region"() ({
          %run_scoped3A_101 = tpu.sem_alloc : memref<!tpu.dma_semaphore, #tpu.memory_space<semaphore_mem>>
          %dma_start3A_102 = arith.constant 0 : i32
          %dma_start3A_103 = arith.constant 0 : i32
          %dma_start3A_104 = tpu.memref_slice %arg9[%run_scoped3A_88, %dma_start3A_102, %dma_start3A_103] : memref<2x128x128xf32, #tpu.memory_space<vmem>> -> memref<1x128x128xf32, #tpu.memory_space<vmem>>
          %dma_start3A_105 = tpu.memref_squeeze %dma_start3A_104 : memref<1x128x128xf32, #tpu.memory_space<vmem>> -> memref<128x128xf32, #tpu.memory_space<vmem>>
          %dma_start3A_106 = arith.constant 0 : i32
          %dma_start3A_107 = tpu.memref_slice %arg8[%mul3A_54, %dma_start3A_106] : memref<54x128xi32, #tpu.memory_space<vmem>> -> memref<1x128xi32, #tpu.memory_space<vmem>>
          %dma_start3A_108 = tpu.memref_squeeze %dma_start3A_107 : memref<1x128xi32, #tpu.memory_space<vmem>> -> memref<128xi32, #tpu.memory_space<vmem>>
          %dma_start3A_109 = arith.constant 0 : i32
          %dma_start3A_110 = arith.constant 0 : i32
          %dma_start3A_111 = tpu.memref_slice %arg10[%dma_start3A_109, %dma_start3A_110] : memref<10240x128xf32, #tpu.memory_space<vmem_shared>> -> memref<10240x128xf32, #tpu.memory_space<vmem_shared>>
          tpu.enqueue_indirect_dma source(%dma_start3A_105 : memref<128x128xf32, #tpu.memory_space<vmem>>) target(%dma_start3A_111 : memref<10240x128xf32, #tpu.memory_space<vmem_shared>>) offsets(%dma_start3A_108 : memref<128xi32, #tpu.memory_space<vmem>>) semaphore(%run_scoped3A_101 : memref<!tpu.dma_semaphore, #tpu.memory_space<semaphore_mem>>) {add = true}
          %dma_wait3A_112 = arith.constant 0 : i32
          %dma_wait3A_113 = arith.constant 0 : i32
          %dma_wait3A_114 = tpu.memref_slice %arg9[%run_scoped3A_88, %dma_wait3A_112, %dma_wait3A_113] : memref<2x128x128xf32, #tpu.memory_space<vmem>> -> memref<1x128x128xf32, #tpu.memory_space<vmem>>
          %dma_wait3A_115 = tpu.memref_squeeze %dma_wait3A_114 : memref<1x128x128xf32, #tpu.memory_space<vmem>> -> memref<128x128xf32, #tpu.memory_space<vmem>>
          %dma_wait3A_116 = arith.constant 0 : i32
          %dma_wait3A_117 = tpu.memref_slice %arg8[%mul3A_54, %dma_wait3A_116] : memref<54x128xi32, #tpu.memory_space<vmem>> -> memref<1x128xi32, #tpu.memory_space<vmem>>
          %dma_wait3A_118 = tpu.memref_squeeze %dma_wait3A_117 : memref<1x128xi32, #tpu.memory_space<vmem>> -> memref<128xi32, #tpu.memory_space<vmem>>
          %dma_wait3A_119 = arith.constant 0 : i32
          %dma_wait3A_120 = arith.constant 0 : i32
          %dma_wait3A_121 = tpu.memref_slice %arg10[%dma_wait3A_119, %dma_wait3A_120] : memref<10240x128xf32, #tpu.memory_space<vmem_shared>> -> memref<10240x128xf32, #tpu.memory_space<vmem_shared>>
          tpu.wait_indirect_dma semaphore(%run_scoped3A_101 : memref<!tpu.dma_semaphore, #tpu.memory_space<semaphore_mem>>) src(%dma_wait3A_115 : memref<128x128xf32, #tpu.memory_space<vmem>>) dst(%dma_wait3A_121 : memref<10240x128xf32, #tpu.memory_space<vmem_shared>>)
          tpu.yield
        }) : () -> ()
        %dma_wait3A_89 = arith.constant 1 : i32
        %dma_wait3A_90 = arith.constant 0 : i32
        %dma_wait3A_91 = arith.constant 0 : i32
        %dma_wait3A_92 = tpu.memref_slice %arg9[%dma_wait3A_89, %dma_wait3A_90, %dma_wait3A_91] : memref<2x128x128xf32, #tpu.memory_space<vmem>> -> memref<1x128x128xf32, #tpu.memory_space<vmem>>
        %dma_wait3A_93 = tpu.memref_squeeze %dma_wait3A_92 : memref<1x128x128xf32, #tpu.memory_space<vmem>> -> memref<128x128xf32, #tpu.memory_space<vmem>>
        %dma_wait3A_94 = arith.constant 0 : i32
        %dma_wait3A_95 = tpu.memref_slice %arg7[%add3A_56, %dma_wait3A_94] : memref<54x128xi32, #tpu.memory_space<vmem>> -> memref<1x128xi32, #tpu.memory_space<vmem>>
        %dma_wait3A_96 = tpu.memref_squeeze %dma_wait3A_95 : memref<1x128xi32, #tpu.memory_space<vmem>> -> memref<128xi32, #tpu.memory_space<vmem>>
        %dma_wait3A_97 = arith.constant 0 : i32
        %dma_wait3A_98 = arith.constant 0 : i32
        %dma_wait3A_99 = tpu.memref_slice %arg2[%dma_wait3A_97, %dma_wait3A_98] : memref<10240x128xf32, #tpu.memory_space<hbm>> -> memref<10240x128xf32, #tpu.memory_space<hbm>>
        tpu.wait_indirect_dma semaphore(%arg12 : memref<!tpu.dma_semaphore, #tpu.memory_space<semaphore_mem>>) src(%dma_wait3A_99 : memref<10240x128xf32, #tpu.memory_space<hbm>>) dst(%dma_wait3A_93 : memref<128x128xf32, #tpu.memory_space<vmem>>)
        %run_scoped3A_100 = arith.constant 1 : i32
        "tpu.region"() ({
          %run_scoped3A_101 = tpu.sem_alloc : memref<!tpu.dma_semaphore, #tpu.memory_space<semaphore_mem>>
          %dma_start3A_102 = arith.constant 0 : i32
          %dma_start3A_103 = arith.constant 0 : i32
          %dma_start3A_104 = tpu.memref_slice %arg9[%run_scoped3A_100, %dma_start3A_102, %dma_start3A_103] : memref<2x128x128xf32, #tpu.memory_space<vmem>> -> memref<1x128x128xf32, #tpu.memory_space<vmem>>
          %dma_start3A_105 = tpu.memref_squeeze %dma_start3A_104 : memref<1x128x128xf32, #tpu.memory_space<vmem>> -> memref<128x128xf32, #tpu.memory_space<vmem>>
          %dma_start3A_106 = arith.constant 0 : i32
          %dma_start3A_107 = tpu.memref_slice %arg8[%add3A_56, %dma_start3A_106] : memref<54x128xi32, #tpu.memory_space<vmem>> -> memref<1x128xi32, #tpu.memory_space<vmem>>
          %dma_start3A_108 = tpu.memref_squeeze %dma_start3A_107 : memref<1x128xi32, #tpu.memory_space<vmem>> -> memref<128xi32, #tpu.memory_space<vmem>>
          %dma_start3A_109 = arith.constant 0 : i32
          %dma_start3A_110 = arith.constant 0 : i32
          %dma_start3A_111 = tpu.memref_slice %arg10[%dma_start3A_109, %dma_start3A_110] : memref<10240x128xf32, #tpu.memory_space<vmem_shared>> -> memref<10240x128xf32, #tpu.memory_space<vmem_shared>>
          tpu.enqueue_indirect_dma source(%dma_start3A_105 : memref<128x128xf32, #tpu.memory_space<vmem>>) target(%dma_start3A_111 : memref<10240x128xf32, #tpu.memory_space<vmem_shared>>) offsets(%dma_start3A_108 : memref<128xi32, #tpu.memory_space<vmem>>) semaphore(%run_scoped3A_101 : memref<!tpu.dma_semaphore, #tpu.memory_space<semaphore_mem>>) {add = true}
          %dma_wait3A_112 = arith.constant 0 : i32
          %dma_wait3A_113 = arith.constant 0 : i32
          %dma_wait3A_114 = tpu.memref_slice %arg9[%run_scoped3A_100, %dma_wait3A_112, %dma_wait3A_113] : memref<2x128x128xf32, #tpu.memory_space<vmem>> -> memref<1x128x128xf32, #tpu.memory_space<vmem>>
          %dma_wait3A_115 = tpu.memref_squeeze %dma_wait3A_114 : memref<1x128x128xf32, #tpu.memory_space<vmem>> -> memref<128x128xf32, #tpu.memory_space<vmem>>
          %dma_wait3A_116 = arith.constant 0 : i32
          %dma_wait3A_117 = tpu.memref_slice %arg8[%add3A_56, %dma_wait3A_116] : memref<54x128xi32, #tpu.memory_space<vmem>> -> memref<1x128xi32, #tpu.memory_space<vmem>>
          %dma_wait3A_118 = tpu.memref_squeeze %dma_wait3A_117 : memref<1x128xi32, #tpu.memory_space<vmem>> -> memref<128xi32, #tpu.memory_space<vmem>>
          %dma_wait3A_119 = arith.constant 0 : i32
          %dma_wait3A_120 = arith.constant 0 : i32
          %dma_wait3A_121 = tpu.memref_slice %arg10[%dma_wait3A_119, %dma_wait3A_120] : memref<10240x128xf32, #tpu.memory_space<vmem_shared>> -> memref<10240x128xf32, #tpu.memory_space<vmem_shared>>
          tpu.wait_indirect_dma semaphore(%run_scoped3A_101 : memref<!tpu.dma_semaphore, #tpu.memory_space<semaphore_mem>>) src(%dma_wait3A_115 : memref<128x128xf32, #tpu.memory_space<vmem>>) dst(%dma_wait3A_121 : memref<10240x128xf32, #tpu.memory_space<vmem_shared>>)
          tpu.yield
        }) : () -> ()
      }
    } else {
    }
    %eq3A_9 = arith.constant 0 : i32
    %eq3A_10 = arith.cmpi eq, %arg0, %eq3A_9 : i32
    %jit3A_11 = arith.constant 52 : i32
    %jit3A_12 = arith.constant 0 : i32
    %select_n3A_13 = arith.select %eq3A_10, %jit3A_11, %jit3A_12 : i32
    %gt3A_14 = arith.constant 0 : i32
    %gt3A_15 = arith.cmpi sgt, %select_n3A_13, %gt3A_14 : i32
    %convert_element_type3A_16 = arith.extui %gt3A_15 : i1 to i32
    %cond3A_17 = arith.constant 0 : i32
    %cond3A_18 = arith.cmpi ne, %convert_element_type3A_16, %cond3A_17 : i32
    scf.if %cond3A_18 {
      %run_scoped3A = arith.constant 1 : i32
      "tpu.region"() ({
        %run_scoped3A_52 = tpu.sem_alloc : memref<!tpu.dma_semaphore, #tpu.memory_space<semaphore_mem>>
        %dma_start3A = arith.constant 0 : i32
        %dma_start3A_53 = arith.constant 0 : i32
        %dma_start3A_54 = tpu.memref_slice %arg3[%add3A, %run_scoped3A, %dma_start3A, %dma_start3A_53] : memref<32x2x54x128xi32, #tpu.memory_space<hbm>> -> memref<1x1x54x128xi32, #tpu.memory_space<hbm>>
        %dma_start3A_55 = tpu.memref_squeeze %dma_start3A_54 : memref<1x1x54x128xi32, #tpu.memory_space<hbm>> -> memref<54x128xi32, #tpu.memory_space<hbm>>
        %dma_start3A_56 = arith.constant 0 : i32
        %dma_start3A_57 = arith.constant 0 : i32
        %dma_start3A_58 = tpu.memref_slice %arg3[%add3A, %run_scoped3A, %dma_start3A_56, %dma_start3A_57] : memref<32x2x54x128xi32, #tpu.memory_space<hbm>> -> memref<1x1x54x128xi32, #tpu.memory_space<hbm>>
        %dma_start3A_59 = tpu.memref_squeeze %dma_start3A_58 : memref<1x1x54x128xi32, #tpu.memory_space<hbm>> -> memref<54x128xi32, #tpu.memory_space<hbm>>
        tpu.enqueue_dma source(%dma_start3A_59 : memref<54x128xi32, #tpu.memory_space<hbm>>) target(%arg7 : memref<54x128xi32, #tpu.memory_space<vmem>>) target_semaphore(%run_scoped3A_52 : memref<!tpu.dma_semaphore, #tpu.memory_space<semaphore_mem>>)
        %dma_wait3A = arith.constant 0 : i32
        %dma_wait3A_60 = arith.constant 0 : i32
        %dma_wait3A_61 = tpu.memref_slice %arg3[%add3A, %run_scoped3A, %dma_wait3A, %dma_wait3A_60] : memref<32x2x54x128xi32, #tpu.memory_space<hbm>> -> memref<1x1x54x128xi32, #tpu.memory_space<hbm>>
        %dma_wait3A_62 = tpu.memref_squeeze %dma_wait3A_61 : memref<1x1x54x128xi32, #tpu.memory_space<hbm>> -> memref<54x128xi32, #tpu.memory_space<hbm>>
        %dma_wait3A_63 = arith.constant 0 : i32
        %dma_wait3A_64 = arith.constant 0 : i32
        %dma_wait3A_65 = tpu.memref_slice %arg3[%add3A, %run_scoped3A, %dma_wait3A_63, %dma_wait3A_64] : memref<32x2x54x128xi32, #tpu.memory_space<hbm>> -> memref<1x1x54x128xi32, #tpu.memory_space<hbm>>
        %dma_wait3A_66 = tpu.memref_squeeze %dma_wait3A_65 : memref<1x1x54x128xi32, #tpu.memory_space<hbm>> -> memref<54x128xi32, #tpu.memory_space<hbm>>
        tpu.wait_dma2 semaphore(%run_scoped3A_52 : memref<!tpu.dma_semaphore, #tpu.memory_space<semaphore_mem>>) src(%dma_wait3A_66 : memref<54x128xi32, #tpu.memory_space<hbm>>) dst(%arg7 : memref<54x128xi32, #tpu.memory_space<vmem>>)
        tpu.yield
      }) : () -> ()
      %run_scoped3A_24 = arith.constant 1 : i32
      "tpu.region"() ({
        %run_scoped3A_52 = tpu.sem_alloc : memref<!tpu.dma_semaphore, #tpu.memory_space<semaphore_mem>>
        %dma_start3A = arith.constant 0 : i32
        %dma_start3A_53 = arith.constant 0 : i32
        %dma_start3A_54 = tpu.memref_slice %arg4[%add3A, %run_scoped3A_24, %dma_start3A, %dma_start3A_53] : memref<32x2x54x128xi32, #tpu.memory_space<hbm>> -> memref<1x1x54x128xi32, #tpu.memory_space<hbm>>
        %dma_start3A_55 = tpu.memref_squeeze %dma_start3A_54 : memref<1x1x54x128xi32, #tpu.memory_space<hbm>> -> memref<54x128xi32, #tpu.memory_space<hbm>>
        %dma_start3A_56 = arith.constant 0 : i32
        %dma_start3A_57 = arith.constant 0 : i32
        %dma_start3A_58 = tpu.memref_slice %arg4[%add3A, %run_scoped3A_24, %dma_start3A_56, %dma_start3A_57] : memref<32x2x54x128xi32, #tpu.memory_space<hbm>> -> memref<1x1x54x128xi32, #tpu.memory_space<hbm>>
        %dma_start3A_59 = tpu.memref_squeeze %dma_start3A_58 : memref<1x1x54x128xi32, #tpu.memory_space<hbm>> -> memref<54x128xi32, #tpu.memory_space<hbm>>
        tpu.enqueue_dma source(%dma_start3A_59 : memref<54x128xi32, #tpu.memory_space<hbm>>) target(%arg8 : memref<54x128xi32, #tpu.memory_space<vmem>>) target_semaphore(%run_scoped3A_52 : memref<!tpu.dma_semaphore, #tpu.memory_space<semaphore_mem>>)
        %dma_wait3A = arith.constant 0 : i32
        %dma_wait3A_60 = arith.constant 0 : i32
        %dma_wait3A_61 = tpu.memref_slice %arg4[%add3A, %run_scoped3A_24, %dma_wait3A, %dma_wait3A_60] : memref<32x2x54x128xi32, #tpu.memory_space<hbm>> -> memref<1x1x54x128xi32, #tpu.memory_space<hbm>>
        %dma_wait3A_62 = tpu.memref_squeeze %dma_wait3A_61 : memref<1x1x54x128xi32, #tpu.memory_space<hbm>> -> memref<54x128xi32, #tpu.memory_space<hbm>>
        %dma_wait3A_63 = arith.constant 0 : i32
        %dma_wait3A_64 = arith.constant 0 : i32
        %dma_wait3A_65 = tpu.memref_slice %arg4[%add3A, %run_scoped3A_24, %dma_wait3A_63, %dma_wait3A_64] : memref<32x2x54x128xi32, #tpu.memory_space<hbm>> -> memref<1x1x54x128xi32, #tpu.memory_space<hbm>>
        %dma_wait3A_66 = tpu.memref_squeeze %dma_wait3A_65 : memref<1x1x54x128xi32, #tpu.memory_space<hbm>> -> memref<54x128xi32, #tpu.memory_space<hbm>>
        tpu.wait_dma2 semaphore(%run_scoped3A_52 : memref<!tpu.dma_semaphore, #tpu.memory_space<semaphore_mem>>) src(%dma_wait3A_66 : memref<54x128xi32, #tpu.memory_space<hbm>>) dst(%arg8 : memref<54x128xi32, #tpu.memory_space<vmem>>)
        tpu.yield
      }) : () -> ()
      %jit3A_25 = arith.constant 2 : i32
      %div3A = arith.divsi %select_n3A_13, %jit3A_25 : i32
      %sign3A = arith.constant 0 : i32
      %sign3A_26 = arith.cmpi sgt, %select_n3A_13, %sign3A : i32
      %sign3A_27 = arith.extui %sign3A_26 : i1 to i32
      %sign3A_28 = arith.constant 0 : i32
      %sign3A_29 = arith.cmpi slt, %select_n3A_13, %sign3A_28 : i32
      %sign3A_30 = arith.extui %sign3A_29 : i1 to i32
      %sign3A_31 = arith.subi %sign3A_27, %sign3A_30 : i32
      %sign3A_32 = arith.constant 0 : i32
      %sign3A_33 = arith.cmpi sgt, %jit3A_25, %sign3A_32 : i32
      %sign3A_34 = arith.extui %sign3A_33 : i1 to i32
      %sign3A_35 = arith.constant 0 : i32
      %sign3A_36 = arith.cmpi slt, %jit3A_25, %sign3A_35 : i32
      %sign3A_37 = arith.extui %sign3A_36 : i1 to i32
      %sign3A_38 = arith.subi %sign3A_34, %sign3A_37 : i32
      %ne3A = arith.cmpi ne, %sign3A_31, %sign3A_38 : i32
      %rem3A = arith.remsi %select_n3A_13, %jit3A_25 : i32
      %ne3A_39 = arith.constant 0 : i32
      %ne3A_40 = arith.cmpi ne, %rem3A, %ne3A_39 : i32
      %and3A = arith.andi %ne3A, %ne3A_40 : i1
      %sub3A = arith.constant 1 : i32
      %sub3A_41 = arith.subi %div3A, %sub3A : i32
      %select_n3A_42 = arith.select %and3A, %sub3A_41, %div3A : i32
      %while3A = arith.constant 0 : i32
      %while3A_43 = arith.constant 0 : i32
      %while3A_44 = arith.subi %select_n3A_42, %while3A_43 : i32
      %while3A_45 = arith.addi %while3A_43, %while3A_44 : i32
      %while3A_46 = arith.constant 1 : i32
      %while3A_47 = arith.divsi %while3A_44, %while3A_46 : i32
      %while3A_48 = arith.muli %while3A_47, %while3A_46 : i32
      %while3A_49 = arith.addi %while3A_43, %while3A_48 : i32
      %while3A_50 = arith.constant 1 : i32
      scf.for %while3A_52 = %while3A_43 to %while3A_49 step %while3A_50  : i32 {
        %mul3A_53 = arith.constant 2 : i32
        %mul3A_54 = arith.muli %mul3A_53, %while3A_52 : i32
        %add3A_55 = arith.constant 1 : i32
        %add3A_56 = arith.addi %mul3A_54, %add3A_55 : i32
        %dma_start3A = arith.constant 0 : i32
        %dma_start3A_57 = arith.constant 0 : i32
        %dma_start3A_58 = arith.constant 0 : i32
        %dma_start3A_59 = tpu.memref_slice %arg9[%dma_start3A, %dma_start3A_57, %dma_start3A_58] : memref<2x128x128xf32, #tpu.memory_space<vmem>> -> memref<1x128x128xf32, #tpu.memory_space<vmem>>
        %dma_start3A_60 = tpu.memref_squeeze %dma_start3A_59 : memref<1x128x128xf32, #tpu.memory_space<vmem>> -> memref<128x128xf32, #tpu.memory_space<vmem>>
        %dma_start3A_61 = arith.constant 0 : i32
        %dma_start3A_62 = tpu.memref_slice %arg7[%mul3A_54, %dma_start3A_61] : memref<54x128xi32, #tpu.memory_space<vmem>> -> memref<1x128xi32, #tpu.memory_space<vmem>>
        %dma_start3A_63 = tpu.memref_squeeze %dma_start3A_62 : memref<1x128xi32, #tpu.memory_space<vmem>> -> memref<128xi32, #tpu.memory_space<vmem>>
        %dma_start3A_64 = arith.constant 0 : i32
        %dma_start3A_65 = arith.constant 0 : i32
        %dma_start3A_66 = tpu.memref_slice %arg2[%dma_start3A_64, %dma_start3A_65] : memref<10240x128xf32, #tpu.memory_space<hbm>> -> memref<10240x128xf32, #tpu.memory_space<hbm>>
        tpu.enqueue_indirect_dma source(%dma_start3A_66 : memref<10240x128xf32, #tpu.memory_space<hbm>>) target(%dma_start3A_60 : memref<128x128xf32, #tpu.memory_space<vmem>>) offsets(%dma_start3A_63 : memref<128xi32, #tpu.memory_space<vmem>>) semaphore(%arg11 : memref<!tpu.dma_semaphore, #tpu.memory_space<semaphore_mem>>)
        %dma_start3A_67 = arith.constant 1 : i32
        %dma_start3A_68 = arith.constant 0 : i32
        %dma_start3A_69 = arith.constant 0 : i32
        %dma_start3A_70 = tpu.memref_slice %arg9[%dma_start3A_67, %dma_start3A_68, %dma_start3A_69] : memref<2x128x128xf32, #tpu.memory_space<vmem>> -> memref<1x128x128xf32, #tpu.memory_space<vmem>>
        %dma_start3A_71 = tpu.memref_squeeze %dma_start3A_70 : memref<1x128x128xf32, #tpu.memory_space<vmem>> -> memref<128x128xf32, #tpu.memory_space<vmem>>
        %dma_start3A_72 = arith.constant 0 : i32
        %dma_start3A_73 = tpu.memref_slice %arg7[%add3A_56, %dma_start3A_72] : memref<54x128xi32, #tpu.memory_space<vmem>> -> memref<1x128xi32, #tpu.memory_space<vmem>>
        %dma_start3A_74 = tpu.memref_squeeze %dma_start3A_73 : memref<1x128xi32, #tpu.memory_space<vmem>> -> memref<128xi32, #tpu.memory_space<vmem>>
        %dma_start3A_75 = arith.constant 0 : i32
        %dma_start3A_76 = arith.constant 0 : i32
        %dma_start3A_77 = tpu.memref_slice %arg2[%dma_start3A_75, %dma_start3A_76] : memref<10240x128xf32, #tpu.memory_space<hbm>> -> memref<10240x128xf32, #tpu.memory_space<hbm>>
        tpu.enqueue_indirect_dma source(%dma_start3A_77 : memref<10240x128xf32, #tpu.memory_space<hbm>>) target(%dma_start3A_71 : memref<128x128xf32, #tpu.memory_space<vmem>>) offsets(%dma_start3A_74 : memref<128xi32, #tpu.memory_space<vmem>>) semaphore(%arg12 : memref<!tpu.dma_semaphore, #tpu.memory_space<semaphore_mem>>)
        %dma_wait3A = arith.constant 0 : i32
        %dma_wait3A_78 = arith.constant 0 : i32
        %dma_wait3A_79 = arith.constant 0 : i32
        %dma_wait3A_80 = tpu.memref_slice %arg9[%dma_wait3A, %dma_wait3A_78, %dma_wait3A_79] : memref<2x128x128xf32, #tpu.memory_space<vmem>> -> memref<1x128x128xf32, #tpu.memory_space<vmem>>
        %dma_wait3A_81 = tpu.memref_squeeze %dma_wait3A_80 : memref<1x128x128xf32, #tpu.memory_space<vmem>> -> memref<128x128xf32, #tpu.memory_space<vmem>>
        %dma_wait3A_82 = arith.constant 0 : i32
        %dma_wait3A_83 = tpu.memref_slice %arg7[%mul3A_54, %dma_wait3A_82] : memref<54x128xi32, #tpu.memory_space<vmem>> -> memref<1x128xi32, #tpu.memory_space<vmem>>
        %dma_wait3A_84 = tpu.memref_squeeze %dma_wait3A_83 : memref<1x128xi32, #tpu.memory_space<vmem>> -> memref<128xi32, #tpu.memory_space<vmem>>
        %dma_wait3A_85 = arith.constant 0 : i32
        %dma_wait3A_86 = arith.constant 0 : i32
        %dma_wait3A_87 = tpu.memref_slice %arg2[%dma_wait3A_85, %dma_wait3A_86] : memref<10240x128xf32, #tpu.memory_space<hbm>> -> memref<10240x128xf32, #tpu.memory_space<hbm>>
        tpu.wait_indirect_dma semaphore(%arg11 : memref<!tpu.dma_semaphore, #tpu.memory_space<semaphore_mem>>) src(%dma_wait3A_87 : memref<10240x128xf32, #tpu.memory_space<hbm>>) dst(%dma_wait3A_81 : memref<128x128xf32, #tpu.memory_space<vmem>>)
        %run_scoped3A_88 = arith.constant 0 : i32
        "tpu.region"() ({
          %run_scoped3A_101 = tpu.sem_alloc : memref<!tpu.dma_semaphore, #tpu.memory_space<semaphore_mem>>
          %dma_start3A_102 = arith.constant 0 : i32
          %dma_start3A_103 = arith.constant 0 : i32
          %dma_start3A_104 = tpu.memref_slice %arg9[%run_scoped3A_88, %dma_start3A_102, %dma_start3A_103] : memref<2x128x128xf32, #tpu.memory_space<vmem>> -> memref<1x128x128xf32, #tpu.memory_space<vmem>>
          %dma_start3A_105 = tpu.memref_squeeze %dma_start3A_104 : memref<1x128x128xf32, #tpu.memory_space<vmem>> -> memref<128x128xf32, #tpu.memory_space<vmem>>
          %dma_start3A_106 = arith.constant 0 : i32
          %dma_start3A_107 = tpu.memref_slice %arg8[%mul3A_54, %dma_start3A_106] : memref<54x128xi32, #tpu.memory_space<vmem>> -> memref<1x128xi32, #tpu.memory_space<vmem>>
          %dma_start3A_108 = tpu.memref_squeeze %dma_start3A_107 : memref<1x128xi32, #tpu.memory_space<vmem>> -> memref<128xi32, #tpu.memory_space<vmem>>
          %dma_start3A_109 = arith.constant 0 : i32
          %dma_start3A_110 = arith.constant 0 : i32
          %dma_start3A_111 = tpu.memref_slice %arg10[%dma_start3A_109, %dma_start3A_110] : memref<10240x128xf32, #tpu.memory_space<vmem_shared>> -> memref<10240x128xf32, #tpu.memory_space<vmem_shared>>
          tpu.enqueue_indirect_dma source(%dma_start3A_105 : memref<128x128xf32, #tpu.memory_space<vmem>>) target(%dma_start3A_111 : memref<10240x128xf32, #tpu.memory_space<vmem_shared>>) offsets(%dma_start3A_108 : memref<128xi32, #tpu.memory_space<vmem>>) semaphore(%run_scoped3A_101 : memref<!tpu.dma_semaphore, #tpu.memory_space<semaphore_mem>>) {add = true}
          %dma_wait3A_112 = arith.constant 0 : i32
          %dma_wait3A_113 = arith.constant 0 : i32
          %dma_wait3A_114 = tpu.memref_slice %arg9[%run_scoped3A_88, %dma_wait3A_112, %dma_wait3A_113] : memref<2x128x128xf32, #tpu.memory_space<vmem>> -> memref<1x128x128xf32, #tpu.memory_space<vmem>>
          %dma_wait3A_115 = tpu.memref_squeeze %dma_wait3A_114 : memref<1x128x128xf32, #tpu.memory_space<vmem>> -> memref<128x128xf32, #tpu.memory_space<vmem>>
          %dma_wait3A_116 = arith.constant 0 : i32
          %dma_wait3A_117 = tpu.memref_slice %arg8[%mul3A_54, %dma_wait3A_116] : memref<54x128xi32, #tpu.memory_space<vmem>> -> memref<1x128xi32, #tpu.memory_space<vmem>>
          %dma_wait3A_118 = tpu.memref_squeeze %dma_wait3A_117 : memref<1x128xi32, #tpu.memory_space<vmem>> -> memref<128xi32, #tpu.memory_space<vmem>>
          %dma_wait3A_119 = arith.constant 0 : i32
          %dma_wait3A_120 = arith.constant 0 : i32
          %dma_wait3A_121 = tpu.memref_slice %arg10[%dma_wait3A_119, %dma_wait3A_120] : memref<10240x128xf32, #tpu.memory_space<vmem_shared>> -> memref<10240x128xf32, #tpu.memory_space<vmem_shared>>
          tpu.wait_indirect_dma semaphore(%run_scoped3A_101 : memref<!tpu.dma_semaphore, #tpu.memory_space<semaphore_mem>>) src(%dma_wait3A_115 : memref<128x128xf32, #tpu.memory_space<vmem>>) dst(%dma_wait3A_121 : memref<10240x128xf32, #tpu.memory_space<vmem_shared>>)
          tpu.yield
        }) : () -> ()
        %dma_wait3A_89 = arith.constant 1 : i32
        %dma_wait3A_90 = arith.constant 0 : i32
        %dma_wait3A_91 = arith.constant 0 : i32
        %dma_wait3A_92 = tpu.memref_slice %arg9[%dma_wait3A_89, %dma_wait3A_90, %dma_wait3A_91] : memref<2x128x128xf32, #tpu.memory_space<vmem>> -> memref<1x128x128xf32, #tpu.memory_space<vmem>>
        %dma_wait3A_93 = tpu.memref_squeeze %dma_wait3A_92 : memref<1x128x128xf32, #tpu.memory_space<vmem>> -> memref<128x128xf32, #tpu.memory_space<vmem>>
        %dma_wait3A_94 = arith.constant 0 : i32
        %dma_wait3A_95 = tpu.memref_slice %arg7[%add3A_56, %dma_wait3A_94] : memref<54x128xi32, #tpu.memory_space<vmem>> -> memref<1x128xi32, #tpu.memory_space<vmem>>
        %dma_wait3A_96 = tpu.memref_squeeze %dma_wait3A_95 : memref<1x128xi32, #tpu.memory_space<vmem>> -> memref<128xi32, #tpu.memory_space<vmem>>
        %dma_wait3A_97 = arith.constant 0 : i32
        %dma_wait3A_98 = arith.constant 0 : i32
        %dma_wait3A_99 = tpu.memref_slice %arg2[%dma_wait3A_97, %dma_wait3A_98] : memref<10240x128xf32, #tpu.memory_space<hbm>> -> memref<10240x128xf32, #tpu.memory_space<hbm>>
        tpu.wait_indirect_dma semaphore(%arg12 : memref<!tpu.dma_semaphore, #tpu.memory_space<semaphore_mem>>) src(%dma_wait3A_99 : memref<10240x128xf32, #tpu.memory_space<hbm>>) dst(%dma_wait3A_93 : memref<128x128xf32, #tpu.memory_space<vmem>>)
        %run_scoped3A_100 = arith.constant 1 : i32
        "tpu.region"() ({
          %run_scoped3A_101 = tpu.sem_alloc : memref<!tpu.dma_semaphore, #tpu.memory_space<semaphore_mem>>
          %dma_start3A_102 = arith.constant 0 : i32
          %dma_start3A_103 = arith.constant 0 : i32
          %dma_start3A_104 = tpu.memref_slice %arg9[%run_scoped3A_100, %dma_start3A_102, %dma_start3A_103] : memref<2x128x128xf32, #tpu.memory_space<vmem>> -> memref<1x128x128xf32, #tpu.memory_space<vmem>>
          %dma_start3A_105 = tpu.memref_squeeze %dma_start3A_104 : memref<1x128x128xf32, #tpu.memory_space<vmem>> -> memref<128x128xf32, #tpu.memory_space<vmem>>
          %dma_start3A_106 = arith.constant 0 : i32
          %dma_start3A_107 = tpu.memref_slice %arg8[%add3A_56, %dma_start3A_106] : memref<54x128xi32, #tpu.memory_space<vmem>> -> memref<1x128xi32, #tpu.memory_space<vmem>>
          %dma_start3A_108 = tpu.memref_squeeze %dma_start3A_107 : memref<1x128xi32, #tpu.memory_space<vmem>> -> memref<128xi32, #tpu.memory_space<vmem>>
          %dma_start3A_109 = arith.constant 0 : i32
          %dma_start3A_110 = arith.constant 0 : i32
          %dma_start3A_111 = tpu.memref_slice %arg10[%dma_start3A_109, %dma_start3A_110] : memref<10240x128xf32, #tpu.memory_space<vmem_shared>> -> memref<10240x128xf32, #tpu.memory_space<vmem_shared>>
          tpu.enqueue_indirect_dma source(%dma_start3A_105 : memref<128x128xf32, #tpu.memory_space<vmem>>) target(%dma_start3A_111 : memref<10240x128xf32, #tpu.memory_space<vmem_shared>>) offsets(%dma_start3A_108 : memref<128xi32, #tpu.memory_space<vmem>>) semaphore(%run_scoped3A_101 : memref<!tpu.dma_semaphore, #tpu.memory_space<semaphore_mem>>) {add = true}
          %dma_wait3A_112 = arith.constant 0 : i32
          %dma_wait3A_113 = arith.constant 0 : i32
          %dma_wait3A_114 = tpu.memref_slice %arg9[%run_scoped3A_100, %dma_wait3A_112, %dma_wait3A_113] : memref<2x128x128xf32, #tpu.memory_space<vmem>> -> memref<1x128x128xf32, #tpu.memory_space<vmem>>
          %dma_wait3A_115 = tpu.memref_squeeze %dma_wait3A_114 : memref<1x128x128xf32, #tpu.memory_space<vmem>> -> memref<128x128xf32, #tpu.memory_space<vmem>>
          %dma_wait3A_116 = arith.constant 0 : i32
          %dma_wait3A_117 = tpu.memref_slice %arg8[%add3A_56, %dma_wait3A_116] : memref<54x128xi32, #tpu.memory_space<vmem>> -> memref<1x128xi32, #tpu.memory_space<vmem>>
          %dma_wait3A_118 = tpu.memref_squeeze %dma_wait3A_117 : memref<1x128xi32, #tpu.memory_space<vmem>> -> memref<128xi32, #tpu.memory_space<vmem>>
          %dma_wait3A_119 = arith.constant 0 : i32
          %dma_wait3A_120 = arith.constant 0 : i32
          %dma_wait3A_121 = tpu.memref_slice %arg10[%dma_wait3A_119, %dma_wait3A_120] : memref<10240x128xf32, #tpu.memory_space<vmem_shared>> -> memref<10240x128xf32, #tpu.memory_space<vmem_shared>>
          tpu.wait_indirect_dma semaphore(%run_scoped3A_101 : memref<!tpu.dma_semaphore, #tpu.memory_space<semaphore_mem>>) src(%dma_wait3A_115 : memref<128x128xf32, #tpu.memory_space<vmem>>) dst(%dma_wait3A_121 : memref<10240x128xf32, #tpu.memory_space<vmem_shared>>)
          tpu.yield
        }) : () -> ()
      }
      %while3A_51 = arith.constant 1 : i32
      scf.for %while3A_52 = %while3A_49 to %while3A_45 step %while3A_51  : i32 {
        %mul3A_53 = arith.constant 2 : i32
        %mul3A_54 = arith.muli %mul3A_53, %while3A_52 : i32
        %add3A_55 = arith.constant 1 : i32
        %add3A_56 = arith.addi %mul3A_54, %add3A_55 : i32
        %dma_start3A = arith.constant 0 : i32
        %dma_start3A_57 = arith.constant 0 : i32
        %dma_start3A_58 = arith.constant 0 : i32
        %dma_start3A_59 = tpu.memref_slice %arg9[%dma_start3A, %dma_start3A_57, %dma_start3A_58] : memref<2x128x128xf32, #tpu.memory_space<vmem>> -> memref<1x128x128xf32, #tpu.memory_space<vmem>>
        %dma_start3A_60 = tpu.memref_squeeze %dma_start3A_59 : memref<1x128x128xf32, #tpu.memory_space<vmem>> -> memref<128x128xf32, #tpu.memory_space<vmem>>
        %dma_start3A_61 = arith.constant 0 : i32
        %dma_start3A_62 = tpu.memref_slice %arg7[%mul3A_54, %dma_start3A_61] : memref<54x128xi32, #tpu.memory_space<vmem>> -> memref<1x128xi32, #tpu.memory_space<vmem>>
        %dma_start3A_63 = tpu.memref_squeeze %dma_start3A_62 : memref<1x128xi32, #tpu.memory_space<vmem>> -> memref<128xi32, #tpu.memory_space<vmem>>
        %dma_start3A_64 = arith.constant 0 : i32
        %dma_start3A_65 = arith.constant 0 : i32
        %dma_start3A_66 = tpu.memref_slice %arg2[%dma_start3A_64, %dma_start3A_65] : memref<10240x128xf32, #tpu.memory_space<hbm>> -> memref<10240x128xf32, #tpu.memory_space<hbm>>
        tpu.enqueue_indirect_dma source(%dma_start3A_66 : memref<10240x128xf32, #tpu.memory_space<hbm>>) target(%dma_start3A_60 : memref<128x128xf32, #tpu.memory_space<vmem>>) offsets(%dma_start3A_63 : memref<128xi32, #tpu.memory_space<vmem>>) semaphore(%arg11 : memref<!tpu.dma_semaphore, #tpu.memory_space<semaphore_mem>>)
        %dma_start3A_67 = arith.constant 1 : i32
        %dma_start3A_68 = arith.constant 0 : i32
        %dma_start3A_69 = arith.constant 0 : i32
        %dma_start3A_70 = tpu.memref_slice %arg9[%dma_start3A_67, %dma_start3A_68, %dma_start3A_69] : memref<2x128x128xf32, #tpu.memory_space<vmem>> -> memref<1x128x128xf32, #tpu.memory_space<vmem>>
        %dma_start3A_71 = tpu.memref_squeeze %dma_start3A_70 : memref<1x128x128xf32, #tpu.memory_space<vmem>> -> memref<128x128xf32, #tpu.memory_space<vmem>>
        %dma_start3A_72 = arith.constant 0 : i32
        %dma_start3A_73 = tpu.memref_slice %arg7[%add3A_56, %dma_start3A_72] : memref<54x128xi32, #tpu.memory_space<vmem>> -> memref<1x128xi32, #tpu.memory_space<vmem>>
        %dma_start3A_74 = tpu.memref_squeeze %dma_start3A_73 : memref<1x128xi32, #tpu.memory_space<vmem>> -> memref<128xi32, #tpu.memory_space<vmem>>
        %dma_start3A_75 = arith.constant 0 : i32
        %dma_start3A_76 = arith.constant 0 : i32
        %dma_start3A_77 = tpu.memref_slice %arg2[%dma_start3A_75, %dma_start3A_76] : memref<10240x128xf32, #tpu.memory_space<hbm>> -> memref<10240x128xf32, #tpu.memory_space<hbm>>
        tpu.enqueue_indirect_dma source(%dma_start3A_77 : memref<10240x128xf32, #tpu.memory_space<hbm>>) target(%dma_start3A_71 : memref<128x128xf32, #tpu.memory_space<vmem>>) offsets(%dma_start3A_74 : memref<128xi32, #tpu.memory_space<vmem>>) semaphore(%arg12 : memref<!tpu.dma_semaphore, #tpu.memory_space<semaphore_mem>>)
        %dma_wait3A = arith.constant 0 : i32
        %dma_wait3A_78 = arith.constant 0 : i32
        %dma_wait3A_79 = arith.constant 0 : i32
        %dma_wait3A_80 = tpu.memref_slice %arg9[%dma_wait3A, %dma_wait3A_78, %dma_wait3A_79] : memref<2x128x128xf32, #tpu.memory_space<vmem>> -> memref<1x128x128xf32, #tpu.memory_space<vmem>>
        %dma_wait3A_81 = tpu.memref_squeeze %dma_wait3A_80 : memref<1x128x128xf32, #tpu.memory_space<vmem>> -> memref<128x128xf32, #tpu.memory_space<vmem>>
        %dma_wait3A_82 = arith.constant 0 : i32
        %dma_wait3A_83 = tpu.memref_slice %arg7[%mul3A_54, %dma_wait3A_82] : memref<54x128xi32, #tpu.memory_space<vmem>> -> memref<1x128xi32, #tpu.memory_space<vmem>>
        %dma_wait3A_84 = tpu.memref_squeeze %dma_wait3A_83 : memref<1x128xi32, #tpu.memory_space<vmem>> -> memref<128xi32, #tpu.memory_space<vmem>>
        %dma_wait3A_85 = arith.constant 0 : i32
        %dma_wait3A_86 = arith.constant 0 : i32
        %dma_wait3A_87 = tpu.memref_slice %arg2[%dma_wait3A_85, %dma_wait3A_86] : memref<10240x128xf32, #tpu.memory_space<hbm>> -> memref<10240x128xf32, #tpu.memory_space<hbm>>
        tpu.wait_indirect_dma semaphore(%arg11 : memref<!tpu.dma_semaphore, #tpu.memory_space<semaphore_mem>>) src(%dma_wait3A_87 : memref<10240x128xf32, #tpu.memory_space<hbm>>) dst(%dma_wait3A_81 : memref<128x128xf32, #tpu.memory_space<vmem>>)
        %run_scoped3A_88 = arith.constant 0 : i32
        "tpu.region"() ({
          %run_scoped3A_101 = tpu.sem_alloc : memref<!tpu.dma_semaphore, #tpu.memory_space<semaphore_mem>>
          %dma_start3A_102 = arith.constant 0 : i32
          %dma_start3A_103 = arith.constant 0 : i32
          %dma_start3A_104 = tpu.memref_slice %arg9[%run_scoped3A_88, %dma_start3A_102, %dma_start3A_103] : memref<2x128x128xf32, #tpu.memory_space<vmem>> -> memref<1x128x128xf32, #tpu.memory_space<vmem>>
          %dma_start3A_105 = tpu.memref_squeeze %dma_start3A_104 : memref<1x128x128xf32, #tpu.memory_space<vmem>> -> memref<128x128xf32, #tpu.memory_space<vmem>>
          %dma_start3A_106 = arith.constant 0 : i32
          %dma_start3A_107 = tpu.memref_slice %arg8[%mul3A_54, %dma_start3A_106] : memref<54x128xi32, #tpu.memory_space<vmem>> -> memref<1x128xi32, #tpu.memory_space<vmem>>
          %dma_start3A_108 = tpu.memref_squeeze %dma_start3A_107 : memref<1x128xi32, #tpu.memory_space<vmem>> -> memref<128xi32, #tpu.memory_space<vmem>>
          %dma_start3A_109 = arith.constant 0 : i32
          %dma_start3A_110 = arith.constant 0 : i32
          %dma_start3A_111 = tpu.memref_slice %arg10[%dma_start3A_109, %dma_start3A_110] : memref<10240x128xf32, #tpu.memory_space<vmem_shared>> -> memref<10240x128xf32, #tpu.memory_space<vmem_shared>>
          tpu.enqueue_indirect_dma source(%dma_start3A_105 : memref<128x128xf32, #tpu.memory_space<vmem>>) target(%dma_start3A_111 : memref<10240x128xf32, #tpu.memory_space<vmem_shared>>) offsets(%dma_start3A_108 : memref<128xi32, #tpu.memory_space<vmem>>) semaphore(%run_scoped3A_101 : memref<!tpu.dma_semaphore, #tpu.memory_space<semaphore_mem>>) {add = true}
          %dma_wait3A_112 = arith.constant 0 : i32
          %dma_wait3A_113 = arith.constant 0 : i32
          %dma_wait3A_114 = tpu.memref_slice %arg9[%run_scoped3A_88, %dma_wait3A_112, %dma_wait3A_113] : memref<2x128x128xf32, #tpu.memory_space<vmem>> -> memref<1x128x128xf32, #tpu.memory_space<vmem>>
          %dma_wait3A_115 = tpu.memref_squeeze %dma_wait3A_114 : memref<1x128x128xf32, #tpu.memory_space<vmem>> -> memref<128x128xf32, #tpu.memory_space<vmem>>
          %dma_wait3A_116 = arith.constant 0 : i32
          %dma_wait3A_117 = tpu.memref_slice %arg8[%mul3A_54, %dma_wait3A_116] : memref<54x128xi32, #tpu.memory_space<vmem>> -> memref<1x128xi32, #tpu.memory_space<vmem>>
          %dma_wait3A_118 = tpu.memref_squeeze %dma_wait3A_117 : memref<1x128xi32, #tpu.memory_space<vmem>> -> memref<128xi32, #tpu.memory_space<vmem>>
          %dma_wait3A_119 = arith.constant 0 : i32
          %dma_wait3A_120 = arith.constant 0 : i32
          %dma_wait3A_121 = tpu.memref_slice %arg10[%dma_wait3A_119, %dma_wait3A_120] : memref<10240x128xf32, #tpu.memory_space<vmem_shared>> -> memref<10240x128xf32, #tpu.memory_space<vmem_shared>>
          tpu.wait_indirect_dma semaphore(%run_scoped3A_101 : memref<!tpu.dma_semaphore, #tpu.memory_space<semaphore_mem>>) src(%dma_wait3A_115 : memref<128x128xf32, #tpu.memory_space<vmem>>) dst(%dma_wait3A_121 : memref<10240x128xf32, #tpu.memory_space<vmem_shared>>)
          tpu.yield
        }) : () -> ()
        %dma_wait3A_89 = arith.constant 1 : i32
        %dma_wait3A_90 = arith.constant 0 : i32
        %dma_wait3A_91 = arith.constant 0 : i32
        %dma_wait3A_92 = tpu.memref_slice %arg9[%dma_wait3A_89, %dma_wait3A_90, %dma_wait3A_91] : memref<2x128x128xf32, #tpu.memory_space<vmem>> -> memref<1x128x128xf32, #tpu.memory_space<vmem>>
        %dma_wait3A_93 = tpu.memref_squeeze %dma_wait3A_92 : memref<1x128x128xf32, #tpu.memory_space<vmem>> -> memref<128x128xf32, #tpu.memory_space<vmem>>
        %dma_wait3A_94 = arith.constant 0 : i32
        %dma_wait3A_95 = tpu.memref_slice %arg7[%add3A_56, %dma_wait3A_94] : memref<54x128xi32, #tpu.memory_space<vmem>> -> memref<1x128xi32, #tpu.memory_space<vmem>>
        %dma_wait3A_96 = tpu.memref_squeeze %dma_wait3A_95 : memref<1x128xi32, #tpu.memory_space<vmem>> -> memref<128xi32, #tpu.memory_space<vmem>>
        %dma_wait3A_97 = arith.constant 0 : i32
        %dma_wait3A_98 = arith.constant 0 : i32
        %dma_wait3A_99 = tpu.memref_slice %arg2[%dma_wait3A_97, %dma_wait3A_98] : memref<10240x128xf32, #tpu.memory_space<hbm>> -> memref<10240x128xf32, #tpu.memory_space<hbm>>
        tpu.wait_indirect_dma semaphore(%arg12 : memref<!tpu.dma_semaphore, #tpu.memory_space<semaphore_mem>>) src(%dma_wait3A_99 : memref<10240x128xf32, #tpu.memory_space<hbm>>) dst(%dma_wait3A_93 : memref<128x128xf32, #tpu.memory_space<vmem>>)
        %run_scoped3A_100 = arith.constant 1 : i32
        "tpu.region"() ({
          %run_scoped3A_101 = tpu.sem_alloc : memref<!tpu.dma_semaphore, #tpu.memory_space<semaphore_mem>>
          %dma_start3A_102 = arith.constant 0 : i32
          %dma_start3A_103 = arith.constant 0 : i32
          %dma_start3A_104 = tpu.memref_slice %arg9[%run_scoped3A_100, %dma_start3A_102, %dma_start3A_103] : memref<2x128x128xf32, #tpu.memory_space<vmem>> -> memref<1x128x128xf32, #tpu.memory_space<vmem>>
          %dma_start3A_105 = tpu.memref_squeeze %dma_start3A_104 : memref<1x128x128xf32, #tpu.memory_space<vmem>> -> memref<128x128xf32, #tpu.memory_space<vmem>>
          %dma_start3A_106 = arith.constant 0 : i32
          %dma_start3A_107 = tpu.memref_slice %arg8[%add3A_56, %dma_start3A_106] : memref<54x128xi32, #tpu.memory_space<vmem>> -> memref<1x128xi32, #tpu.memory_space<vmem>>
          %dma_start3A_108 = tpu.memref_squeeze %dma_start3A_107 : memref<1x128xi32, #tpu.memory_space<vmem>> -> memref<128xi32, #tpu.memory_space<vmem>>
          %dma_start3A_109 = arith.constant 0 : i32
          %dma_start3A_110 = arith.constant 0 : i32
          %dma_start3A_111 = tpu.memref_slice %arg10[%dma_start3A_109, %dma_start3A_110] : memref<10240x128xf32, #tpu.memory_space<vmem_shared>> -> memref<10240x128xf32, #tpu.memory_space<vmem_shared>>
          tpu.enqueue_indirect_dma source(%dma_start3A_105 : memref<128x128xf32, #tpu.memory_space<vmem>>) target(%dma_start3A_111 : memref<10240x128xf32, #tpu.memory_space<vmem_shared>>) offsets(%dma_start3A_108 : memref<128xi32, #tpu.memory_space<vmem>>) semaphore(%run_scoped3A_101 : memref<!tpu.dma_semaphore, #tpu.memory_space<semaphore_mem>>) {add = true}
          %dma_wait3A_112 = arith.constant 0 : i32
          %dma_wait3A_113 = arith.constant 0 : i32
          %dma_wait3A_114 = tpu.memref_slice %arg9[%run_scoped3A_100, %dma_wait3A_112, %dma_wait3A_113] : memref<2x128x128xf32, #tpu.memory_space<vmem>> -> memref<1x128x128xf32, #tpu.memory_space<vmem>>
          %dma_wait3A_115 = tpu.memref_squeeze %dma_wait3A_114 : memref<1x128x128xf32, #tpu.memory_space<vmem>> -> memref<128x128xf32, #tpu.memory_space<vmem>>
          %dma_wait3A_116 = arith.constant 0 : i32
          %dma_wait3A_117 = tpu.memref_slice %arg8[%add3A_56, %dma_wait3A_116] : memref<54x128xi32, #tpu.memory_space<vmem>> -> memref<1x128xi32, #tpu.memory_space<vmem>>
          %dma_wait3A_118 = tpu.memref_squeeze %dma_wait3A_117 : memref<1x128xi32, #tpu.memory_space<vmem>> -> memref<128xi32, #tpu.memory_space<vmem>>
          %dma_wait3A_119 = arith.constant 0 : i32
          %dma_wait3A_120 = arith.constant 0 : i32
          %dma_wait3A_121 = tpu.memref_slice %arg10[%dma_wait3A_119, %dma_wait3A_120] : memref<10240x128xf32, #tpu.memory_space<vmem_shared>> -> memref<10240x128xf32, #tpu.memory_space<vmem_shared>>
          tpu.wait_indirect_dma semaphore(%run_scoped3A_101 : memref<!tpu.dma_semaphore, #tpu.memory_space<semaphore_mem>>) src(%dma_wait3A_115 : memref<128x128xf32, #tpu.memory_space<vmem>>) dst(%dma_wait3A_121 : memref<10240x128xf32, #tpu.memory_space<vmem_shared>>)
          tpu.yield
        }) : () -> ()
      }
    } else {
    }
    %barrier3A_19 = arith.constant 0 : index
    tpu.barrier barrier_id(%barrier3A_19)
    %mul3A_20 = arith.constant 640 : i32
    %mul3A_21 = arith.muli %arg1, %mul3A_20 : i32
    %mul3A_22 = arith.constant 640 : i32
    %mul3A_23 = arith.muli %arg1, %mul3A_22 : i32
    "tpu.region"() ({
      %run_scoped3A = tpu.sem_alloc : memref<!tpu.dma_semaphore, #tpu.memory_space<semaphore_mem>>
      %dma_start3A = arith.constant 0 : i32
      %dma_start3A_24 = tpu.memref_slice %arg6[%arg0, %mul3A_23, %dma_start3A] : memref<2x10240x128xf32, #tpu.memory_space<hbm>> -> memref<1x640x128xf32, #tpu.memory_space<hbm>>
      %dma_start3A_25 = tpu.memref_squeeze %dma_start3A_24 : memref<1x640x128xf32, #tpu.memory_space<hbm>> -> memref<640x128xf32, #tpu.memory_space<hbm>>
      %dma_start3A_26 = arith.constant 0 : i32
      %dma_start3A_27 = tpu.memref_slice %arg10[%mul3A_21, %dma_start3A_26] : memref<10240x128xf32, #tpu.memory_space<vmem_shared>> -> memref<640x128xf32, #tpu.memory_space<vmem_shared>>
      tpu.enqueue_dma source(%dma_start3A_27 : memref<640x128xf32, #tpu.memory_space<vmem_shared>>) target(%dma_start3A_25 : memref<640x128xf32, #tpu.memory_space<hbm>>) target_semaphore(%run_scoped3A : memref<!tpu.dma_semaphore, #tpu.memory_space<semaphore_mem>>)
      %dma_wait3A = arith.constant 0 : i32
      %dma_wait3A_28 = tpu.memref_slice %arg6[%arg0, %mul3A_23, %dma_wait3A] : memref<2x10240x128xf32, #tpu.memory_space<hbm>> -> memref<1x640x128xf32, #tpu.memory_space<hbm>>
      %dma_wait3A_29 = tpu.memref_squeeze %dma_wait3A_28 : memref<1x640x128xf32, #tpu.memory_space<hbm>> -> memref<640x128xf32, #tpu.memory_space<hbm>>
      %dma_wait3A_30 = arith.constant 0 : i32
      %dma_wait3A_31 = tpu.memref_slice %arg10[%mul3A_21, %dma_wait3A_30] : memref<10240x128xf32, #tpu.memory_space<vmem_shared>> -> memref<640x128xf32, #tpu.memory_space<vmem_shared>>
      tpu.wait_dma2 semaphore(%run_scoped3A : memref<!tpu.dma_semaphore, #tpu.memory_space<semaphore_mem>>) src(%dma_wait3A_31 : memref<640x128xf32, #tpu.memory_space<vmem_shared>>) dst(%dma_wait3A_29 : memref<640x128xf32, #tpu.memory_space<hbm>>)
      tpu.yield
    }) : () -> ()
    return
  }
}

#map = affine_map<(d0, d1) -> (0, 0)>
#map1 = affine_map<(d0, d1) -> (0, 0, 0, 0)>
#map2 = affine_map<(d0, d1) -> (0, 0, 0)>
module attributes {stable_mosaic.version = 14 : i64} {
  func.func @_edge_pass(%arg0: i32, %arg1: i32, %arg2: memref<10240x128xf32, #tpu.memory_space<hbm>>, %arg3: memref<32x2x54x128xi32, #tpu.memory_space<hbm>>, %arg4: memref<32x2x54x128xi32, #tpu.memory_space<hbm>>, %arg5: memref<10240x128xf32, #tpu.memory_space<hbm>>, %arg6: memref<2x10240x128xf32, #tpu.memory_space<hbm>>, %arg7: memref<54x128xi32, #tpu.memory_space<vmem>>, %arg8: memref<54x128xi32, #tpu.memory_space<vmem>>, %arg9: memref<2x128x128xf32, #tpu.memory_space<vmem>>, %arg10: memref<10240x128xf32, #tpu.memory_space<vmem_shared>>, %arg11: memref<!tpu.dma_semaphore, #tpu.memory_space<semaphore_mem>>, %arg12: memref<!tpu.dma_semaphore, #tpu.memory_space<semaphore_mem>>) attributes {dimension_semantics = [#tpu.dimension_semantics<core_parallel>, #tpu.dimension_semantics<subcore_parallel>], iteration_bounds = array<i64: 2, 16>, scalar_prefetch = 0 : i64, scratch_operands = 6 : i64, tpu.core_type = #tpu.core_type<sc_vector_subcore>, window_params = [{transform_indices = #map}, {transform_indices = #map1}, {transform_indices = #map1}, {transform_indices = #map}, {transform_indices = #map2}]} {
    %mul3A = arith.constant 2 : i32
    %mul3A_0 = arith.muli %arg1, %mul3A : i32
    %add3A = arith.addi %mul3A_0, %arg0 : i32
    %mul3A_1 = arith.constant 640 : i32
    %mul3A_2 = arith.muli %arg1, %mul3A_1 : i32
    %mul3A_3 = arith.constant 640 : i32
    %mul3A_4 = arith.muli %arg1, %mul3A_3 : i32
    "tpu.region"() ({
      %run_scoped3A = tpu.sem_alloc : memref<!tpu.dma_semaphore, #tpu.memory_space<semaphore_mem>>
      %dma_start3A = arith.constant 0 : i32
      %dma_start3A_24 = tpu.memref_slice %arg10[%mul3A_4, %dma_start3A] : memref<10240x128xf32, #tpu.memory_space<vmem_shared>> -> memref<640x128xf32, #tpu.memory_space<vmem_shared>>
      %dma_start3A_25 = arith.constant 0 : i32
      %dma_start3A_26 = tpu.memref_slice %arg5[%mul3A_2, %dma_start3A_25] : memref<10240x128xf32, #tpu.memory_space<hbm>> -> memref<640x128xf32, #tpu.memory_space<hbm>>
      tpu.enqueue_dma source(%dma_start3A_26 : memref<640x128xf32, #tpu.memory_space<hbm>>) target(%dma_start3A_24 : memref<640x128xf32, #tpu.memory_space<vmem_shared>>) target_semaphore(%run_scoped3A : memref<!tpu.dma_semaphore, #tpu.memory_space<semaphore_mem>>)
      %dma_wait3A = arith.constant 0 : i32
      %dma_wait3A_27 = tpu.memref_slice %arg10[%mul3A_4, %dma_wait3A] : memref<10240x128xf32, #tpu.memory_space<vmem_shared>> -> memref<640x128xf32, #tpu.memory_space<vmem_shared>>
      %dma_wait3A_28 = arith.constant 0 : i32
      %dma_wait3A_29 = tpu.memref_slice %arg5[%mul3A_2, %dma_wait3A_28] : memref<10240x128xf32, #tpu.memory_space<hbm>> -> memref<640x128xf32, #tpu.memory_space<hbm>>
      tpu.wait_dma2 semaphore(%run_scoped3A : memref<!tpu.dma_semaphore, #tpu.memory_space<semaphore_mem>>) src(%dma_wait3A_29 : memref<640x128xf32, #tpu.memory_space<hbm>>) dst(%dma_wait3A_27 : memref<640x128xf32, #tpu.memory_space<vmem_shared>>)
      tpu.yield
    }) : () -> ()
    %barrier3A = arith.constant 0 : index
    tpu.barrier barrier_id(%barrier3A)
    %eq3A = arith.constant 0 : i32
    %eq3A_5 = arith.cmpi eq, %arg0, %eq3A : i32
    %jit3A = arith.constant 54 : i32
    %jit3A_6 = arith.constant 52 : i32
    %select_n3A = arith.select %eq3A_5, %jit3A, %jit3A_6 : i32
    %gt3A = arith.constant 0 : i32
    %gt3A_7 = arith.cmpi sgt, %select_n3A, %gt3A : i32
    %convert_element_type3A = arith.extui %gt3A_7 : i1 to i32
    %cond3A = arith.constant 0 : i32
    %cond3A_8 = arith.cmpi ne, %convert_element_type3A, %cond3A : i32
    scf.if %cond3A_8 {
      %run_scoped3A = arith.constant 0 : i32
      "tpu.region"() ({
        %run_scoped3A_52 = tpu.sem_alloc : memref<!tpu.dma_semaphore, #tpu.memory_space<semaphore_mem>>
        %dma_start3A = arith.constant 0 : i32
        %dma_start3A_53 = arith.constant 0 : i32
        %dma_start3A_54 = tpu.memref_slice %arg3[%add3A, %run_scoped3A, %dma_start3A, %dma_start3A_53] : memref<32x2x54x128xi32, #tpu.memory_space<hbm>> -> memref<1x1x54x128xi32, #tpu.memory_space<hbm>>
        %dma_start3A_55 = tpu.memref_squeeze %dma_start3A_54 : memref<1x1x54x128xi32, #tpu.memory_space<hbm>> -> memref<54x128xi32, #tpu.memory_space<hbm>>
        %dma_start3A_56 = arith.constant 0 : i32
        %dma_start3A_57 = arith.constant 0 : i32
        %dma_start3A_58 = tpu.memref_slice %arg3[%add3A, %run_scoped3A, %dma_start3A_56, %dma_start3A_57] : memref<32x2x54x128xi32, #tpu.memory_space<hbm>> -> memref<1x1x54x128xi32, #tpu.memory_space<hbm>>
        %dma_start3A_59 = tpu.memref_squeeze %dma_start3A_58 : memref<1x1x54x128xi32, #tpu.memory_space<hbm>> -> memref<54x128xi32, #tpu.memory_space<hbm>>
        tpu.enqueue_dma source(%dma_start3A_59 : memref<54x128xi32, #tpu.memory_space<hbm>>) target(%arg7 : memref<54x128xi32, #tpu.memory_space<vmem>>) target_semaphore(%run_scoped3A_52 : memref<!tpu.dma_semaphore, #tpu.memory_space<semaphore_mem>>)
        %dma_wait3A = arith.constant 0 : i32
        %dma_wait3A_60 = arith.constant 0 : i32
        %dma_wait3A_61 = tpu.memref_slice %arg3[%add3A, %run_scoped3A, %dma_wait3A, %dma_wait3A_60] : memref<32x2x54x128xi32, #tpu.memory_space<hbm>> -> memref<1x1x54x128xi32, #tpu.memory_space<hbm>>
        %dma_wait3A_62 = tpu.memref_squeeze %dma_wait3A_61 : memref<1x1x54x128xi32, #tpu.memory_space<hbm>> -> memref<54x128xi32, #tpu.memory_space<hbm>>
        %dma_wait3A_63 = arith.constant 0 : i32
        %dma_wait3A_64 = arith.constant 0 : i32
        %dma_wait3A_65 = tpu.memref_slice %arg3[%add3A, %run_scoped3A, %dma_wait3A_63, %dma_wait3A_64] : memref<32x2x54x128xi32, #tpu.memory_space<hbm>> -> memref<1x1x54x128xi32, #tpu.memory_space<hbm>>
        %dma_wait3A_66 = tpu.memref_squeeze %dma_wait3A_65 : memref<1x1x54x128xi32, #tpu.memory_space<hbm>> -> memref<54x128xi32, #tpu.memory_space<hbm>>
        tpu.wait_dma2 semaphore(%run_scoped3A_52 : memref<!tpu.dma_semaphore, #tpu.memory_space<semaphore_mem>>) src(%dma_wait3A_66 : memref<54x128xi32, #tpu.memory_space<hbm>>) dst(%arg7 : memref<54x128xi32, #tpu.memory_space<vmem>>)
        tpu.yield
      }) : () -> ()
      %run_scoped3A_24 = arith.constant 0 : i32
      "tpu.region"() ({
        %run_scoped3A_52 = tpu.sem_alloc : memref<!tpu.dma_semaphore, #tpu.memory_space<semaphore_mem>>
        %dma_start3A = arith.constant 0 : i32
        %dma_start3A_53 = arith.constant 0 : i32
        %dma_start3A_54 = tpu.memref_slice %arg4[%add3A, %run_scoped3A_24, %dma_start3A, %dma_start3A_53] : memref<32x2x54x128xi32, #tpu.memory_space<hbm>> -> memref<1x1x54x128xi32, #tpu.memory_space<hbm>>
        %dma_start3A_55 = tpu.memref_squeeze %dma_start3A_54 : memref<1x1x54x128xi32, #tpu.memory_space<hbm>> -> memref<54x128xi32, #tpu.memory_space<hbm>>
        %dma_start3A_56 = arith.constant 0 : i32
        %dma_start3A_57 = arith.constant 0 : i32
        %dma_start3A_58 = tpu.memref_slice %arg4[%add3A, %run_scoped3A_24, %dma_start3A_56, %dma_start3A_57] : memref<32x2x54x128xi32, #tpu.memory_space<hbm>> -> memref<1x1x54x128xi32, #tpu.memory_space<hbm>>
        %dma_start3A_59 = tpu.memref_squeeze %dma_start3A_58 : memref<1x1x54x128xi32, #tpu.memory_space<hbm>> -> memref<54x128xi32, #tpu.memory_space<hbm>>
        tpu.enqueue_dma source(%dma_start3A_59 : memref<54x128xi32, #tpu.memory_space<hbm>>) target(%arg8 : memref<54x128xi32, #tpu.memory_space<vmem>>) target_semaphore(%run_scoped3A_52 : memref<!tpu.dma_semaphore, #tpu.memory_space<semaphore_mem>>)
        %dma_wait3A = arith.constant 0 : i32
        %dma_wait3A_60 = arith.constant 0 : i32
        %dma_wait3A_61 = tpu.memref_slice %arg4[%add3A, %run_scoped3A_24, %dma_wait3A, %dma_wait3A_60] : memref<32x2x54x128xi32, #tpu.memory_space<hbm>> -> memref<1x1x54x128xi32, #tpu.memory_space<hbm>>
        %dma_wait3A_62 = tpu.memref_squeeze %dma_wait3A_61 : memref<1x1x54x128xi32, #tpu.memory_space<hbm>> -> memref<54x128xi32, #tpu.memory_space<hbm>>
        %dma_wait3A_63 = arith.constant 0 : i32
        %dma_wait3A_64 = arith.constant 0 : i32
        %dma_wait3A_65 = tpu.memref_slice %arg4[%add3A, %run_scoped3A_24, %dma_wait3A_63, %dma_wait3A_64] : memref<32x2x54x128xi32, #tpu.memory_space<hbm>> -> memref<1x1x54x128xi32, #tpu.memory_space<hbm>>
        %dma_wait3A_66 = tpu.memref_squeeze %dma_wait3A_65 : memref<1x1x54x128xi32, #tpu.memory_space<hbm>> -> memref<54x128xi32, #tpu.memory_space<hbm>>
        tpu.wait_dma2 semaphore(%run_scoped3A_52 : memref<!tpu.dma_semaphore, #tpu.memory_space<semaphore_mem>>) src(%dma_wait3A_66 : memref<54x128xi32, #tpu.memory_space<hbm>>) dst(%arg8 : memref<54x128xi32, #tpu.memory_space<vmem>>)
        tpu.yield
      }) : () -> ()
      %jit3A_25 = arith.constant 2 : i32
      %div3A = arith.divsi %select_n3A, %jit3A_25 : i32
      %sign3A = arith.constant 0 : i32
      %sign3A_26 = arith.cmpi sgt, %select_n3A, %sign3A : i32
      %sign3A_27 = arith.extui %sign3A_26 : i1 to i32
      %sign3A_28 = arith.constant 0 : i32
      %sign3A_29 = arith.cmpi slt, %select_n3A, %sign3A_28 : i32
      %sign3A_30 = arith.extui %sign3A_29 : i1 to i32
      %sign3A_31 = arith.subi %sign3A_27, %sign3A_30 : i32
      %sign3A_32 = arith.constant 0 : i32
      %sign3A_33 = arith.cmpi sgt, %jit3A_25, %sign3A_32 : i32
      %sign3A_34 = arith.extui %sign3A_33 : i1 to i32
      %sign3A_35 = arith.constant 0 : i32
      %sign3A_36 = arith.cmpi slt, %jit3A_25, %sign3A_35 : i32
      %sign3A_37 = arith.extui %sign3A_36 : i1 to i32
      %sign3A_38 = arith.subi %sign3A_34, %sign3A_37 : i32
      %ne3A = arith.cmpi ne, %sign3A_31, %sign3A_38 : i32
      %rem3A = arith.remsi %select_n3A, %jit3A_25 : i32
      %ne3A_39 = arith.constant 0 : i32
      %ne3A_40 = arith.cmpi ne, %rem3A, %ne3A_39 : i32
      %and3A = arith.andi %ne3A, %ne3A_40 : i1
      %sub3A = arith.constant 1 : i32
      %sub3A_41 = arith.subi %div3A, %sub3A : i32
      %select_n3A_42 = arith.select %and3A, %sub3A_41, %div3A : i32
      %while3A = arith.constant 0 : i32
      %while3A_43 = arith.constant 0 : i32
      %while3A_44 = arith.subi %select_n3A_42, %while3A_43 : i32
      %while3A_45 = arith.addi %while3A_43, %while3A_44 : i32
      %while3A_46 = arith.constant 1 : i32
      %while3A_47 = arith.divsi %while3A_44, %while3A_46 : i32
      %while3A_48 = arith.muli %while3A_47, %while3A_46 : i32
      %while3A_49 = arith.addi %while3A_43, %while3A_48 : i32
      %while3A_50 = arith.constant 1 : i32
      scf.for %while3A_52 = %while3A_43 to %while3A_49 step %while3A_50  : i32 {
        %mul3A_53 = arith.constant 2 : i32
        %mul3A_54 = arith.muli %mul3A_53, %while3A_52 : i32
        %add3A_55 = arith.constant 1 : i32
        %add3A_56 = arith.addi %mul3A_54, %add3A_55 : i32
        %dma_start3A = arith.constant 0 : i32
        %dma_start3A_57 = arith.constant 0 : i32
        %dma_start3A_58 = arith.constant 0 : i32
        %dma_start3A_59 = tpu.memref_slice %arg9[%dma_start3A, %dma_start3A_57, %dma_start3A_58] : memref<2x128x128xf32, #tpu.memory_space<vmem>> -> memref<1x128x128xf32, #tpu.memory_space<vmem>>
        %dma_start3A_60 = tpu.memref_squeeze %dma_start3A_59 : memref<1x128x128xf32, #tpu.memory_space<vmem>> -> memref<128x128xf32, #tpu.memory_space<vmem>>
        %dma_start3A_61 = arith.constant 0 : i32
        %dma_start3A_62 = tpu.memref_slice %arg7[%mul3A_54, %dma_start3A_61] : memref<54x128xi32, #tpu.memory_space<vmem>> -> memref<1x128xi32, #tpu.memory_space<vmem>>
        %dma_start3A_63 = tpu.memref_squeeze %dma_start3A_62 : memref<1x128xi32, #tpu.memory_space<vmem>> -> memref<128xi32, #tpu.memory_space<vmem>>
        %dma_start3A_64 = arith.constant 0 : i32
        %dma_start3A_65 = arith.constant 0 : i32
        %dma_start3A_66 = tpu.memref_slice %arg2[%dma_start3A_64, %dma_start3A_65] : memref<10240x128xf32, #tpu.memory_space<hbm>> -> memref<10240x128xf32, #tpu.memory_space<hbm>>
        tpu.enqueue_indirect_dma source(%dma_start3A_66 : memref<10240x128xf32, #tpu.memory_space<hbm>>) target(%dma_start3A_60 : memref<128x128xf32, #tpu.memory_space<vmem>>) offsets(%dma_start3A_63 : memref<128xi32, #tpu.memory_space<vmem>>) semaphore(%arg11 : memref<!tpu.dma_semaphore, #tpu.memory_space<semaphore_mem>>)
        %dma_start3A_67 = arith.constant 1 : i32
        %dma_start3A_68 = arith.constant 0 : i32
        %dma_start3A_69 = arith.constant 0 : i32
        %dma_start3A_70 = tpu.memref_slice %arg9[%dma_start3A_67, %dma_start3A_68, %dma_start3A_69] : memref<2x128x128xf32, #tpu.memory_space<vmem>> -> memref<1x128x128xf32, #tpu.memory_space<vmem>>
        %dma_start3A_71 = tpu.memref_squeeze %dma_start3A_70 : memref<1x128x128xf32, #tpu.memory_space<vmem>> -> memref<128x128xf32, #tpu.memory_space<vmem>>
        %dma_start3A_72 = arith.constant 0 : i32
        %dma_start3A_73 = tpu.memref_slice %arg7[%add3A_56, %dma_start3A_72] : memref<54x128xi32, #tpu.memory_space<vmem>> -> memref<1x128xi32, #tpu.memory_space<vmem>>
        %dma_start3A_74 = tpu.memref_squeeze %dma_start3A_73 : memref<1x128xi32, #tpu.memory_space<vmem>> -> memref<128xi32, #tpu.memory_space<vmem>>
        %dma_start3A_75 = arith.constant 0 : i32
        %dma_start3A_76 = arith.constant 0 : i32
        %dma_start3A_77 = tpu.memref_slice %arg2[%dma_start3A_75, %dma_start3A_76] : memref<10240x128xf32, #tpu.memory_space<hbm>> -> memref<10240x128xf32, #tpu.memory_space<hbm>>
        tpu.enqueue_indirect_dma source(%dma_start3A_77 : memref<10240x128xf32, #tpu.memory_space<hbm>>) target(%dma_start3A_71 : memref<128x128xf32, #tpu.memory_space<vmem>>) offsets(%dma_start3A_74 : memref<128xi32, #tpu.memory_space<vmem>>) semaphore(%arg12 : memref<!tpu.dma_semaphore, #tpu.memory_space<semaphore_mem>>)
        %dma_wait3A = arith.constant 0 : i32
        %dma_wait3A_78 = arith.constant 0 : i32
        %dma_wait3A_79 = arith.constant 0 : i32
        %dma_wait3A_80 = tpu.memref_slice %arg9[%dma_wait3A, %dma_wait3A_78, %dma_wait3A_79] : memref<2x128x128xf32, #tpu.memory_space<vmem>> -> memref<1x128x128xf32, #tpu.memory_space<vmem>>
        %dma_wait3A_81 = tpu.memref_squeeze %dma_wait3A_80 : memref<1x128x128xf32, #tpu.memory_space<vmem>> -> memref<128x128xf32, #tpu.memory_space<vmem>>
        %dma_wait3A_82 = arith.constant 0 : i32
        %dma_wait3A_83 = tpu.memref_slice %arg7[%mul3A_54, %dma_wait3A_82] : memref<54x128xi32, #tpu.memory_space<vmem>> -> memref<1x128xi32, #tpu.memory_space<vmem>>
        %dma_wait3A_84 = tpu.memref_squeeze %dma_wait3A_83 : memref<1x128xi32, #tpu.memory_space<vmem>> -> memref<128xi32, #tpu.memory_space<vmem>>
        %dma_wait3A_85 = arith.constant 0 : i32
        %dma_wait3A_86 = arith.constant 0 : i32
        %dma_wait3A_87 = tpu.memref_slice %arg2[%dma_wait3A_85, %dma_wait3A_86] : memref<10240x128xf32, #tpu.memory_space<hbm>> -> memref<10240x128xf32, #tpu.memory_space<hbm>>
        tpu.wait_indirect_dma semaphore(%arg11 : memref<!tpu.dma_semaphore, #tpu.memory_space<semaphore_mem>>) src(%dma_wait3A_87 : memref<10240x128xf32, #tpu.memory_space<hbm>>) dst(%dma_wait3A_81 : memref<128x128xf32, #tpu.memory_space<vmem>>)
        %run_scoped3A_88 = arith.constant 0 : i32
        "tpu.region"() ({
          %run_scoped3A_101 = tpu.sem_alloc : memref<!tpu.dma_semaphore, #tpu.memory_space<semaphore_mem>>
          %dma_start3A_102 = arith.constant 0 : i32
          %dma_start3A_103 = arith.constant 0 : i32
          %dma_start3A_104 = tpu.memref_slice %arg9[%run_scoped3A_88, %dma_start3A_102, %dma_start3A_103] : memref<2x128x128xf32, #tpu.memory_space<vmem>> -> memref<1x128x128xf32, #tpu.memory_space<vmem>>
          %dma_start3A_105 = tpu.memref_squeeze %dma_start3A_104 : memref<1x128x128xf32, #tpu.memory_space<vmem>> -> memref<128x128xf32, #tpu.memory_space<vmem>>
          %dma_start3A_106 = arith.constant 0 : i32
          %dma_start3A_107 = tpu.memref_slice %arg8[%mul3A_54, %dma_start3A_106] : memref<54x128xi32, #tpu.memory_space<vmem>> -> memref<1x128xi32, #tpu.memory_space<vmem>>
          %dma_start3A_108 = tpu.memref_squeeze %dma_start3A_107 : memref<1x128xi32, #tpu.memory_space<vmem>> -> memref<128xi32, #tpu.memory_space<vmem>>
          %dma_start3A_109 = arith.constant 0 : i32
          %dma_start3A_110 = arith.constant 0 : i32
          %dma_start3A_111 = tpu.memref_slice %arg10[%dma_start3A_109, %dma_start3A_110] : memref<10240x128xf32, #tpu.memory_space<vmem_shared>> -> memref<10240x128xf32, #tpu.memory_space<vmem_shared>>
          tpu.enqueue_indirect_dma source(%dma_start3A_105 : memref<128x128xf32, #tpu.memory_space<vmem>>) target(%dma_start3A_111 : memref<10240x128xf32, #tpu.memory_space<vmem_shared>>) offsets(%dma_start3A_108 : memref<128xi32, #tpu.memory_space<vmem>>) semaphore(%run_scoped3A_101 : memref<!tpu.dma_semaphore, #tpu.memory_space<semaphore_mem>>) {add = true}
          %dma_wait3A_112 = arith.constant 0 : i32
          %dma_wait3A_113 = arith.constant 0 : i32
          %dma_wait3A_114 = tpu.memref_slice %arg9[%run_scoped3A_88, %dma_wait3A_112, %dma_wait3A_113] : memref<2x128x128xf32, #tpu.memory_space<vmem>> -> memref<1x128x128xf32, #tpu.memory_space<vmem>>
          %dma_wait3A_115 = tpu.memref_squeeze %dma_wait3A_114 : memref<1x128x128xf32, #tpu.memory_space<vmem>> -> memref<128x128xf32, #tpu.memory_space<vmem>>
          %dma_wait3A_116 = arith.constant 0 : i32
          %dma_wait3A_117 = tpu.memref_slice %arg8[%mul3A_54, %dma_wait3A_116] : memref<54x128xi32, #tpu.memory_space<vmem>> -> memref<1x128xi32, #tpu.memory_space<vmem>>
          %dma_wait3A_118 = tpu.memref_squeeze %dma_wait3A_117 : memref<1x128xi32, #tpu.memory_space<vmem>> -> memref<128xi32, #tpu.memory_space<vmem>>
          %dma_wait3A_119 = arith.constant 0 : i32
          %dma_wait3A_120 = arith.constant 0 : i32
          %dma_wait3A_121 = tpu.memref_slice %arg10[%dma_wait3A_119, %dma_wait3A_120] : memref<10240x128xf32, #tpu.memory_space<vmem_shared>> -> memref<10240x128xf32, #tpu.memory_space<vmem_shared>>
          tpu.wait_indirect_dma semaphore(%run_scoped3A_101 : memref<!tpu.dma_semaphore, #tpu.memory_space<semaphore_mem>>) src(%dma_wait3A_115 : memref<128x128xf32, #tpu.memory_space<vmem>>) dst(%dma_wait3A_121 : memref<10240x128xf32, #tpu.memory_space<vmem_shared>>)
          tpu.yield
        }) : () -> ()
        %dma_wait3A_89 = arith.constant 1 : i32
        %dma_wait3A_90 = arith.constant 0 : i32
        %dma_wait3A_91 = arith.constant 0 : i32
        %dma_wait3A_92 = tpu.memref_slice %arg9[%dma_wait3A_89, %dma_wait3A_90, %dma_wait3A_91] : memref<2x128x128xf32, #tpu.memory_space<vmem>> -> memref<1x128x128xf32, #tpu.memory_space<vmem>>
        %dma_wait3A_93 = tpu.memref_squeeze %dma_wait3A_92 : memref<1x128x128xf32, #tpu.memory_space<vmem>> -> memref<128x128xf32, #tpu.memory_space<vmem>>
        %dma_wait3A_94 = arith.constant 0 : i32
        %dma_wait3A_95 = tpu.memref_slice %arg7[%add3A_56, %dma_wait3A_94] : memref<54x128xi32, #tpu.memory_space<vmem>> -> memref<1x128xi32, #tpu.memory_space<vmem>>
        %dma_wait3A_96 = tpu.memref_squeeze %dma_wait3A_95 : memref<1x128xi32, #tpu.memory_space<vmem>> -> memref<128xi32, #tpu.memory_space<vmem>>
        %dma_wait3A_97 = arith.constant 0 : i32
        %dma_wait3A_98 = arith.constant 0 : i32
        %dma_wait3A_99 = tpu.memref_slice %arg2[%dma_wait3A_97, %dma_wait3A_98] : memref<10240x128xf32, #tpu.memory_space<hbm>> -> memref<10240x128xf32, #tpu.memory_space<hbm>>
        tpu.wait_indirect_dma semaphore(%arg12 : memref<!tpu.dma_semaphore, #tpu.memory_space<semaphore_mem>>) src(%dma_wait3A_99 : memref<10240x128xf32, #tpu.memory_space<hbm>>) dst(%dma_wait3A_93 : memref<128x128xf32, #tpu.memory_space<vmem>>)
        %run_scoped3A_100 = arith.constant 1 : i32
        "tpu.region"() ({
          %run_scoped3A_101 = tpu.sem_alloc : memref<!tpu.dma_semaphore, #tpu.memory_space<semaphore_mem>>
          %dma_start3A_102 = arith.constant 0 : i32
          %dma_start3A_103 = arith.constant 0 : i32
          %dma_start3A_104 = tpu.memref_slice %arg9[%run_scoped3A_100, %dma_start3A_102, %dma_start3A_103] : memref<2x128x128xf32, #tpu.memory_space<vmem>> -> memref<1x128x128xf32, #tpu.memory_space<vmem>>
          %dma_start3A_105 = tpu.memref_squeeze %dma_start3A_104 : memref<1x128x128xf32, #tpu.memory_space<vmem>> -> memref<128x128xf32, #tpu.memory_space<vmem>>
          %dma_start3A_106 = arith.constant 0 : i32
          %dma_start3A_107 = tpu.memref_slice %arg8[%add3A_56, %dma_start3A_106] : memref<54x128xi32, #tpu.memory_space<vmem>> -> memref<1x128xi32, #tpu.memory_space<vmem>>
          %dma_start3A_108 = tpu.memref_squeeze %dma_start3A_107 : memref<1x128xi32, #tpu.memory_space<vmem>> -> memref<128xi32, #tpu.memory_space<vmem>>
          %dma_start3A_109 = arith.constant 0 : i32
          %dma_start3A_110 = arith.constant 0 : i32
          %dma_start3A_111 = tpu.memref_slice %arg10[%dma_start3A_109, %dma_start3A_110] : memref<10240x128xf32, #tpu.memory_space<vmem_shared>> -> memref<10240x128xf32, #tpu.memory_space<vmem_shared>>
          tpu.enqueue_indirect_dma source(%dma_start3A_105 : memref<128x128xf32, #tpu.memory_space<vmem>>) target(%dma_start3A_111 : memref<10240x128xf32, #tpu.memory_space<vmem_shared>>) offsets(%dma_start3A_108 : memref<128xi32, #tpu.memory_space<vmem>>) semaphore(%run_scoped3A_101 : memref<!tpu.dma_semaphore, #tpu.memory_space<semaphore_mem>>) {add = true}
          %dma_wait3A_112 = arith.constant 0 : i32
          %dma_wait3A_113 = arith.constant 0 : i32
          %dma_wait3A_114 = tpu.memref_slice %arg9[%run_scoped3A_100, %dma_wait3A_112, %dma_wait3A_113] : memref<2x128x128xf32, #tpu.memory_space<vmem>> -> memref<1x128x128xf32, #tpu.memory_space<vmem>>
          %dma_wait3A_115 = tpu.memref_squeeze %dma_wait3A_114 : memref<1x128x128xf32, #tpu.memory_space<vmem>> -> memref<128x128xf32, #tpu.memory_space<vmem>>
          %dma_wait3A_116 = arith.constant 0 : i32
          %dma_wait3A_117 = tpu.memref_slice %arg8[%add3A_56, %dma_wait3A_116] : memref<54x128xi32, #tpu.memory_space<vmem>> -> memref<1x128xi32, #tpu.memory_space<vmem>>
          %dma_wait3A_118 = tpu.memref_squeeze %dma_wait3A_117 : memref<1x128xi32, #tpu.memory_space<vmem>> -> memref<128xi32, #tpu.memory_space<vmem>>
          %dma_wait3A_119 = arith.constant 0 : i32
          %dma_wait3A_120 = arith.constant 0 : i32
          %dma_wait3A_121 = tpu.memref_slice %arg10[%dma_wait3A_119, %dma_wait3A_120] : memref<10240x128xf32, #tpu.memory_space<vmem_shared>> -> memref<10240x128xf32, #tpu.memory_space<vmem_shared>>
          tpu.wait_indirect_dma semaphore(%run_scoped3A_101 : memref<!tpu.dma_semaphore, #tpu.memory_space<semaphore_mem>>) src(%dma_wait3A_115 : memref<128x128xf32, #tpu.memory_space<vmem>>) dst(%dma_wait3A_121 : memref<10240x128xf32, #tpu.memory_space<vmem_shared>>)
          tpu.yield
        }) : () -> ()
      }
      %while3A_51 = arith.constant 1 : i32
      scf.for %while3A_52 = %while3A_49 to %while3A_45 step %while3A_51  : i32 {
        %mul3A_53 = arith.constant 2 : i32
        %mul3A_54 = arith.muli %mul3A_53, %while3A_52 : i32
        %add3A_55 = arith.constant 1 : i32
        %add3A_56 = arith.addi %mul3A_54, %add3A_55 : i32
        %dma_start3A = arith.constant 0 : i32
        %dma_start3A_57 = arith.constant 0 : i32
        %dma_start3A_58 = arith.constant 0 : i32
        %dma_start3A_59 = tpu.memref_slice %arg9[%dma_start3A, %dma_start3A_57, %dma_start3A_58] : memref<2x128x128xf32, #tpu.memory_space<vmem>> -> memref<1x128x128xf32, #tpu.memory_space<vmem>>
        %dma_start3A_60 = tpu.memref_squeeze %dma_start3A_59 : memref<1x128x128xf32, #tpu.memory_space<vmem>> -> memref<128x128xf32, #tpu.memory_space<vmem>>
        %dma_start3A_61 = arith.constant 0 : i32
        %dma_start3A_62 = tpu.memref_slice %arg7[%mul3A_54, %dma_start3A_61] : memref<54x128xi32, #tpu.memory_space<vmem>> -> memref<1x128xi32, #tpu.memory_space<vmem>>
        %dma_start3A_63 = tpu.memref_squeeze %dma_start3A_62 : memref<1x128xi32, #tpu.memory_space<vmem>> -> memref<128xi32, #tpu.memory_space<vmem>>
        %dma_start3A_64 = arith.constant 0 : i32
        %dma_start3A_65 = arith.constant 0 : i32
        %dma_start3A_66 = tpu.memref_slice %arg2[%dma_start3A_64, %dma_start3A_65] : memref<10240x128xf32, #tpu.memory_space<hbm>> -> memref<10240x128xf32, #tpu.memory_space<hbm>>
        tpu.enqueue_indirect_dma source(%dma_start3A_66 : memref<10240x128xf32, #tpu.memory_space<hbm>>) target(%dma_start3A_60 : memref<128x128xf32, #tpu.memory_space<vmem>>) offsets(%dma_start3A_63 : memref<128xi32, #tpu.memory_space<vmem>>) semaphore(%arg11 : memref<!tpu.dma_semaphore, #tpu.memory_space<semaphore_mem>>)
        %dma_start3A_67 = arith.constant 1 : i32
        %dma_start3A_68 = arith.constant 0 : i32
        %dma_start3A_69 = arith.constant 0 : i32
        %dma_start3A_70 = tpu.memref_slice %arg9[%dma_start3A_67, %dma_start3A_68, %dma_start3A_69] : memref<2x128x128xf32, #tpu.memory_space<vmem>> -> memref<1x128x128xf32, #tpu.memory_space<vmem>>
        %dma_start3A_71 = tpu.memref_squeeze %dma_start3A_70 : memref<1x128x128xf32, #tpu.memory_space<vmem>> -> memref<128x128xf32, #tpu.memory_space<vmem>>
        %dma_start3A_72 = arith.constant 0 : i32
        %dma_start3A_73 = tpu.memref_slice %arg7[%add3A_56, %dma_start3A_72] : memref<54x128xi32, #tpu.memory_space<vmem>> -> memref<1x128xi32, #tpu.memory_space<vmem>>
        %dma_start3A_74 = tpu.memref_squeeze %dma_start3A_73 : memref<1x128xi32, #tpu.memory_space<vmem>> -> memref<128xi32, #tpu.memory_space<vmem>>
        %dma_start3A_75 = arith.constant 0 : i32
        %dma_start3A_76 = arith.constant 0 : i32
        %dma_start3A_77 = tpu.memref_slice %arg2[%dma_start3A_75, %dma_start3A_76] : memref<10240x128xf32, #tpu.memory_space<hbm>> -> memref<10240x128xf32, #tpu.memory_space<hbm>>
        tpu.enqueue_indirect_dma source(%dma_start3A_77 : memref<10240x128xf32, #tpu.memory_space<hbm>>) target(%dma_start3A_71 : memref<128x128xf32, #tpu.memory_space<vmem>>) offsets(%dma_start3A_74 : memref<128xi32, #tpu.memory_space<vmem>>) semaphore(%arg12 : memref<!tpu.dma_semaphore, #tpu.memory_space<semaphore_mem>>)
        %dma_wait3A = arith.constant 0 : i32
        %dma_wait3A_78 = arith.constant 0 : i32
        %dma_wait3A_79 = arith.constant 0 : i32
        %dma_wait3A_80 = tpu.memref_slice %arg9[%dma_wait3A, %dma_wait3A_78, %dma_wait3A_79] : memref<2x128x128xf32, #tpu.memory_space<vmem>> -> memref<1x128x128xf32, #tpu.memory_space<vmem>>
        %dma_wait3A_81 = tpu.memref_squeeze %dma_wait3A_80 : memref<1x128x128xf32, #tpu.memory_space<vmem>> -> memref<128x128xf32, #tpu.memory_space<vmem>>
        %dma_wait3A_82 = arith.constant 0 : i32
        %dma_wait3A_83 = tpu.memref_slice %arg7[%mul3A_54, %dma_wait3A_82] : memref<54x128xi32, #tpu.memory_space<vmem>> -> memref<1x128xi32, #tpu.memory_space<vmem>>
        %dma_wait3A_84 = tpu.memref_squeeze %dma_wait3A_83 : memref<1x128xi32, #tpu.memory_space<vmem>> -> memref<128xi32, #tpu.memory_space<vmem>>
        %dma_wait3A_85 = arith.constant 0 : i32
        %dma_wait3A_86 = arith.constant 0 : i32
        %dma_wait3A_87 = tpu.memref_slice %arg2[%dma_wait3A_85, %dma_wait3A_86] : memref<10240x128xf32, #tpu.memory_space<hbm>> -> memref<10240x128xf32, #tpu.memory_space<hbm>>
        tpu.wait_indirect_dma semaphore(%arg11 : memref<!tpu.dma_semaphore, #tpu.memory_space<semaphore_mem>>) src(%dma_wait3A_87 : memref<10240x128xf32, #tpu.memory_space<hbm>>) dst(%dma_wait3A_81 : memref<128x128xf32, #tpu.memory_space<vmem>>)
        %run_scoped3A_88 = arith.constant 0 : i32
        "tpu.region"() ({
          %run_scoped3A_101 = tpu.sem_alloc : memref<!tpu.dma_semaphore, #tpu.memory_space<semaphore_mem>>
          %dma_start3A_102 = arith.constant 0 : i32
          %dma_start3A_103 = arith.constant 0 : i32
          %dma_start3A_104 = tpu.memref_slice %arg9[%run_scoped3A_88, %dma_start3A_102, %dma_start3A_103] : memref<2x128x128xf32, #tpu.memory_space<vmem>> -> memref<1x128x128xf32, #tpu.memory_space<vmem>>
          %dma_start3A_105 = tpu.memref_squeeze %dma_start3A_104 : memref<1x128x128xf32, #tpu.memory_space<vmem>> -> memref<128x128xf32, #tpu.memory_space<vmem>>
          %dma_start3A_106 = arith.constant 0 : i32
          %dma_start3A_107 = tpu.memref_slice %arg8[%mul3A_54, %dma_start3A_106] : memref<54x128xi32, #tpu.memory_space<vmem>> -> memref<1x128xi32, #tpu.memory_space<vmem>>
          %dma_start3A_108 = tpu.memref_squeeze %dma_start3A_107 : memref<1x128xi32, #tpu.memory_space<vmem>> -> memref<128xi32, #tpu.memory_space<vmem>>
          %dma_start3A_109 = arith.constant 0 : i32
          %dma_start3A_110 = arith.constant 0 : i32
          %dma_start3A_111 = tpu.memref_slice %arg10[%dma_start3A_109, %dma_start3A_110] : memref<10240x128xf32, #tpu.memory_space<vmem_shared>> -> memref<10240x128xf32, #tpu.memory_space<vmem_shared>>
          tpu.enqueue_indirect_dma source(%dma_start3A_105 : memref<128x128xf32, #tpu.memory_space<vmem>>) target(%dma_start3A_111 : memref<10240x128xf32, #tpu.memory_space<vmem_shared>>) offsets(%dma_start3A_108 : memref<128xi32, #tpu.memory_space<vmem>>) semaphore(%run_scoped3A_101 : memref<!tpu.dma_semaphore, #tpu.memory_space<semaphore_mem>>) {add = true}
          %dma_wait3A_112 = arith.constant 0 : i32
          %dma_wait3A_113 = arith.constant 0 : i32
          %dma_wait3A_114 = tpu.memref_slice %arg9[%run_scoped3A_88, %dma_wait3A_112, %dma_wait3A_113] : memref<2x128x128xf32, #tpu.memory_space<vmem>> -> memref<1x128x128xf32, #tpu.memory_space<vmem>>
          %dma_wait3A_115 = tpu.memref_squeeze %dma_wait3A_114 : memref<1x128x128xf32, #tpu.memory_space<vmem>> -> memref<128x128xf32, #tpu.memory_space<vmem>>
          %dma_wait3A_116 = arith.constant 0 : i32
          %dma_wait3A_117 = tpu.memref_slice %arg8[%mul3A_54, %dma_wait3A_116] : memref<54x128xi32, #tpu.memory_space<vmem>> -> memref<1x128xi32, #tpu.memory_space<vmem>>
          %dma_wait3A_118 = tpu.memref_squeeze %dma_wait3A_117 : memref<1x128xi32, #tpu.memory_space<vmem>> -> memref<128xi32, #tpu.memory_space<vmem>>
          %dma_wait3A_119 = arith.constant 0 : i32
          %dma_wait3A_120 = arith.constant 0 : i32
          %dma_wait3A_121 = tpu.memref_slice %arg10[%dma_wait3A_119, %dma_wait3A_120] : memref<10240x128xf32, #tpu.memory_space<vmem_shared>> -> memref<10240x128xf32, #tpu.memory_space<vmem_shared>>
          tpu.wait_indirect_dma semaphore(%run_scoped3A_101 : memref<!tpu.dma_semaphore, #tpu.memory_space<semaphore_mem>>) src(%dma_wait3A_115 : memref<128x128xf32, #tpu.memory_space<vmem>>) dst(%dma_wait3A_121 : memref<10240x128xf32, #tpu.memory_space<vmem_shared>>)
          tpu.yield
        }) : () -> ()
        %dma_wait3A_89 = arith.constant 1 : i32
        %dma_wait3A_90 = arith.constant 0 : i32
        %dma_wait3A_91 = arith.constant 0 : i32
        %dma_wait3A_92 = tpu.memref_slice %arg9[%dma_wait3A_89, %dma_wait3A_90, %dma_wait3A_91] : memref<2x128x128xf32, #tpu.memory_space<vmem>> -> memref<1x128x128xf32, #tpu.memory_space<vmem>>
        %dma_wait3A_93 = tpu.memref_squeeze %dma_wait3A_92 : memref<1x128x128xf32, #tpu.memory_space<vmem>> -> memref<128x128xf32, #tpu.memory_space<vmem>>
        %dma_wait3A_94 = arith.constant 0 : i32
        %dma_wait3A_95 = tpu.memref_slice %arg7[%add3A_56, %dma_wait3A_94] : memref<54x128xi32, #tpu.memory_space<vmem>> -> memref<1x128xi32, #tpu.memory_space<vmem>>
        %dma_wait3A_96 = tpu.memref_squeeze %dma_wait3A_95 : memref<1x128xi32, #tpu.memory_space<vmem>> -> memref<128xi32, #tpu.memory_space<vmem>>
        %dma_wait3A_97 = arith.constant 0 : i32
        %dma_wait3A_98 = arith.constant 0 : i32
        %dma_wait3A_99 = tpu.memref_slice %arg2[%dma_wait3A_97, %dma_wait3A_98] : memref<10240x128xf32, #tpu.memory_space<hbm>> -> memref<10240x128xf32, #tpu.memory_space<hbm>>
        tpu.wait_indirect_dma semaphore(%arg12 : memref<!tpu.dma_semaphore, #tpu.memory_space<semaphore_mem>>) src(%dma_wait3A_99 : memref<10240x128xf32, #tpu.memory_space<hbm>>) dst(%dma_wait3A_93 : memref<128x128xf32, #tpu.memory_space<vmem>>)
        %run_scoped3A_100 = arith.constant 1 : i32
        "tpu.region"() ({
          %run_scoped3A_101 = tpu.sem_alloc : memref<!tpu.dma_semaphore, #tpu.memory_space<semaphore_mem>>
          %dma_start3A_102 = arith.constant 0 : i32
          %dma_start3A_103 = arith.constant 0 : i32
          %dma_start3A_104 = tpu.memref_slice %arg9[%run_scoped3A_100, %dma_start3A_102, %dma_start3A_103] : memref<2x128x128xf32, #tpu.memory_space<vmem>> -> memref<1x128x128xf32, #tpu.memory_space<vmem>>
          %dma_start3A_105 = tpu.memref_squeeze %dma_start3A_104 : memref<1x128x128xf32, #tpu.memory_space<vmem>> -> memref<128x128xf32, #tpu.memory_space<vmem>>
          %dma_start3A_106 = arith.constant 0 : i32
          %dma_start3A_107 = tpu.memref_slice %arg8[%add3A_56, %dma_start3A_106] : memref<54x128xi32, #tpu.memory_space<vmem>> -> memref<1x128xi32, #tpu.memory_space<vmem>>
          %dma_start3A_108 = tpu.memref_squeeze %dma_start3A_107 : memref<1x128xi32, #tpu.memory_space<vmem>> -> memref<128xi32, #tpu.memory_space<vmem>>
          %dma_start3A_109 = arith.constant 0 : i32
          %dma_start3A_110 = arith.constant 0 : i32
          %dma_start3A_111 = tpu.memref_slice %arg10[%dma_start3A_109, %dma_start3A_110] : memref<10240x128xf32, #tpu.memory_space<vmem_shared>> -> memref<10240x128xf32, #tpu.memory_space<vmem_shared>>
          tpu.enqueue_indirect_dma source(%dma_start3A_105 : memref<128x128xf32, #tpu.memory_space<vmem>>) target(%dma_start3A_111 : memref<10240x128xf32, #tpu.memory_space<vmem_shared>>) offsets(%dma_start3A_108 : memref<128xi32, #tpu.memory_space<vmem>>) semaphore(%run_scoped3A_101 : memref<!tpu.dma_semaphore, #tpu.memory_space<semaphore_mem>>) {add = true}
          %dma_wait3A_112 = arith.constant 0 : i32
          %dma_wait3A_113 = arith.constant 0 : i32
          %dma_wait3A_114 = tpu.memref_slice %arg9[%run_scoped3A_100, %dma_wait3A_112, %dma_wait3A_113] : memref<2x128x128xf32, #tpu.memory_space<vmem>> -> memref<1x128x128xf32, #tpu.memory_space<vmem>>
          %dma_wait3A_115 = tpu.memref_squeeze %dma_wait3A_114 : memref<1x128x128xf32, #tpu.memory_space<vmem>> -> memref<128x128xf32, #tpu.memory_space<vmem>>
          %dma_wait3A_116 = arith.constant 0 : i32
          %dma_wait3A_117 = tpu.memref_slice %arg8[%add3A_56, %dma_wait3A_116] : memref<54x128xi32, #tpu.memory_space<vmem>> -> memref<1x128xi32, #tpu.memory_space<vmem>>
          %dma_wait3A_118 = tpu.memref_squeeze %dma_wait3A_117 : memref<1x128xi32, #tpu.memory_space<vmem>> -> memref<128xi32, #tpu.memory_space<vmem>>
          %dma_wait3A_119 = arith.constant 0 : i32
          %dma_wait3A_120 = arith.constant 0 : i32
          %dma_wait3A_121 = tpu.memref_slice %arg10[%dma_wait3A_119, %dma_wait3A_120] : memref<10240x128xf32, #tpu.memory_space<vmem_shared>> -> memref<10240x128xf32, #tpu.memory_space<vmem_shared>>
          tpu.wait_indirect_dma semaphore(%run_scoped3A_101 : memref<!tpu.dma_semaphore, #tpu.memory_space<semaphore_mem>>) src(%dma_wait3A_115 : memref<128x128xf32, #tpu.memory_space<vmem>>) dst(%dma_wait3A_121 : memref<10240x128xf32, #tpu.memory_space<vmem_shared>>)
          tpu.yield
        }) : () -> ()
      }
    } else {
    }
    %eq3A_9 = arith.constant 0 : i32
    %eq3A_10 = arith.cmpi eq, %arg0, %eq3A_9 : i32
    %jit3A_11 = arith.constant 52 : i32
    %jit3A_12 = arith.constant 0 : i32
    %select_n3A_13 = arith.select %eq3A_10, %jit3A_11, %jit3A_12 : i32
    %gt3A_14 = arith.constant 0 : i32
    %gt3A_15 = arith.cmpi sgt, %select_n3A_13, %gt3A_14 : i32
    %convert_element_type3A_16 = arith.extui %gt3A_15 : i1 to i32
    %cond3A_17 = arith.constant 0 : i32
    %cond3A_18 = arith.cmpi ne, %convert_element_type3A_16, %cond3A_17 : i32
    scf.if %cond3A_18 {
      %run_scoped3A = arith.constant 1 : i32
      "tpu.region"() ({
        %run_scoped3A_52 = tpu.sem_alloc : memref<!tpu.dma_semaphore, #tpu.memory_space<semaphore_mem>>
        %dma_start3A = arith.constant 0 : i32
        %dma_start3A_53 = arith.constant 0 : i32
        %dma_start3A_54 = tpu.memref_slice %arg3[%add3A, %run_scoped3A, %dma_start3A, %dma_start3A_53] : memref<32x2x54x128xi32, #tpu.memory_space<hbm>> -> memref<1x1x54x128xi32, #tpu.memory_space<hbm>>
        %dma_start3A_55 = tpu.memref_squeeze %dma_start3A_54 : memref<1x1x54x128xi32, #tpu.memory_space<hbm>> -> memref<54x128xi32, #tpu.memory_space<hbm>>
        %dma_start3A_56 = arith.constant 0 : i32
        %dma_start3A_57 = arith.constant 0 : i32
        %dma_start3A_58 = tpu.memref_slice %arg3[%add3A, %run_scoped3A, %dma_start3A_56, %dma_start3A_57] : memref<32x2x54x128xi32, #tpu.memory_space<hbm>> -> memref<1x1x54x128xi32, #tpu.memory_space<hbm>>
        %dma_start3A_59 = tpu.memref_squeeze %dma_start3A_58 : memref<1x1x54x128xi32, #tpu.memory_space<hbm>> -> memref<54x128xi32, #tpu.memory_space<hbm>>
        tpu.enqueue_dma source(%dma_start3A_59 : memref<54x128xi32, #tpu.memory_space<hbm>>) target(%arg7 : memref<54x128xi32, #tpu.memory_space<vmem>>) target_semaphore(%run_scoped3A_52 : memref<!tpu.dma_semaphore, #tpu.memory_space<semaphore_mem>>)
        %dma_wait3A = arith.constant 0 : i32
        %dma_wait3A_60 = arith.constant 0 : i32
        %dma_wait3A_61 = tpu.memref_slice %arg3[%add3A, %run_scoped3A, %dma_wait3A, %dma_wait3A_60] : memref<32x2x54x128xi32, #tpu.memory_space<hbm>> -> memref<1x1x54x128xi32, #tpu.memory_space<hbm>>
        %dma_wait3A_62 = tpu.memref_squeeze %dma_wait3A_61 : memref<1x1x54x128xi32, #tpu.memory_space<hbm>> -> memref<54x128xi32, #tpu.memory_space<hbm>>
        %dma_wait3A_63 = arith.constant 0 : i32
        %dma_wait3A_64 = arith.constant 0 : i32
        %dma_wait3A_65 = tpu.memref_slice %arg3[%add3A, %run_scoped3A, %dma_wait3A_63, %dma_wait3A_64] : memref<32x2x54x128xi32, #tpu.memory_space<hbm>> -> memref<1x1x54x128xi32, #tpu.memory_space<hbm>>
        %dma_wait3A_66 = tpu.memref_squeeze %dma_wait3A_65 : memref<1x1x54x128xi32, #tpu.memory_space<hbm>> -> memref<54x128xi32, #tpu.memory_space<hbm>>
        tpu.wait_dma2 semaphore(%run_scoped3A_52 : memref<!tpu.dma_semaphore, #tpu.memory_space<semaphore_mem>>) src(%dma_wait3A_66 : memref<54x128xi32, #tpu.memory_space<hbm>>) dst(%arg7 : memref<54x128xi32, #tpu.memory_space<vmem>>)
        tpu.yield
      }) : () -> ()
      %run_scoped3A_24 = arith.constant 1 : i32
      "tpu.region"() ({
        %run_scoped3A_52 = tpu.sem_alloc : memref<!tpu.dma_semaphore, #tpu.memory_space<semaphore_mem>>
        %dma_start3A = arith.constant 0 : i32
        %dma_start3A_53 = arith.constant 0 : i32
        %dma_start3A_54 = tpu.memref_slice %arg4[%add3A, %run_scoped3A_24, %dma_start3A, %dma_start3A_53] : memref<32x2x54x128xi32, #tpu.memory_space<hbm>> -> memref<1x1x54x128xi32, #tpu.memory_space<hbm>>
        %dma_start3A_55 = tpu.memref_squeeze %dma_start3A_54 : memref<1x1x54x128xi32, #tpu.memory_space<hbm>> -> memref<54x128xi32, #tpu.memory_space<hbm>>
        %dma_start3A_56 = arith.constant 0 : i32
        %dma_start3A_57 = arith.constant 0 : i32
        %dma_start3A_58 = tpu.memref_slice %arg4[%add3A, %run_scoped3A_24, %dma_start3A_56, %dma_start3A_57] : memref<32x2x54x128xi32, #tpu.memory_space<hbm>> -> memref<1x1x54x128xi32, #tpu.memory_space<hbm>>
        %dma_start3A_59 = tpu.memref_squeeze %dma_start3A_58 : memref<1x1x54x128xi32, #tpu.memory_space<hbm>> -> memref<54x128xi32, #tpu.memory_space<hbm>>
        tpu.enqueue_dma source(%dma_start3A_59 : memref<54x128xi32, #tpu.memory_space<hbm>>) target(%arg8 : memref<54x128xi32, #tpu.memory_space<vmem>>) target_semaphore(%run_scoped3A_52 : memref<!tpu.dma_semaphore, #tpu.memory_space<semaphore_mem>>)
        %dma_wait3A = arith.constant 0 : i32
        %dma_wait3A_60 = arith.constant 0 : i32
        %dma_wait3A_61 = tpu.memref_slice %arg4[%add3A, %run_scoped3A_24, %dma_wait3A, %dma_wait3A_60] : memref<32x2x54x128xi32, #tpu.memory_space<hbm>> -> memref<1x1x54x128xi32, #tpu.memory_space<hbm>>
        %dma_wait3A_62 = tpu.memref_squeeze %dma_wait3A_61 : memref<1x1x54x128xi32, #tpu.memory_space<hbm>> -> memref<54x128xi32, #tpu.memory_space<hbm>>
        %dma_wait3A_63 = arith.constant 0 : i32
        %dma_wait3A_64 = arith.constant 0 : i32
        %dma_wait3A_65 = tpu.memref_slice %arg4[%add3A, %run_scoped3A_24, %dma_wait3A_63, %dma_wait3A_64] : memref<32x2x54x128xi32, #tpu.memory_space<hbm>> -> memref<1x1x54x128xi32, #tpu.memory_space<hbm>>
        %dma_wait3A_66 = tpu.memref_squeeze %dma_wait3A_65 : memref<1x1x54x128xi32, #tpu.memory_space<hbm>> -> memref<54x128xi32, #tpu.memory_space<hbm>>
        tpu.wait_dma2 semaphore(%run_scoped3A_52 : memref<!tpu.dma_semaphore, #tpu.memory_space<semaphore_mem>>) src(%dma_wait3A_66 : memref<54x128xi32, #tpu.memory_space<hbm>>) dst(%arg8 : memref<54x128xi32, #tpu.memory_space<vmem>>)
        tpu.yield
      }) : () -> ()
      %jit3A_25 = arith.constant 2 : i32
      %div3A = arith.divsi %select_n3A_13, %jit3A_25 : i32
      %sign3A = arith.constant 0 : i32
      %sign3A_26 = arith.cmpi sgt, %select_n3A_13, %sign3A : i32
      %sign3A_27 = arith.extui %sign3A_26 : i1 to i32
      %sign3A_28 = arith.constant 0 : i32
      %sign3A_29 = arith.cmpi slt, %select_n3A_13, %sign3A_28 : i32
      %sign3A_30 = arith.extui %sign3A_29 : i1 to i32
      %sign3A_31 = arith.subi %sign3A_27, %sign3A_30 : i32
      %sign3A_32 = arith.constant 0 : i32
      %sign3A_33 = arith.cmpi sgt, %jit3A_25, %sign3A_32 : i32
      %sign3A_34 = arith.extui %sign3A_33 : i1 to i32
      %sign3A_35 = arith.constant 0 : i32
      %sign3A_36 = arith.cmpi slt, %jit3A_25, %sign3A_35 : i32
      %sign3A_37 = arith.extui %sign3A_36 : i1 to i32
      %sign3A_38 = arith.subi %sign3A_34, %sign3A_37 : i32
      %ne3A = arith.cmpi ne, %sign3A_31, %sign3A_38 : i32
      %rem3A = arith.remsi %select_n3A_13, %jit3A_25 : i32
      %ne3A_39 = arith.constant 0 : i32
      %ne3A_40 = arith.cmpi ne, %rem3A, %ne3A_39 : i32
      %and3A = arith.andi %ne3A, %ne3A_40 : i1
      %sub3A = arith.constant 1 : i32
      %sub3A_41 = arith.subi %div3A, %sub3A : i32
      %select_n3A_42 = arith.select %and3A, %sub3A_41, %div3A : i32
      %while3A = arith.constant 0 : i32
      %while3A_43 = arith.constant 0 : i32
      %while3A_44 = arith.subi %select_n3A_42, %while3A_43 : i32
      %while3A_45 = arith.addi %while3A_43, %while3A_44 : i32
      %while3A_46 = arith.constant 1 : i32
      %while3A_47 = arith.divsi %while3A_44, %while3A_46 : i32
      %while3A_48 = arith.muli %while3A_47, %while3A_46 : i32
      %while3A_49 = arith.addi %while3A_43, %while3A_48 : i32
      %while3A_50 = arith.constant 1 : i32
      scf.for %while3A_52 = %while3A_43 to %while3A_49 step %while3A_50  : i32 {
        %mul3A_53 = arith.constant 2 : i32
        %mul3A_54 = arith.muli %mul3A_53, %while3A_52 : i32
        %add3A_55 = arith.constant 1 : i32
        %add3A_56 = arith.addi %mul3A_54, %add3A_55 : i32
        %dma_start3A = arith.constant 0 : i32
        %dma_start3A_57 = arith.constant 0 : i32
        %dma_start3A_58 = arith.constant 0 : i32
        %dma_start3A_59 = tpu.memref_slice %arg9[%dma_start3A, %dma_start3A_57, %dma_start3A_58] : memref<2x128x128xf32, #tpu.memory_space<vmem>> -> memref<1x128x128xf32, #tpu.memory_space<vmem>>
        %dma_start3A_60 = tpu.memref_squeeze %dma_start3A_59 : memref<1x128x128xf32, #tpu.memory_space<vmem>> -> memref<128x128xf32, #tpu.memory_space<vmem>>
        %dma_start3A_61 = arith.constant 0 : i32
        %dma_start3A_62 = tpu.memref_slice %arg7[%mul3A_54, %dma_start3A_61] : memref<54x128xi32, #tpu.memory_space<vmem>> -> memref<1x128xi32, #tpu.memory_space<vmem>>
        %dma_start3A_63 = tpu.memref_squeeze %dma_start3A_62 : memref<1x128xi32, #tpu.memory_space<vmem>> -> memref<128xi32, #tpu.memory_space<vmem>>
        %dma_start3A_64 = arith.constant 0 : i32
        %dma_start3A_65 = arith.constant 0 : i32
        %dma_start3A_66 = tpu.memref_slice %arg2[%dma_start3A_64, %dma_start3A_65] : memref<10240x128xf32, #tpu.memory_space<hbm>> -> memref<10240x128xf32, #tpu.memory_space<hbm>>
        tpu.enqueue_indirect_dma source(%dma_start3A_66 : memref<10240x128xf32, #tpu.memory_space<hbm>>) target(%dma_start3A_60 : memref<128x128xf32, #tpu.memory_space<vmem>>) offsets(%dma_start3A_63 : memref<128xi32, #tpu.memory_space<vmem>>) semaphore(%arg11 : memref<!tpu.dma_semaphore, #tpu.memory_space<semaphore_mem>>)
        %dma_start3A_67 = arith.constant 1 : i32
        %dma_start3A_68 = arith.constant 0 : i32
        %dma_start3A_69 = arith.constant 0 : i32
        %dma_start3A_70 = tpu.memref_slice %arg9[%dma_start3A_67, %dma_start3A_68, %dma_start3A_69] : memref<2x128x128xf32, #tpu.memory_space<vmem>> -> memref<1x128x128xf32, #tpu.memory_space<vmem>>
        %dma_start3A_71 = tpu.memref_squeeze %dma_start3A_70 : memref<1x128x128xf32, #tpu.memory_space<vmem>> -> memref<128x128xf32, #tpu.memory_space<vmem>>
        %dma_start3A_72 = arith.constant 0 : i32
        %dma_start3A_73 = tpu.memref_slice %arg7[%add3A_56, %dma_start3A_72] : memref<54x128xi32, #tpu.memory_space<vmem>> -> memref<1x128xi32, #tpu.memory_space<vmem>>
        %dma_start3A_74 = tpu.memref_squeeze %dma_start3A_73 : memref<1x128xi32, #tpu.memory_space<vmem>> -> memref<128xi32, #tpu.memory_space<vmem>>
        %dma_start3A_75 = arith.constant 0 : i32
        %dma_start3A_76 = arith.constant 0 : i32
        %dma_start3A_77 = tpu.memref_slice %arg2[%dma_start3A_75, %dma_start3A_76] : memref<10240x128xf32, #tpu.memory_space<hbm>> -> memref<10240x128xf32, #tpu.memory_space<hbm>>
        tpu.enqueue_indirect_dma source(%dma_start3A_77 : memref<10240x128xf32, #tpu.memory_space<hbm>>) target(%dma_start3A_71 : memref<128x128xf32, #tpu.memory_space<vmem>>) offsets(%dma_start3A_74 : memref<128xi32, #tpu.memory_space<vmem>>) semaphore(%arg12 : memref<!tpu.dma_semaphore, #tpu.memory_space<semaphore_mem>>)
        %dma_wait3A = arith.constant 0 : i32
        %dma_wait3A_78 = arith.constant 0 : i32
        %dma_wait3A_79 = arith.constant 0 : i32
        %dma_wait3A_80 = tpu.memref_slice %arg9[%dma_wait3A, %dma_wait3A_78, %dma_wait3A_79] : memref<2x128x128xf32, #tpu.memory_space<vmem>> -> memref<1x128x128xf32, #tpu.memory_space<vmem>>
        %dma_wait3A_81 = tpu.memref_squeeze %dma_wait3A_80 : memref<1x128x128xf32, #tpu.memory_space<vmem>> -> memref<128x128xf32, #tpu.memory_space<vmem>>
        %dma_wait3A_82 = arith.constant 0 : i32
        %dma_wait3A_83 = tpu.memref_slice %arg7[%mul3A_54, %dma_wait3A_82] : memref<54x128xi32, #tpu.memory_space<vmem>> -> memref<1x128xi32, #tpu.memory_space<vmem>>
        %dma_wait3A_84 = tpu.memref_squeeze %dma_wait3A_83 : memref<1x128xi32, #tpu.memory_space<vmem>> -> memref<128xi32, #tpu.memory_space<vmem>>
        %dma_wait3A_85 = arith.constant 0 : i32
        %dma_wait3A_86 = arith.constant 0 : i32
        %dma_wait3A_87 = tpu.memref_slice %arg2[%dma_wait3A_85, %dma_wait3A_86] : memref<10240x128xf32, #tpu.memory_space<hbm>> -> memref<10240x128xf32, #tpu.memory_space<hbm>>
        tpu.wait_indirect_dma semaphore(%arg11 : memref<!tpu.dma_semaphore, #tpu.memory_space<semaphore_mem>>) src(%dma_wait3A_87 : memref<10240x128xf32, #tpu.memory_space<hbm>>) dst(%dma_wait3A_81 : memref<128x128xf32, #tpu.memory_space<vmem>>)
        %run_scoped3A_88 = arith.constant 0 : i32
        "tpu.region"() ({
          %run_scoped3A_101 = tpu.sem_alloc : memref<!tpu.dma_semaphore, #tpu.memory_space<semaphore_mem>>
          %dma_start3A_102 = arith.constant 0 : i32
          %dma_start3A_103 = arith.constant 0 : i32
          %dma_start3A_104 = tpu.memref_slice %arg9[%run_scoped3A_88, %dma_start3A_102, %dma_start3A_103] : memref<2x128x128xf32, #tpu.memory_space<vmem>> -> memref<1x128x128xf32, #tpu.memory_space<vmem>>
          %dma_start3A_105 = tpu.memref_squeeze %dma_start3A_104 : memref<1x128x128xf32, #tpu.memory_space<vmem>> -> memref<128x128xf32, #tpu.memory_space<vmem>>
          %dma_start3A_106 = arith.constant 0 : i32
          %dma_start3A_107 = tpu.memref_slice %arg8[%mul3A_54, %dma_start3A_106] : memref<54x128xi32, #tpu.memory_space<vmem>> -> memref<1x128xi32, #tpu.memory_space<vmem>>
          %dma_start3A_108 = tpu.memref_squeeze %dma_start3A_107 : memref<1x128xi32, #tpu.memory_space<vmem>> -> memref<128xi32, #tpu.memory_space<vmem>>
          %dma_start3A_109 = arith.constant 0 : i32
          %dma_start3A_110 = arith.constant 0 : i32
          %dma_start3A_111 = tpu.memref_slice %arg10[%dma_start3A_109, %dma_start3A_110] : memref<10240x128xf32, #tpu.memory_space<vmem_shared>> -> memref<10240x128xf32, #tpu.memory_space<vmem_shared>>
          tpu.enqueue_indirect_dma source(%dma_start3A_105 : memref<128x128xf32, #tpu.memory_space<vmem>>) target(%dma_start3A_111 : memref<10240x128xf32, #tpu.memory_space<vmem_shared>>) offsets(%dma_start3A_108 : memref<128xi32, #tpu.memory_space<vmem>>) semaphore(%run_scoped3A_101 : memref<!tpu.dma_semaphore, #tpu.memory_space<semaphore_mem>>) {add = true}
          %dma_wait3A_112 = arith.constant 0 : i32
          %dma_wait3A_113 = arith.constant 0 : i32
          %dma_wait3A_114 = tpu.memref_slice %arg9[%run_scoped3A_88, %dma_wait3A_112, %dma_wait3A_113] : memref<2x128x128xf32, #tpu.memory_space<vmem>> -> memref<1x128x128xf32, #tpu.memory_space<vmem>>
          %dma_wait3A_115 = tpu.memref_squeeze %dma_wait3A_114 : memref<1x128x128xf32, #tpu.memory_space<vmem>> -> memref<128x128xf32, #tpu.memory_space<vmem>>
          %dma_wait3A_116 = arith.constant 0 : i32
          %dma_wait3A_117 = tpu.memref_slice %arg8[%mul3A_54, %dma_wait3A_116] : memref<54x128xi32, #tpu.memory_space<vmem>> -> memref<1x128xi32, #tpu.memory_space<vmem>>
          %dma_wait3A_118 = tpu.memref_squeeze %dma_wait3A_117 : memref<1x128xi32, #tpu.memory_space<vmem>> -> memref<128xi32, #tpu.memory_space<vmem>>
          %dma_wait3A_119 = arith.constant 0 : i32
          %dma_wait3A_120 = arith.constant 0 : i32
          %dma_wait3A_121 = tpu.memref_slice %arg10[%dma_wait3A_119, %dma_wait3A_120] : memref<10240x128xf32, #tpu.memory_space<vmem_shared>> -> memref<10240x128xf32, #tpu.memory_space<vmem_shared>>
          tpu.wait_indirect_dma semaphore(%run_scoped3A_101 : memref<!tpu.dma_semaphore, #tpu.memory_space<semaphore_mem>>) src(%dma_wait3A_115 : memref<128x128xf32, #tpu.memory_space<vmem>>) dst(%dma_wait3A_121 : memref<10240x128xf32, #tpu.memory_space<vmem_shared>>)
          tpu.yield
        }) : () -> ()
        %dma_wait3A_89 = arith.constant 1 : i32
        %dma_wait3A_90 = arith.constant 0 : i32
        %dma_wait3A_91 = arith.constant 0 : i32
        %dma_wait3A_92 = tpu.memref_slice %arg9[%dma_wait3A_89, %dma_wait3A_90, %dma_wait3A_91] : memref<2x128x128xf32, #tpu.memory_space<vmem>> -> memref<1x128x128xf32, #tpu.memory_space<vmem>>
        %dma_wait3A_93 = tpu.memref_squeeze %dma_wait3A_92 : memref<1x128x128xf32, #tpu.memory_space<vmem>> -> memref<128x128xf32, #tpu.memory_space<vmem>>
        %dma_wait3A_94 = arith.constant 0 : i32
        %dma_wait3A_95 = tpu.memref_slice %arg7[%add3A_56, %dma_wait3A_94] : memref<54x128xi32, #tpu.memory_space<vmem>> -> memref<1x128xi32, #tpu.memory_space<vmem>>
        %dma_wait3A_96 = tpu.memref_squeeze %dma_wait3A_95 : memref<1x128xi32, #tpu.memory_space<vmem>> -> memref<128xi32, #tpu.memory_space<vmem>>
        %dma_wait3A_97 = arith.constant 0 : i32
        %dma_wait3A_98 = arith.constant 0 : i32
        %dma_wait3A_99 = tpu.memref_slice %arg2[%dma_wait3A_97, %dma_wait3A_98] : memref<10240x128xf32, #tpu.memory_space<hbm>> -> memref<10240x128xf32, #tpu.memory_space<hbm>>
        tpu.wait_indirect_dma semaphore(%arg12 : memref<!tpu.dma_semaphore, #tpu.memory_space<semaphore_mem>>) src(%dma_wait3A_99 : memref<10240x128xf32, #tpu.memory_space<hbm>>) dst(%dma_wait3A_93 : memref<128x128xf32, #tpu.memory_space<vmem>>)
        %run_scoped3A_100 = arith.constant 1 : i32
        "tpu.region"() ({
          %run_scoped3A_101 = tpu.sem_alloc : memref<!tpu.dma_semaphore, #tpu.memory_space<semaphore_mem>>
          %dma_start3A_102 = arith.constant 0 : i32
          %dma_start3A_103 = arith.constant 0 : i32
          %dma_start3A_104 = tpu.memref_slice %arg9[%run_scoped3A_100, %dma_start3A_102, %dma_start3A_103] : memref<2x128x128xf32, #tpu.memory_space<vmem>> -> memref<1x128x128xf32, #tpu.memory_space<vmem>>
          %dma_start3A_105 = tpu.memref_squeeze %dma_start3A_104 : memref<1x128x128xf32, #tpu.memory_space<vmem>> -> memref<128x128xf32, #tpu.memory_space<vmem>>
          %dma_start3A_106 = arith.constant 0 : i32
          %dma_start3A_107 = tpu.memref_slice %arg8[%add3A_56, %dma_start3A_106] : memref<54x128xi32, #tpu.memory_space<vmem>> -> memref<1x128xi32, #tpu.memory_space<vmem>>
          %dma_start3A_108 = tpu.memref_squeeze %dma_start3A_107 : memref<1x128xi32, #tpu.memory_space<vmem>> -> memref<128xi32, #tpu.memory_space<vmem>>
          %dma_start3A_109 = arith.constant 0 : i32
          %dma_start3A_110 = arith.constant 0 : i32
          %dma_start3A_111 = tpu.memref_slice %arg10[%dma_start3A_109, %dma_start3A_110] : memref<10240x128xf32, #tpu.memory_space<vmem_shared>> -> memref<10240x128xf32, #tpu.memory_space<vmem_shared>>
          tpu.enqueue_indirect_dma source(%dma_start3A_105 : memref<128x128xf32, #tpu.memory_space<vmem>>) target(%dma_start3A_111 : memref<10240x128xf32, #tpu.memory_space<vmem_shared>>) offsets(%dma_start3A_108 : memref<128xi32, #tpu.memory_space<vmem>>) semaphore(%run_scoped3A_101 : memref<!tpu.dma_semaphore, #tpu.memory_space<semaphore_mem>>) {add = true}
          %dma_wait3A_112 = arith.constant 0 : i32
          %dma_wait3A_113 = arith.constant 0 : i32
          %dma_wait3A_114 = tpu.memref_slice %arg9[%run_scoped3A_100, %dma_wait3A_112, %dma_wait3A_113] : memref<2x128x128xf32, #tpu.memory_space<vmem>> -> memref<1x128x128xf32, #tpu.memory_space<vmem>>
          %dma_wait3A_115 = tpu.memref_squeeze %dma_wait3A_114 : memref<1x128x128xf32, #tpu.memory_space<vmem>> -> memref<128x128xf32, #tpu.memory_space<vmem>>
          %dma_wait3A_116 = arith.constant 0 : i32
          %dma_wait3A_117 = tpu.memref_slice %arg8[%add3A_56, %dma_wait3A_116] : memref<54x128xi32, #tpu.memory_space<vmem>> -> memref<1x128xi32, #tpu.memory_space<vmem>>
          %dma_wait3A_118 = tpu.memref_squeeze %dma_wait3A_117 : memref<1x128xi32, #tpu.memory_space<vmem>> -> memref<128xi32, #tpu.memory_space<vmem>>
          %dma_wait3A_119 = arith.constant 0 : i32
          %dma_wait3A_120 = arith.constant 0 : i32
          %dma_wait3A_121 = tpu.memref_slice %arg10[%dma_wait3A_119, %dma_wait3A_120] : memref<10240x128xf32, #tpu.memory_space<vmem_shared>> -> memref<10240x128xf32, #tpu.memory_space<vmem_shared>>
          tpu.wait_indirect_dma semaphore(%run_scoped3A_101 : memref<!tpu.dma_semaphore, #tpu.memory_space<semaphore_mem>>) src(%dma_wait3A_115 : memref<128x128xf32, #tpu.memory_space<vmem>>) dst(%dma_wait3A_121 : memref<10240x128xf32, #tpu.memory_space<vmem_shared>>)
          tpu.yield
        }) : () -> ()
      }
      %while3A_51 = arith.constant 1 : i32
      scf.for %while3A_52 = %while3A_49 to %while3A_45 step %while3A_51  : i32 {
        %mul3A_53 = arith.constant 2 : i32
        %mul3A_54 = arith.muli %mul3A_53, %while3A_52 : i32
        %add3A_55 = arith.constant 1 : i32
        %add3A_56 = arith.addi %mul3A_54, %add3A_55 : i32
        %dma_start3A = arith.constant 0 : i32
        %dma_start3A_57 = arith.constant 0 : i32
        %dma_start3A_58 = arith.constant 0 : i32
        %dma_start3A_59 = tpu.memref_slice %arg9[%dma_start3A, %dma_start3A_57, %dma_start3A_58] : memref<2x128x128xf32, #tpu.memory_space<vmem>> -> memref<1x128x128xf32, #tpu.memory_space<vmem>>
        %dma_start3A_60 = tpu.memref_squeeze %dma_start3A_59 : memref<1x128x128xf32, #tpu.memory_space<vmem>> -> memref<128x128xf32, #tpu.memory_space<vmem>>
        %dma_start3A_61 = arith.constant 0 : i32
        %dma_start3A_62 = tpu.memref_slice %arg7[%mul3A_54, %dma_start3A_61] : memref<54x128xi32, #tpu.memory_space<vmem>> -> memref<1x128xi32, #tpu.memory_space<vmem>>
        %dma_start3A_63 = tpu.memref_squeeze %dma_start3A_62 : memref<1x128xi32, #tpu.memory_space<vmem>> -> memref<128xi32, #tpu.memory_space<vmem>>
        %dma_start3A_64 = arith.constant 0 : i32
        %dma_start3A_65 = arith.constant 0 : i32
        %dma_start3A_66 = tpu.memref_slice %arg2[%dma_start3A_64, %dma_start3A_65] : memref<10240x128xf32, #tpu.memory_space<hbm>> -> memref<10240x128xf32, #tpu.memory_space<hbm>>
        tpu.enqueue_indirect_dma source(%dma_start3A_66 : memref<10240x128xf32, #tpu.memory_space<hbm>>) target(%dma_start3A_60 : memref<128x128xf32, #tpu.memory_space<vmem>>) offsets(%dma_start3A_63 : memref<128xi32, #tpu.memory_space<vmem>>) semaphore(%arg11 : memref<!tpu.dma_semaphore, #tpu.memory_space<semaphore_mem>>)
        %dma_start3A_67 = arith.constant 1 : i32
        %dma_start3A_68 = arith.constant 0 : i32
        %dma_start3A_69 = arith.constant 0 : i32
        %dma_start3A_70 = tpu.memref_slice %arg9[%dma_start3A_67, %dma_start3A_68, %dma_start3A_69] : memref<2x128x128xf32, #tpu.memory_space<vmem>> -> memref<1x128x128xf32, #tpu.memory_space<vmem>>
        %dma_start3A_71 = tpu.memref_squeeze %dma_start3A_70 : memref<1x128x128xf32, #tpu.memory_space<vmem>> -> memref<128x128xf32, #tpu.memory_space<vmem>>
        %dma_start3A_72 = arith.constant 0 : i32
        %dma_start3A_73 = tpu.memref_slice %arg7[%add3A_56, %dma_start3A_72] : memref<54x128xi32, #tpu.memory_space<vmem>> -> memref<1x128xi32, #tpu.memory_space<vmem>>
        %dma_start3A_74 = tpu.memref_squeeze %dma_start3A_73 : memref<1x128xi32, #tpu.memory_space<vmem>> -> memref<128xi32, #tpu.memory_space<vmem>>
        %dma_start3A_75 = arith.constant 0 : i32
        %dma_start3A_76 = arith.constant 0 : i32
        %dma_start3A_77 = tpu.memref_slice %arg2[%dma_start3A_75, %dma_start3A_76] : memref<10240x128xf32, #tpu.memory_space<hbm>> -> memref<10240x128xf32, #tpu.memory_space<hbm>>
        tpu.enqueue_indirect_dma source(%dma_start3A_77 : memref<10240x128xf32, #tpu.memory_space<hbm>>) target(%dma_start3A_71 : memref<128x128xf32, #tpu.memory_space<vmem>>) offsets(%dma_start3A_74 : memref<128xi32, #tpu.memory_space<vmem>>) semaphore(%arg12 : memref<!tpu.dma_semaphore, #tpu.memory_space<semaphore_mem>>)
        %dma_wait3A = arith.constant 0 : i32
        %dma_wait3A_78 = arith.constant 0 : i32
        %dma_wait3A_79 = arith.constant 0 : i32
        %dma_wait3A_80 = tpu.memref_slice %arg9[%dma_wait3A, %dma_wait3A_78, %dma_wait3A_79] : memref<2x128x128xf32, #tpu.memory_space<vmem>> -> memref<1x128x128xf32, #tpu.memory_space<vmem>>
        %dma_wait3A_81 = tpu.memref_squeeze %dma_wait3A_80 : memref<1x128x128xf32, #tpu.memory_space<vmem>> -> memref<128x128xf32, #tpu.memory_space<vmem>>
        %dma_wait3A_82 = arith.constant 0 : i32
        %dma_wait3A_83 = tpu.memref_slice %arg7[%mul3A_54, %dma_wait3A_82] : memref<54x128xi32, #tpu.memory_space<vmem>> -> memref<1x128xi32, #tpu.memory_space<vmem>>
        %dma_wait3A_84 = tpu.memref_squeeze %dma_wait3A_83 : memref<1x128xi32, #tpu.memory_space<vmem>> -> memref<128xi32, #tpu.memory_space<vmem>>
        %dma_wait3A_85 = arith.constant 0 : i32
        %dma_wait3A_86 = arith.constant 0 : i32
        %dma_wait3A_87 = tpu.memref_slice %arg2[%dma_wait3A_85, %dma_wait3A_86] : memref<10240x128xf32, #tpu.memory_space<hbm>> -> memref<10240x128xf32, #tpu.memory_space<hbm>>
        tpu.wait_indirect_dma semaphore(%arg11 : memref<!tpu.dma_semaphore, #tpu.memory_space<semaphore_mem>>) src(%dma_wait3A_87 : memref<10240x128xf32, #tpu.memory_space<hbm>>) dst(%dma_wait3A_81 : memref<128x128xf32, #tpu.memory_space<vmem>>)
        %run_scoped3A_88 = arith.constant 0 : i32
        "tpu.region"() ({
          %run_scoped3A_101 = tpu.sem_alloc : memref<!tpu.dma_semaphore, #tpu.memory_space<semaphore_mem>>
          %dma_start3A_102 = arith.constant 0 : i32
          %dma_start3A_103 = arith.constant 0 : i32
          %dma_start3A_104 = tpu.memref_slice %arg9[%run_scoped3A_88, %dma_start3A_102, %dma_start3A_103] : memref<2x128x128xf32, #tpu.memory_space<vmem>> -> memref<1x128x128xf32, #tpu.memory_space<vmem>>
          %dma_start3A_105 = tpu.memref_squeeze %dma_start3A_104 : memref<1x128x128xf32, #tpu.memory_space<vmem>> -> memref<128x128xf32, #tpu.memory_space<vmem>>
          %dma_start3A_106 = arith.constant 0 : i32
          %dma_start3A_107 = tpu.memref_slice %arg8[%mul3A_54, %dma_start3A_106] : memref<54x128xi32, #tpu.memory_space<vmem>> -> memref<1x128xi32, #tpu.memory_space<vmem>>
          %dma_start3A_108 = tpu.memref_squeeze %dma_start3A_107 : memref<1x128xi32, #tpu.memory_space<vmem>> -> memref<128xi32, #tpu.memory_space<vmem>>
          %dma_start3A_109 = arith.constant 0 : i32
          %dma_start3A_110 = arith.constant 0 : i32
          %dma_start3A_111 = tpu.memref_slice %arg10[%dma_start3A_109, %dma_start3A_110] : memref<10240x128xf32, #tpu.memory_space<vmem_shared>> -> memref<10240x128xf32, #tpu.memory_space<vmem_shared>>
          tpu.enqueue_indirect_dma source(%dma_start3A_105 : memref<128x128xf32, #tpu.memory_space<vmem>>) target(%dma_start3A_111 : memref<10240x128xf32, #tpu.memory_space<vmem_shared>>) offsets(%dma_start3A_108 : memref<128xi32, #tpu.memory_space<vmem>>) semaphore(%run_scoped3A_101 : memref<!tpu.dma_semaphore, #tpu.memory_space<semaphore_mem>>) {add = true}
          %dma_wait3A_112 = arith.constant 0 : i32
          %dma_wait3A_113 = arith.constant 0 : i32
          %dma_wait3A_114 = tpu.memref_slice %arg9[%run_scoped3A_88, %dma_wait3A_112, %dma_wait3A_113] : memref<2x128x128xf32, #tpu.memory_space<vmem>> -> memref<1x128x128xf32, #tpu.memory_space<vmem>>
          %dma_wait3A_115 = tpu.memref_squeeze %dma_wait3A_114 : memref<1x128x128xf32, #tpu.memory_space<vmem>> -> memref<128x128xf32, #tpu.memory_space<vmem>>
          %dma_wait3A_116 = arith.constant 0 : i32
          %dma_wait3A_117 = tpu.memref_slice %arg8[%mul3A_54, %dma_wait3A_116] : memref<54x128xi32, #tpu.memory_space<vmem>> -> memref<1x128xi32, #tpu.memory_space<vmem>>
          %dma_wait3A_118 = tpu.memref_squeeze %dma_wait3A_117 : memref<1x128xi32, #tpu.memory_space<vmem>> -> memref<128xi32, #tpu.memory_space<vmem>>
          %dma_wait3A_119 = arith.constant 0 : i32
          %dma_wait3A_120 = arith.constant 0 : i32
          %dma_wait3A_121 = tpu.memref_slice %arg10[%dma_wait3A_119, %dma_wait3A_120] : memref<10240x128xf32, #tpu.memory_space<vmem_shared>> -> memref<10240x128xf32, #tpu.memory_space<vmem_shared>>
          tpu.wait_indirect_dma semaphore(%run_scoped3A_101 : memref<!tpu.dma_semaphore, #tpu.memory_space<semaphore_mem>>) src(%dma_wait3A_115 : memref<128x128xf32, #tpu.memory_space<vmem>>) dst(%dma_wait3A_121 : memref<10240x128xf32, #tpu.memory_space<vmem_shared>>)
          tpu.yield
        }) : () -> ()
        %dma_wait3A_89 = arith.constant 1 : i32
        %dma_wait3A_90 = arith.constant 0 : i32
        %dma_wait3A_91 = arith.constant 0 : i32
        %dma_wait3A_92 = tpu.memref_slice %arg9[%dma_wait3A_89, %dma_wait3A_90, %dma_wait3A_91] : memref<2x128x128xf32, #tpu.memory_space<vmem>> -> memref<1x128x128xf32, #tpu.memory_space<vmem>>
        %dma_wait3A_93 = tpu.memref_squeeze %dma_wait3A_92 : memref<1x128x128xf32, #tpu.memory_space<vmem>> -> memref<128x128xf32, #tpu.memory_space<vmem>>
        %dma_wait3A_94 = arith.constant 0 : i32
        %dma_wait3A_95 = tpu.memref_slice %arg7[%add3A_56, %dma_wait3A_94] : memref<54x128xi32, #tpu.memory_space<vmem>> -> memref<1x128xi32, #tpu.memory_space<vmem>>
        %dma_wait3A_96 = tpu.memref_squeeze %dma_wait3A_95 : memref<1x128xi32, #tpu.memory_space<vmem>> -> memref<128xi32, #tpu.memory_space<vmem>>
        %dma_wait3A_97 = arith.constant 0 : i32
        %dma_wait3A_98 = arith.constant 0 : i32
        %dma_wait3A_99 = tpu.memref_slice %arg2[%dma_wait3A_97, %dma_wait3A_98] : memref<10240x128xf32, #tpu.memory_space<hbm>> -> memref<10240x128xf32, #tpu.memory_space<hbm>>
        tpu.wait_indirect_dma semaphore(%arg12 : memref<!tpu.dma_semaphore, #tpu.memory_space<semaphore_mem>>) src(%dma_wait3A_99 : memref<10240x128xf32, #tpu.memory_space<hbm>>) dst(%dma_wait3A_93 : memref<128x128xf32, #tpu.memory_space<vmem>>)
        %run_scoped3A_100 = arith.constant 1 : i32
        "tpu.region"() ({
          %run_scoped3A_101 = tpu.sem_alloc : memref<!tpu.dma_semaphore, #tpu.memory_space<semaphore_mem>>
          %dma_start3A_102 = arith.constant 0 : i32
          %dma_start3A_103 = arith.constant 0 : i32
          %dma_start3A_104 = tpu.memref_slice %arg9[%run_scoped3A_100, %dma_start3A_102, %dma_start3A_103] : memref<2x128x128xf32, #tpu.memory_space<vmem>> -> memref<1x128x128xf32, #tpu.memory_space<vmem>>
          %dma_start3A_105 = tpu.memref_squeeze %dma_start3A_104 : memref<1x128x128xf32, #tpu.memory_space<vmem>> -> memref<128x128xf32, #tpu.memory_space<vmem>>
          %dma_start3A_106 = arith.constant 0 : i32
          %dma_start3A_107 = tpu.memref_slice %arg8[%add3A_56, %dma_start3A_106] : memref<54x128xi32, #tpu.memory_space<vmem>> -> memref<1x128xi32, #tpu.memory_space<vmem>>
          %dma_start3A_108 = tpu.memref_squeeze %dma_start3A_107 : memref<1x128xi32, #tpu.memory_space<vmem>> -> memref<128xi32, #tpu.memory_space<vmem>>
          %dma_start3A_109 = arith.constant 0 : i32
          %dma_start3A_110 = arith.constant 0 : i32
          %dma_start3A_111 = tpu.memref_slice %arg10[%dma_start3A_109, %dma_start3A_110] : memref<10240x128xf32, #tpu.memory_space<vmem_shared>> -> memref<10240x128xf32, #tpu.memory_space<vmem_shared>>
          tpu.enqueue_indirect_dma source(%dma_start3A_105 : memref<128x128xf32, #tpu.memory_space<vmem>>) target(%dma_start3A_111 : memref<10240x128xf32, #tpu.memory_space<vmem_shared>>) offsets(%dma_start3A_108 : memref<128xi32, #tpu.memory_space<vmem>>) semaphore(%run_scoped3A_101 : memref<!tpu.dma_semaphore, #tpu.memory_space<semaphore_mem>>) {add = true}
          %dma_wait3A_112 = arith.constant 0 : i32
          %dma_wait3A_113 = arith.constant 0 : i32
          %dma_wait3A_114 = tpu.memref_slice %arg9[%run_scoped3A_100, %dma_wait3A_112, %dma_wait3A_113] : memref<2x128x128xf32, #tpu.memory_space<vmem>> -> memref<1x128x128xf32, #tpu.memory_space<vmem>>
          %dma_wait3A_115 = tpu.memref_squeeze %dma_wait3A_114 : memref<1x128x128xf32, #tpu.memory_space<vmem>> -> memref<128x128xf32, #tpu.memory_space<vmem>>
          %dma_wait3A_116 = arith.constant 0 : i32
          %dma_wait3A_117 = tpu.memref_slice %arg8[%add3A_56, %dma_wait3A_116] : memref<54x128xi32, #tpu.memory_space<vmem>> -> memref<1x128xi32, #tpu.memory_space<vmem>>
          %dma_wait3A_118 = tpu.memref_squeeze %dma_wait3A_117 : memref<1x128xi32, #tpu.memory_space<vmem>> -> memref<128xi32, #tpu.memory_space<vmem>>
          %dma_wait3A_119 = arith.constant 0 : i32
          %dma_wait3A_120 = arith.constant 0 : i32
          %dma_wait3A_121 = tpu.memref_slice %arg10[%dma_wait3A_119, %dma_wait3A_120] : memref<10240x128xf32, #tpu.memory_space<vmem_shared>> -> memref<10240x128xf32, #tpu.memory_space<vmem_shared>>
          tpu.wait_indirect_dma semaphore(%run_scoped3A_101 : memref<!tpu.dma_semaphore, #tpu.memory_space<semaphore_mem>>) src(%dma_wait3A_115 : memref<128x128xf32, #tpu.memory_space<vmem>>) dst(%dma_wait3A_121 : memref<10240x128xf32, #tpu.memory_space<vmem_shared>>)
          tpu.yield
        }) : () -> ()
      }
    } else {
    }
    %barrier3A_19 = arith.constant 0 : index
    tpu.barrier barrier_id(%barrier3A_19)
    %mul3A_20 = arith.constant 640 : i32
    %mul3A_21 = arith.muli %arg1, %mul3A_20 : i32
    %mul3A_22 = arith.constant 640 : i32
    %mul3A_23 = arith.muli %arg1, %mul3A_22 : i32
    "tpu.region"() ({
      %run_scoped3A = tpu.sem_alloc : memref<!tpu.dma_semaphore, #tpu.memory_space<semaphore_mem>>
      %dma_start3A = arith.constant 0 : i32
      %dma_start3A_24 = tpu.memref_slice %arg6[%arg0, %mul3A_23, %dma_start3A] : memref<2x10240x128xf32, #tpu.memory_space<hbm>> -> memref<1x640x128xf32, #tpu.memory_space<hbm>>
      %dma_start3A_25 = tpu.memref_squeeze %dma_start3A_24 : memref<1x640x128xf32, #tpu.memory_space<hbm>> -> memref<640x128xf32, #tpu.memory_space<hbm>>
      %dma_start3A_26 = arith.constant 0 : i32
      %dma_start3A_27 = tpu.memref_slice %arg10[%mul3A_21, %dma_start3A_26] : memref<10240x128xf32, #tpu.memory_space<vmem_shared>> -> memref<640x128xf32, #tpu.memory_space<vmem_shared>>
      tpu.enqueue_dma source(%dma_start3A_27 : memref<640x128xf32, #tpu.memory_space<vmem_shared>>) target(%dma_start3A_25 : memref<640x128xf32, #tpu.memory_space<hbm>>) target_semaphore(%run_scoped3A : memref<!tpu.dma_semaphore, #tpu.memory_space<semaphore_mem>>)
      %dma_wait3A = arith.constant 0 : i32
      %dma_wait3A_28 = tpu.memref_slice %arg6[%arg0, %mul3A_23, %dma_wait3A] : memref<2x10240x128xf32, #tpu.memory_space<hbm>> -> memref<1x640x128xf32, #tpu.memory_space<hbm>>
      %dma_wait3A_29 = tpu.memref_squeeze %dma_wait3A_28 : memref<1x640x128xf32, #tpu.memory_space<hbm>> -> memref<640x128xf32, #tpu.memory_space<hbm>>
      %dma_wait3A_30 = arith.constant 0 : i32
      %dma_wait3A_31 = tpu.memref_slice %arg10[%mul3A_21, %dma_wait3A_30] : memref<10240x128xf32, #tpu.memory_space<vmem_shared>> -> memref<640x128xf32, #tpu.memory_space<vmem_shared>>
      tpu.wait_dma2 semaphore(%run_scoped3A : memref<!tpu.dma_semaphore, #tpu.memory_space<semaphore_mem>>) src(%dma_wait3A_31 : memref<640x128xf32, #tpu.memory_space<vmem_shared>>) dst(%dma_wait3A_29 : memref<640x128xf32, #tpu.memory_space<hbm>>)
      tpu.yield
    }) : () -> ()
    return
  }
}

#map = affine_map<(d0, d1) -> (0, 0, 0)>
#map1 = affine_map<(d0, d1) -> (0, 0)>
module attributes {stable_mosaic.version = 14 : i64} {
  func.func @_deg_pass(%arg0: i32, %arg1: i32, %arg2: memref<32x79x128xi32, #tpu.memory_space<hbm>>, %arg3: memref<128x128xf32, #tpu.memory_space<hbm>>, %arg4: memref<10240x128xf32, #tpu.memory_space<hbm>>, %arg5: memref<2x10240x128xf32, #tpu.memory_space<hbm>>, %arg6: memref<79x128xi32, #tpu.memory_space<vmem>>, %arg7: memref<128x128xf32, #tpu.memory_space<vmem>>, %arg8: memref<10240x128xf32, #tpu.memory_space<vmem_shared>>, %arg9: memref<!tpu.dma_semaphore, #tpu.memory_space<semaphore_mem>>) attributes {dimension_semantics = [#tpu.dimension_semantics<core_parallel>, #tpu.dimension_semantics<subcore_parallel>], iteration_bounds = array<i64: 2, 16>, scalar_prefetch = 0 : i64, scratch_operands = 4 : i64, tpu.core_type = #tpu.core_type<sc_vector_subcore>, window_params = [{transform_indices = #map}, {transform_indices = #map1}, {transform_indices = #map1}, {transform_indices = #map}]} {
    %mul3A = arith.constant 2 : i32
    %mul3A_0 = arith.muli %arg1, %mul3A : i32
    %add3A = arith.addi %mul3A_0, %arg0 : i32
    "tpu.region"() ({
      %run_scoped3A = tpu.sem_alloc : memref<!tpu.dma_semaphore, #tpu.memory_space<semaphore_mem>>
      tpu.enqueue_dma source(%arg3 : memref<128x128xf32, #tpu.memory_space<hbm>>) target(%arg7 : memref<128x128xf32, #tpu.memory_space<vmem>>) target_semaphore(%run_scoped3A : memref<!tpu.dma_semaphore, #tpu.memory_space<semaphore_mem>>)
      tpu.wait_dma2 semaphore(%run_scoped3A : memref<!tpu.dma_semaphore, #tpu.memory_space<semaphore_mem>>) src(%arg3 : memref<128x128xf32, #tpu.memory_space<hbm>>) dst(%arg7 : memref<128x128xf32, #tpu.memory_space<vmem>>)
      tpu.yield
    }) : () -> ()
    "tpu.region"() ({
      %run_scoped3A = tpu.sem_alloc : memref<!tpu.dma_semaphore, #tpu.memory_space<semaphore_mem>>
      %dma_start3A = arith.constant 0 : i32
      %dma_start3A_15 = arith.constant 0 : i32
      %dma_start3A_16 = tpu.memref_slice %arg2[%add3A, %dma_start3A, %dma_start3A_15] : memref<32x79x128xi32, #tpu.memory_space<hbm>> -> memref<1x79x128xi32, #tpu.memory_space<hbm>>
      %dma_start3A_17 = tpu.memref_squeeze %dma_start3A_16 : memref<1x79x128xi32, #tpu.memory_space<hbm>> -> memref<79x128xi32, #tpu.memory_space<hbm>>
      %dma_start3A_18 = arith.constant 0 : i32
      %dma_start3A_19 = arith.constant 0 : i32
      %dma_start3A_20 = tpu.memref_slice %arg2[%add3A, %dma_start3A_18, %dma_start3A_19] : memref<32x79x128xi32, #tpu.memory_space<hbm>> -> memref<1x79x128xi32, #tpu.memory_space<hbm>>
      %dma_start3A_21 = tpu.memref_squeeze %dma_start3A_20 : memref<1x79x128xi32, #tpu.memory_space<hbm>> -> memref<79x128xi32, #tpu.memory_space<hbm>>
      tpu.enqueue_dma source(%dma_start3A_21 : memref<79x128xi32, #tpu.memory_space<hbm>>) target(%arg6 : memref<79x128xi32, #tpu.memory_space<vmem>>) target_semaphore(%run_scoped3A : memref<!tpu.dma_semaphore, #tpu.memory_space<semaphore_mem>>)
      %dma_wait3A = arith.constant 0 : i32
      %dma_wait3A_22 = arith.constant 0 : i32
      %dma_wait3A_23 = tpu.memref_slice %arg2[%add3A, %dma_wait3A, %dma_wait3A_22] : memref<32x79x128xi32, #tpu.memory_space<hbm>> -> memref<1x79x128xi32, #tpu.memory_space<hbm>>
      %dma_wait3A_24 = tpu.memref_squeeze %dma_wait3A_23 : memref<1x79x128xi32, #tpu.memory_space<hbm>> -> memref<79x128xi32, #tpu.memory_space<hbm>>
      %dma_wait3A_25 = arith.constant 0 : i32
      %dma_wait3A_26 = arith.constant 0 : i32
      %dma_wait3A_27 = tpu.memref_slice %arg2[%add3A, %dma_wait3A_25, %dma_wait3A_26] : memref<32x79x128xi32, #tpu.memory_space<hbm>> -> memref<1x79x128xi32, #tpu.memory_space<hbm>>
      %dma_wait3A_28 = tpu.memref_squeeze %dma_wait3A_27 : memref<1x79x128xi32, #tpu.memory_space<hbm>> -> memref<79x128xi32, #tpu.memory_space<hbm>>
      tpu.wait_dma2 semaphore(%run_scoped3A : memref<!tpu.dma_semaphore, #tpu.memory_space<semaphore_mem>>) src(%dma_wait3A_28 : memref<79x128xi32, #tpu.memory_space<hbm>>) dst(%arg6 : memref<79x128xi32, #tpu.memory_space<vmem>>)
      tpu.yield
    }) : () -> ()
    %mul3A_1 = arith.constant 640 : i32
    %mul3A_2 = arith.muli %arg1, %mul3A_1 : i32
    %mul3A_3 = arith.constant 640 : i32
    %mul3A_4 = arith.muli %arg1, %mul3A_3 : i32
    "tpu.region"() ({
      %run_scoped3A = tpu.sem_alloc : memref<!tpu.dma_semaphore, #tpu.memory_space<semaphore_mem>>
      %dma_start3A = arith.constant 0 : i32
      %dma_start3A_15 = tpu.memref_slice %arg8[%mul3A_4, %dma_start3A] : memref<10240x128xf32, #tpu.memory_space<vmem_shared>> -> memref<640x128xf32, #tpu.memory_space<vmem_shared>>
      %dma_start3A_16 = arith.constant 0 : i32
      %dma_start3A_17 = tpu.memref_slice %arg4[%mul3A_2, %dma_start3A_16] : memref<10240x128xf32, #tpu.memory_space<hbm>> -> memref<640x128xf32, #tpu.memory_space<hbm>>
      tpu.enqueue_dma source(%dma_start3A_17 : memref<640x128xf32, #tpu.memory_space<hbm>>) target(%dma_start3A_15 : memref<640x128xf32, #tpu.memory_space<vmem_shared>>) target_semaphore(%run_scoped3A : memref<!tpu.dma_semaphore, #tpu.memory_space<semaphore_mem>>)
      %dma_wait3A = arith.constant 0 : i32
      %dma_wait3A_18 = tpu.memref_slice %arg8[%mul3A_4, %dma_wait3A] : memref<10240x128xf32, #tpu.memory_space<vmem_shared>> -> memref<640x128xf32, #tpu.memory_space<vmem_shared>>
      %dma_wait3A_19 = arith.constant 0 : i32
      %dma_wait3A_20 = tpu.memref_slice %arg4[%mul3A_2, %dma_wait3A_19] : memref<10240x128xf32, #tpu.memory_space<hbm>> -> memref<640x128xf32, #tpu.memory_space<hbm>>
      tpu.wait_dma2 semaphore(%run_scoped3A : memref<!tpu.dma_semaphore, #tpu.memory_space<semaphore_mem>>) src(%dma_wait3A_20 : memref<640x128xf32, #tpu.memory_space<hbm>>) dst(%dma_wait3A_18 : memref<640x128xf32, #tpu.memory_space<vmem_shared>>)
      tpu.yield
    }) : () -> ()
    %barrier3A = arith.constant 0 : index
    tpu.barrier barrier_id(%barrier3A)
    %scan3A = arith.constant 0 : i32
    %scan3A_5 = arith.constant 0 : i32
    %scan3A_6 = arith.constant 79 : i32
    %scan3A_7 = arith.addi %scan3A_5, %scan3A_6 : i32
    %scan3A_8 = arith.constant 1 : i32
    scf.for %scan3A_15 = %scan3A_5 to %scan3A_7 step %scan3A_8  : i32 {
      "tpu.region"() ({
        %run_scoped3A = tpu.sem_alloc : memref<!tpu.dma_semaphore, #tpu.memory_space<semaphore_mem>>
        %dma_start3A = arith.constant 0 : i32
        %dma_start3A_16 = tpu.memref_slice %arg6[%scan3A_15, %dma_start3A] : memref<79x128xi32, #tpu.memory_space<vmem>> -> memref<1x128xi32, #tpu.memory_space<vmem>>
        %dma_start3A_17 = tpu.memref_squeeze %dma_start3A_16 : memref<1x128xi32, #tpu.memory_space<vmem>> -> memref<128xi32, #tpu.memory_space<vmem>>
        %dma_start3A_18 = arith.constant 0 : i32
        %dma_start3A_19 = arith.constant 0 : i32
        %dma_start3A_20 = tpu.memref_slice %arg8[%dma_start3A_18, %dma_start3A_19] : memref<10240x128xf32, #tpu.memory_space<vmem_shared>> -> memref<10240x128xf32, #tpu.memory_space<vmem_shared>>
        tpu.enqueue_indirect_dma source(%arg7 : memref<128x128xf32, #tpu.memory_space<vmem>>) target(%dma_start3A_20 : memref<10240x128xf32, #tpu.memory_space<vmem_shared>>) offsets(%dma_start3A_17 : memref<128xi32, #tpu.memory_space<vmem>>) semaphore(%run_scoped3A : memref<!tpu.dma_semaphore, #tpu.memory_space<semaphore_mem>>) {add = true}
        %dma_wait3A = arith.constant 0 : i32
        %dma_wait3A_21 = tpu.memref_slice %arg6[%scan3A_15, %dma_wait3A] : memref<79x128xi32, #tpu.memory_space<vmem>> -> memref<1x128xi32, #tpu.memory_space<vmem>>
        %dma_wait3A_22 = tpu.memref_squeeze %dma_wait3A_21 : memref<1x128xi32, #tpu.memory_space<vmem>> -> memref<128xi32, #tpu.memory_space<vmem>>
        %dma_wait3A_23 = arith.constant 0 : i32
        %dma_wait3A_24 = arith.constant 0 : i32
        %dma_wait3A_25 = tpu.memref_slice %arg8[%dma_wait3A_23, %dma_wait3A_24] : memref<10240x128xf32, #tpu.memory_space<vmem_shared>> -> memref<10240x128xf32, #tpu.memory_space<vmem_shared>>
        tpu.wait_indirect_dma semaphore(%run_scoped3A : memref<!tpu.dma_semaphore, #tpu.memory_space<semaphore_mem>>) src(%arg7 : memref<128x128xf32, #tpu.memory_space<vmem>>) dst(%dma_wait3A_25 : memref<10240x128xf32, #tpu.memory_space<vmem_shared>>)
        tpu.yield
      }) : () -> ()
    }
    %scan3A_9 = arith.constant 79 : i32
    %barrier3A_10 = arith.constant 0 : index
    tpu.barrier barrier_id(%barrier3A_10)
    %mul3A_11 = arith.constant 640 : i32
    %mul3A_12 = arith.muli %arg1, %mul3A_11 : i32
    %mul3A_13 = arith.constant 640 : i32
    %mul3A_14 = arith.muli %arg1, %mul3A_13 : i32
    "tpu.region"() ({
      %run_scoped3A = tpu.sem_alloc : memref<!tpu.dma_semaphore, #tpu.memory_space<semaphore_mem>>
      %dma_start3A = arith.constant 0 : i32
      %dma_start3A_15 = tpu.memref_slice %arg5[%arg0, %mul3A_14, %dma_start3A] : memref<2x10240x128xf32, #tpu.memory_space<hbm>> -> memref<1x640x128xf32, #tpu.memory_space<hbm>>
      %dma_start3A_16 = tpu.memref_squeeze %dma_start3A_15 : memref<1x640x128xf32, #tpu.memory_space<hbm>> -> memref<640x128xf32, #tpu.memory_space<hbm>>
      %dma_start3A_17 = arith.constant 0 : i32
      %dma_start3A_18 = tpu.memref_slice %arg8[%mul3A_12, %dma_start3A_17] : memref<10240x128xf32, #tpu.memory_space<vmem_shared>> -> memref<640x128xf32, #tpu.memory_space<vmem_shared>>
      tpu.enqueue_dma source(%dma_start3A_18 : memref<640x128xf32, #tpu.memory_space<vmem_shared>>) target(%dma_start3A_16 : memref<640x128xf32, #tpu.memory_space<hbm>>) target_semaphore(%run_scoped3A : memref<!tpu.dma_semaphore, #tpu.memory_space<semaphore_mem>>)
      %dma_wait3A = arith.constant 0 : i32
      %dma_wait3A_19 = tpu.memref_slice %arg5[%arg0, %mul3A_14, %dma_wait3A] : memref<2x10240x128xf32, #tpu.memory_space<hbm>> -> memref<1x640x128xf32, #tpu.memory_space<hbm>>
      %dma_wait3A_20 = tpu.memref_squeeze %dma_wait3A_19 : memref<1x640x128xf32, #tpu.memory_space<hbm>> -> memref<640x128xf32, #tpu.memory_space<hbm>>
      %dma_wait3A_21 = arith.constant 0 : i32
      %dma_wait3A_22 = tpu.memref_slice %arg8[%mul3A_12, %dma_wait3A_21] : memref<10240x128xf32, #tpu.memory_space<vmem_shared>> -> memref<640x128xf32, #tpu.memory_space<vmem_shared>>
      tpu.wait_dma2 semaphore(%run_scoped3A : memref<!tpu.dma_semaphore, #tpu.memory_space<semaphore_mem>>) src(%dma_wait3A_22 : memref<640x128xf32, #tpu.memory_space<vmem_shared>>) dst(%dma_wait3A_20 : memref<640x128xf32, #tpu.memory_space<hbm>>)
      tpu.yield
    }) : () -> ()
    return
  }
}

#map = affine_map<(d0, d1) -> (0, 0)>
#map1 = affine_map<(d0, d1) -> (0, 0, 0, 0)>
#map2 = affine_map<(d0, d1) -> (0, 0, 0)>
module attributes {stable_mosaic.version = 14 : i64} {
  func.func @_edge_pass(%arg0: i32, %arg1: i32, %arg2: memref<10240x128xf32, #tpu.memory_space<hbm>>, %arg3: memref<32x2x54x128xi32, #tpu.memory_space<hbm>>, %arg4: memref<32x2x54x128xi32, #tpu.memory_space<hbm>>, %arg5: memref<10240x128xf32, #tpu.memory_space<hbm>>, %arg6: memref<2x10240x128xf32, #tpu.memory_space<hbm>>, %arg7: memref<54x128xi32, #tpu.memory_space<vmem>>, %arg8: memref<54x128xi32, #tpu.memory_space<vmem>>, %arg9: memref<2x128x128xf32, #tpu.memory_space<vmem>>, %arg10: memref<10240x128xf32, #tpu.memory_space<vmem_shared>>, %arg11: memref<!tpu.dma_semaphore, #tpu.memory_space<semaphore_mem>>, %arg12: memref<!tpu.dma_semaphore, #tpu.memory_space<semaphore_mem>>) attributes {dimension_semantics = [#tpu.dimension_semantics<core_parallel>, #tpu.dimension_semantics<subcore_parallel>], iteration_bounds = array<i64: 2, 16>, scalar_prefetch = 0 : i64, scratch_operands = 6 : i64, tpu.core_type = #tpu.core_type<sc_vector_subcore>, window_params = [{transform_indices = #map}, {transform_indices = #map1}, {transform_indices = #map1}, {transform_indices = #map}, {transform_indices = #map2}]} {
    %mul3A = arith.constant 2 : i32
    %mul3A_0 = arith.muli %arg1, %mul3A : i32
    %add3A = arith.addi %mul3A_0, %arg0 : i32
    %mul3A_1 = arith.constant 640 : i32
    %mul3A_2 = arith.muli %arg1, %mul3A_1 : i32
    %mul3A_3 = arith.constant 640 : i32
    %mul3A_4 = arith.muli %arg1, %mul3A_3 : i32
    "tpu.region"() ({
      %run_scoped3A = tpu.sem_alloc : memref<!tpu.dma_semaphore, #tpu.memory_space<semaphore_mem>>
      %dma_start3A = arith.constant 0 : i32
      %dma_start3A_24 = tpu.memref_slice %arg10[%mul3A_4, %dma_start3A] : memref<10240x128xf32, #tpu.memory_space<vmem_shared>> -> memref<640x128xf32, #tpu.memory_space<vmem_shared>>
      %dma_start3A_25 = arith.constant 0 : i32
      %dma_start3A_26 = tpu.memref_slice %arg5[%mul3A_2, %dma_start3A_25] : memref<10240x128xf32, #tpu.memory_space<hbm>> -> memref<640x128xf32, #tpu.memory_space<hbm>>
      tpu.enqueue_dma source(%dma_start3A_26 : memref<640x128xf32, #tpu.memory_space<hbm>>) target(%dma_start3A_24 : memref<640x128xf32, #tpu.memory_space<vmem_shared>>) target_semaphore(%run_scoped3A : memref<!tpu.dma_semaphore, #tpu.memory_space<semaphore_mem>>)
      %dma_wait3A = arith.constant 0 : i32
      %dma_wait3A_27 = tpu.memref_slice %arg10[%mul3A_4, %dma_wait3A] : memref<10240x128xf32, #tpu.memory_space<vmem_shared>> -> memref<640x128xf32, #tpu.memory_space<vmem_shared>>
      %dma_wait3A_28 = arith.constant 0 : i32
      %dma_wait3A_29 = tpu.memref_slice %arg5[%mul3A_2, %dma_wait3A_28] : memref<10240x128xf32, #tpu.memory_space<hbm>> -> memref<640x128xf32, #tpu.memory_space<hbm>>
      tpu.wait_dma2 semaphore(%run_scoped3A : memref<!tpu.dma_semaphore, #tpu.memory_space<semaphore_mem>>) src(%dma_wait3A_29 : memref<640x128xf32, #tpu.memory_space<hbm>>) dst(%dma_wait3A_27 : memref<640x128xf32, #tpu.memory_space<vmem_shared>>)
      tpu.yield
    }) : () -> ()
    %barrier3A = arith.constant 0 : index
    tpu.barrier barrier_id(%barrier3A)
    %eq3A = arith.constant 0 : i32
    %eq3A_5 = arith.cmpi eq, %arg0, %eq3A : i32
    %jit3A = arith.constant 54 : i32
    %jit3A_6 = arith.constant 52 : i32
    %select_n3A = arith.select %eq3A_5, %jit3A, %jit3A_6 : i32
    %gt3A = arith.constant 0 : i32
    %gt3A_7 = arith.cmpi sgt, %select_n3A, %gt3A : i32
    %convert_element_type3A = arith.extui %gt3A_7 : i1 to i32
    %cond3A = arith.constant 0 : i32
    %cond3A_8 = arith.cmpi ne, %convert_element_type3A, %cond3A : i32
    scf.if %cond3A_8 {
      %run_scoped3A = arith.constant 0 : i32
      "tpu.region"() ({
        %run_scoped3A_52 = tpu.sem_alloc : memref<!tpu.dma_semaphore, #tpu.memory_space<semaphore_mem>>
        %dma_start3A = arith.constant 0 : i32
        %dma_start3A_53 = arith.constant 0 : i32
        %dma_start3A_54 = tpu.memref_slice %arg3[%add3A, %run_scoped3A, %dma_start3A, %dma_start3A_53] : memref<32x2x54x128xi32, #tpu.memory_space<hbm>> -> memref<1x1x54x128xi32, #tpu.memory_space<hbm>>
        %dma_start3A_55 = tpu.memref_squeeze %dma_start3A_54 : memref<1x1x54x128xi32, #tpu.memory_space<hbm>> -> memref<54x128xi32, #tpu.memory_space<hbm>>
        %dma_start3A_56 = arith.constant 0 : i32
        %dma_start3A_57 = arith.constant 0 : i32
        %dma_start3A_58 = tpu.memref_slice %arg3[%add3A, %run_scoped3A, %dma_start3A_56, %dma_start3A_57] : memref<32x2x54x128xi32, #tpu.memory_space<hbm>> -> memref<1x1x54x128xi32, #tpu.memory_space<hbm>>
        %dma_start3A_59 = tpu.memref_squeeze %dma_start3A_58 : memref<1x1x54x128xi32, #tpu.memory_space<hbm>> -> memref<54x128xi32, #tpu.memory_space<hbm>>
        tpu.enqueue_dma source(%dma_start3A_59 : memref<54x128xi32, #tpu.memory_space<hbm>>) target(%arg7 : memref<54x128xi32, #tpu.memory_space<vmem>>) target_semaphore(%run_scoped3A_52 : memref<!tpu.dma_semaphore, #tpu.memory_space<semaphore_mem>>)
        %dma_wait3A = arith.constant 0 : i32
        %dma_wait3A_60 = arith.constant 0 : i32
        %dma_wait3A_61 = tpu.memref_slice %arg3[%add3A, %run_scoped3A, %dma_wait3A, %dma_wait3A_60] : memref<32x2x54x128xi32, #tpu.memory_space<hbm>> -> memref<1x1x54x128xi32, #tpu.memory_space<hbm>>
        %dma_wait3A_62 = tpu.memref_squeeze %dma_wait3A_61 : memref<1x1x54x128xi32, #tpu.memory_space<hbm>> -> memref<54x128xi32, #tpu.memory_space<hbm>>
        %dma_wait3A_63 = arith.constant 0 : i32
        %dma_wait3A_64 = arith.constant 0 : i32
        %dma_wait3A_65 = tpu.memref_slice %arg3[%add3A, %run_scoped3A, %dma_wait3A_63, %dma_wait3A_64] : memref<32x2x54x128xi32, #tpu.memory_space<hbm>> -> memref<1x1x54x128xi32, #tpu.memory_space<hbm>>
        %dma_wait3A_66 = tpu.memref_squeeze %dma_wait3A_65 : memref<1x1x54x128xi32, #tpu.memory_space<hbm>> -> memref<54x128xi32, #tpu.memory_space<hbm>>
        tpu.wait_dma2 semaphore(%run_scoped3A_52 : memref<!tpu.dma_semaphore, #tpu.memory_space<semaphore_mem>>) src(%dma_wait3A_66 : memref<54x128xi32, #tpu.memory_space<hbm>>) dst(%arg7 : memref<54x128xi32, #tpu.memory_space<vmem>>)
        tpu.yield
      }) : () -> ()
      %run_scoped3A_24 = arith.constant 0 : i32
      "tpu.region"() ({
        %run_scoped3A_52 = tpu.sem_alloc : memref<!tpu.dma_semaphore, #tpu.memory_space<semaphore_mem>>
        %dma_start3A = arith.constant 0 : i32
        %dma_start3A_53 = arith.constant 0 : i32
        %dma_start3A_54 = tpu.memref_slice %arg4[%add3A, %run_scoped3A_24, %dma_start3A, %dma_start3A_53] : memref<32x2x54x128xi32, #tpu.memory_space<hbm>> -> memref<1x1x54x128xi32, #tpu.memory_space<hbm>>
        %dma_start3A_55 = tpu.memref_squeeze %dma_start3A_54 : memref<1x1x54x128xi32, #tpu.memory_space<hbm>> -> memref<54x128xi32, #tpu.memory_space<hbm>>
        %dma_start3A_56 = arith.constant 0 : i32
        %dma_start3A_57 = arith.constant 0 : i32
        %dma_start3A_58 = tpu.memref_slice %arg4[%add3A, %run_scoped3A_24, %dma_start3A_56, %dma_start3A_57] : memref<32x2x54x128xi32, #tpu.memory_space<hbm>> -> memref<1x1x54x128xi32, #tpu.memory_space<hbm>>
        %dma_start3A_59 = tpu.memref_squeeze %dma_start3A_58 : memref<1x1x54x128xi32, #tpu.memory_space<hbm>> -> memref<54x128xi32, #tpu.memory_space<hbm>>
        tpu.enqueue_dma source(%dma_start3A_59 : memref<54x128xi32, #tpu.memory_space<hbm>>) target(%arg8 : memref<54x128xi32, #tpu.memory_space<vmem>>) target_semaphore(%run_scoped3A_52 : memref<!tpu.dma_semaphore, #tpu.memory_space<semaphore_mem>>)
        %dma_wait3A = arith.constant 0 : i32
        %dma_wait3A_60 = arith.constant 0 : i32
        %dma_wait3A_61 = tpu.memref_slice %arg4[%add3A, %run_scoped3A_24, %dma_wait3A, %dma_wait3A_60] : memref<32x2x54x128xi32, #tpu.memory_space<hbm>> -> memref<1x1x54x128xi32, #tpu.memory_space<hbm>>
        %dma_wait3A_62 = tpu.memref_squeeze %dma_wait3A_61 : memref<1x1x54x128xi32, #tpu.memory_space<hbm>> -> memref<54x128xi32, #tpu.memory_space<hbm>>
        %dma_wait3A_63 = arith.constant 0 : i32
        %dma_wait3A_64 = arith.constant 0 : i32
        %dma_wait3A_65 = tpu.memref_slice %arg4[%add3A, %run_scoped3A_24, %dma_wait3A_63, %dma_wait3A_64] : memref<32x2x54x128xi32, #tpu.memory_space<hbm>> -> memref<1x1x54x128xi32, #tpu.memory_space<hbm>>
        %dma_wait3A_66 = tpu.memref_squeeze %dma_wait3A_65 : memref<1x1x54x128xi32, #tpu.memory_space<hbm>> -> memref<54x128xi32, #tpu.memory_space<hbm>>
        tpu.wait_dma2 semaphore(%run_scoped3A_52 : memref<!tpu.dma_semaphore, #tpu.memory_space<semaphore_mem>>) src(%dma_wait3A_66 : memref<54x128xi32, #tpu.memory_space<hbm>>) dst(%arg8 : memref<54x128xi32, #tpu.memory_space<vmem>>)
        tpu.yield
      }) : () -> ()
      %jit3A_25 = arith.constant 2 : i32
      %div3A = arith.divsi %select_n3A, %jit3A_25 : i32
      %sign3A = arith.constant 0 : i32
      %sign3A_26 = arith.cmpi sgt, %select_n3A, %sign3A : i32
      %sign3A_27 = arith.extui %sign3A_26 : i1 to i32
      %sign3A_28 = arith.constant 0 : i32
      %sign3A_29 = arith.cmpi slt, %select_n3A, %sign3A_28 : i32
      %sign3A_30 = arith.extui %sign3A_29 : i1 to i32
      %sign3A_31 = arith.subi %sign3A_27, %sign3A_30 : i32
      %sign3A_32 = arith.constant 0 : i32
      %sign3A_33 = arith.cmpi sgt, %jit3A_25, %sign3A_32 : i32
      %sign3A_34 = arith.extui %sign3A_33 : i1 to i32
      %sign3A_35 = arith.constant 0 : i32
      %sign3A_36 = arith.cmpi slt, %jit3A_25, %sign3A_35 : i32
      %sign3A_37 = arith.extui %sign3A_36 : i1 to i32
      %sign3A_38 = arith.subi %sign3A_34, %sign3A_37 : i32
      %ne3A = arith.cmpi ne, %sign3A_31, %sign3A_38 : i32
      %rem3A = arith.remsi %select_n3A, %jit3A_25 : i32
      %ne3A_39 = arith.constant 0 : i32
      %ne3A_40 = arith.cmpi ne, %rem3A, %ne3A_39 : i32
      %and3A = arith.andi %ne3A, %ne3A_40 : i1
      %sub3A = arith.constant 1 : i32
      %sub3A_41 = arith.subi %div3A, %sub3A : i32
      %select_n3A_42 = arith.select %and3A, %sub3A_41, %div3A : i32
      %while3A = arith.constant 0 : i32
      %while3A_43 = arith.constant 0 : i32
      %while3A_44 = arith.subi %select_n3A_42, %while3A_43 : i32
      %while3A_45 = arith.addi %while3A_43, %while3A_44 : i32
      %while3A_46 = arith.constant 1 : i32
      %while3A_47 = arith.divsi %while3A_44, %while3A_46 : i32
      %while3A_48 = arith.muli %while3A_47, %while3A_46 : i32
      %while3A_49 = arith.addi %while3A_43, %while3A_48 : i32
      %while3A_50 = arith.constant 1 : i32
      scf.for %while3A_52 = %while3A_43 to %while3A_49 step %while3A_50  : i32 {
        %mul3A_53 = arith.constant 2 : i32
        %mul3A_54 = arith.muli %mul3A_53, %while3A_52 : i32
        %add3A_55 = arith.constant 1 : i32
        %add3A_56 = arith.addi %mul3A_54, %add3A_55 : i32
        %dma_start3A = arith.constant 0 : i32
        %dma_start3A_57 = arith.constant 0 : i32
        %dma_start3A_58 = arith.constant 0 : i32
        %dma_start3A_59 = tpu.memref_slice %arg9[%dma_start3A, %dma_start3A_57, %dma_start3A_58] : memref<2x128x128xf32, #tpu.memory_space<vmem>> -> memref<1x128x128xf32, #tpu.memory_space<vmem>>
        %dma_start3A_60 = tpu.memref_squeeze %dma_start3A_59 : memref<1x128x128xf32, #tpu.memory_space<vmem>> -> memref<128x128xf32, #tpu.memory_space<vmem>>
        %dma_start3A_61 = arith.constant 0 : i32
        %dma_start3A_62 = tpu.memref_slice %arg7[%mul3A_54, %dma_start3A_61] : memref<54x128xi32, #tpu.memory_space<vmem>> -> memref<1x128xi32, #tpu.memory_space<vmem>>
        %dma_start3A_63 = tpu.memref_squeeze %dma_start3A_62 : memref<1x128xi32, #tpu.memory_space<vmem>> -> memref<128xi32, #tpu.memory_space<vmem>>
        %dma_start3A_64 = arith.constant 0 : i32
        %dma_start3A_65 = arith.constant 0 : i32
        %dma_start3A_66 = tpu.memref_slice %arg2[%dma_start3A_64, %dma_start3A_65] : memref<10240x128xf32, #tpu.memory_space<hbm>> -> memref<10240x128xf32, #tpu.memory_space<hbm>>
        tpu.enqueue_indirect_dma source(%dma_start3A_66 : memref<10240x128xf32, #tpu.memory_space<hbm>>) target(%dma_start3A_60 : memref<128x128xf32, #tpu.memory_space<vmem>>) offsets(%dma_start3A_63 : memref<128xi32, #tpu.memory_space<vmem>>) semaphore(%arg11 : memref<!tpu.dma_semaphore, #tpu.memory_space<semaphore_mem>>)
        %dma_start3A_67 = arith.constant 1 : i32
        %dma_start3A_68 = arith.constant 0 : i32
        %dma_start3A_69 = arith.constant 0 : i32
        %dma_start3A_70 = tpu.memref_slice %arg9[%dma_start3A_67, %dma_start3A_68, %dma_start3A_69] : memref<2x128x128xf32, #tpu.memory_space<vmem>> -> memref<1x128x128xf32, #tpu.memory_space<vmem>>
        %dma_start3A_71 = tpu.memref_squeeze %dma_start3A_70 : memref<1x128x128xf32, #tpu.memory_space<vmem>> -> memref<128x128xf32, #tpu.memory_space<vmem>>
        %dma_start3A_72 = arith.constant 0 : i32
        %dma_start3A_73 = tpu.memref_slice %arg7[%add3A_56, %dma_start3A_72] : memref<54x128xi32, #tpu.memory_space<vmem>> -> memref<1x128xi32, #tpu.memory_space<vmem>>
        %dma_start3A_74 = tpu.memref_squeeze %dma_start3A_73 : memref<1x128xi32, #tpu.memory_space<vmem>> -> memref<128xi32, #tpu.memory_space<vmem>>
        %dma_start3A_75 = arith.constant 0 : i32
        %dma_start3A_76 = arith.constant 0 : i32
        %dma_start3A_77 = tpu.memref_slice %arg2[%dma_start3A_75, %dma_start3A_76] : memref<10240x128xf32, #tpu.memory_space<hbm>> -> memref<10240x128xf32, #tpu.memory_space<hbm>>
        tpu.enqueue_indirect_dma source(%dma_start3A_77 : memref<10240x128xf32, #tpu.memory_space<hbm>>) target(%dma_start3A_71 : memref<128x128xf32, #tpu.memory_space<vmem>>) offsets(%dma_start3A_74 : memref<128xi32, #tpu.memory_space<vmem>>) semaphore(%arg12 : memref<!tpu.dma_semaphore, #tpu.memory_space<semaphore_mem>>)
        %dma_wait3A = arith.constant 0 : i32
        %dma_wait3A_78 = arith.constant 0 : i32
        %dma_wait3A_79 = arith.constant 0 : i32
        %dma_wait3A_80 = tpu.memref_slice %arg9[%dma_wait3A, %dma_wait3A_78, %dma_wait3A_79] : memref<2x128x128xf32, #tpu.memory_space<vmem>> -> memref<1x128x128xf32, #tpu.memory_space<vmem>>
        %dma_wait3A_81 = tpu.memref_squeeze %dma_wait3A_80 : memref<1x128x128xf32, #tpu.memory_space<vmem>> -> memref<128x128xf32, #tpu.memory_space<vmem>>
        %dma_wait3A_82 = arith.constant 0 : i32
        %dma_wait3A_83 = tpu.memref_slice %arg7[%mul3A_54, %dma_wait3A_82] : memref<54x128xi32, #tpu.memory_space<vmem>> -> memref<1x128xi32, #tpu.memory_space<vmem>>
        %dma_wait3A_84 = tpu.memref_squeeze %dma_wait3A_83 : memref<1x128xi32, #tpu.memory_space<vmem>> -> memref<128xi32, #tpu.memory_space<vmem>>
        %dma_wait3A_85 = arith.constant 0 : i32
        %dma_wait3A_86 = arith.constant 0 : i32
        %dma_wait3A_87 = tpu.memref_slice %arg2[%dma_wait3A_85, %dma_wait3A_86] : memref<10240x128xf32, #tpu.memory_space<hbm>> -> memref<10240x128xf32, #tpu.memory_space<hbm>>
        tpu.wait_indirect_dma semaphore(%arg11 : memref<!tpu.dma_semaphore, #tpu.memory_space<semaphore_mem>>) src(%dma_wait3A_87 : memref<10240x128xf32, #tpu.memory_space<hbm>>) dst(%dma_wait3A_81 : memref<128x128xf32, #tpu.memory_space<vmem>>)
        %run_scoped3A_88 = arith.constant 0 : i32
        "tpu.region"() ({
          %run_scoped3A_101 = tpu.sem_alloc : memref<!tpu.dma_semaphore, #tpu.memory_space<semaphore_mem>>
          %dma_start3A_102 = arith.constant 0 : i32
          %dma_start3A_103 = arith.constant 0 : i32
          %dma_start3A_104 = tpu.memref_slice %arg9[%run_scoped3A_88, %dma_start3A_102, %dma_start3A_103] : memref<2x128x128xf32, #tpu.memory_space<vmem>> -> memref<1x128x128xf32, #tpu.memory_space<vmem>>
          %dma_start3A_105 = tpu.memref_squeeze %dma_start3A_104 : memref<1x128x128xf32, #tpu.memory_space<vmem>> -> memref<128x128xf32, #tpu.memory_space<vmem>>
          %dma_start3A_106 = arith.constant 0 : i32
          %dma_start3A_107 = tpu.memref_slice %arg8[%mul3A_54, %dma_start3A_106] : memref<54x128xi32, #tpu.memory_space<vmem>> -> memref<1x128xi32, #tpu.memory_space<vmem>>
          %dma_start3A_108 = tpu.memref_squeeze %dma_start3A_107 : memref<1x128xi32, #tpu.memory_space<vmem>> -> memref<128xi32, #tpu.memory_space<vmem>>
          %dma_start3A_109 = arith.constant 0 : i32
          %dma_start3A_110 = arith.constant 0 : i32
          %dma_start3A_111 = tpu.memref_slice %arg10[%dma_start3A_109, %dma_start3A_110] : memref<10240x128xf32, #tpu.memory_space<vmem_shared>> -> memref<10240x128xf32, #tpu.memory_space<vmem_shared>>
          tpu.enqueue_indirect_dma source(%dma_start3A_105 : memref<128x128xf32, #tpu.memory_space<vmem>>) target(%dma_start3A_111 : memref<10240x128xf32, #tpu.memory_space<vmem_shared>>) offsets(%dma_start3A_108 : memref<128xi32, #tpu.memory_space<vmem>>) semaphore(%run_scoped3A_101 : memref<!tpu.dma_semaphore, #tpu.memory_space<semaphore_mem>>) {add = true}
          %dma_wait3A_112 = arith.constant 0 : i32
          %dma_wait3A_113 = arith.constant 0 : i32
          %dma_wait3A_114 = tpu.memref_slice %arg9[%run_scoped3A_88, %dma_wait3A_112, %dma_wait3A_113] : memref<2x128x128xf32, #tpu.memory_space<vmem>> -> memref<1x128x128xf32, #tpu.memory_space<vmem>>
          %dma_wait3A_115 = tpu.memref_squeeze %dma_wait3A_114 : memref<1x128x128xf32, #tpu.memory_space<vmem>> -> memref<128x128xf32, #tpu.memory_space<vmem>>
          %dma_wait3A_116 = arith.constant 0 : i32
          %dma_wait3A_117 = tpu.memref_slice %arg8[%mul3A_54, %dma_wait3A_116] : memref<54x128xi32, #tpu.memory_space<vmem>> -> memref<1x128xi32, #tpu.memory_space<vmem>>
          %dma_wait3A_118 = tpu.memref_squeeze %dma_wait3A_117 : memref<1x128xi32, #tpu.memory_space<vmem>> -> memref<128xi32, #tpu.memory_space<vmem>>
          %dma_wait3A_119 = arith.constant 0 : i32
          %dma_wait3A_120 = arith.constant 0 : i32
          %dma_wait3A_121 = tpu.memref_slice %arg10[%dma_wait3A_119, %dma_wait3A_120] : memref<10240x128xf32, #tpu.memory_space<vmem_shared>> -> memref<10240x128xf32, #tpu.memory_space<vmem_shared>>
          tpu.wait_indirect_dma semaphore(%run_scoped3A_101 : memref<!tpu.dma_semaphore, #tpu.memory_space<semaphore_mem>>) src(%dma_wait3A_115 : memref<128x128xf32, #tpu.memory_space<vmem>>) dst(%dma_wait3A_121 : memref<10240x128xf32, #tpu.memory_space<vmem_shared>>)
          tpu.yield
        }) : () -> ()
        %dma_wait3A_89 = arith.constant 1 : i32
        %dma_wait3A_90 = arith.constant 0 : i32
        %dma_wait3A_91 = arith.constant 0 : i32
        %dma_wait3A_92 = tpu.memref_slice %arg9[%dma_wait3A_89, %dma_wait3A_90, %dma_wait3A_91] : memref<2x128x128xf32, #tpu.memory_space<vmem>> -> memref<1x128x128xf32, #tpu.memory_space<vmem>>
        %dma_wait3A_93 = tpu.memref_squeeze %dma_wait3A_92 : memref<1x128x128xf32, #tpu.memory_space<vmem>> -> memref<128x128xf32, #tpu.memory_space<vmem>>
        %dma_wait3A_94 = arith.constant 0 : i32
        %dma_wait3A_95 = tpu.memref_slice %arg7[%add3A_56, %dma_wait3A_94] : memref<54x128xi32, #tpu.memory_space<vmem>> -> memref<1x128xi32, #tpu.memory_space<vmem>>
        %dma_wait3A_96 = tpu.memref_squeeze %dma_wait3A_95 : memref<1x128xi32, #tpu.memory_space<vmem>> -> memref<128xi32, #tpu.memory_space<vmem>>
        %dma_wait3A_97 = arith.constant 0 : i32
        %dma_wait3A_98 = arith.constant 0 : i32
        %dma_wait3A_99 = tpu.memref_slice %arg2[%dma_wait3A_97, %dma_wait3A_98] : memref<10240x128xf32, #tpu.memory_space<hbm>> -> memref<10240x128xf32, #tpu.memory_space<hbm>>
        tpu.wait_indirect_dma semaphore(%arg12 : memref<!tpu.dma_semaphore, #tpu.memory_space<semaphore_mem>>) src(%dma_wait3A_99 : memref<10240x128xf32, #tpu.memory_space<hbm>>) dst(%dma_wait3A_93 : memref<128x128xf32, #tpu.memory_space<vmem>>)
        %run_scoped3A_100 = arith.constant 1 : i32
        "tpu.region"() ({
          %run_scoped3A_101 = tpu.sem_alloc : memref<!tpu.dma_semaphore, #tpu.memory_space<semaphore_mem>>
          %dma_start3A_102 = arith.constant 0 : i32
          %dma_start3A_103 = arith.constant 0 : i32
          %dma_start3A_104 = tpu.memref_slice %arg9[%run_scoped3A_100, %dma_start3A_102, %dma_start3A_103] : memref<2x128x128xf32, #tpu.memory_space<vmem>> -> memref<1x128x128xf32, #tpu.memory_space<vmem>>
          %dma_start3A_105 = tpu.memref_squeeze %dma_start3A_104 : memref<1x128x128xf32, #tpu.memory_space<vmem>> -> memref<128x128xf32, #tpu.memory_space<vmem>>
          %dma_start3A_106 = arith.constant 0 : i32
          %dma_start3A_107 = tpu.memref_slice %arg8[%add3A_56, %dma_start3A_106] : memref<54x128xi32, #tpu.memory_space<vmem>> -> memref<1x128xi32, #tpu.memory_space<vmem>>
          %dma_start3A_108 = tpu.memref_squeeze %dma_start3A_107 : memref<1x128xi32, #tpu.memory_space<vmem>> -> memref<128xi32, #tpu.memory_space<vmem>>
          %dma_start3A_109 = arith.constant 0 : i32
          %dma_start3A_110 = arith.constant 0 : i32
          %dma_start3A_111 = tpu.memref_slice %arg10[%dma_start3A_109, %dma_start3A_110] : memref<10240x128xf32, #tpu.memory_space<vmem_shared>> -> memref<10240x128xf32, #tpu.memory_space<vmem_shared>>
          tpu.enqueue_indirect_dma source(%dma_start3A_105 : memref<128x128xf32, #tpu.memory_space<vmem>>) target(%dma_start3A_111 : memref<10240x128xf32, #tpu.memory_space<vmem_shared>>) offsets(%dma_start3A_108 : memref<128xi32, #tpu.memory_space<vmem>>) semaphore(%run_scoped3A_101 : memref<!tpu.dma_semaphore, #tpu.memory_space<semaphore_mem>>) {add = true}
          %dma_wait3A_112 = arith.constant 0 : i32
          %dma_wait3A_113 = arith.constant 0 : i32
          %dma_wait3A_114 = tpu.memref_slice %arg9[%run_scoped3A_100, %dma_wait3A_112, %dma_wait3A_113] : memref<2x128x128xf32, #tpu.memory_space<vmem>> -> memref<1x128x128xf32, #tpu.memory_space<vmem>>
          %dma_wait3A_115 = tpu.memref_squeeze %dma_wait3A_114 : memref<1x128x128xf32, #tpu.memory_space<vmem>> -> memref<128x128xf32, #tpu.memory_space<vmem>>
          %dma_wait3A_116 = arith.constant 0 : i32
          %dma_wait3A_117 = tpu.memref_slice %arg8[%add3A_56, %dma_wait3A_116] : memref<54x128xi32, #tpu.memory_space<vmem>> -> memref<1x128xi32, #tpu.memory_space<vmem>>
          %dma_wait3A_118 = tpu.memref_squeeze %dma_wait3A_117 : memref<1x128xi32, #tpu.memory_space<vmem>> -> memref<128xi32, #tpu.memory_space<vmem>>
          %dma_wait3A_119 = arith.constant 0 : i32
          %dma_wait3A_120 = arith.constant 0 : i32
          %dma_wait3A_121 = tpu.memref_slice %arg10[%dma_wait3A_119, %dma_wait3A_120] : memref<10240x128xf32, #tpu.memory_space<vmem_shared>> -> memref<10240x128xf32, #tpu.memory_space<vmem_shared>>
          tpu.wait_indirect_dma semaphore(%run_scoped3A_101 : memref<!tpu.dma_semaphore, #tpu.memory_space<semaphore_mem>>) src(%dma_wait3A_115 : memref<128x128xf32, #tpu.memory_space<vmem>>) dst(%dma_wait3A_121 : memref<10240x128xf32, #tpu.memory_space<vmem_shared>>)
          tpu.yield
        }) : () -> ()
      }
      %while3A_51 = arith.constant 1 : i32
      scf.for %while3A_52 = %while3A_49 to %while3A_45 step %while3A_51  : i32 {
        %mul3A_53 = arith.constant 2 : i32
        %mul3A_54 = arith.muli %mul3A_53, %while3A_52 : i32
        %add3A_55 = arith.constant 1 : i32
        %add3A_56 = arith.addi %mul3A_54, %add3A_55 : i32
        %dma_start3A = arith.constant 0 : i32
        %dma_start3A_57 = arith.constant 0 : i32
        %dma_start3A_58 = arith.constant 0 : i32
        %dma_start3A_59 = tpu.memref_slice %arg9[%dma_start3A, %dma_start3A_57, %dma_start3A_58] : memref<2x128x128xf32, #tpu.memory_space<vmem>> -> memref<1x128x128xf32, #tpu.memory_space<vmem>>
        %dma_start3A_60 = tpu.memref_squeeze %dma_start3A_59 : memref<1x128x128xf32, #tpu.memory_space<vmem>> -> memref<128x128xf32, #tpu.memory_space<vmem>>
        %dma_start3A_61 = arith.constant 0 : i32
        %dma_start3A_62 = tpu.memref_slice %arg7[%mul3A_54, %dma_start3A_61] : memref<54x128xi32, #tpu.memory_space<vmem>> -> memref<1x128xi32, #tpu.memory_space<vmem>>
        %dma_start3A_63 = tpu.memref_squeeze %dma_start3A_62 : memref<1x128xi32, #tpu.memory_space<vmem>> -> memref<128xi32, #tpu.memory_space<vmem>>
        %dma_start3A_64 = arith.constant 0 : i32
        %dma_start3A_65 = arith.constant 0 : i32
        %dma_start3A_66 = tpu.memref_slice %arg2[%dma_start3A_64, %dma_start3A_65] : memref<10240x128xf32, #tpu.memory_space<hbm>> -> memref<10240x128xf32, #tpu.memory_space<hbm>>
        tpu.enqueue_indirect_dma source(%dma_start3A_66 : memref<10240x128xf32, #tpu.memory_space<hbm>>) target(%dma_start3A_60 : memref<128x128xf32, #tpu.memory_space<vmem>>) offsets(%dma_start3A_63 : memref<128xi32, #tpu.memory_space<vmem>>) semaphore(%arg11 : memref<!tpu.dma_semaphore, #tpu.memory_space<semaphore_mem>>)
        %dma_start3A_67 = arith.constant 1 : i32
        %dma_start3A_68 = arith.constant 0 : i32
        %dma_start3A_69 = arith.constant 0 : i32
        %dma_start3A_70 = tpu.memref_slice %arg9[%dma_start3A_67, %dma_start3A_68, %dma_start3A_69] : memref<2x128x128xf32, #tpu.memory_space<vmem>> -> memref<1x128x128xf32, #tpu.memory_space<vmem>>
        %dma_start3A_71 = tpu.memref_squeeze %dma_start3A_70 : memref<1x128x128xf32, #tpu.memory_space<vmem>> -> memref<128x128xf32, #tpu.memory_space<vmem>>
        %dma_start3A_72 = arith.constant 0 : i32
        %dma_start3A_73 = tpu.memref_slice %arg7[%add3A_56, %dma_start3A_72] : memref<54x128xi32, #tpu.memory_space<vmem>> -> memref<1x128xi32, #tpu.memory_space<vmem>>
        %dma_start3A_74 = tpu.memref_squeeze %dma_start3A_73 : memref<1x128xi32, #tpu.memory_space<vmem>> -> memref<128xi32, #tpu.memory_space<vmem>>
        %dma_start3A_75 = arith.constant 0 : i32
        %dma_start3A_76 = arith.constant 0 : i32
        %dma_start3A_77 = tpu.memref_slice %arg2[%dma_start3A_75, %dma_start3A_76] : memref<10240x128xf32, #tpu.memory_space<hbm>> -> memref<10240x128xf32, #tpu.memory_space<hbm>>
        tpu.enqueue_indirect_dma source(%dma_start3A_77 : memref<10240x128xf32, #tpu.memory_space<hbm>>) target(%dma_start3A_71 : memref<128x128xf32, #tpu.memory_space<vmem>>) offsets(%dma_start3A_74 : memref<128xi32, #tpu.memory_space<vmem>>) semaphore(%arg12 : memref<!tpu.dma_semaphore, #tpu.memory_space<semaphore_mem>>)
        %dma_wait3A = arith.constant 0 : i32
        %dma_wait3A_78 = arith.constant 0 : i32
        %dma_wait3A_79 = arith.constant 0 : i32
        %dma_wait3A_80 = tpu.memref_slice %arg9[%dma_wait3A, %dma_wait3A_78, %dma_wait3A_79] : memref<2x128x128xf32, #tpu.memory_space<vmem>> -> memref<1x128x128xf32, #tpu.memory_space<vmem>>
        %dma_wait3A_81 = tpu.memref_squeeze %dma_wait3A_80 : memref<1x128x128xf32, #tpu.memory_space<vmem>> -> memref<128x128xf32, #tpu.memory_space<vmem>>
        %dma_wait3A_82 = arith.constant 0 : i32
        %dma_wait3A_83 = tpu.memref_slice %arg7[%mul3A_54, %dma_wait3A_82] : memref<54x128xi32, #tpu.memory_space<vmem>> -> memref<1x128xi32, #tpu.memory_space<vmem>>
        %dma_wait3A_84 = tpu.memref_squeeze %dma_wait3A_83 : memref<1x128xi32, #tpu.memory_space<vmem>> -> memref<128xi32, #tpu.memory_space<vmem>>
        %dma_wait3A_85 = arith.constant 0 : i32
        %dma_wait3A_86 = arith.constant 0 : i32
        %dma_wait3A_87 = tpu.memref_slice %arg2[%dma_wait3A_85, %dma_wait3A_86] : memref<10240x128xf32, #tpu.memory_space<hbm>> -> memref<10240x128xf32, #tpu.memory_space<hbm>>
        tpu.wait_indirect_dma semaphore(%arg11 : memref<!tpu.dma_semaphore, #tpu.memory_space<semaphore_mem>>) src(%dma_wait3A_87 : memref<10240x128xf32, #tpu.memory_space<hbm>>) dst(%dma_wait3A_81 : memref<128x128xf32, #tpu.memory_space<vmem>>)
        %run_scoped3A_88 = arith.constant 0 : i32
        "tpu.region"() ({
          %run_scoped3A_101 = tpu.sem_alloc : memref<!tpu.dma_semaphore, #tpu.memory_space<semaphore_mem>>
          %dma_start3A_102 = arith.constant 0 : i32
          %dma_start3A_103 = arith.constant 0 : i32
          %dma_start3A_104 = tpu.memref_slice %arg9[%run_scoped3A_88, %dma_start3A_102, %dma_start3A_103] : memref<2x128x128xf32, #tpu.memory_space<vmem>> -> memref<1x128x128xf32, #tpu.memory_space<vmem>>
          %dma_start3A_105 = tpu.memref_squeeze %dma_start3A_104 : memref<1x128x128xf32, #tpu.memory_space<vmem>> -> memref<128x128xf32, #tpu.memory_space<vmem>>
          %dma_start3A_106 = arith.constant 0 : i32
          %dma_start3A_107 = tpu.memref_slice %arg8[%mul3A_54, %dma_start3A_106] : memref<54x128xi32, #tpu.memory_space<vmem>> -> memref<1x128xi32, #tpu.memory_space<vmem>>
          %dma_start3A_108 = tpu.memref_squeeze %dma_start3A_107 : memref<1x128xi32, #tpu.memory_space<vmem>> -> memref<128xi32, #tpu.memory_space<vmem>>
          %dma_start3A_109 = arith.constant 0 : i32
          %dma_start3A_110 = arith.constant 0 : i32
          %dma_start3A_111 = tpu.memref_slice %arg10[%dma_start3A_109, %dma_start3A_110] : memref<10240x128xf32, #tpu.memory_space<vmem_shared>> -> memref<10240x128xf32, #tpu.memory_space<vmem_shared>>
          tpu.enqueue_indirect_dma source(%dma_start3A_105 : memref<128x128xf32, #tpu.memory_space<vmem>>) target(%dma_start3A_111 : memref<10240x128xf32, #tpu.memory_space<vmem_shared>>) offsets(%dma_start3A_108 : memref<128xi32, #tpu.memory_space<vmem>>) semaphore(%run_scoped3A_101 : memref<!tpu.dma_semaphore, #tpu.memory_space<semaphore_mem>>) {add = true}
          %dma_wait3A_112 = arith.constant 0 : i32
          %dma_wait3A_113 = arith.constant 0 : i32
          %dma_wait3A_114 = tpu.memref_slice %arg9[%run_scoped3A_88, %dma_wait3A_112, %dma_wait3A_113] : memref<2x128x128xf32, #tpu.memory_space<vmem>> -> memref<1x128x128xf32, #tpu.memory_space<vmem>>
          %dma_wait3A_115 = tpu.memref_squeeze %dma_wait3A_114 : memref<1x128x128xf32, #tpu.memory_space<vmem>> -> memref<128x128xf32, #tpu.memory_space<vmem>>
          %dma_wait3A_116 = arith.constant 0 : i32
          %dma_wait3A_117 = tpu.memref_slice %arg8[%mul3A_54, %dma_wait3A_116] : memref<54x128xi32, #tpu.memory_space<vmem>> -> memref<1x128xi32, #tpu.memory_space<vmem>>
          %dma_wait3A_118 = tpu.memref_squeeze %dma_wait3A_117 : memref<1x128xi32, #tpu.memory_space<vmem>> -> memref<128xi32, #tpu.memory_space<vmem>>
          %dma_wait3A_119 = arith.constant 0 : i32
          %dma_wait3A_120 = arith.constant 0 : i32
          %dma_wait3A_121 = tpu.memref_slice %arg10[%dma_wait3A_119, %dma_wait3A_120] : memref<10240x128xf32, #tpu.memory_space<vmem_shared>> -> memref<10240x128xf32, #tpu.memory_space<vmem_shared>>
          tpu.wait_indirect_dma semaphore(%run_scoped3A_101 : memref<!tpu.dma_semaphore, #tpu.memory_space<semaphore_mem>>) src(%dma_wait3A_115 : memref<128x128xf32, #tpu.memory_space<vmem>>) dst(%dma_wait3A_121 : memref<10240x128xf32, #tpu.memory_space<vmem_shared>>)
          tpu.yield
        }) : () -> ()
        %dma_wait3A_89 = arith.constant 1 : i32
        %dma_wait3A_90 = arith.constant 0 : i32
        %dma_wait3A_91 = arith.constant 0 : i32
        %dma_wait3A_92 = tpu.memref_slice %arg9[%dma_wait3A_89, %dma_wait3A_90, %dma_wait3A_91] : memref<2x128x128xf32, #tpu.memory_space<vmem>> -> memref<1x128x128xf32, #tpu.memory_space<vmem>>
        %dma_wait3A_93 = tpu.memref_squeeze %dma_wait3A_92 : memref<1x128x128xf32, #tpu.memory_space<vmem>> -> memref<128x128xf32, #tpu.memory_space<vmem>>
        %dma_wait3A_94 = arith.constant 0 : i32
        %dma_wait3A_95 = tpu.memref_slice %arg7[%add3A_56, %dma_wait3A_94] : memref<54x128xi32, #tpu.memory_space<vmem>> -> memref<1x128xi32, #tpu.memory_space<vmem>>
        %dma_wait3A_96 = tpu.memref_squeeze %dma_wait3A_95 : memref<1x128xi32, #tpu.memory_space<vmem>> -> memref<128xi32, #tpu.memory_space<vmem>>
        %dma_wait3A_97 = arith.constant 0 : i32
        %dma_wait3A_98 = arith.constant 0 : i32
        %dma_wait3A_99 = tpu.memref_slice %arg2[%dma_wait3A_97, %dma_wait3A_98] : memref<10240x128xf32, #tpu.memory_space<hbm>> -> memref<10240x128xf32, #tpu.memory_space<hbm>>
        tpu.wait_indirect_dma semaphore(%arg12 : memref<!tpu.dma_semaphore, #tpu.memory_space<semaphore_mem>>) src(%dma_wait3A_99 : memref<10240x128xf32, #tpu.memory_space<hbm>>) dst(%dma_wait3A_93 : memref<128x128xf32, #tpu.memory_space<vmem>>)
        %run_scoped3A_100 = arith.constant 1 : i32
        "tpu.region"() ({
          %run_scoped3A_101 = tpu.sem_alloc : memref<!tpu.dma_semaphore, #tpu.memory_space<semaphore_mem>>
          %dma_start3A_102 = arith.constant 0 : i32
          %dma_start3A_103 = arith.constant 0 : i32
          %dma_start3A_104 = tpu.memref_slice %arg9[%run_scoped3A_100, %dma_start3A_102, %dma_start3A_103] : memref<2x128x128xf32, #tpu.memory_space<vmem>> -> memref<1x128x128xf32, #tpu.memory_space<vmem>>
          %dma_start3A_105 = tpu.memref_squeeze %dma_start3A_104 : memref<1x128x128xf32, #tpu.memory_space<vmem>> -> memref<128x128xf32, #tpu.memory_space<vmem>>
          %dma_start3A_106 = arith.constant 0 : i32
          %dma_start3A_107 = tpu.memref_slice %arg8[%add3A_56, %dma_start3A_106] : memref<54x128xi32, #tpu.memory_space<vmem>> -> memref<1x128xi32, #tpu.memory_space<vmem>>
          %dma_start3A_108 = tpu.memref_squeeze %dma_start3A_107 : memref<1x128xi32, #tpu.memory_space<vmem>> -> memref<128xi32, #tpu.memory_space<vmem>>
          %dma_start3A_109 = arith.constant 0 : i32
          %dma_start3A_110 = arith.constant 0 : i32
          %dma_start3A_111 = tpu.memref_slice %arg10[%dma_start3A_109, %dma_start3A_110] : memref<10240x128xf32, #tpu.memory_space<vmem_shared>> -> memref<10240x128xf32, #tpu.memory_space<vmem_shared>>
          tpu.enqueue_indirect_dma source(%dma_start3A_105 : memref<128x128xf32, #tpu.memory_space<vmem>>) target(%dma_start3A_111 : memref<10240x128xf32, #tpu.memory_space<vmem_shared>>) offsets(%dma_start3A_108 : memref<128xi32, #tpu.memory_space<vmem>>) semaphore(%run_scoped3A_101 : memref<!tpu.dma_semaphore, #tpu.memory_space<semaphore_mem>>) {add = true}
          %dma_wait3A_112 = arith.constant 0 : i32
          %dma_wait3A_113 = arith.constant 0 : i32
          %dma_wait3A_114 = tpu.memref_slice %arg9[%run_scoped3A_100, %dma_wait3A_112, %dma_wait3A_113] : memref<2x128x128xf32, #tpu.memory_space<vmem>> -> memref<1x128x128xf32, #tpu.memory_space<vmem>>
          %dma_wait3A_115 = tpu.memref_squeeze %dma_wait3A_114 : memref<1x128x128xf32, #tpu.memory_space<vmem>> -> memref<128x128xf32, #tpu.memory_space<vmem>>
          %dma_wait3A_116 = arith.constant 0 : i32
          %dma_wait3A_117 = tpu.memref_slice %arg8[%add3A_56, %dma_wait3A_116] : memref<54x128xi32, #tpu.memory_space<vmem>> -> memref<1x128xi32, #tpu.memory_space<vmem>>
          %dma_wait3A_118 = tpu.memref_squeeze %dma_wait3A_117 : memref<1x128xi32, #tpu.memory_space<vmem>> -> memref<128xi32, #tpu.memory_space<vmem>>
          %dma_wait3A_119 = arith.constant 0 : i32
          %dma_wait3A_120 = arith.constant 0 : i32
          %dma_wait3A_121 = tpu.memref_slice %arg10[%dma_wait3A_119, %dma_wait3A_120] : memref<10240x128xf32, #tpu.memory_space<vmem_shared>> -> memref<10240x128xf32, #tpu.memory_space<vmem_shared>>
          tpu.wait_indirect_dma semaphore(%run_scoped3A_101 : memref<!tpu.dma_semaphore, #tpu.memory_space<semaphore_mem>>) src(%dma_wait3A_115 : memref<128x128xf32, #tpu.memory_space<vmem>>) dst(%dma_wait3A_121 : memref<10240x128xf32, #tpu.memory_space<vmem_shared>>)
          tpu.yield
        }) : () -> ()
      }
    } else {
    }
    %eq3A_9 = arith.constant 0 : i32
    %eq3A_10 = arith.cmpi eq, %arg0, %eq3A_9 : i32
    %jit3A_11 = arith.constant 52 : i32
    %jit3A_12 = arith.constant 0 : i32
    %select_n3A_13 = arith.select %eq3A_10, %jit3A_11, %jit3A_12 : i32
    %gt3A_14 = arith.constant 0 : i32
    %gt3A_15 = arith.cmpi sgt, %select_n3A_13, %gt3A_14 : i32
    %convert_element_type3A_16 = arith.extui %gt3A_15 : i1 to i32
    %cond3A_17 = arith.constant 0 : i32
    %cond3A_18 = arith.cmpi ne, %convert_element_type3A_16, %cond3A_17 : i32
    scf.if %cond3A_18 {
      %run_scoped3A = arith.constant 1 : i32
      "tpu.region"() ({
        %run_scoped3A_52 = tpu.sem_alloc : memref<!tpu.dma_semaphore, #tpu.memory_space<semaphore_mem>>
        %dma_start3A = arith.constant 0 : i32
        %dma_start3A_53 = arith.constant 0 : i32
        %dma_start3A_54 = tpu.memref_slice %arg3[%add3A, %run_scoped3A, %dma_start3A, %dma_start3A_53] : memref<32x2x54x128xi32, #tpu.memory_space<hbm>> -> memref<1x1x54x128xi32, #tpu.memory_space<hbm>>
        %dma_start3A_55 = tpu.memref_squeeze %dma_start3A_54 : memref<1x1x54x128xi32, #tpu.memory_space<hbm>> -> memref<54x128xi32, #tpu.memory_space<hbm>>
        %dma_start3A_56 = arith.constant 0 : i32
        %dma_start3A_57 = arith.constant 0 : i32
        %dma_start3A_58 = tpu.memref_slice %arg3[%add3A, %run_scoped3A, %dma_start3A_56, %dma_start3A_57] : memref<32x2x54x128xi32, #tpu.memory_space<hbm>> -> memref<1x1x54x128xi32, #tpu.memory_space<hbm>>
        %dma_start3A_59 = tpu.memref_squeeze %dma_start3A_58 : memref<1x1x54x128xi32, #tpu.memory_space<hbm>> -> memref<54x128xi32, #tpu.memory_space<hbm>>
        tpu.enqueue_dma source(%dma_start3A_59 : memref<54x128xi32, #tpu.memory_space<hbm>>) target(%arg7 : memref<54x128xi32, #tpu.memory_space<vmem>>) target_semaphore(%run_scoped3A_52 : memref<!tpu.dma_semaphore, #tpu.memory_space<semaphore_mem>>)
        %dma_wait3A = arith.constant 0 : i32
        %dma_wait3A_60 = arith.constant 0 : i32
        %dma_wait3A_61 = tpu.memref_slice %arg3[%add3A, %run_scoped3A, %dma_wait3A, %dma_wait3A_60] : memref<32x2x54x128xi32, #tpu.memory_space<hbm>> -> memref<1x1x54x128xi32, #tpu.memory_space<hbm>>
        %dma_wait3A_62 = tpu.memref_squeeze %dma_wait3A_61 : memref<1x1x54x128xi32, #tpu.memory_space<hbm>> -> memref<54x128xi32, #tpu.memory_space<hbm>>
        %dma_wait3A_63 = arith.constant 0 : i32
        %dma_wait3A_64 = arith.constant 0 : i32
        %dma_wait3A_65 = tpu.memref_slice %arg3[%add3A, %run_scoped3A, %dma_wait3A_63, %dma_wait3A_64] : memref<32x2x54x128xi32, #tpu.memory_space<hbm>> -> memref<1x1x54x128xi32, #tpu.memory_space<hbm>>
        %dma_wait3A_66 = tpu.memref_squeeze %dma_wait3A_65 : memref<1x1x54x128xi32, #tpu.memory_space<hbm>> -> memref<54x128xi32, #tpu.memory_space<hbm>>
        tpu.wait_dma2 semaphore(%run_scoped3A_52 : memref<!tpu.dma_semaphore, #tpu.memory_space<semaphore_mem>>) src(%dma_wait3A_66 : memref<54x128xi32, #tpu.memory_space<hbm>>) dst(%arg7 : memref<54x128xi32, #tpu.memory_space<vmem>>)
        tpu.yield
      }) : () -> ()
      %run_scoped3A_24 = arith.constant 1 : i32
      "tpu.region"() ({
        %run_scoped3A_52 = tpu.sem_alloc : memref<!tpu.dma_semaphore, #tpu.memory_space<semaphore_mem>>
        %dma_start3A = arith.constant 0 : i32
        %dma_start3A_53 = arith.constant 0 : i32
        %dma_start3A_54 = tpu.memref_slice %arg4[%add3A, %run_scoped3A_24, %dma_start3A, %dma_start3A_53] : memref<32x2x54x128xi32, #tpu.memory_space<hbm>> -> memref<1x1x54x128xi32, #tpu.memory_space<hbm>>
        %dma_start3A_55 = tpu.memref_squeeze %dma_start3A_54 : memref<1x1x54x128xi32, #tpu.memory_space<hbm>> -> memref<54x128xi32, #tpu.memory_space<hbm>>
        %dma_start3A_56 = arith.constant 0 : i32
        %dma_start3A_57 = arith.constant 0 : i32
        %dma_start3A_58 = tpu.memref_slice %arg4[%add3A, %run_scoped3A_24, %dma_start3A_56, %dma_start3A_57] : memref<32x2x54x128xi32, #tpu.memory_space<hbm>> -> memref<1x1x54x128xi32, #tpu.memory_space<hbm>>
        %dma_start3A_59 = tpu.memref_squeeze %dma_start3A_58 : memref<1x1x54x128xi32, #tpu.memory_space<hbm>> -> memref<54x128xi32, #tpu.memory_space<hbm>>
        tpu.enqueue_dma source(%dma_start3A_59 : memref<54x128xi32, #tpu.memory_space<hbm>>) target(%arg8 : memref<54x128xi32, #tpu.memory_space<vmem>>) target_semaphore(%run_scoped3A_52 : memref<!tpu.dma_semaphore, #tpu.memory_space<semaphore_mem>>)
        %dma_wait3A = arith.constant 0 : i32
        %dma_wait3A_60 = arith.constant 0 : i32
        %dma_wait3A_61 = tpu.memref_slice %arg4[%add3A, %run_scoped3A_24, %dma_wait3A, %dma_wait3A_60] : memref<32x2x54x128xi32, #tpu.memory_space<hbm>> -> memref<1x1x54x128xi32, #tpu.memory_space<hbm>>
        %dma_wait3A_62 = tpu.memref_squeeze %dma_wait3A_61 : memref<1x1x54x128xi32, #tpu.memory_space<hbm>> -> memref<54x128xi32, #tpu.memory_space<hbm>>
        %dma_wait3A_63 = arith.constant 0 : i32
        %dma_wait3A_64 = arith.constant 0 : i32
        %dma_wait3A_65 = tpu.memref_slice %arg4[%add3A, %run_scoped3A_24, %dma_wait3A_63, %dma_wait3A_64] : memref<32x2x54x128xi32, #tpu.memory_space<hbm>> -> memref<1x1x54x128xi32, #tpu.memory_space<hbm>>
        %dma_wait3A_66 = tpu.memref_squeeze %dma_wait3A_65 : memref<1x1x54x128xi32, #tpu.memory_space<hbm>> -> memref<54x128xi32, #tpu.memory_space<hbm>>
        tpu.wait_dma2 semaphore(%run_scoped3A_52 : memref<!tpu.dma_semaphore, #tpu.memory_space<semaphore_mem>>) src(%dma_wait3A_66 : memref<54x128xi32, #tpu.memory_space<hbm>>) dst(%arg8 : memref<54x128xi32, #tpu.memory_space<vmem>>)
        tpu.yield
      }) : () -> ()
      %jit3A_25 = arith.constant 2 : i32
      %div3A = arith.divsi %select_n3A_13, %jit3A_25 : i32
      %sign3A = arith.constant 0 : i32
      %sign3A_26 = arith.cmpi sgt, %select_n3A_13, %sign3A : i32
      %sign3A_27 = arith.extui %sign3A_26 : i1 to i32
      %sign3A_28 = arith.constant 0 : i32
      %sign3A_29 = arith.cmpi slt, %select_n3A_13, %sign3A_28 : i32
      %sign3A_30 = arith.extui %sign3A_29 : i1 to i32
      %sign3A_31 = arith.subi %sign3A_27, %sign3A_30 : i32
      %sign3A_32 = arith.constant 0 : i32
      %sign3A_33 = arith.cmpi sgt, %jit3A_25, %sign3A_32 : i32
      %sign3A_34 = arith.extui %sign3A_33 : i1 to i32
      %sign3A_35 = arith.constant 0 : i32
      %sign3A_36 = arith.cmpi slt, %jit3A_25, %sign3A_35 : i32
      %sign3A_37 = arith.extui %sign3A_36 : i1 to i32
      %sign3A_38 = arith.subi %sign3A_34, %sign3A_37 : i32
      %ne3A = arith.cmpi ne, %sign3A_31, %sign3A_38 : i32
      %rem3A = arith.remsi %select_n3A_13, %jit3A_25 : i32
      %ne3A_39 = arith.constant 0 : i32
      %ne3A_40 = arith.cmpi ne, %rem3A, %ne3A_39 : i32
      %and3A = arith.andi %ne3A, %ne3A_40 : i1
      %sub3A = arith.constant 1 : i32
      %sub3A_41 = arith.subi %div3A, %sub3A : i32
      %select_n3A_42 = arith.select %and3A, %sub3A_41, %div3A : i32
      %while3A = arith.constant 0 : i32
      %while3A_43 = arith.constant 0 : i32
      %while3A_44 = arith.subi %select_n3A_42, %while3A_43 : i32
      %while3A_45 = arith.addi %while3A_43, %while3A_44 : i32
      %while3A_46 = arith.constant 1 : i32
      %while3A_47 = arith.divsi %while3A_44, %while3A_46 : i32
      %while3A_48 = arith.muli %while3A_47, %while3A_46 : i32
      %while3A_49 = arith.addi %while3A_43, %while3A_48 : i32
      %while3A_50 = arith.constant 1 : i32
      scf.for %while3A_52 = %while3A_43 to %while3A_49 step %while3A_50  : i32 {
        %mul3A_53 = arith.constant 2 : i32
        %mul3A_54 = arith.muli %mul3A_53, %while3A_52 : i32
        %add3A_55 = arith.constant 1 : i32
        %add3A_56 = arith.addi %mul3A_54, %add3A_55 : i32
        %dma_start3A = arith.constant 0 : i32
        %dma_start3A_57 = arith.constant 0 : i32
        %dma_start3A_58 = arith.constant 0 : i32
        %dma_start3A_59 = tpu.memref_slice %arg9[%dma_start3A, %dma_start3A_57, %dma_start3A_58] : memref<2x128x128xf32, #tpu.memory_space<vmem>> -> memref<1x128x128xf32, #tpu.memory_space<vmem>>
        %dma_start3A_60 = tpu.memref_squeeze %dma_start3A_59 : memref<1x128x128xf32, #tpu.memory_space<vmem>> -> memref<128x128xf32, #tpu.memory_space<vmem>>
        %dma_start3A_61 = arith.constant 0 : i32
        %dma_start3A_62 = tpu.memref_slice %arg7[%mul3A_54, %dma_start3A_61] : memref<54x128xi32, #tpu.memory_space<vmem>> -> memref<1x128xi32, #tpu.memory_space<vmem>>
        %dma_start3A_63 = tpu.memref_squeeze %dma_start3A_62 : memref<1x128xi32, #tpu.memory_space<vmem>> -> memref<128xi32, #tpu.memory_space<vmem>>
        %dma_start3A_64 = arith.constant 0 : i32
        %dma_start3A_65 = arith.constant 0 : i32
        %dma_start3A_66 = tpu.memref_slice %arg2[%dma_start3A_64, %dma_start3A_65] : memref<10240x128xf32, #tpu.memory_space<hbm>> -> memref<10240x128xf32, #tpu.memory_space<hbm>>
        tpu.enqueue_indirect_dma source(%dma_start3A_66 : memref<10240x128xf32, #tpu.memory_space<hbm>>) target(%dma_start3A_60 : memref<128x128xf32, #tpu.memory_space<vmem>>) offsets(%dma_start3A_63 : memref<128xi32, #tpu.memory_space<vmem>>) semaphore(%arg11 : memref<!tpu.dma_semaphore, #tpu.memory_space<semaphore_mem>>)
        %dma_start3A_67 = arith.constant 1 : i32
        %dma_start3A_68 = arith.constant 0 : i32
        %dma_start3A_69 = arith.constant 0 : i32
        %dma_start3A_70 = tpu.memref_slice %arg9[%dma_start3A_67, %dma_start3A_68, %dma_start3A_69] : memref<2x128x128xf32, #tpu.memory_space<vmem>> -> memref<1x128x128xf32, #tpu.memory_space<vmem>>
        %dma_start3A_71 = tpu.memref_squeeze %dma_start3A_70 : memref<1x128x128xf32, #tpu.memory_space<vmem>> -> memref<128x128xf32, #tpu.memory_space<vmem>>
        %dma_start3A_72 = arith.constant 0 : i32
        %dma_start3A_73 = tpu.memref_slice %arg7[%add3A_56, %dma_start3A_72] : memref<54x128xi32, #tpu.memory_space<vmem>> -> memref<1x128xi32, #tpu.memory_space<vmem>>
        %dma_start3A_74 = tpu.memref_squeeze %dma_start3A_73 : memref<1x128xi32, #tpu.memory_space<vmem>> -> memref<128xi32, #tpu.memory_space<vmem>>
        %dma_start3A_75 = arith.constant 0 : i32
        %dma_start3A_76 = arith.constant 0 : i32
        %dma_start3A_77 = tpu.memref_slice %arg2[%dma_start3A_75, %dma_start3A_76] : memref<10240x128xf32, #tpu.memory_space<hbm>> -> memref<10240x128xf32, #tpu.memory_space<hbm>>
        tpu.enqueue_indirect_dma source(%dma_start3A_77 : memref<10240x128xf32, #tpu.memory_space<hbm>>) target(%dma_start3A_71 : memref<128x128xf32, #tpu.memory_space<vmem>>) offsets(%dma_start3A_74 : memref<128xi32, #tpu.memory_space<vmem>>) semaphore(%arg12 : memref<!tpu.dma_semaphore, #tpu.memory_space<semaphore_mem>>)
        %dma_wait3A = arith.constant 0 : i32
        %dma_wait3A_78 = arith.constant 0 : i32
        %dma_wait3A_79 = arith.constant 0 : i32
        %dma_wait3A_80 = tpu.memref_slice %arg9[%dma_wait3A, %dma_wait3A_78, %dma_wait3A_79] : memref<2x128x128xf32, #tpu.memory_space<vmem>> -> memref<1x128x128xf32, #tpu.memory_space<vmem>>
        %dma_wait3A_81 = tpu.memref_squeeze %dma_wait3A_80 : memref<1x128x128xf32, #tpu.memory_space<vmem>> -> memref<128x128xf32, #tpu.memory_space<vmem>>
        %dma_wait3A_82 = arith.constant 0 : i32
        %dma_wait3A_83 = tpu.memref_slice %arg7[%mul3A_54, %dma_wait3A_82] : memref<54x128xi32, #tpu.memory_space<vmem>> -> memref<1x128xi32, #tpu.memory_space<vmem>>
        %dma_wait3A_84 = tpu.memref_squeeze %dma_wait3A_83 : memref<1x128xi32, #tpu.memory_space<vmem>> -> memref<128xi32, #tpu.memory_space<vmem>>
        %dma_wait3A_85 = arith.constant 0 : i32
        %dma_wait3A_86 = arith.constant 0 : i32
        %dma_wait3A_87 = tpu.memref_slice %arg2[%dma_wait3A_85, %dma_wait3A_86] : memref<10240x128xf32, #tpu.memory_space<hbm>> -> memref<10240x128xf32, #tpu.memory_space<hbm>>
        tpu.wait_indirect_dma semaphore(%arg11 : memref<!tpu.dma_semaphore, #tpu.memory_space<semaphore_mem>>) src(%dma_wait3A_87 : memref<10240x128xf32, #tpu.memory_space<hbm>>) dst(%dma_wait3A_81 : memref<128x128xf32, #tpu.memory_space<vmem>>)
        %run_scoped3A_88 = arith.constant 0 : i32
        "tpu.region"() ({
          %run_scoped3A_101 = tpu.sem_alloc : memref<!tpu.dma_semaphore, #tpu.memory_space<semaphore_mem>>
          %dma_start3A_102 = arith.constant 0 : i32
          %dma_start3A_103 = arith.constant 0 : i32
          %dma_start3A_104 = tpu.memref_slice %arg9[%run_scoped3A_88, %dma_start3A_102, %dma_start3A_103] : memref<2x128x128xf32, #tpu.memory_space<vmem>> -> memref<1x128x128xf32, #tpu.memory_space<vmem>>
          %dma_start3A_105 = tpu.memref_squeeze %dma_start3A_104 : memref<1x128x128xf32, #tpu.memory_space<vmem>> -> memref<128x128xf32, #tpu.memory_space<vmem>>
          %dma_start3A_106 = arith.constant 0 : i32
          %dma_start3A_107 = tpu.memref_slice %arg8[%mul3A_54, %dma_start3A_106] : memref<54x128xi32, #tpu.memory_space<vmem>> -> memref<1x128xi32, #tpu.memory_space<vmem>>
          %dma_start3A_108 = tpu.memref_squeeze %dma_start3A_107 : memref<1x128xi32, #tpu.memory_space<vmem>> -> memref<128xi32, #tpu.memory_space<vmem>>
          %dma_start3A_109 = arith.constant 0 : i32
          %dma_start3A_110 = arith.constant 0 : i32
          %dma_start3A_111 = tpu.memref_slice %arg10[%dma_start3A_109, %dma_start3A_110] : memref<10240x128xf32, #tpu.memory_space<vmem_shared>> -> memref<10240x128xf32, #tpu.memory_space<vmem_shared>>
          tpu.enqueue_indirect_dma source(%dma_start3A_105 : memref<128x128xf32, #tpu.memory_space<vmem>>) target(%dma_start3A_111 : memref<10240x128xf32, #tpu.memory_space<vmem_shared>>) offsets(%dma_start3A_108 : memref<128xi32, #tpu.memory_space<vmem>>) semaphore(%run_scoped3A_101 : memref<!tpu.dma_semaphore, #tpu.memory_space<semaphore_mem>>) {add = true}
          %dma_wait3A_112 = arith.constant 0 : i32
          %dma_wait3A_113 = arith.constant 0 : i32
          %dma_wait3A_114 = tpu.memref_slice %arg9[%run_scoped3A_88, %dma_wait3A_112, %dma_wait3A_113] : memref<2x128x128xf32, #tpu.memory_space<vmem>> -> memref<1x128x128xf32, #tpu.memory_space<vmem>>
          %dma_wait3A_115 = tpu.memref_squeeze %dma_wait3A_114 : memref<1x128x128xf32, #tpu.memory_space<vmem>> -> memref<128x128xf32, #tpu.memory_space<vmem>>
          %dma_wait3A_116 = arith.constant 0 : i32
          %dma_wait3A_117 = tpu.memref_slice %arg8[%mul3A_54, %dma_wait3A_116] : memref<54x128xi32, #tpu.memory_space<vmem>> -> memref<1x128xi32, #tpu.memory_space<vmem>>
          %dma_wait3A_118 = tpu.memref_squeeze %dma_wait3A_117 : memref<1x128xi32, #tpu.memory_space<vmem>> -> memref<128xi32, #tpu.memory_space<vmem>>
          %dma_wait3A_119 = arith.constant 0 : i32
          %dma_wait3A_120 = arith.constant 0 : i32
          %dma_wait3A_121 = tpu.memref_slice %arg10[%dma_wait3A_119, %dma_wait3A_120] : memref<10240x128xf32, #tpu.memory_space<vmem_shared>> -> memref<10240x128xf32, #tpu.memory_space<vmem_shared>>
          tpu.wait_indirect_dma semaphore(%run_scoped3A_101 : memref<!tpu.dma_semaphore, #tpu.memory_space<semaphore_mem>>) src(%dma_wait3A_115 : memref<128x128xf32, #tpu.memory_space<vmem>>) dst(%dma_wait3A_121 : memref<10240x128xf32, #tpu.memory_space<vmem_shared>>)
          tpu.yield
        }) : () -> ()
        %dma_wait3A_89 = arith.constant 1 : i32
        %dma_wait3A_90 = arith.constant 0 : i32
        %dma_wait3A_91 = arith.constant 0 : i32
        %dma_wait3A_92 = tpu.memref_slice %arg9[%dma_wait3A_89, %dma_wait3A_90, %dma_wait3A_91] : memref<2x128x128xf32, #tpu.memory_space<vmem>> -> memref<1x128x128xf32, #tpu.memory_space<vmem>>
        %dma_wait3A_93 = tpu.memref_squeeze %dma_wait3A_92 : memref<1x128x128xf32, #tpu.memory_space<vmem>> -> memref<128x128xf32, #tpu.memory_space<vmem>>
        %dma_wait3A_94 = arith.constant 0 : i32
        %dma_wait3A_95 = tpu.memref_slice %arg7[%add3A_56, %dma_wait3A_94] : memref<54x128xi32, #tpu.memory_space<vmem>> -> memref<1x128xi32, #tpu.memory_space<vmem>>
        %dma_wait3A_96 = tpu.memref_squeeze %dma_wait3A_95 : memref<1x128xi32, #tpu.memory_space<vmem>> -> memref<128xi32, #tpu.memory_space<vmem>>
        %dma_wait3A_97 = arith.constant 0 : i32
        %dma_wait3A_98 = arith.constant 0 : i32
        %dma_wait3A_99 = tpu.memref_slice %arg2[%dma_wait3A_97, %dma_wait3A_98] : memref<10240x128xf32, #tpu.memory_space<hbm>> -> memref<10240x128xf32, #tpu.memory_space<hbm>>
        tpu.wait_indirect_dma semaphore(%arg12 : memref<!tpu.dma_semaphore, #tpu.memory_space<semaphore_mem>>) src(%dma_wait3A_99 : memref<10240x128xf32, #tpu.memory_space<hbm>>) dst(%dma_wait3A_93 : memref<128x128xf32, #tpu.memory_space<vmem>>)
        %run_scoped3A_100 = arith.constant 1 : i32
        "tpu.region"() ({
          %run_scoped3A_101 = tpu.sem_alloc : memref<!tpu.dma_semaphore, #tpu.memory_space<semaphore_mem>>
          %dma_start3A_102 = arith.constant 0 : i32
          %dma_start3A_103 = arith.constant 0 : i32
          %dma_start3A_104 = tpu.memref_slice %arg9[%run_scoped3A_100, %dma_start3A_102, %dma_start3A_103] : memref<2x128x128xf32, #tpu.memory_space<vmem>> -> memref<1x128x128xf32, #tpu.memory_space<vmem>>
          %dma_start3A_105 = tpu.memref_squeeze %dma_start3A_104 : memref<1x128x128xf32, #tpu.memory_space<vmem>> -> memref<128x128xf32, #tpu.memory_space<vmem>>
          %dma_start3A_106 = arith.constant 0 : i32
          %dma_start3A_107 = tpu.memref_slice %arg8[%add3A_56, %dma_start3A_106] : memref<54x128xi32, #tpu.memory_space<vmem>> -> memref<1x128xi32, #tpu.memory_space<vmem>>
          %dma_start3A_108 = tpu.memref_squeeze %dma_start3A_107 : memref<1x128xi32, #tpu.memory_space<vmem>> -> memref<128xi32, #tpu.memory_space<vmem>>
          %dma_start3A_109 = arith.constant 0 : i32
          %dma_start3A_110 = arith.constant 0 : i32
          %dma_start3A_111 = tpu.memref_slice %arg10[%dma_start3A_109, %dma_start3A_110] : memref<10240x128xf32, #tpu.memory_space<vmem_shared>> -> memref<10240x128xf32, #tpu.memory_space<vmem_shared>>
          tpu.enqueue_indirect_dma source(%dma_start3A_105 : memref<128x128xf32, #tpu.memory_space<vmem>>) target(%dma_start3A_111 : memref<10240x128xf32, #tpu.memory_space<vmem_shared>>) offsets(%dma_start3A_108 : memref<128xi32, #tpu.memory_space<vmem>>) semaphore(%run_scoped3A_101 : memref<!tpu.dma_semaphore, #tpu.memory_space<semaphore_mem>>) {add = true}
          %dma_wait3A_112 = arith.constant 0 : i32
          %dma_wait3A_113 = arith.constant 0 : i32
          %dma_wait3A_114 = tpu.memref_slice %arg9[%run_scoped3A_100, %dma_wait3A_112, %dma_wait3A_113] : memref<2x128x128xf32, #tpu.memory_space<vmem>> -> memref<1x128x128xf32, #tpu.memory_space<vmem>>
          %dma_wait3A_115 = tpu.memref_squeeze %dma_wait3A_114 : memref<1x128x128xf32, #tpu.memory_space<vmem>> -> memref<128x128xf32, #tpu.memory_space<vmem>>
          %dma_wait3A_116 = arith.constant 0 : i32
          %dma_wait3A_117 = tpu.memref_slice %arg8[%add3A_56, %dma_wait3A_116] : memref<54x128xi32, #tpu.memory_space<vmem>> -> memref<1x128xi32, #tpu.memory_space<vmem>>
          %dma_wait3A_118 = tpu.memref_squeeze %dma_wait3A_117 : memref<1x128xi32, #tpu.memory_space<vmem>> -> memref<128xi32, #tpu.memory_space<vmem>>
          %dma_wait3A_119 = arith.constant 0 : i32
          %dma_wait3A_120 = arith.constant 0 : i32
          %dma_wait3A_121 = tpu.memref_slice %arg10[%dma_wait3A_119, %dma_wait3A_120] : memref<10240x128xf32, #tpu.memory_space<vmem_shared>> -> memref<10240x128xf32, #tpu.memory_space<vmem_shared>>
          tpu.wait_indirect_dma semaphore(%run_scoped3A_101 : memref<!tpu.dma_semaphore, #tpu.memory_space<semaphore_mem>>) src(%dma_wait3A_115 : memref<128x128xf32, #tpu.memory_space<vmem>>) dst(%dma_wait3A_121 : memref<10240x128xf32, #tpu.memory_space<vmem_shared>>)
          tpu.yield
        }) : () -> ()
      }
      %while3A_51 = arith.constant 1 : i32
      scf.for %while3A_52 = %while3A_49 to %while3A_45 step %while3A_51  : i32 {
        %mul3A_53 = arith.constant 2 : i32
        %mul3A_54 = arith.muli %mul3A_53, %while3A_52 : i32
        %add3A_55 = arith.constant 1 : i32
        %add3A_56 = arith.addi %mul3A_54, %add3A_55 : i32
        %dma_start3A = arith.constant 0 : i32
        %dma_start3A_57 = arith.constant 0 : i32
        %dma_start3A_58 = arith.constant 0 : i32
        %dma_start3A_59 = tpu.memref_slice %arg9[%dma_start3A, %dma_start3A_57, %dma_start3A_58] : memref<2x128x128xf32, #tpu.memory_space<vmem>> -> memref<1x128x128xf32, #tpu.memory_space<vmem>>
        %dma_start3A_60 = tpu.memref_squeeze %dma_start3A_59 : memref<1x128x128xf32, #tpu.memory_space<vmem>> -> memref<128x128xf32, #tpu.memory_space<vmem>>
        %dma_start3A_61 = arith.constant 0 : i32
        %dma_start3A_62 = tpu.memref_slice %arg7[%mul3A_54, %dma_start3A_61] : memref<54x128xi32, #tpu.memory_space<vmem>> -> memref<1x128xi32, #tpu.memory_space<vmem>>
        %dma_start3A_63 = tpu.memref_squeeze %dma_start3A_62 : memref<1x128xi32, #tpu.memory_space<vmem>> -> memref<128xi32, #tpu.memory_space<vmem>>
        %dma_start3A_64 = arith.constant 0 : i32
        %dma_start3A_65 = arith.constant 0 : i32
        %dma_start3A_66 = tpu.memref_slice %arg2[%dma_start3A_64, %dma_start3A_65] : memref<10240x128xf32, #tpu.memory_space<hbm>> -> memref<10240x128xf32, #tpu.memory_space<hbm>>
        tpu.enqueue_indirect_dma source(%dma_start3A_66 : memref<10240x128xf32, #tpu.memory_space<hbm>>) target(%dma_start3A_60 : memref<128x128xf32, #tpu.memory_space<vmem>>) offsets(%dma_start3A_63 : memref<128xi32, #tpu.memory_space<vmem>>) semaphore(%arg11 : memref<!tpu.dma_semaphore, #tpu.memory_space<semaphore_mem>>)
        %dma_start3A_67 = arith.constant 1 : i32
        %dma_start3A_68 = arith.constant 0 : i32
        %dma_start3A_69 = arith.constant 0 : i32
        %dma_start3A_70 = tpu.memref_slice %arg9[%dma_start3A_67, %dma_start3A_68, %dma_start3A_69] : memref<2x128x128xf32, #tpu.memory_space<vmem>> -> memref<1x128x128xf32, #tpu.memory_space<vmem>>
        %dma_start3A_71 = tpu.memref_squeeze %dma_start3A_70 : memref<1x128x128xf32, #tpu.memory_space<vmem>> -> memref<128x128xf32, #tpu.memory_space<vmem>>
        %dma_start3A_72 = arith.constant 0 : i32
        %dma_start3A_73 = tpu.memref_slice %arg7[%add3A_56, %dma_start3A_72] : memref<54x128xi32, #tpu.memory_space<vmem>> -> memref<1x128xi32, #tpu.memory_space<vmem>>
        %dma_start3A_74 = tpu.memref_squeeze %dma_start3A_73 : memref<1x128xi32, #tpu.memory_space<vmem>> -> memref<128xi32, #tpu.memory_space<vmem>>
        %dma_start3A_75 = arith.constant 0 : i32
        %dma_start3A_76 = arith.constant 0 : i32
        %dma_start3A_77 = tpu.memref_slice %arg2[%dma_start3A_75, %dma_start3A_76] : memref<10240x128xf32, #tpu.memory_space<hbm>> -> memref<10240x128xf32, #tpu.memory_space<hbm>>
        tpu.enqueue_indirect_dma source(%dma_start3A_77 : memref<10240x128xf32, #tpu.memory_space<hbm>>) target(%dma_start3A_71 : memref<128x128xf32, #tpu.memory_space<vmem>>) offsets(%dma_start3A_74 : memref<128xi32, #tpu.memory_space<vmem>>) semaphore(%arg12 : memref<!tpu.dma_semaphore, #tpu.memory_space<semaphore_mem>>)
        %dma_wait3A = arith.constant 0 : i32
        %dma_wait3A_78 = arith.constant 0 : i32
        %dma_wait3A_79 = arith.constant 0 : i32
        %dma_wait3A_80 = tpu.memref_slice %arg9[%dma_wait3A, %dma_wait3A_78, %dma_wait3A_79] : memref<2x128x128xf32, #tpu.memory_space<vmem>> -> memref<1x128x128xf32, #tpu.memory_space<vmem>>
        %dma_wait3A_81 = tpu.memref_squeeze %dma_wait3A_80 : memref<1x128x128xf32, #tpu.memory_space<vmem>> -> memref<128x128xf32, #tpu.memory_space<vmem>>
        %dma_wait3A_82 = arith.constant 0 : i32
        %dma_wait3A_83 = tpu.memref_slice %arg7[%mul3A_54, %dma_wait3A_82] : memref<54x128xi32, #tpu.memory_space<vmem>> -> memref<1x128xi32, #tpu.memory_space<vmem>>
        %dma_wait3A_84 = tpu.memref_squeeze %dma_wait3A_83 : memref<1x128xi32, #tpu.memory_space<vmem>> -> memref<128xi32, #tpu.memory_space<vmem>>
        %dma_wait3A_85 = arith.constant 0 : i32
        %dma_wait3A_86 = arith.constant 0 : i32
        %dma_wait3A_87 = tpu.memref_slice %arg2[%dma_wait3A_85, %dma_wait3A_86] : memref<10240x128xf32, #tpu.memory_space<hbm>> -> memref<10240x128xf32, #tpu.memory_space<hbm>>
        tpu.wait_indirect_dma semaphore(%arg11 : memref<!tpu.dma_semaphore, #tpu.memory_space<semaphore_mem>>) src(%dma_wait3A_87 : memref<10240x128xf32, #tpu.memory_space<hbm>>) dst(%dma_wait3A_81 : memref<128x128xf32, #tpu.memory_space<vmem>>)
        %run_scoped3A_88 = arith.constant 0 : i32
        "tpu.region"() ({
          %run_scoped3A_101 = tpu.sem_alloc : memref<!tpu.dma_semaphore, #tpu.memory_space<semaphore_mem>>
          %dma_start3A_102 = arith.constant 0 : i32
          %dma_start3A_103 = arith.constant 0 : i32
          %dma_start3A_104 = tpu.memref_slice %arg9[%run_scoped3A_88, %dma_start3A_102, %dma_start3A_103] : memref<2x128x128xf32, #tpu.memory_space<vmem>> -> memref<1x128x128xf32, #tpu.memory_space<vmem>>
          %dma_start3A_105 = tpu.memref_squeeze %dma_start3A_104 : memref<1x128x128xf32, #tpu.memory_space<vmem>> -> memref<128x128xf32, #tpu.memory_space<vmem>>
          %dma_start3A_106 = arith.constant 0 : i32
          %dma_start3A_107 = tpu.memref_slice %arg8[%mul3A_54, %dma_start3A_106] : memref<54x128xi32, #tpu.memory_space<vmem>> -> memref<1x128xi32, #tpu.memory_space<vmem>>
          %dma_start3A_108 = tpu.memref_squeeze %dma_start3A_107 : memref<1x128xi32, #tpu.memory_space<vmem>> -> memref<128xi32, #tpu.memory_space<vmem>>
          %dma_start3A_109 = arith.constant 0 : i32
          %dma_start3A_110 = arith.constant 0 : i32
          %dma_start3A_111 = tpu.memref_slice %arg10[%dma_start3A_109, %dma_start3A_110] : memref<10240x128xf32, #tpu.memory_space<vmem_shared>> -> memref<10240x128xf32, #tpu.memory_space<vmem_shared>>
          tpu.enqueue_indirect_dma source(%dma_start3A_105 : memref<128x128xf32, #tpu.memory_space<vmem>>) target(%dma_start3A_111 : memref<10240x128xf32, #tpu.memory_space<vmem_shared>>) offsets(%dma_start3A_108 : memref<128xi32, #tpu.memory_space<vmem>>) semaphore(%run_scoped3A_101 : memref<!tpu.dma_semaphore, #tpu.memory_space<semaphore_mem>>) {add = true}
          %dma_wait3A_112 = arith.constant 0 : i32
          %dma_wait3A_113 = arith.constant 0 : i32
          %dma_wait3A_114 = tpu.memref_slice %arg9[%run_scoped3A_88, %dma_wait3A_112, %dma_wait3A_113] : memref<2x128x128xf32, #tpu.memory_space<vmem>> -> memref<1x128x128xf32, #tpu.memory_space<vmem>>
          %dma_wait3A_115 = tpu.memref_squeeze %dma_wait3A_114 : memref<1x128x128xf32, #tpu.memory_space<vmem>> -> memref<128x128xf32, #tpu.memory_space<vmem>>
          %dma_wait3A_116 = arith.constant 0 : i32
          %dma_wait3A_117 = tpu.memref_slice %arg8[%mul3A_54, %dma_wait3A_116] : memref<54x128xi32, #tpu.memory_space<vmem>> -> memref<1x128xi32, #tpu.memory_space<vmem>>
          %dma_wait3A_118 = tpu.memref_squeeze %dma_wait3A_117 : memref<1x128xi32, #tpu.memory_space<vmem>> -> memref<128xi32, #tpu.memory_space<vmem>>
          %dma_wait3A_119 = arith.constant 0 : i32
          %dma_wait3A_120 = arith.constant 0 : i32
          %dma_wait3A_121 = tpu.memref_slice %arg10[%dma_wait3A_119, %dma_wait3A_120] : memref<10240x128xf32, #tpu.memory_space<vmem_shared>> -> memref<10240x128xf32, #tpu.memory_space<vmem_shared>>
          tpu.wait_indirect_dma semaphore(%run_scoped3A_101 : memref<!tpu.dma_semaphore, #tpu.memory_space<semaphore_mem>>) src(%dma_wait3A_115 : memref<128x128xf32, #tpu.memory_space<vmem>>) dst(%dma_wait3A_121 : memref<10240x128xf32, #tpu.memory_space<vmem_shared>>)
          tpu.yield
        }) : () -> ()
        %dma_wait3A_89 = arith.constant 1 : i32
        %dma_wait3A_90 = arith.constant 0 : i32
        %dma_wait3A_91 = arith.constant 0 : i32
        %dma_wait3A_92 = tpu.memref_slice %arg9[%dma_wait3A_89, %dma_wait3A_90, %dma_wait3A_91] : memref<2x128x128xf32, #tpu.memory_space<vmem>> -> memref<1x128x128xf32, #tpu.memory_space<vmem>>
        %dma_wait3A_93 = tpu.memref_squeeze %dma_wait3A_92 : memref<1x128x128xf32, #tpu.memory_space<vmem>> -> memref<128x128xf32, #tpu.memory_space<vmem>>
        %dma_wait3A_94 = arith.constant 0 : i32
        %dma_wait3A_95 = tpu.memref_slice %arg7[%add3A_56, %dma_wait3A_94] : memref<54x128xi32, #tpu.memory_space<vmem>> -> memref<1x128xi32, #tpu.memory_space<vmem>>
        %dma_wait3A_96 = tpu.memref_squeeze %dma_wait3A_95 : memref<1x128xi32, #tpu.memory_space<vmem>> -> memref<128xi32, #tpu.memory_space<vmem>>
        %dma_wait3A_97 = arith.constant 0 : i32
        %dma_wait3A_98 = arith.constant 0 : i32
        %dma_wait3A_99 = tpu.memref_slice %arg2[%dma_wait3A_97, %dma_wait3A_98] : memref<10240x128xf32, #tpu.memory_space<hbm>> -> memref<10240x128xf32, #tpu.memory_space<hbm>>
        tpu.wait_indirect_dma semaphore(%arg12 : memref<!tpu.dma_semaphore, #tpu.memory_space<semaphore_mem>>) src(%dma_wait3A_99 : memref<10240x128xf32, #tpu.memory_space<hbm>>) dst(%dma_wait3A_93 : memref<128x128xf32, #tpu.memory_space<vmem>>)
        %run_scoped3A_100 = arith.constant 1 : i32
        "tpu.region"() ({
          %run_scoped3A_101 = tpu.sem_alloc : memref<!tpu.dma_semaphore, #tpu.memory_space<semaphore_mem>>
          %dma_start3A_102 = arith.constant 0 : i32
          %dma_start3A_103 = arith.constant 0 : i32
          %dma_start3A_104 = tpu.memref_slice %arg9[%run_scoped3A_100, %dma_start3A_102, %dma_start3A_103] : memref<2x128x128xf32, #tpu.memory_space<vmem>> -> memref<1x128x128xf32, #tpu.memory_space<vmem>>
          %dma_start3A_105 = tpu.memref_squeeze %dma_start3A_104 : memref<1x128x128xf32, #tpu.memory_space<vmem>> -> memref<128x128xf32, #tpu.memory_space<vmem>>
          %dma_start3A_106 = arith.constant 0 : i32
          %dma_start3A_107 = tpu.memref_slice %arg8[%add3A_56, %dma_start3A_106] : memref<54x128xi32, #tpu.memory_space<vmem>> -> memref<1x128xi32, #tpu.memory_space<vmem>>
          %dma_start3A_108 = tpu.memref_squeeze %dma_start3A_107 : memref<1x128xi32, #tpu.memory_space<vmem>> -> memref<128xi32, #tpu.memory_space<vmem>>
          %dma_start3A_109 = arith.constant 0 : i32
          %dma_start3A_110 = arith.constant 0 : i32
          %dma_start3A_111 = tpu.memref_slice %arg10[%dma_start3A_109, %dma_start3A_110] : memref<10240x128xf32, #tpu.memory_space<vmem_shared>> -> memref<10240x128xf32, #tpu.memory_space<vmem_shared>>
          tpu.enqueue_indirect_dma source(%dma_start3A_105 : memref<128x128xf32, #tpu.memory_space<vmem>>) target(%dma_start3A_111 : memref<10240x128xf32, #tpu.memory_space<vmem_shared>>) offsets(%dma_start3A_108 : memref<128xi32, #tpu.memory_space<vmem>>) semaphore(%run_scoped3A_101 : memref<!tpu.dma_semaphore, #tpu.memory_space<semaphore_mem>>) {add = true}
          %dma_wait3A_112 = arith.constant 0 : i32
          %dma_wait3A_113 = arith.constant 0 : i32
          %dma_wait3A_114 = tpu.memref_slice %arg9[%run_scoped3A_100, %dma_wait3A_112, %dma_wait3A_113] : memref<2x128x128xf32, #tpu.memory_space<vmem>> -> memref<1x128x128xf32, #tpu.memory_space<vmem>>
          %dma_wait3A_115 = tpu.memref_squeeze %dma_wait3A_114 : memref<1x128x128xf32, #tpu.memory_space<vmem>> -> memref<128x128xf32, #tpu.memory_space<vmem>>
          %dma_wait3A_116 = arith.constant 0 : i32
          %dma_wait3A_117 = tpu.memref_slice %arg8[%add3A_56, %dma_wait3A_116] : memref<54x128xi32, #tpu.memory_space<vmem>> -> memref<1x128xi32, #tpu.memory_space<vmem>>
          %dma_wait3A_118 = tpu.memref_squeeze %dma_wait3A_117 : memref<1x128xi32, #tpu.memory_space<vmem>> -> memref<128xi32, #tpu.memory_space<vmem>>
          %dma_wait3A_119 = arith.constant 0 : i32
          %dma_wait3A_120 = arith.constant 0 : i32
          %dma_wait3A_121 = tpu.memref_slice %arg10[%dma_wait3A_119, %dma_wait3A_120] : memref<10240x128xf32, #tpu.memory_space<vmem_shared>> -> memref<10240x128xf32, #tpu.memory_space<vmem_shared>>
          tpu.wait_indirect_dma semaphore(%run_scoped3A_101 : memref<!tpu.dma_semaphore, #tpu.memory_space<semaphore_mem>>) src(%dma_wait3A_115 : memref<128x128xf32, #tpu.memory_space<vmem>>) dst(%dma_wait3A_121 : memref<10240x128xf32, #tpu.memory_space<vmem_shared>>)
          tpu.yield
        }) : () -> ()
      }
    } else {
    }
    %barrier3A_19 = arith.constant 0 : index
    tpu.barrier barrier_id(%barrier3A_19)
    %mul3A_20 = arith.constant 640 : i32
    %mul3A_21 = arith.muli %arg1, %mul3A_20 : i32
    %mul3A_22 = arith.constant 640 : i32
    %mul3A_23 = arith.muli %arg1, %mul3A_22 : i32
    "tpu.region"() ({
      %run_scoped3A = tpu.sem_alloc : memref<!tpu.dma_semaphore, #tpu.memory_space<semaphore_mem>>
      %dma_start3A = arith.constant 0 : i32
      %dma_start3A_24 = tpu.memref_slice %arg6[%arg0, %mul3A_23, %dma_start3A] : memref<2x10240x128xf32, #tpu.memory_space<hbm>> -> memref<1x640x128xf32, #tpu.memory_space<hbm>>
      %dma_start3A_25 = tpu.memref_squeeze %dma_start3A_24 : memref<1x640x128xf32, #tpu.memory_space<hbm>> -> memref<640x128xf32, #tpu.memory_space<hbm>>
      %dma_start3A_26 = arith.constant 0 : i32
      %dma_start3A_27 = tpu.memref_slice %arg10[%mul3A_21, %dma_start3A_26] : memref<10240x128xf32, #tpu.memory_space<vmem_shared>> -> memref<640x128xf32, #tpu.memory_space<vmem_shared>>
      tpu.enqueue_dma source(%dma_start3A_27 : memref<640x128xf32, #tpu.memory_space<vmem_shared>>) target(%dma_start3A_25 : memref<640x128xf32, #tpu.memory_space<hbm>>) target_semaphore(%run_scoped3A : memref<!tpu.dma_semaphore, #tpu.memory_space<semaphore_mem>>)
      %dma_wait3A = arith.constant 0 : i32
      %dma_wait3A_28 = tpu.memref_slice %arg6[%arg0, %mul3A_23, %dma_wait3A] : memref<2x10240x128xf32, #tpu.memory_space<hbm>> -> memref<1x640x128xf32, #tpu.memory_space<hbm>>
      %dma_wait3A_29 = tpu.memref_squeeze %dma_wait3A_28 : memref<1x640x128xf32, #tpu.memory_space<hbm>> -> memref<640x128xf32, #tpu.memory_space<hbm>>
      %dma_wait3A_30 = arith.constant 0 : i32
      %dma_wait3A_31 = tpu.memref_slice %arg10[%mul3A_21, %dma_wait3A_30] : memref<10240x128xf32, #tpu.memory_space<vmem_shared>> -> memref<640x128xf32, #tpu.memory_space<vmem_shared>>
      tpu.wait_dma2 semaphore(%run_scoped3A : memref<!tpu.dma_semaphore, #tpu.memory_space<semaphore_mem>>) src(%dma_wait3A_31 : memref<640x128xf32, #tpu.memory_space<vmem_shared>>) dst(%dma_wait3A_29 : memref<640x128xf32, #tpu.memory_space<hbm>>)
      tpu.yield
    }) : () -> ()
    return
  }
}

#map = affine_map<(d0, d1) -> (0, 0)>
#map1 = affine_map<(d0, d1) -> (0, 0, 0, 0)>
#map2 = affine_map<(d0, d1) -> (0, 0, 0)>
module attributes {stable_mosaic.version = 14 : i64} {
  func.func @_edge_pass(%arg0: i32, %arg1: i32, %arg2: memref<10240x128xf32, #tpu.memory_space<hbm>>, %arg3: memref<32x2x54x128xi32, #tpu.memory_space<hbm>>, %arg4: memref<32x2x54x128xi32, #tpu.memory_space<hbm>>, %arg5: memref<10240x128xf32, #tpu.memory_space<hbm>>, %arg6: memref<2x10240x128xf32, #tpu.memory_space<hbm>>, %arg7: memref<54x128xi32, #tpu.memory_space<vmem>>, %arg8: memref<54x128xi32, #tpu.memory_space<vmem>>, %arg9: memref<2x128x128xf32, #tpu.memory_space<vmem>>, %arg10: memref<10240x128xf32, #tpu.memory_space<vmem_shared>>, %arg11: memref<!tpu.dma_semaphore, #tpu.memory_space<semaphore_mem>>, %arg12: memref<!tpu.dma_semaphore, #tpu.memory_space<semaphore_mem>>) attributes {dimension_semantics = [#tpu.dimension_semantics<core_parallel>, #tpu.dimension_semantics<subcore_parallel>], iteration_bounds = array<i64: 2, 16>, scalar_prefetch = 0 : i64, scratch_operands = 6 : i64, tpu.core_type = #tpu.core_type<sc_vector_subcore>, window_params = [{transform_indices = #map}, {transform_indices = #map1}, {transform_indices = #map1}, {transform_indices = #map}, {transform_indices = #map2}]} {
    %mul3A = arith.constant 2 : i32
    %mul3A_0 = arith.muli %arg1, %mul3A : i32
    %add3A = arith.addi %mul3A_0, %arg0 : i32
    %mul3A_1 = arith.constant 640 : i32
    %mul3A_2 = arith.muli %arg1, %mul3A_1 : i32
    %mul3A_3 = arith.constant 640 : i32
    %mul3A_4 = arith.muli %arg1, %mul3A_3 : i32
    "tpu.region"() ({
      %run_scoped3A = tpu.sem_alloc : memref<!tpu.dma_semaphore, #tpu.memory_space<semaphore_mem>>
      %dma_start3A = arith.constant 0 : i32
      %dma_start3A_24 = tpu.memref_slice %arg10[%mul3A_4, %dma_start3A] : memref<10240x128xf32, #tpu.memory_space<vmem_shared>> -> memref<640x128xf32, #tpu.memory_space<vmem_shared>>
      %dma_start3A_25 = arith.constant 0 : i32
      %dma_start3A_26 = tpu.memref_slice %arg5[%mul3A_2, %dma_start3A_25] : memref<10240x128xf32, #tpu.memory_space<hbm>> -> memref<640x128xf32, #tpu.memory_space<hbm>>
      tpu.enqueue_dma source(%dma_start3A_26 : memref<640x128xf32, #tpu.memory_space<hbm>>) target(%dma_start3A_24 : memref<640x128xf32, #tpu.memory_space<vmem_shared>>) target_semaphore(%run_scoped3A : memref<!tpu.dma_semaphore, #tpu.memory_space<semaphore_mem>>)
      %dma_wait3A = arith.constant 0 : i32
      %dma_wait3A_27 = tpu.memref_slice %arg10[%mul3A_4, %dma_wait3A] : memref<10240x128xf32, #tpu.memory_space<vmem_shared>> -> memref<640x128xf32, #tpu.memory_space<vmem_shared>>
      %dma_wait3A_28 = arith.constant 0 : i32
      %dma_wait3A_29 = tpu.memref_slice %arg5[%mul3A_2, %dma_wait3A_28] : memref<10240x128xf32, #tpu.memory_space<hbm>> -> memref<640x128xf32, #tpu.memory_space<hbm>>
      tpu.wait_dma2 semaphore(%run_scoped3A : memref<!tpu.dma_semaphore, #tpu.memory_space<semaphore_mem>>) src(%dma_wait3A_29 : memref<640x128xf32, #tpu.memory_space<hbm>>) dst(%dma_wait3A_27 : memref<640x128xf32, #tpu.memory_space<vmem_shared>>)
      tpu.yield
    }) : () -> ()
    %barrier3A = arith.constant 0 : index
    tpu.barrier barrier_id(%barrier3A)
    %eq3A = arith.constant 0 : i32
    %eq3A_5 = arith.cmpi eq, %arg0, %eq3A : i32
    %jit3A = arith.constant 54 : i32
    %jit3A_6 = arith.constant 52 : i32
    %select_n3A = arith.select %eq3A_5, %jit3A, %jit3A_6 : i32
    %gt3A = arith.constant 0 : i32
    %gt3A_7 = arith.cmpi sgt, %select_n3A, %gt3A : i32
    %convert_element_type3A = arith.extui %gt3A_7 : i1 to i32
    %cond3A = arith.constant 0 : i32
    %cond3A_8 = arith.cmpi ne, %convert_element_type3A, %cond3A : i32
    scf.if %cond3A_8 {
      %run_scoped3A = arith.constant 0 : i32
      "tpu.region"() ({
        %run_scoped3A_52 = tpu.sem_alloc : memref<!tpu.dma_semaphore, #tpu.memory_space<semaphore_mem>>
        %dma_start3A = arith.constant 0 : i32
        %dma_start3A_53 = arith.constant 0 : i32
        %dma_start3A_54 = tpu.memref_slice %arg3[%add3A, %run_scoped3A, %dma_start3A, %dma_start3A_53] : memref<32x2x54x128xi32, #tpu.memory_space<hbm>> -> memref<1x1x54x128xi32, #tpu.memory_space<hbm>>
        %dma_start3A_55 = tpu.memref_squeeze %dma_start3A_54 : memref<1x1x54x128xi32, #tpu.memory_space<hbm>> -> memref<54x128xi32, #tpu.memory_space<hbm>>
        %dma_start3A_56 = arith.constant 0 : i32
        %dma_start3A_57 = arith.constant 0 : i32
        %dma_start3A_58 = tpu.memref_slice %arg3[%add3A, %run_scoped3A, %dma_start3A_56, %dma_start3A_57] : memref<32x2x54x128xi32, #tpu.memory_space<hbm>> -> memref<1x1x54x128xi32, #tpu.memory_space<hbm>>
        %dma_start3A_59 = tpu.memref_squeeze %dma_start3A_58 : memref<1x1x54x128xi32, #tpu.memory_space<hbm>> -> memref<54x128xi32, #tpu.memory_space<hbm>>
        tpu.enqueue_dma source(%dma_start3A_59 : memref<54x128xi32, #tpu.memory_space<hbm>>) target(%arg7 : memref<54x128xi32, #tpu.memory_space<vmem>>) target_semaphore(%run_scoped3A_52 : memref<!tpu.dma_semaphore, #tpu.memory_space<semaphore_mem>>)
        %dma_wait3A = arith.constant 0 : i32
        %dma_wait3A_60 = arith.constant 0 : i32
        %dma_wait3A_61 = tpu.memref_slice %arg3[%add3A, %run_scoped3A, %dma_wait3A, %dma_wait3A_60] : memref<32x2x54x128xi32, #tpu.memory_space<hbm>> -> memref<1x1x54x128xi32, #tpu.memory_space<hbm>>
        %dma_wait3A_62 = tpu.memref_squeeze %dma_wait3A_61 : memref<1x1x54x128xi32, #tpu.memory_space<hbm>> -> memref<54x128xi32, #tpu.memory_space<hbm>>
        %dma_wait3A_63 = arith.constant 0 : i32
        %dma_wait3A_64 = arith.constant 0 : i32
        %dma_wait3A_65 = tpu.memref_slice %arg3[%add3A, %run_scoped3A, %dma_wait3A_63, %dma_wait3A_64] : memref<32x2x54x128xi32, #tpu.memory_space<hbm>> -> memref<1x1x54x128xi32, #tpu.memory_space<hbm>>
        %dma_wait3A_66 = tpu.memref_squeeze %dma_wait3A_65 : memref<1x1x54x128xi32, #tpu.memory_space<hbm>> -> memref<54x128xi32, #tpu.memory_space<hbm>>
        tpu.wait_dma2 semaphore(%run_scoped3A_52 : memref<!tpu.dma_semaphore, #tpu.memory_space<semaphore_mem>>) src(%dma_wait3A_66 : memref<54x128xi32, #tpu.memory_space<hbm>>) dst(%arg7 : memref<54x128xi32, #tpu.memory_space<vmem>>)
        tpu.yield
      }) : () -> ()
      %run_scoped3A_24 = arith.constant 0 : i32
      "tpu.region"() ({
        %run_scoped3A_52 = tpu.sem_alloc : memref<!tpu.dma_semaphore, #tpu.memory_space<semaphore_mem>>
        %dma_start3A = arith.constant 0 : i32
        %dma_start3A_53 = arith.constant 0 : i32
        %dma_start3A_54 = tpu.memref_slice %arg4[%add3A, %run_scoped3A_24, %dma_start3A, %dma_start3A_53] : memref<32x2x54x128xi32, #tpu.memory_space<hbm>> -> memref<1x1x54x128xi32, #tpu.memory_space<hbm>>
        %dma_start3A_55 = tpu.memref_squeeze %dma_start3A_54 : memref<1x1x54x128xi32, #tpu.memory_space<hbm>> -> memref<54x128xi32, #tpu.memory_space<hbm>>
        %dma_start3A_56 = arith.constant 0 : i32
        %dma_start3A_57 = arith.constant 0 : i32
        %dma_start3A_58 = tpu.memref_slice %arg4[%add3A, %run_scoped3A_24, %dma_start3A_56, %dma_start3A_57] : memref<32x2x54x128xi32, #tpu.memory_space<hbm>> -> memref<1x1x54x128xi32, #tpu.memory_space<hbm>>
        %dma_start3A_59 = tpu.memref_squeeze %dma_start3A_58 : memref<1x1x54x128xi32, #tpu.memory_space<hbm>> -> memref<54x128xi32, #tpu.memory_space<hbm>>
        tpu.enqueue_dma source(%dma_start3A_59 : memref<54x128xi32, #tpu.memory_space<hbm>>) target(%arg8 : memref<54x128xi32, #tpu.memory_space<vmem>>) target_semaphore(%run_scoped3A_52 : memref<!tpu.dma_semaphore, #tpu.memory_space<semaphore_mem>>)
        %dma_wait3A = arith.constant 0 : i32
        %dma_wait3A_60 = arith.constant 0 : i32
        %dma_wait3A_61 = tpu.memref_slice %arg4[%add3A, %run_scoped3A_24, %dma_wait3A, %dma_wait3A_60] : memref<32x2x54x128xi32, #tpu.memory_space<hbm>> -> memref<1x1x54x128xi32, #tpu.memory_space<hbm>>
        %dma_wait3A_62 = tpu.memref_squeeze %dma_wait3A_61 : memref<1x1x54x128xi32, #tpu.memory_space<hbm>> -> memref<54x128xi32, #tpu.memory_space<hbm>>
        %dma_wait3A_63 = arith.constant 0 : i32
        %dma_wait3A_64 = arith.constant 0 : i32
        %dma_wait3A_65 = tpu.memref_slice %arg4[%add3A, %run_scoped3A_24, %dma_wait3A_63, %dma_wait3A_64] : memref<32x2x54x128xi32, #tpu.memory_space<hbm>> -> memref<1x1x54x128xi32, #tpu.memory_space<hbm>>
        %dma_wait3A_66 = tpu.memref_squeeze %dma_wait3A_65 : memref<1x1x54x128xi32, #tpu.memory_space<hbm>> -> memref<54x128xi32, #tpu.memory_space<hbm>>
        tpu.wait_dma2 semaphore(%run_scoped3A_52 : memref<!tpu.dma_semaphore, #tpu.memory_space<semaphore_mem>>) src(%dma_wait3A_66 : memref<54x128xi32, #tpu.memory_space<hbm>>) dst(%arg8 : memref<54x128xi32, #tpu.memory_space<vmem>>)
        tpu.yield
      }) : () -> ()
      %jit3A_25 = arith.constant 2 : i32
      %div3A = arith.divsi %select_n3A, %jit3A_25 : i32
      %sign3A = arith.constant 0 : i32
      %sign3A_26 = arith.cmpi sgt, %select_n3A, %sign3A : i32
      %sign3A_27 = arith.extui %sign3A_26 : i1 to i32
      %sign3A_28 = arith.constant 0 : i32
      %sign3A_29 = arith.cmpi slt, %select_n3A, %sign3A_28 : i32
      %sign3A_30 = arith.extui %sign3A_29 : i1 to i32
      %sign3A_31 = arith.subi %sign3A_27, %sign3A_30 : i32
      %sign3A_32 = arith.constant 0 : i32
      %sign3A_33 = arith.cmpi sgt, %jit3A_25, %sign3A_32 : i32
      %sign3A_34 = arith.extui %sign3A_33 : i1 to i32
      %sign3A_35 = arith.constant 0 : i32
      %sign3A_36 = arith.cmpi slt, %jit3A_25, %sign3A_35 : i32
      %sign3A_37 = arith.extui %sign3A_36 : i1 to i32
      %sign3A_38 = arith.subi %sign3A_34, %sign3A_37 : i32
      %ne3A = arith.cmpi ne, %sign3A_31, %sign3A_38 : i32
      %rem3A = arith.remsi %select_n3A, %jit3A_25 : i32
      %ne3A_39 = arith.constant 0 : i32
      %ne3A_40 = arith.cmpi ne, %rem3A, %ne3A_39 : i32
      %and3A = arith.andi %ne3A, %ne3A_40 : i1
      %sub3A = arith.constant 1 : i32
      %sub3A_41 = arith.subi %div3A, %sub3A : i32
      %select_n3A_42 = arith.select %and3A, %sub3A_41, %div3A : i32
      %while3A = arith.constant 0 : i32
      %while3A_43 = arith.constant 0 : i32
      %while3A_44 = arith.subi %select_n3A_42, %while3A_43 : i32
      %while3A_45 = arith.addi %while3A_43, %while3A_44 : i32
      %while3A_46 = arith.constant 1 : i32
      %while3A_47 = arith.divsi %while3A_44, %while3A_46 : i32
      %while3A_48 = arith.muli %while3A_47, %while3A_46 : i32
      %while3A_49 = arith.addi %while3A_43, %while3A_48 : i32
      %while3A_50 = arith.constant 1 : i32
      scf.for %while3A_52 = %while3A_43 to %while3A_49 step %while3A_50  : i32 {
        %mul3A_53 = arith.constant 2 : i32
        %mul3A_54 = arith.muli %mul3A_53, %while3A_52 : i32
        %add3A_55 = arith.constant 1 : i32
        %add3A_56 = arith.addi %mul3A_54, %add3A_55 : i32
        %dma_start3A = arith.constant 0 : i32
        %dma_start3A_57 = arith.constant 0 : i32
        %dma_start3A_58 = arith.constant 0 : i32
        %dma_start3A_59 = tpu.memref_slice %arg9[%dma_start3A, %dma_start3A_57, %dma_start3A_58] : memref<2x128x128xf32, #tpu.memory_space<vmem>> -> memref<1x128x128xf32, #tpu.memory_space<vmem>>
        %dma_start3A_60 = tpu.memref_squeeze %dma_start3A_59 : memref<1x128x128xf32, #tpu.memory_space<vmem>> -> memref<128x128xf32, #tpu.memory_space<vmem>>
        %dma_start3A_61 = arith.constant 0 : i32
        %dma_start3A_62 = tpu.memref_slice %arg7[%mul3A_54, %dma_start3A_61] : memref<54x128xi32, #tpu.memory_space<vmem>> -> memref<1x128xi32, #tpu.memory_space<vmem>>
        %dma_start3A_63 = tpu.memref_squeeze %dma_start3A_62 : memref<1x128xi32, #tpu.memory_space<vmem>> -> memref<128xi32, #tpu.memory_space<vmem>>
        %dma_start3A_64 = arith.constant 0 : i32
        %dma_start3A_65 = arith.constant 0 : i32
        %dma_start3A_66 = tpu.memref_slice %arg2[%dma_start3A_64, %dma_start3A_65] : memref<10240x128xf32, #tpu.memory_space<hbm>> -> memref<10240x128xf32, #tpu.memory_space<hbm>>
        tpu.enqueue_indirect_dma source(%dma_start3A_66 : memref<10240x128xf32, #tpu.memory_space<hbm>>) target(%dma_start3A_60 : memref<128x128xf32, #tpu.memory_space<vmem>>) offsets(%dma_start3A_63 : memref<128xi32, #tpu.memory_space<vmem>>) semaphore(%arg11 : memref<!tpu.dma_semaphore, #tpu.memory_space<semaphore_mem>>)
        %dma_start3A_67 = arith.constant 1 : i32
        %dma_start3A_68 = arith.constant 0 : i32
        %dma_start3A_69 = arith.constant 0 : i32
        %dma_start3A_70 = tpu.memref_slice %arg9[%dma_start3A_67, %dma_start3A_68, %dma_start3A_69] : memref<2x128x128xf32, #tpu.memory_space<vmem>> -> memref<1x128x128xf32, #tpu.memory_space<vmem>>
        %dma_start3A_71 = tpu.memref_squeeze %dma_start3A_70 : memref<1x128x128xf32, #tpu.memory_space<vmem>> -> memref<128x128xf32, #tpu.memory_space<vmem>>
        %dma_start3A_72 = arith.constant 0 : i32
        %dma_start3A_73 = tpu.memref_slice %arg7[%add3A_56, %dma_start3A_72] : memref<54x128xi32, #tpu.memory_space<vmem>> -> memref<1x128xi32, #tpu.memory_space<vmem>>
        %dma_start3A_74 = tpu.memref_squeeze %dma_start3A_73 : memref<1x128xi32, #tpu.memory_space<vmem>> -> memref<128xi32, #tpu.memory_space<vmem>>
        %dma_start3A_75 = arith.constant 0 : i32
        %dma_start3A_76 = arith.constant 0 : i32
        %dma_start3A_77 = tpu.memref_slice %arg2[%dma_start3A_75, %dma_start3A_76] : memref<10240x128xf32, #tpu.memory_space<hbm>> -> memref<10240x128xf32, #tpu.memory_space<hbm>>
        tpu.enqueue_indirect_dma source(%dma_start3A_77 : memref<10240x128xf32, #tpu.memory_space<hbm>>) target(%dma_start3A_71 : memref<128x128xf32, #tpu.memory_space<vmem>>) offsets(%dma_start3A_74 : memref<128xi32, #tpu.memory_space<vmem>>) semaphore(%arg12 : memref<!tpu.dma_semaphore, #tpu.memory_space<semaphore_mem>>)
        %dma_wait3A = arith.constant 0 : i32
        %dma_wait3A_78 = arith.constant 0 : i32
        %dma_wait3A_79 = arith.constant 0 : i32
        %dma_wait3A_80 = tpu.memref_slice %arg9[%dma_wait3A, %dma_wait3A_78, %dma_wait3A_79] : memref<2x128x128xf32, #tpu.memory_space<vmem>> -> memref<1x128x128xf32, #tpu.memory_space<vmem>>
        %dma_wait3A_81 = tpu.memref_squeeze %dma_wait3A_80 : memref<1x128x128xf32, #tpu.memory_space<vmem>> -> memref<128x128xf32, #tpu.memory_space<vmem>>
        %dma_wait3A_82 = arith.constant 0 : i32
        %dma_wait3A_83 = tpu.memref_slice %arg7[%mul3A_54, %dma_wait3A_82] : memref<54x128xi32, #tpu.memory_space<vmem>> -> memref<1x128xi32, #tpu.memory_space<vmem>>
        %dma_wait3A_84 = tpu.memref_squeeze %dma_wait3A_83 : memref<1x128xi32, #tpu.memory_space<vmem>> -> memref<128xi32, #tpu.memory_space<vmem>>
        %dma_wait3A_85 = arith.constant 0 : i32
        %dma_wait3A_86 = arith.constant 0 : i32
        %dma_wait3A_87 = tpu.memref_slice %arg2[%dma_wait3A_85, %dma_wait3A_86] : memref<10240x128xf32, #tpu.memory_space<hbm>> -> memref<10240x128xf32, #tpu.memory_space<hbm>>
        tpu.wait_indirect_dma semaphore(%arg11 : memref<!tpu.dma_semaphore, #tpu.memory_space<semaphore_mem>>) src(%dma_wait3A_87 : memref<10240x128xf32, #tpu.memory_space<hbm>>) dst(%dma_wait3A_81 : memref<128x128xf32, #tpu.memory_space<vmem>>)
        %run_scoped3A_88 = arith.constant 0 : i32
        "tpu.region"() ({
          %run_scoped3A_101 = tpu.sem_alloc : memref<!tpu.dma_semaphore, #tpu.memory_space<semaphore_mem>>
          %dma_start3A_102 = arith.constant 0 : i32
          %dma_start3A_103 = arith.constant 0 : i32
          %dma_start3A_104 = tpu.memref_slice %arg9[%run_scoped3A_88, %dma_start3A_102, %dma_start3A_103] : memref<2x128x128xf32, #tpu.memory_space<vmem>> -> memref<1x128x128xf32, #tpu.memory_space<vmem>>
          %dma_start3A_105 = tpu.memref_squeeze %dma_start3A_104 : memref<1x128x128xf32, #tpu.memory_space<vmem>> -> memref<128x128xf32, #tpu.memory_space<vmem>>
          %dma_start3A_106 = arith.constant 0 : i32
          %dma_start3A_107 = tpu.memref_slice %arg8[%mul3A_54, %dma_start3A_106] : memref<54x128xi32, #tpu.memory_space<vmem>> -> memref<1x128xi32, #tpu.memory_space<vmem>>
          %dma_start3A_108 = tpu.memref_squeeze %dma_start3A_107 : memref<1x128xi32, #tpu.memory_space<vmem>> -> memref<128xi32, #tpu.memory_space<vmem>>
          %dma_start3A_109 = arith.constant 0 : i32
          %dma_start3A_110 = arith.constant 0 : i32
          %dma_start3A_111 = tpu.memref_slice %arg10[%dma_start3A_109, %dma_start3A_110] : memref<10240x128xf32, #tpu.memory_space<vmem_shared>> -> memref<10240x128xf32, #tpu.memory_space<vmem_shared>>
          tpu.enqueue_indirect_dma source(%dma_start3A_105 : memref<128x128xf32, #tpu.memory_space<vmem>>) target(%dma_start3A_111 : memref<10240x128xf32, #tpu.memory_space<vmem_shared>>) offsets(%dma_start3A_108 : memref<128xi32, #tpu.memory_space<vmem>>) semaphore(%run_scoped3A_101 : memref<!tpu.dma_semaphore, #tpu.memory_space<semaphore_mem>>) {add = true}
          %dma_wait3A_112 = arith.constant 0 : i32
          %dma_wait3A_113 = arith.constant 0 : i32
          %dma_wait3A_114 = tpu.memref_slice %arg9[%run_scoped3A_88, %dma_wait3A_112, %dma_wait3A_113] : memref<2x128x128xf32, #tpu.memory_space<vmem>> -> memref<1x128x128xf32, #tpu.memory_space<vmem>>
          %dma_wait3A_115 = tpu.memref_squeeze %dma_wait3A_114 : memref<1x128x128xf32, #tpu.memory_space<vmem>> -> memref<128x128xf32, #tpu.memory_space<vmem>>
          %dma_wait3A_116 = arith.constant 0 : i32
          %dma_wait3A_117 = tpu.memref_slice %arg8[%mul3A_54, %dma_wait3A_116] : memref<54x128xi32, #tpu.memory_space<vmem>> -> memref<1x128xi32, #tpu.memory_space<vmem>>
          %dma_wait3A_118 = tpu.memref_squeeze %dma_wait3A_117 : memref<1x128xi32, #tpu.memory_space<vmem>> -> memref<128xi32, #tpu.memory_space<vmem>>
          %dma_wait3A_119 = arith.constant 0 : i32
          %dma_wait3A_120 = arith.constant 0 : i32
          %dma_wait3A_121 = tpu.memref_slice %arg10[%dma_wait3A_119, %dma_wait3A_120] : memref<10240x128xf32, #tpu.memory_space<vmem_shared>> -> memref<10240x128xf32, #tpu.memory_space<vmem_shared>>
          tpu.wait_indirect_dma semaphore(%run_scoped3A_101 : memref<!tpu.dma_semaphore, #tpu.memory_space<semaphore_mem>>) src(%dma_wait3A_115 : memref<128x128xf32, #tpu.memory_space<vmem>>) dst(%dma_wait3A_121 : memref<10240x128xf32, #tpu.memory_space<vmem_shared>>)
          tpu.yield
        }) : () -> ()
        %dma_wait3A_89 = arith.constant 1 : i32
        %dma_wait3A_90 = arith.constant 0 : i32
        %dma_wait3A_91 = arith.constant 0 : i32
        %dma_wait3A_92 = tpu.memref_slice %arg9[%dma_wait3A_89, %dma_wait3A_90, %dma_wait3A_91] : memref<2x128x128xf32, #tpu.memory_space<vmem>> -> memref<1x128x128xf32, #tpu.memory_space<vmem>>
        %dma_wait3A_93 = tpu.memref_squeeze %dma_wait3A_92 : memref<1x128x128xf32, #tpu.memory_space<vmem>> -> memref<128x128xf32, #tpu.memory_space<vmem>>
        %dma_wait3A_94 = arith.constant 0 : i32
        %dma_wait3A_95 = tpu.memref_slice %arg7[%add3A_56, %dma_wait3A_94] : memref<54x128xi32, #tpu.memory_space<vmem>> -> memref<1x128xi32, #tpu.memory_space<vmem>>
        %dma_wait3A_96 = tpu.memref_squeeze %dma_wait3A_95 : memref<1x128xi32, #tpu.memory_space<vmem>> -> memref<128xi32, #tpu.memory_space<vmem>>
        %dma_wait3A_97 = arith.constant 0 : i32
        %dma_wait3A_98 = arith.constant 0 : i32
        %dma_wait3A_99 = tpu.memref_slice %arg2[%dma_wait3A_97, %dma_wait3A_98] : memref<10240x128xf32, #tpu.memory_space<hbm>> -> memref<10240x128xf32, #tpu.memory_space<hbm>>
        tpu.wait_indirect_dma semaphore(%arg12 : memref<!tpu.dma_semaphore, #tpu.memory_space<semaphore_mem>>) src(%dma_wait3A_99 : memref<10240x128xf32, #tpu.memory_space<hbm>>) dst(%dma_wait3A_93 : memref<128x128xf32, #tpu.memory_space<vmem>>)
        %run_scoped3A_100 = arith.constant 1 : i32
        "tpu.region"() ({
          %run_scoped3A_101 = tpu.sem_alloc : memref<!tpu.dma_semaphore, #tpu.memory_space<semaphore_mem>>
          %dma_start3A_102 = arith.constant 0 : i32
          %dma_start3A_103 = arith.constant 0 : i32
          %dma_start3A_104 = tpu.memref_slice %arg9[%run_scoped3A_100, %dma_start3A_102, %dma_start3A_103] : memref<2x128x128xf32, #tpu.memory_space<vmem>> -> memref<1x128x128xf32, #tpu.memory_space<vmem>>
          %dma_start3A_105 = tpu.memref_squeeze %dma_start3A_104 : memref<1x128x128xf32, #tpu.memory_space<vmem>> -> memref<128x128xf32, #tpu.memory_space<vmem>>
          %dma_start3A_106 = arith.constant 0 : i32
          %dma_start3A_107 = tpu.memref_slice %arg8[%add3A_56, %dma_start3A_106] : memref<54x128xi32, #tpu.memory_space<vmem>> -> memref<1x128xi32, #tpu.memory_space<vmem>>
          %dma_start3A_108 = tpu.memref_squeeze %dma_start3A_107 : memref<1x128xi32, #tpu.memory_space<vmem>> -> memref<128xi32, #tpu.memory_space<vmem>>
          %dma_start3A_109 = arith.constant 0 : i32
          %dma_start3A_110 = arith.constant 0 : i32
          %dma_start3A_111 = tpu.memref_slice %arg10[%dma_start3A_109, %dma_start3A_110] : memref<10240x128xf32, #tpu.memory_space<vmem_shared>> -> memref<10240x128xf32, #tpu.memory_space<vmem_shared>>
          tpu.enqueue_indirect_dma source(%dma_start3A_105 : memref<128x128xf32, #tpu.memory_space<vmem>>) target(%dma_start3A_111 : memref<10240x128xf32, #tpu.memory_space<vmem_shared>>) offsets(%dma_start3A_108 : memref<128xi32, #tpu.memory_space<vmem>>) semaphore(%run_scoped3A_101 : memref<!tpu.dma_semaphore, #tpu.memory_space<semaphore_mem>>) {add = true}
          %dma_wait3A_112 = arith.constant 0 : i32
          %dma_wait3A_113 = arith.constant 0 : i32
          %dma_wait3A_114 = tpu.memref_slice %arg9[%run_scoped3A_100, %dma_wait3A_112, %dma_wait3A_113] : memref<2x128x128xf32, #tpu.memory_space<vmem>> -> memref<1x128x128xf32, #tpu.memory_space<vmem>>
          %dma_wait3A_115 = tpu.memref_squeeze %dma_wait3A_114 : memref<1x128x128xf32, #tpu.memory_space<vmem>> -> memref<128x128xf32, #tpu.memory_space<vmem>>
          %dma_wait3A_116 = arith.constant 0 : i32
          %dma_wait3A_117 = tpu.memref_slice %arg8[%add3A_56, %dma_wait3A_116] : memref<54x128xi32, #tpu.memory_space<vmem>> -> memref<1x128xi32, #tpu.memory_space<vmem>>
          %dma_wait3A_118 = tpu.memref_squeeze %dma_wait3A_117 : memref<1x128xi32, #tpu.memory_space<vmem>> -> memref<128xi32, #tpu.memory_space<vmem>>
          %dma_wait3A_119 = arith.constant 0 : i32
          %dma_wait3A_120 = arith.constant 0 : i32
          %dma_wait3A_121 = tpu.memref_slice %arg10[%dma_wait3A_119, %dma_wait3A_120] : memref<10240x128xf32, #tpu.memory_space<vmem_shared>> -> memref<10240x128xf32, #tpu.memory_space<vmem_shared>>
          tpu.wait_indirect_dma semaphore(%run_scoped3A_101 : memref<!tpu.dma_semaphore, #tpu.memory_space<semaphore_mem>>) src(%dma_wait3A_115 : memref<128x128xf32, #tpu.memory_space<vmem>>) dst(%dma_wait3A_121 : memref<10240x128xf32, #tpu.memory_space<vmem_shared>>)
          tpu.yield
        }) : () -> ()
      }
      %while3A_51 = arith.constant 1 : i32
      scf.for %while3A_52 = %while3A_49 to %while3A_45 step %while3A_51  : i32 {
        %mul3A_53 = arith.constant 2 : i32
        %mul3A_54 = arith.muli %mul3A_53, %while3A_52 : i32
        %add3A_55 = arith.constant 1 : i32
        %add3A_56 = arith.addi %mul3A_54, %add3A_55 : i32
        %dma_start3A = arith.constant 0 : i32
        %dma_start3A_57 = arith.constant 0 : i32
        %dma_start3A_58 = arith.constant 0 : i32
        %dma_start3A_59 = tpu.memref_slice %arg9[%dma_start3A, %dma_start3A_57, %dma_start3A_58] : memref<2x128x128xf32, #tpu.memory_space<vmem>> -> memref<1x128x128xf32, #tpu.memory_space<vmem>>
        %dma_start3A_60 = tpu.memref_squeeze %dma_start3A_59 : memref<1x128x128xf32, #tpu.memory_space<vmem>> -> memref<128x128xf32, #tpu.memory_space<vmem>>
        %dma_start3A_61 = arith.constant 0 : i32
        %dma_start3A_62 = tpu.memref_slice %arg7[%mul3A_54, %dma_start3A_61] : memref<54x128xi32, #tpu.memory_space<vmem>> -> memref<1x128xi32, #tpu.memory_space<vmem>>
        %dma_start3A_63 = tpu.memref_squeeze %dma_start3A_62 : memref<1x128xi32, #tpu.memory_space<vmem>> -> memref<128xi32, #tpu.memory_space<vmem>>
        %dma_start3A_64 = arith.constant 0 : i32
        %dma_start3A_65 = arith.constant 0 : i32
        %dma_start3A_66 = tpu.memref_slice %arg2[%dma_start3A_64, %dma_start3A_65] : memref<10240x128xf32, #tpu.memory_space<hbm>> -> memref<10240x128xf32, #tpu.memory_space<hbm>>
        tpu.enqueue_indirect_dma source(%dma_start3A_66 : memref<10240x128xf32, #tpu.memory_space<hbm>>) target(%dma_start3A_60 : memref<128x128xf32, #tpu.memory_space<vmem>>) offsets(%dma_start3A_63 : memref<128xi32, #tpu.memory_space<vmem>>) semaphore(%arg11 : memref<!tpu.dma_semaphore, #tpu.memory_space<semaphore_mem>>)
        %dma_start3A_67 = arith.constant 1 : i32
        %dma_start3A_68 = arith.constant 0 : i32
        %dma_start3A_69 = arith.constant 0 : i32
        %dma_start3A_70 = tpu.memref_slice %arg9[%dma_start3A_67, %dma_start3A_68, %dma_start3A_69] : memref<2x128x128xf32, #tpu.memory_space<vmem>> -> memref<1x128x128xf32, #tpu.memory_space<vmem>>
        %dma_start3A_71 = tpu.memref_squeeze %dma_start3A_70 : memref<1x128x128xf32, #tpu.memory_space<vmem>> -> memref<128x128xf32, #tpu.memory_space<vmem>>
        %dma_start3A_72 = arith.constant 0 : i32
        %dma_start3A_73 = tpu.memref_slice %arg7[%add3A_56, %dma_start3A_72] : memref<54x128xi32, #tpu.memory_space<vmem>> -> memref<1x128xi32, #tpu.memory_space<vmem>>
        %dma_start3A_74 = tpu.memref_squeeze %dma_start3A_73 : memref<1x128xi32, #tpu.memory_space<vmem>> -> memref<128xi32, #tpu.memory_space<vmem>>
        %dma_start3A_75 = arith.constant 0 : i32
        %dma_start3A_76 = arith.constant 0 : i32
        %dma_start3A_77 = tpu.memref_slice %arg2[%dma_start3A_75, %dma_start3A_76] : memref<10240x128xf32, #tpu.memory_space<hbm>> -> memref<10240x128xf32, #tpu.memory_space<hbm>>
        tpu.enqueue_indirect_dma source(%dma_start3A_77 : memref<10240x128xf32, #tpu.memory_space<hbm>>) target(%dma_start3A_71 : memref<128x128xf32, #tpu.memory_space<vmem>>) offsets(%dma_start3A_74 : memref<128xi32, #tpu.memory_space<vmem>>) semaphore(%arg12 : memref<!tpu.dma_semaphore, #tpu.memory_space<semaphore_mem>>)
        %dma_wait3A = arith.constant 0 : i32
        %dma_wait3A_78 = arith.constant 0 : i32
        %dma_wait3A_79 = arith.constant 0 : i32
        %dma_wait3A_80 = tpu.memref_slice %arg9[%dma_wait3A, %dma_wait3A_78, %dma_wait3A_79] : memref<2x128x128xf32, #tpu.memory_space<vmem>> -> memref<1x128x128xf32, #tpu.memory_space<vmem>>
        %dma_wait3A_81 = tpu.memref_squeeze %dma_wait3A_80 : memref<1x128x128xf32, #tpu.memory_space<vmem>> -> memref<128x128xf32, #tpu.memory_space<vmem>>
        %dma_wait3A_82 = arith.constant 0 : i32
        %dma_wait3A_83 = tpu.memref_slice %arg7[%mul3A_54, %dma_wait3A_82] : memref<54x128xi32, #tpu.memory_space<vmem>> -> memref<1x128xi32, #tpu.memory_space<vmem>>
        %dma_wait3A_84 = tpu.memref_squeeze %dma_wait3A_83 : memref<1x128xi32, #tpu.memory_space<vmem>> -> memref<128xi32, #tpu.memory_space<vmem>>
        %dma_wait3A_85 = arith.constant 0 : i32
        %dma_wait3A_86 = arith.constant 0 : i32
        %dma_wait3A_87 = tpu.memref_slice %arg2[%dma_wait3A_85, %dma_wait3A_86] : memref<10240x128xf32, #tpu.memory_space<hbm>> -> memref<10240x128xf32, #tpu.memory_space<hbm>>
        tpu.wait_indirect_dma semaphore(%arg11 : memref<!tpu.dma_semaphore, #tpu.memory_space<semaphore_mem>>) src(%dma_wait3A_87 : memref<10240x128xf32, #tpu.memory_space<hbm>>) dst(%dma_wait3A_81 : memref<128x128xf32, #tpu.memory_space<vmem>>)
        %run_scoped3A_88 = arith.constant 0 : i32
        "tpu.region"() ({
          %run_scoped3A_101 = tpu.sem_alloc : memref<!tpu.dma_semaphore, #tpu.memory_space<semaphore_mem>>
          %dma_start3A_102 = arith.constant 0 : i32
          %dma_start3A_103 = arith.constant 0 : i32
          %dma_start3A_104 = tpu.memref_slice %arg9[%run_scoped3A_88, %dma_start3A_102, %dma_start3A_103] : memref<2x128x128xf32, #tpu.memory_space<vmem>> -> memref<1x128x128xf32, #tpu.memory_space<vmem>>
          %dma_start3A_105 = tpu.memref_squeeze %dma_start3A_104 : memref<1x128x128xf32, #tpu.memory_space<vmem>> -> memref<128x128xf32, #tpu.memory_space<vmem>>
          %dma_start3A_106 = arith.constant 0 : i32
          %dma_start3A_107 = tpu.memref_slice %arg8[%mul3A_54, %dma_start3A_106] : memref<54x128xi32, #tpu.memory_space<vmem>> -> memref<1x128xi32, #tpu.memory_space<vmem>>
          %dma_start3A_108 = tpu.memref_squeeze %dma_start3A_107 : memref<1x128xi32, #tpu.memory_space<vmem>> -> memref<128xi32, #tpu.memory_space<vmem>>
          %dma_start3A_109 = arith.constant 0 : i32
          %dma_start3A_110 = arith.constant 0 : i32
          %dma_start3A_111 = tpu.memref_slice %arg10[%dma_start3A_109, %dma_start3A_110] : memref<10240x128xf32, #tpu.memory_space<vmem_shared>> -> memref<10240x128xf32, #tpu.memory_space<vmem_shared>>
          tpu.enqueue_indirect_dma source(%dma_start3A_105 : memref<128x128xf32, #tpu.memory_space<vmem>>) target(%dma_start3A_111 : memref<10240x128xf32, #tpu.memory_space<vmem_shared>>) offsets(%dma_start3A_108 : memref<128xi32, #tpu.memory_space<vmem>>) semaphore(%run_scoped3A_101 : memref<!tpu.dma_semaphore, #tpu.memory_space<semaphore_mem>>) {add = true}
          %dma_wait3A_112 = arith.constant 0 : i32
          %dma_wait3A_113 = arith.constant 0 : i32
          %dma_wait3A_114 = tpu.memref_slice %arg9[%run_scoped3A_88, %dma_wait3A_112, %dma_wait3A_113] : memref<2x128x128xf32, #tpu.memory_space<vmem>> -> memref<1x128x128xf32, #tpu.memory_space<vmem>>
          %dma_wait3A_115 = tpu.memref_squeeze %dma_wait3A_114 : memref<1x128x128xf32, #tpu.memory_space<vmem>> -> memref<128x128xf32, #tpu.memory_space<vmem>>
          %dma_wait3A_116 = arith.constant 0 : i32
          %dma_wait3A_117 = tpu.memref_slice %arg8[%mul3A_54, %dma_wait3A_116] : memref<54x128xi32, #tpu.memory_space<vmem>> -> memref<1x128xi32, #tpu.memory_space<vmem>>
          %dma_wait3A_118 = tpu.memref_squeeze %dma_wait3A_117 : memref<1x128xi32, #tpu.memory_space<vmem>> -> memref<128xi32, #tpu.memory_space<vmem>>
          %dma_wait3A_119 = arith.constant 0 : i32
          %dma_wait3A_120 = arith.constant 0 : i32
          %dma_wait3A_121 = tpu.memref_slice %arg10[%dma_wait3A_119, %dma_wait3A_120] : memref<10240x128xf32, #tpu.memory_space<vmem_shared>> -> memref<10240x128xf32, #tpu.memory_space<vmem_shared>>
          tpu.wait_indirect_dma semaphore(%run_scoped3A_101 : memref<!tpu.dma_semaphore, #tpu.memory_space<semaphore_mem>>) src(%dma_wait3A_115 : memref<128x128xf32, #tpu.memory_space<vmem>>) dst(%dma_wait3A_121 : memref<10240x128xf32, #tpu.memory_space<vmem_shared>>)
          tpu.yield
        }) : () -> ()
        %dma_wait3A_89 = arith.constant 1 : i32
        %dma_wait3A_90 = arith.constant 0 : i32
        %dma_wait3A_91 = arith.constant 0 : i32
        %dma_wait3A_92 = tpu.memref_slice %arg9[%dma_wait3A_89, %dma_wait3A_90, %dma_wait3A_91] : memref<2x128x128xf32, #tpu.memory_space<vmem>> -> memref<1x128x128xf32, #tpu.memory_space<vmem>>
        %dma_wait3A_93 = tpu.memref_squeeze %dma_wait3A_92 : memref<1x128x128xf32, #tpu.memory_space<vmem>> -> memref<128x128xf32, #tpu.memory_space<vmem>>
        %dma_wait3A_94 = arith.constant 0 : i32
        %dma_wait3A_95 = tpu.memref_slice %arg7[%add3A_56, %dma_wait3A_94] : memref<54x128xi32, #tpu.memory_space<vmem>> -> memref<1x128xi32, #tpu.memory_space<vmem>>
        %dma_wait3A_96 = tpu.memref_squeeze %dma_wait3A_95 : memref<1x128xi32, #tpu.memory_space<vmem>> -> memref<128xi32, #tpu.memory_space<vmem>>
        %dma_wait3A_97 = arith.constant 0 : i32
        %dma_wait3A_98 = arith.constant 0 : i32
        %dma_wait3A_99 = tpu.memref_slice %arg2[%dma_wait3A_97, %dma_wait3A_98] : memref<10240x128xf32, #tpu.memory_space<hbm>> -> memref<10240x128xf32, #tpu.memory_space<hbm>>
        tpu.wait_indirect_dma semaphore(%arg12 : memref<!tpu.dma_semaphore, #tpu.memory_space<semaphore_mem>>) src(%dma_wait3A_99 : memref<10240x128xf32, #tpu.memory_space<hbm>>) dst(%dma_wait3A_93 : memref<128x128xf32, #tpu.memory_space<vmem>>)
        %run_scoped3A_100 = arith.constant 1 : i32
        "tpu.region"() ({
          %run_scoped3A_101 = tpu.sem_alloc : memref<!tpu.dma_semaphore, #tpu.memory_space<semaphore_mem>>
          %dma_start3A_102 = arith.constant 0 : i32
          %dma_start3A_103 = arith.constant 0 : i32
          %dma_start3A_104 = tpu.memref_slice %arg9[%run_scoped3A_100, %dma_start3A_102, %dma_start3A_103] : memref<2x128x128xf32, #tpu.memory_space<vmem>> -> memref<1x128x128xf32, #tpu.memory_space<vmem>>
          %dma_start3A_105 = tpu.memref_squeeze %dma_start3A_104 : memref<1x128x128xf32, #tpu.memory_space<vmem>> -> memref<128x128xf32, #tpu.memory_space<vmem>>
          %dma_start3A_106 = arith.constant 0 : i32
          %dma_start3A_107 = tpu.memref_slice %arg8[%add3A_56, %dma_start3A_106] : memref<54x128xi32, #tpu.memory_space<vmem>> -> memref<1x128xi32, #tpu.memory_space<vmem>>
          %dma_start3A_108 = tpu.memref_squeeze %dma_start3A_107 : memref<1x128xi32, #tpu.memory_space<vmem>> -> memref<128xi32, #tpu.memory_space<vmem>>
          %dma_start3A_109 = arith.constant 0 : i32
          %dma_start3A_110 = arith.constant 0 : i32
          %dma_start3A_111 = tpu.memref_slice %arg10[%dma_start3A_109, %dma_start3A_110] : memref<10240x128xf32, #tpu.memory_space<vmem_shared>> -> memref<10240x128xf32, #tpu.memory_space<vmem_shared>>
          tpu.enqueue_indirect_dma source(%dma_start3A_105 : memref<128x128xf32, #tpu.memory_space<vmem>>) target(%dma_start3A_111 : memref<10240x128xf32, #tpu.memory_space<vmem_shared>>) offsets(%dma_start3A_108 : memref<128xi32, #tpu.memory_space<vmem>>) semaphore(%run_scoped3A_101 : memref<!tpu.dma_semaphore, #tpu.memory_space<semaphore_mem>>) {add = true}
          %dma_wait3A_112 = arith.constant 0 : i32
          %dma_wait3A_113 = arith.constant 0 : i32
          %dma_wait3A_114 = tpu.memref_slice %arg9[%run_scoped3A_100, %dma_wait3A_112, %dma_wait3A_113] : memref<2x128x128xf32, #tpu.memory_space<vmem>> -> memref<1x128x128xf32, #tpu.memory_space<vmem>>
          %dma_wait3A_115 = tpu.memref_squeeze %dma_wait3A_114 : memref<1x128x128xf32, #tpu.memory_space<vmem>> -> memref<128x128xf32, #tpu.memory_space<vmem>>
          %dma_wait3A_116 = arith.constant 0 : i32
          %dma_wait3A_117 = tpu.memref_slice %arg8[%add3A_56, %dma_wait3A_116] : memref<54x128xi32, #tpu.memory_space<vmem>> -> memref<1x128xi32, #tpu.memory_space<vmem>>
          %dma_wait3A_118 = tpu.memref_squeeze %dma_wait3A_117 : memref<1x128xi32, #tpu.memory_space<vmem>> -> memref<128xi32, #tpu.memory_space<vmem>>
          %dma_wait3A_119 = arith.constant 0 : i32
          %dma_wait3A_120 = arith.constant 0 : i32
          %dma_wait3A_121 = tpu.memref_slice %arg10[%dma_wait3A_119, %dma_wait3A_120] : memref<10240x128xf32, #tpu.memory_space<vmem_shared>> -> memref<10240x128xf32, #tpu.memory_space<vmem_shared>>
          tpu.wait_indirect_dma semaphore(%run_scoped3A_101 : memref<!tpu.dma_semaphore, #tpu.memory_space<semaphore_mem>>) src(%dma_wait3A_115 : memref<128x128xf32, #tpu.memory_space<vmem>>) dst(%dma_wait3A_121 : memref<10240x128xf32, #tpu.memory_space<vmem_shared>>)
          tpu.yield
        }) : () -> ()
      }
    } else {
    }
    %eq3A_9 = arith.constant 0 : i32
    %eq3A_10 = arith.cmpi eq, %arg0, %eq3A_9 : i32
    %jit3A_11 = arith.constant 52 : i32
    %jit3A_12 = arith.constant 0 : i32
    %select_n3A_13 = arith.select %eq3A_10, %jit3A_11, %jit3A_12 : i32
    %gt3A_14 = arith.constant 0 : i32
    %gt3A_15 = arith.cmpi sgt, %select_n3A_13, %gt3A_14 : i32
    %convert_element_type3A_16 = arith.extui %gt3A_15 : i1 to i32
    %cond3A_17 = arith.constant 0 : i32
    %cond3A_18 = arith.cmpi ne, %convert_element_type3A_16, %cond3A_17 : i32
    scf.if %cond3A_18 {
      %run_scoped3A = arith.constant 1 : i32
      "tpu.region"() ({
        %run_scoped3A_52 = tpu.sem_alloc : memref<!tpu.dma_semaphore, #tpu.memory_space<semaphore_mem>>
        %dma_start3A = arith.constant 0 : i32
        %dma_start3A_53 = arith.constant 0 : i32
        %dma_start3A_54 = tpu.memref_slice %arg3[%add3A, %run_scoped3A, %dma_start3A, %dma_start3A_53] : memref<32x2x54x128xi32, #tpu.memory_space<hbm>> -> memref<1x1x54x128xi32, #tpu.memory_space<hbm>>
        %dma_start3A_55 = tpu.memref_squeeze %dma_start3A_54 : memref<1x1x54x128xi32, #tpu.memory_space<hbm>> -> memref<54x128xi32, #tpu.memory_space<hbm>>
        %dma_start3A_56 = arith.constant 0 : i32
        %dma_start3A_57 = arith.constant 0 : i32
        %dma_start3A_58 = tpu.memref_slice %arg3[%add3A, %run_scoped3A, %dma_start3A_56, %dma_start3A_57] : memref<32x2x54x128xi32, #tpu.memory_space<hbm>> -> memref<1x1x54x128xi32, #tpu.memory_space<hbm>>
        %dma_start3A_59 = tpu.memref_squeeze %dma_start3A_58 : memref<1x1x54x128xi32, #tpu.memory_space<hbm>> -> memref<54x128xi32, #tpu.memory_space<hbm>>
        tpu.enqueue_dma source(%dma_start3A_59 : memref<54x128xi32, #tpu.memory_space<hbm>>) target(%arg7 : memref<54x128xi32, #tpu.memory_space<vmem>>) target_semaphore(%run_scoped3A_52 : memref<!tpu.dma_semaphore, #tpu.memory_space<semaphore_mem>>)
        %dma_wait3A = arith.constant 0 : i32
        %dma_wait3A_60 = arith.constant 0 : i32
        %dma_wait3A_61 = tpu.memref_slice %arg3[%add3A, %run_scoped3A, %dma_wait3A, %dma_wait3A_60] : memref<32x2x54x128xi32, #tpu.memory_space<hbm>> -> memref<1x1x54x128xi32, #tpu.memory_space<hbm>>
        %dma_wait3A_62 = tpu.memref_squeeze %dma_wait3A_61 : memref<1x1x54x128xi32, #tpu.memory_space<hbm>> -> memref<54x128xi32, #tpu.memory_space<hbm>>
        %dma_wait3A_63 = arith.constant 0 : i32
        %dma_wait3A_64 = arith.constant 0 : i32
        %dma_wait3A_65 = tpu.memref_slice %arg3[%add3A, %run_scoped3A, %dma_wait3A_63, %dma_wait3A_64] : memref<32x2x54x128xi32, #tpu.memory_space<hbm>> -> memref<1x1x54x128xi32, #tpu.memory_space<hbm>>
        %dma_wait3A_66 = tpu.memref_squeeze %dma_wait3A_65 : memref<1x1x54x128xi32, #tpu.memory_space<hbm>> -> memref<54x128xi32, #tpu.memory_space<hbm>>
        tpu.wait_dma2 semaphore(%run_scoped3A_52 : memref<!tpu.dma_semaphore, #tpu.memory_space<semaphore_mem>>) src(%dma_wait3A_66 : memref<54x128xi32, #tpu.memory_space<hbm>>) dst(%arg7 : memref<54x128xi32, #tpu.memory_space<vmem>>)
        tpu.yield
      }) : () -> ()
      %run_scoped3A_24 = arith.constant 1 : i32
      "tpu.region"() ({
        %run_scoped3A_52 = tpu.sem_alloc : memref<!tpu.dma_semaphore, #tpu.memory_space<semaphore_mem>>
        %dma_start3A = arith.constant 0 : i32
        %dma_start3A_53 = arith.constant 0 : i32
        %dma_start3A_54 = tpu.memref_slice %arg4[%add3A, %run_scoped3A_24, %dma_start3A, %dma_start3A_53] : memref<32x2x54x128xi32, #tpu.memory_space<hbm>> -> memref<1x1x54x128xi32, #tpu.memory_space<hbm>>
        %dma_start3A_55 = tpu.memref_squeeze %dma_start3A_54 : memref<1x1x54x128xi32, #tpu.memory_space<hbm>> -> memref<54x128xi32, #tpu.memory_space<hbm>>
        %dma_start3A_56 = arith.constant 0 : i32
        %dma_start3A_57 = arith.constant 0 : i32
        %dma_start3A_58 = tpu.memref_slice %arg4[%add3A, %run_scoped3A_24, %dma_start3A_56, %dma_start3A_57] : memref<32x2x54x128xi32, #tpu.memory_space<hbm>> -> memref<1x1x54x128xi32, #tpu.memory_space<hbm>>
        %dma_start3A_59 = tpu.memref_squeeze %dma_start3A_58 : memref<1x1x54x128xi32, #tpu.memory_space<hbm>> -> memref<54x128xi32, #tpu.memory_space<hbm>>
        tpu.enqueue_dma source(%dma_start3A_59 : memref<54x128xi32, #tpu.memory_space<hbm>>) target(%arg8 : memref<54x128xi32, #tpu.memory_space<vmem>>) target_semaphore(%run_scoped3A_52 : memref<!tpu.dma_semaphore, #tpu.memory_space<semaphore_mem>>)
        %dma_wait3A = arith.constant 0 : i32
        %dma_wait3A_60 = arith.constant 0 : i32
        %dma_wait3A_61 = tpu.memref_slice %arg4[%add3A, %run_scoped3A_24, %dma_wait3A, %dma_wait3A_60] : memref<32x2x54x128xi32, #tpu.memory_space<hbm>> -> memref<1x1x54x128xi32, #tpu.memory_space<hbm>>
        %dma_wait3A_62 = tpu.memref_squeeze %dma_wait3A_61 : memref<1x1x54x128xi32, #tpu.memory_space<hbm>> -> memref<54x128xi32, #tpu.memory_space<hbm>>
        %dma_wait3A_63 = arith.constant 0 : i32
        %dma_wait3A_64 = arith.constant 0 : i32
        %dma_wait3A_65 = tpu.memref_slice %arg4[%add3A, %run_scoped3A_24, %dma_wait3A_63, %dma_wait3A_64] : memref<32x2x54x128xi32, #tpu.memory_space<hbm>> -> memref<1x1x54x128xi32, #tpu.memory_space<hbm>>
        %dma_wait3A_66 = tpu.memref_squeeze %dma_wait3A_65 : memref<1x1x54x128xi32, #tpu.memory_space<hbm>> -> memref<54x128xi32, #tpu.memory_space<hbm>>
        tpu.wait_dma2 semaphore(%run_scoped3A_52 : memref<!tpu.dma_semaphore, #tpu.memory_space<semaphore_mem>>) src(%dma_wait3A_66 : memref<54x128xi32, #tpu.memory_space<hbm>>) dst(%arg8 : memref<54x128xi32, #tpu.memory_space<vmem>>)
        tpu.yield
      }) : () -> ()
      %jit3A_25 = arith.constant 2 : i32
      %div3A = arith.divsi %select_n3A_13, %jit3A_25 : i32
      %sign3A = arith.constant 0 : i32
      %sign3A_26 = arith.cmpi sgt, %select_n3A_13, %sign3A : i32
      %sign3A_27 = arith.extui %sign3A_26 : i1 to i32
      %sign3A_28 = arith.constant 0 : i32
      %sign3A_29 = arith.cmpi slt, %select_n3A_13, %sign3A_28 : i32
      %sign3A_30 = arith.extui %sign3A_29 : i1 to i32
      %sign3A_31 = arith.subi %sign3A_27, %sign3A_30 : i32
      %sign3A_32 = arith.constant 0 : i32
      %sign3A_33 = arith.cmpi sgt, %jit3A_25, %sign3A_32 : i32
      %sign3A_34 = arith.extui %sign3A_33 : i1 to i32
      %sign3A_35 = arith.constant 0 : i32
      %sign3A_36 = arith.cmpi slt, %jit3A_25, %sign3A_35 : i32
      %sign3A_37 = arith.extui %sign3A_36 : i1 to i32
      %sign3A_38 = arith.subi %sign3A_34, %sign3A_37 : i32
      %ne3A = arith.cmpi ne, %sign3A_31, %sign3A_38 : i32
      %rem3A = arith.remsi %select_n3A_13, %jit3A_25 : i32
      %ne3A_39 = arith.constant 0 : i32
      %ne3A_40 = arith.cmpi ne, %rem3A, %ne3A_39 : i32
      %and3A = arith.andi %ne3A, %ne3A_40 : i1
      %sub3A = arith.constant 1 : i32
      %sub3A_41 = arith.subi %div3A, %sub3A : i32
      %select_n3A_42 = arith.select %and3A, %sub3A_41, %div3A : i32
      %while3A = arith.constant 0 : i32
      %while3A_43 = arith.constant 0 : i32
      %while3A_44 = arith.subi %select_n3A_42, %while3A_43 : i32
      %while3A_45 = arith.addi %while3A_43, %while3A_44 : i32
      %while3A_46 = arith.constant 1 : i32
      %while3A_47 = arith.divsi %while3A_44, %while3A_46 : i32
      %while3A_48 = arith.muli %while3A_47, %while3A_46 : i32
      %while3A_49 = arith.addi %while3A_43, %while3A_48 : i32
      %while3A_50 = arith.constant 1 : i32
      scf.for %while3A_52 = %while3A_43 to %while3A_49 step %while3A_50  : i32 {
        %mul3A_53 = arith.constant 2 : i32
        %mul3A_54 = arith.muli %mul3A_53, %while3A_52 : i32
        %add3A_55 = arith.constant 1 : i32
        %add3A_56 = arith.addi %mul3A_54, %add3A_55 : i32
        %dma_start3A = arith.constant 0 : i32
        %dma_start3A_57 = arith.constant 0 : i32
        %dma_start3A_58 = arith.constant 0 : i32
        %dma_start3A_59 = tpu.memref_slice %arg9[%dma_start3A, %dma_start3A_57, %dma_start3A_58] : memref<2x128x128xf32, #tpu.memory_space<vmem>> -> memref<1x128x128xf32, #tpu.memory_space<vmem>>
        %dma_start3A_60 = tpu.memref_squeeze %dma_start3A_59 : memref<1x128x128xf32, #tpu.memory_space<vmem>> -> memref<128x128xf32, #tpu.memory_space<vmem>>
        %dma_start3A_61 = arith.constant 0 : i32
        %dma_start3A_62 = tpu.memref_slice %arg7[%mul3A_54, %dma_start3A_61] : memref<54x128xi32, #tpu.memory_space<vmem>> -> memref<1x128xi32, #tpu.memory_space<vmem>>
        %dma_start3A_63 = tpu.memref_squeeze %dma_start3A_62 : memref<1x128xi32, #tpu.memory_space<vmem>> -> memref<128xi32, #tpu.memory_space<vmem>>
        %dma_start3A_64 = arith.constant 0 : i32
        %dma_start3A_65 = arith.constant 0 : i32
        %dma_start3A_66 = tpu.memref_slice %arg2[%dma_start3A_64, %dma_start3A_65] : memref<10240x128xf32, #tpu.memory_space<hbm>> -> memref<10240x128xf32, #tpu.memory_space<hbm>>
        tpu.enqueue_indirect_dma source(%dma_start3A_66 : memref<10240x128xf32, #tpu.memory_space<hbm>>) target(%dma_start3A_60 : memref<128x128xf32, #tpu.memory_space<vmem>>) offsets(%dma_start3A_63 : memref<128xi32, #tpu.memory_space<vmem>>) semaphore(%arg11 : memref<!tpu.dma_semaphore, #tpu.memory_space<semaphore_mem>>)
        %dma_start3A_67 = arith.constant 1 : i32
        %dma_start3A_68 = arith.constant 0 : i32
        %dma_start3A_69 = arith.constant 0 : i32
        %dma_start3A_70 = tpu.memref_slice %arg9[%dma_start3A_67, %dma_start3A_68, %dma_start3A_69] : memref<2x128x128xf32, #tpu.memory_space<vmem>> -> memref<1x128x128xf32, #tpu.memory_space<vmem>>
        %dma_start3A_71 = tpu.memref_squeeze %dma_start3A_70 : memref<1x128x128xf32, #tpu.memory_space<vmem>> -> memref<128x128xf32, #tpu.memory_space<vmem>>
        %dma_start3A_72 = arith.constant 0 : i32
        %dma_start3A_73 = tpu.memref_slice %arg7[%add3A_56, %dma_start3A_72] : memref<54x128xi32, #tpu.memory_space<vmem>> -> memref<1x128xi32, #tpu.memory_space<vmem>>
        %dma_start3A_74 = tpu.memref_squeeze %dma_start3A_73 : memref<1x128xi32, #tpu.memory_space<vmem>> -> memref<128xi32, #tpu.memory_space<vmem>>
        %dma_start3A_75 = arith.constant 0 : i32
        %dma_start3A_76 = arith.constant 0 : i32
        %dma_start3A_77 = tpu.memref_slice %arg2[%dma_start3A_75, %dma_start3A_76] : memref<10240x128xf32, #tpu.memory_space<hbm>> -> memref<10240x128xf32, #tpu.memory_space<hbm>>
        tpu.enqueue_indirect_dma source(%dma_start3A_77 : memref<10240x128xf32, #tpu.memory_space<hbm>>) target(%dma_start3A_71 : memref<128x128xf32, #tpu.memory_space<vmem>>) offsets(%dma_start3A_74 : memref<128xi32, #tpu.memory_space<vmem>>) semaphore(%arg12 : memref<!tpu.dma_semaphore, #tpu.memory_space<semaphore_mem>>)
        %dma_wait3A = arith.constant 0 : i32
        %dma_wait3A_78 = arith.constant 0 : i32
        %dma_wait3A_79 = arith.constant 0 : i32
        %dma_wait3A_80 = tpu.memref_slice %arg9[%dma_wait3A, %dma_wait3A_78, %dma_wait3A_79] : memref<2x128x128xf32, #tpu.memory_space<vmem>> -> memref<1x128x128xf32, #tpu.memory_space<vmem>>
        %dma_wait3A_81 = tpu.memref_squeeze %dma_wait3A_80 : memref<1x128x128xf32, #tpu.memory_space<vmem>> -> memref<128x128xf32, #tpu.memory_space<vmem>>
        %dma_wait3A_82 = arith.constant 0 : i32
        %dma_wait3A_83 = tpu.memref_slice %arg7[%mul3A_54, %dma_wait3A_82] : memref<54x128xi32, #tpu.memory_space<vmem>> -> memref<1x128xi32, #tpu.memory_space<vmem>>
        %dma_wait3A_84 = tpu.memref_squeeze %dma_wait3A_83 : memref<1x128xi32, #tpu.memory_space<vmem>> -> memref<128xi32, #tpu.memory_space<vmem>>
        %dma_wait3A_85 = arith.constant 0 : i32
        %dma_wait3A_86 = arith.constant 0 : i32
        %dma_wait3A_87 = tpu.memref_slice %arg2[%dma_wait3A_85, %dma_wait3A_86] : memref<10240x128xf32, #tpu.memory_space<hbm>> -> memref<10240x128xf32, #tpu.memory_space<hbm>>
        tpu.wait_indirect_dma semaphore(%arg11 : memref<!tpu.dma_semaphore, #tpu.memory_space<semaphore_mem>>) src(%dma_wait3A_87 : memref<10240x128xf32, #tpu.memory_space<hbm>>) dst(%dma_wait3A_81 : memref<128x128xf32, #tpu.memory_space<vmem>>)
        %run_scoped3A_88 = arith.constant 0 : i32
        "tpu.region"() ({
          %run_scoped3A_101 = tpu.sem_alloc : memref<!tpu.dma_semaphore, #tpu.memory_space<semaphore_mem>>
          %dma_start3A_102 = arith.constant 0 : i32
          %dma_start3A_103 = arith.constant 0 : i32
          %dma_start3A_104 = tpu.memref_slice %arg9[%run_scoped3A_88, %dma_start3A_102, %dma_start3A_103] : memref<2x128x128xf32, #tpu.memory_space<vmem>> -> memref<1x128x128xf32, #tpu.memory_space<vmem>>
          %dma_start3A_105 = tpu.memref_squeeze %dma_start3A_104 : memref<1x128x128xf32, #tpu.memory_space<vmem>> -> memref<128x128xf32, #tpu.memory_space<vmem>>
          %dma_start3A_106 = arith.constant 0 : i32
          %dma_start3A_107 = tpu.memref_slice %arg8[%mul3A_54, %dma_start3A_106] : memref<54x128xi32, #tpu.memory_space<vmem>> -> memref<1x128xi32, #tpu.memory_space<vmem>>
          %dma_start3A_108 = tpu.memref_squeeze %dma_start3A_107 : memref<1x128xi32, #tpu.memory_space<vmem>> -> memref<128xi32, #tpu.memory_space<vmem>>
          %dma_start3A_109 = arith.constant 0 : i32
          %dma_start3A_110 = arith.constant 0 : i32
          %dma_start3A_111 = tpu.memref_slice %arg10[%dma_start3A_109, %dma_start3A_110] : memref<10240x128xf32, #tpu.memory_space<vmem_shared>> -> memref<10240x128xf32, #tpu.memory_space<vmem_shared>>
          tpu.enqueue_indirect_dma source(%dma_start3A_105 : memref<128x128xf32, #tpu.memory_space<vmem>>) target(%dma_start3A_111 : memref<10240x128xf32, #tpu.memory_space<vmem_shared>>) offsets(%dma_start3A_108 : memref<128xi32, #tpu.memory_space<vmem>>) semaphore(%run_scoped3A_101 : memref<!tpu.dma_semaphore, #tpu.memory_space<semaphore_mem>>) {add = true}
          %dma_wait3A_112 = arith.constant 0 : i32
          %dma_wait3A_113 = arith.constant 0 : i32
          %dma_wait3A_114 = tpu.memref_slice %arg9[%run_scoped3A_88, %dma_wait3A_112, %dma_wait3A_113] : memref<2x128x128xf32, #tpu.memory_space<vmem>> -> memref<1x128x128xf32, #tpu.memory_space<vmem>>
          %dma_wait3A_115 = tpu.memref_squeeze %dma_wait3A_114 : memref<1x128x128xf32, #tpu.memory_space<vmem>> -> memref<128x128xf32, #tpu.memory_space<vmem>>
          %dma_wait3A_116 = arith.constant 0 : i32
          %dma_wait3A_117 = tpu.memref_slice %arg8[%mul3A_54, %dma_wait3A_116] : memref<54x128xi32, #tpu.memory_space<vmem>> -> memref<1x128xi32, #tpu.memory_space<vmem>>
          %dma_wait3A_118 = tpu.memref_squeeze %dma_wait3A_117 : memref<1x128xi32, #tpu.memory_space<vmem>> -> memref<128xi32, #tpu.memory_space<vmem>>
          %dma_wait3A_119 = arith.constant 0 : i32
          %dma_wait3A_120 = arith.constant 0 : i32
          %dma_wait3A_121 = tpu.memref_slice %arg10[%dma_wait3A_119, %dma_wait3A_120] : memref<10240x128xf32, #tpu.memory_space<vmem_shared>> -> memref<10240x128xf32, #tpu.memory_space<vmem_shared>>
          tpu.wait_indirect_dma semaphore(%run_scoped3A_101 : memref<!tpu.dma_semaphore, #tpu.memory_space<semaphore_mem>>) src(%dma_wait3A_115 : memref<128x128xf32, #tpu.memory_space<vmem>>) dst(%dma_wait3A_121 : memref<10240x128xf32, #tpu.memory_space<vmem_shared>>)
          tpu.yield
        }) : () -> ()
        %dma_wait3A_89 = arith.constant 1 : i32
        %dma_wait3A_90 = arith.constant 0 : i32
        %dma_wait3A_91 = arith.constant 0 : i32
        %dma_wait3A_92 = tpu.memref_slice %arg9[%dma_wait3A_89, %dma_wait3A_90, %dma_wait3A_91] : memref<2x128x128xf32, #tpu.memory_space<vmem>> -> memref<1x128x128xf32, #tpu.memory_space<vmem>>
        %dma_wait3A_93 = tpu.memref_squeeze %dma_wait3A_92 : memref<1x128x128xf32, #tpu.memory_space<vmem>> -> memref<128x128xf32, #tpu.memory_space<vmem>>
        %dma_wait3A_94 = arith.constant 0 : i32
        %dma_wait3A_95 = tpu.memref_slice %arg7[%add3A_56, %dma_wait3A_94] : memref<54x128xi32, #tpu.memory_space<vmem>> -> memref<1x128xi32, #tpu.memory_space<vmem>>
        %dma_wait3A_96 = tpu.memref_squeeze %dma_wait3A_95 : memref<1x128xi32, #tpu.memory_space<vmem>> -> memref<128xi32, #tpu.memory_space<vmem>>
        %dma_wait3A_97 = arith.constant 0 : i32
        %dma_wait3A_98 = arith.constant 0 : i32
        %dma_wait3A_99 = tpu.memref_slice %arg2[%dma_wait3A_97, %dma_wait3A_98] : memref<10240x128xf32, #tpu.memory_space<hbm>> -> memref<10240x128xf32, #tpu.memory_space<hbm>>
        tpu.wait_indirect_dma semaphore(%arg12 : memref<!tpu.dma_semaphore, #tpu.memory_space<semaphore_mem>>) src(%dma_wait3A_99 : memref<10240x128xf32, #tpu.memory_space<hbm>>) dst(%dma_wait3A_93 : memref<128x128xf32, #tpu.memory_space<vmem>>)
        %run_scoped3A_100 = arith.constant 1 : i32
        "tpu.region"() ({
          %run_scoped3A_101 = tpu.sem_alloc : memref<!tpu.dma_semaphore, #tpu.memory_space<semaphore_mem>>
          %dma_start3A_102 = arith.constant 0 : i32
          %dma_start3A_103 = arith.constant 0 : i32
          %dma_start3A_104 = tpu.memref_slice %arg9[%run_scoped3A_100, %dma_start3A_102, %dma_start3A_103] : memref<2x128x128xf32, #tpu.memory_space<vmem>> -> memref<1x128x128xf32, #tpu.memory_space<vmem>>
          %dma_start3A_105 = tpu.memref_squeeze %dma_start3A_104 : memref<1x128x128xf32, #tpu.memory_space<vmem>> -> memref<128x128xf32, #tpu.memory_space<vmem>>
          %dma_start3A_106 = arith.constant 0 : i32
          %dma_start3A_107 = tpu.memref_slice %arg8[%add3A_56, %dma_start3A_106] : memref<54x128xi32, #tpu.memory_space<vmem>> -> memref<1x128xi32, #tpu.memory_space<vmem>>
          %dma_start3A_108 = tpu.memref_squeeze %dma_start3A_107 : memref<1x128xi32, #tpu.memory_space<vmem>> -> memref<128xi32, #tpu.memory_space<vmem>>
          %dma_start3A_109 = arith.constant 0 : i32
          %dma_start3A_110 = arith.constant 0 : i32
          %dma_start3A_111 = tpu.memref_slice %arg10[%dma_start3A_109, %dma_start3A_110] : memref<10240x128xf32, #tpu.memory_space<vmem_shared>> -> memref<10240x128xf32, #tpu.memory_space<vmem_shared>>
          tpu.enqueue_indirect_dma source(%dma_start3A_105 : memref<128x128xf32, #tpu.memory_space<vmem>>) target(%dma_start3A_111 : memref<10240x128xf32, #tpu.memory_space<vmem_shared>>) offsets(%dma_start3A_108 : memref<128xi32, #tpu.memory_space<vmem>>) semaphore(%run_scoped3A_101 : memref<!tpu.dma_semaphore, #tpu.memory_space<semaphore_mem>>) {add = true}
          %dma_wait3A_112 = arith.constant 0 : i32
          %dma_wait3A_113 = arith.constant 0 : i32
          %dma_wait3A_114 = tpu.memref_slice %arg9[%run_scoped3A_100, %dma_wait3A_112, %dma_wait3A_113] : memref<2x128x128xf32, #tpu.memory_space<vmem>> -> memref<1x128x128xf32, #tpu.memory_space<vmem>>
          %dma_wait3A_115 = tpu.memref_squeeze %dma_wait3A_114 : memref<1x128x128xf32, #tpu.memory_space<vmem>> -> memref<128x128xf32, #tpu.memory_space<vmem>>
          %dma_wait3A_116 = arith.constant 0 : i32
          %dma_wait3A_117 = tpu.memref_slice %arg8[%add3A_56, %dma_wait3A_116] : memref<54x128xi32, #tpu.memory_space<vmem>> -> memref<1x128xi32, #tpu.memory_space<vmem>>
          %dma_wait3A_118 = tpu.memref_squeeze %dma_wait3A_117 : memref<1x128xi32, #tpu.memory_space<vmem>> -> memref<128xi32, #tpu.memory_space<vmem>>
          %dma_wait3A_119 = arith.constant 0 : i32
          %dma_wait3A_120 = arith.constant 0 : i32
          %dma_wait3A_121 = tpu.memref_slice %arg10[%dma_wait3A_119, %dma_wait3A_120] : memref<10240x128xf32, #tpu.memory_space<vmem_shared>> -> memref<10240x128xf32, #tpu.memory_space<vmem_shared>>
          tpu.wait_indirect_dma semaphore(%run_scoped3A_101 : memref<!tpu.dma_semaphore, #tpu.memory_space<semaphore_mem>>) src(%dma_wait3A_115 : memref<128x128xf32, #tpu.memory_space<vmem>>) dst(%dma_wait3A_121 : memref<10240x128xf32, #tpu.memory_space<vmem_shared>>)
          tpu.yield
        }) : () -> ()
      }
      %while3A_51 = arith.constant 1 : i32
      scf.for %while3A_52 = %while3A_49 to %while3A_45 step %while3A_51  : i32 {
        %mul3A_53 = arith.constant 2 : i32
        %mul3A_54 = arith.muli %mul3A_53, %while3A_52 : i32
        %add3A_55 = arith.constant 1 : i32
        %add3A_56 = arith.addi %mul3A_54, %add3A_55 : i32
        %dma_start3A = arith.constant 0 : i32
        %dma_start3A_57 = arith.constant 0 : i32
        %dma_start3A_58 = arith.constant 0 : i32
        %dma_start3A_59 = tpu.memref_slice %arg9[%dma_start3A, %dma_start3A_57, %dma_start3A_58] : memref<2x128x128xf32, #tpu.memory_space<vmem>> -> memref<1x128x128xf32, #tpu.memory_space<vmem>>
        %dma_start3A_60 = tpu.memref_squeeze %dma_start3A_59 : memref<1x128x128xf32, #tpu.memory_space<vmem>> -> memref<128x128xf32, #tpu.memory_space<vmem>>
        %dma_start3A_61 = arith.constant 0 : i32
        %dma_start3A_62 = tpu.memref_slice %arg7[%mul3A_54, %dma_start3A_61] : memref<54x128xi32, #tpu.memory_space<vmem>> -> memref<1x128xi32, #tpu.memory_space<vmem>>
        %dma_start3A_63 = tpu.memref_squeeze %dma_start3A_62 : memref<1x128xi32, #tpu.memory_space<vmem>> -> memref<128xi32, #tpu.memory_space<vmem>>
        %dma_start3A_64 = arith.constant 0 : i32
        %dma_start3A_65 = arith.constant 0 : i32
        %dma_start3A_66 = tpu.memref_slice %arg2[%dma_start3A_64, %dma_start3A_65] : memref<10240x128xf32, #tpu.memory_space<hbm>> -> memref<10240x128xf32, #tpu.memory_space<hbm>>
        tpu.enqueue_indirect_dma source(%dma_start3A_66 : memref<10240x128xf32, #tpu.memory_space<hbm>>) target(%dma_start3A_60 : memref<128x128xf32, #tpu.memory_space<vmem>>) offsets(%dma_start3A_63 : memref<128xi32, #tpu.memory_space<vmem>>) semaphore(%arg11 : memref<!tpu.dma_semaphore, #tpu.memory_space<semaphore_mem>>)
        %dma_start3A_67 = arith.constant 1 : i32
        %dma_start3A_68 = arith.constant 0 : i32
        %dma_start3A_69 = arith.constant 0 : i32
        %dma_start3A_70 = tpu.memref_slice %arg9[%dma_start3A_67, %dma_start3A_68, %dma_start3A_69] : memref<2x128x128xf32, #tpu.memory_space<vmem>> -> memref<1x128x128xf32, #tpu.memory_space<vmem>>
        %dma_start3A_71 = tpu.memref_squeeze %dma_start3A_70 : memref<1x128x128xf32, #tpu.memory_space<vmem>> -> memref<128x128xf32, #tpu.memory_space<vmem>>
        %dma_start3A_72 = arith.constant 0 : i32
        %dma_start3A_73 = tpu.memref_slice %arg7[%add3A_56, %dma_start3A_72] : memref<54x128xi32, #tpu.memory_space<vmem>> -> memref<1x128xi32, #tpu.memory_space<vmem>>
        %dma_start3A_74 = tpu.memref_squeeze %dma_start3A_73 : memref<1x128xi32, #tpu.memory_space<vmem>> -> memref<128xi32, #tpu.memory_space<vmem>>
        %dma_start3A_75 = arith.constant 0 : i32
        %dma_start3A_76 = arith.constant 0 : i32
        %dma_start3A_77 = tpu.memref_slice %arg2[%dma_start3A_75, %dma_start3A_76] : memref<10240x128xf32, #tpu.memory_space<hbm>> -> memref<10240x128xf32, #tpu.memory_space<hbm>>
        tpu.enqueue_indirect_dma source(%dma_start3A_77 : memref<10240x128xf32, #tpu.memory_space<hbm>>) target(%dma_start3A_71 : memref<128x128xf32, #tpu.memory_space<vmem>>) offsets(%dma_start3A_74 : memref<128xi32, #tpu.memory_space<vmem>>) semaphore(%arg12 : memref<!tpu.dma_semaphore, #tpu.memory_space<semaphore_mem>>)
        %dma_wait3A = arith.constant 0 : i32
        %dma_wait3A_78 = arith.constant 0 : i32
        %dma_wait3A_79 = arith.constant 0 : i32
        %dma_wait3A_80 = tpu.memref_slice %arg9[%dma_wait3A, %dma_wait3A_78, %dma_wait3A_79] : memref<2x128x128xf32, #tpu.memory_space<vmem>> -> memref<1x128x128xf32, #tpu.memory_space<vmem>>
        %dma_wait3A_81 = tpu.memref_squeeze %dma_wait3A_80 : memref<1x128x128xf32, #tpu.memory_space<vmem>> -> memref<128x128xf32, #tpu.memory_space<vmem>>
        %dma_wait3A_82 = arith.constant 0 : i32
        %dma_wait3A_83 = tpu.memref_slice %arg7[%mul3A_54, %dma_wait3A_82] : memref<54x128xi32, #tpu.memory_space<vmem>> -> memref<1x128xi32, #tpu.memory_space<vmem>>
        %dma_wait3A_84 = tpu.memref_squeeze %dma_wait3A_83 : memref<1x128xi32, #tpu.memory_space<vmem>> -> memref<128xi32, #tpu.memory_space<vmem>>
        %dma_wait3A_85 = arith.constant 0 : i32
        %dma_wait3A_86 = arith.constant 0 : i32
        %dma_wait3A_87 = tpu.memref_slice %arg2[%dma_wait3A_85, %dma_wait3A_86] : memref<10240x128xf32, #tpu.memory_space<hbm>> -> memref<10240x128xf32, #tpu.memory_space<hbm>>
        tpu.wait_indirect_dma semaphore(%arg11 : memref<!tpu.dma_semaphore, #tpu.memory_space<semaphore_mem>>) src(%dma_wait3A_87 : memref<10240x128xf32, #tpu.memory_space<hbm>>) dst(%dma_wait3A_81 : memref<128x128xf32, #tpu.memory_space<vmem>>)
        %run_scoped3A_88 = arith.constant 0 : i32
        "tpu.region"() ({
          %run_scoped3A_101 = tpu.sem_alloc : memref<!tpu.dma_semaphore, #tpu.memory_space<semaphore_mem>>
          %dma_start3A_102 = arith.constant 0 : i32
          %dma_start3A_103 = arith.constant 0 : i32
          %dma_start3A_104 = tpu.memref_slice %arg9[%run_scoped3A_88, %dma_start3A_102, %dma_start3A_103] : memref<2x128x128xf32, #tpu.memory_space<vmem>> -> memref<1x128x128xf32, #tpu.memory_space<vmem>>
          %dma_start3A_105 = tpu.memref_squeeze %dma_start3A_104 : memref<1x128x128xf32, #tpu.memory_space<vmem>> -> memref<128x128xf32, #tpu.memory_space<vmem>>
          %dma_start3A_106 = arith.constant 0 : i32
          %dma_start3A_107 = tpu.memref_slice %arg8[%mul3A_54, %dma_start3A_106] : memref<54x128xi32, #tpu.memory_space<vmem>> -> memref<1x128xi32, #tpu.memory_space<vmem>>
          %dma_start3A_108 = tpu.memref_squeeze %dma_start3A_107 : memref<1x128xi32, #tpu.memory_space<vmem>> -> memref<128xi32, #tpu.memory_space<vmem>>
          %dma_start3A_109 = arith.constant 0 : i32
          %dma_start3A_110 = arith.constant 0 : i32
          %dma_start3A_111 = tpu.memref_slice %arg10[%dma_start3A_109, %dma_start3A_110] : memref<10240x128xf32, #tpu.memory_space<vmem_shared>> -> memref<10240x128xf32, #tpu.memory_space<vmem_shared>>
          tpu.enqueue_indirect_dma source(%dma_start3A_105 : memref<128x128xf32, #tpu.memory_space<vmem>>) target(%dma_start3A_111 : memref<10240x128xf32, #tpu.memory_space<vmem_shared>>) offsets(%dma_start3A_108 : memref<128xi32, #tpu.memory_space<vmem>>) semaphore(%run_scoped3A_101 : memref<!tpu.dma_semaphore, #tpu.memory_space<semaphore_mem>>) {add = true}
          %dma_wait3A_112 = arith.constant 0 : i32
          %dma_wait3A_113 = arith.constant 0 : i32
          %dma_wait3A_114 = tpu.memref_slice %arg9[%run_scoped3A_88, %dma_wait3A_112, %dma_wait3A_113] : memref<2x128x128xf32, #tpu.memory_space<vmem>> -> memref<1x128x128xf32, #tpu.memory_space<vmem>>
          %dma_wait3A_115 = tpu.memref_squeeze %dma_wait3A_114 : memref<1x128x128xf32, #tpu.memory_space<vmem>> -> memref<128x128xf32, #tpu.memory_space<vmem>>
          %dma_wait3A_116 = arith.constant 0 : i32
          %dma_wait3A_117 = tpu.memref_slice %arg8[%mul3A_54, %dma_wait3A_116] : memref<54x128xi32, #tpu.memory_space<vmem>> -> memref<1x128xi32, #tpu.memory_space<vmem>>
          %dma_wait3A_118 = tpu.memref_squeeze %dma_wait3A_117 : memref<1x128xi32, #tpu.memory_space<vmem>> -> memref<128xi32, #tpu.memory_space<vmem>>
          %dma_wait3A_119 = arith.constant 0 : i32
          %dma_wait3A_120 = arith.constant 0 : i32
          %dma_wait3A_121 = tpu.memref_slice %arg10[%dma_wait3A_119, %dma_wait3A_120] : memref<10240x128xf32, #tpu.memory_space<vmem_shared>> -> memref<10240x128xf32, #tpu.memory_space<vmem_shared>>
          tpu.wait_indirect_dma semaphore(%run_scoped3A_101 : memref<!tpu.dma_semaphore, #tpu.memory_space<semaphore_mem>>) src(%dma_wait3A_115 : memref<128x128xf32, #tpu.memory_space<vmem>>) dst(%dma_wait3A_121 : memref<10240x128xf32, #tpu.memory_space<vmem_shared>>)
          tpu.yield
        }) : () -> ()
        %dma_wait3A_89 = arith.constant 1 : i32
        %dma_wait3A_90 = arith.constant 0 : i32
        %dma_wait3A_91 = arith.constant 0 : i32
        %dma_wait3A_92 = tpu.memref_slice %arg9[%dma_wait3A_89, %dma_wait3A_90, %dma_wait3A_91] : memref<2x128x128xf32, #tpu.memory_space<vmem>> -> memref<1x128x128xf32, #tpu.memory_space<vmem>>
        %dma_wait3A_93 = tpu.memref_squeeze %dma_wait3A_92 : memref<1x128x128xf32, #tpu.memory_space<vmem>> -> memref<128x128xf32, #tpu.memory_space<vmem>>
        %dma_wait3A_94 = arith.constant 0 : i32
        %dma_wait3A_95 = tpu.memref_slice %arg7[%add3A_56, %dma_wait3A_94] : memref<54x128xi32, #tpu.memory_space<vmem>> -> memref<1x128xi32, #tpu.memory_space<vmem>>
        %dma_wait3A_96 = tpu.memref_squeeze %dma_wait3A_95 : memref<1x128xi32, #tpu.memory_space<vmem>> -> memref<128xi32, #tpu.memory_space<vmem>>
        %dma_wait3A_97 = arith.constant 0 : i32
        %dma_wait3A_98 = arith.constant 0 : i32
        %dma_wait3A_99 = tpu.memref_slice %arg2[%dma_wait3A_97, %dma_wait3A_98] : memref<10240x128xf32, #tpu.memory_space<hbm>> -> memref<10240x128xf32, #tpu.memory_space<hbm>>
        tpu.wait_indirect_dma semaphore(%arg12 : memref<!tpu.dma_semaphore, #tpu.memory_space<semaphore_mem>>) src(%dma_wait3A_99 : memref<10240x128xf32, #tpu.memory_space<hbm>>) dst(%dma_wait3A_93 : memref<128x128xf32, #tpu.memory_space<vmem>>)
        %run_scoped3A_100 = arith.constant 1 : i32
        "tpu.region"() ({
          %run_scoped3A_101 = tpu.sem_alloc : memref<!tpu.dma_semaphore, #tpu.memory_space<semaphore_mem>>
          %dma_start3A_102 = arith.constant 0 : i32
          %dma_start3A_103 = arith.constant 0 : i32
          %dma_start3A_104 = tpu.memref_slice %arg9[%run_scoped3A_100, %dma_start3A_102, %dma_start3A_103] : memref<2x128x128xf32, #tpu.memory_space<vmem>> -> memref<1x128x128xf32, #tpu.memory_space<vmem>>
          %dma_start3A_105 = tpu.memref_squeeze %dma_start3A_104 : memref<1x128x128xf32, #tpu.memory_space<vmem>> -> memref<128x128xf32, #tpu.memory_space<vmem>>
          %dma_start3A_106 = arith.constant 0 : i32
          %dma_start3A_107 = tpu.memref_slice %arg8[%add3A_56, %dma_start3A_106] : memref<54x128xi32, #tpu.memory_space<vmem>> -> memref<1x128xi32, #tpu.memory_space<vmem>>
          %dma_start3A_108 = tpu.memref_squeeze %dma_start3A_107 : memref<1x128xi32, #tpu.memory_space<vmem>> -> memref<128xi32, #tpu.memory_space<vmem>>
          %dma_start3A_109 = arith.constant 0 : i32
          %dma_start3A_110 = arith.constant 0 : i32
          %dma_start3A_111 = tpu.memref_slice %arg10[%dma_start3A_109, %dma_start3A_110] : memref<10240x128xf32, #tpu.memory_space<vmem_shared>> -> memref<10240x128xf32, #tpu.memory_space<vmem_shared>>
          tpu.enqueue_indirect_dma source(%dma_start3A_105 : memref<128x128xf32, #tpu.memory_space<vmem>>) target(%dma_start3A_111 : memref<10240x128xf32, #tpu.memory_space<vmem_shared>>) offsets(%dma_start3A_108 : memref<128xi32, #tpu.memory_space<vmem>>) semaphore(%run_scoped3A_101 : memref<!tpu.dma_semaphore, #tpu.memory_space<semaphore_mem>>) {add = true}
          %dma_wait3A_112 = arith.constant 0 : i32
          %dma_wait3A_113 = arith.constant 0 : i32
          %dma_wait3A_114 = tpu.memref_slice %arg9[%run_scoped3A_100, %dma_wait3A_112, %dma_wait3A_113] : memref<2x128x128xf32, #tpu.memory_space<vmem>> -> memref<1x128x128xf32, #tpu.memory_space<vmem>>
          %dma_wait3A_115 = tpu.memref_squeeze %dma_wait3A_114 : memref<1x128x128xf32, #tpu.memory_space<vmem>> -> memref<128x128xf32, #tpu.memory_space<vmem>>
          %dma_wait3A_116 = arith.constant 0 : i32
          %dma_wait3A_117 = tpu.memref_slice %arg8[%add3A_56, %dma_wait3A_116] : memref<54x128xi32, #tpu.memory_space<vmem>> -> memref<1x128xi32, #tpu.memory_space<vmem>>
          %dma_wait3A_118 = tpu.memref_squeeze %dma_wait3A_117 : memref<1x128xi32, #tpu.memory_space<vmem>> -> memref<128xi32, #tpu.memory_space<vmem>>
          %dma_wait3A_119 = arith.constant 0 : i32
          %dma_wait3A_120 = arith.constant 0 : i32
          %dma_wait3A_121 = tpu.memref_slice %arg10[%dma_wait3A_119, %dma_wait3A_120] : memref<10240x128xf32, #tpu.memory_space<vmem_shared>> -> memref<10240x128xf32, #tpu.memory_space<vmem_shared>>
          tpu.wait_indirect_dma semaphore(%run_scoped3A_101 : memref<!tpu.dma_semaphore, #tpu.memory_space<semaphore_mem>>) src(%dma_wait3A_115 : memref<128x128xf32, #tpu.memory_space<vmem>>) dst(%dma_wait3A_121 : memref<10240x128xf32, #tpu.memory_space<vmem_shared>>)
          tpu.yield
        }) : () -> ()
      }
    } else {
    }
    %barrier3A_19 = arith.constant 0 : index
    tpu.barrier barrier_id(%barrier3A_19)
    %mul3A_20 = arith.constant 640 : i32
    %mul3A_21 = arith.muli %arg1, %mul3A_20 : i32
    %mul3A_22 = arith.constant 640 : i32
    %mul3A_23 = arith.muli %arg1, %mul3A_22 : i32
    "tpu.region"() ({
      %run_scoped3A = tpu.sem_alloc : memref<!tpu.dma_semaphore, #tpu.memory_space<semaphore_mem>>
      %dma_start3A = arith.constant 0 : i32
      %dma_start3A_24 = tpu.memref_slice %arg6[%arg0, %mul3A_23, %dma_start3A] : memref<2x10240x128xf32, #tpu.memory_space<hbm>> -> memref<1x640x128xf32, #tpu.memory_space<hbm>>
      %dma_start3A_25 = tpu.memref_squeeze %dma_start3A_24 : memref<1x640x128xf32, #tpu.memory_space<hbm>> -> memref<640x128xf32, #tpu.memory_space<hbm>>
      %dma_start3A_26 = arith.constant 0 : i32
      %dma_start3A_27 = tpu.memref_slice %arg10[%mul3A_21, %dma_start3A_26] : memref<10240x128xf32, #tpu.memory_space<vmem_shared>> -> memref<640x128xf32, #tpu.memory_space<vmem_shared>>
      tpu.enqueue_dma source(%dma_start3A_27 : memref<640x128xf32, #tpu.memory_space<vmem_shared>>) target(%dma_start3A_25 : memref<640x128xf32, #tpu.memory_space<hbm>>) target_semaphore(%run_scoped3A : memref<!tpu.dma_semaphore, #tpu.memory_space<semaphore_mem>>)
      %dma_wait3A = arith.constant 0 : i32
      %dma_wait3A_28 = tpu.memref_slice %arg6[%arg0, %mul3A_23, %dma_wait3A] : memref<2x10240x128xf32, #tpu.memory_space<hbm>> -> memref<1x640x128xf32, #tpu.memory_space<hbm>>
      %dma_wait3A_29 = tpu.memref_squeeze %dma_wait3A_28 : memref<1x640x128xf32, #tpu.memory_space<hbm>> -> memref<640x128xf32, #tpu.memory_space<hbm>>
      %dma_wait3A_30 = arith.constant 0 : i32
      %dma_wait3A_31 = tpu.memref_slice %arg10[%mul3A_21, %dma_wait3A_30] : memref<10240x128xf32, #tpu.memory_space<vmem_shared>> -> memref<640x128xf32, #tpu.memory_space<vmem_shared>>
      tpu.wait_dma2 semaphore(%run_scoped3A : memref<!tpu.dma_semaphore, #tpu.memory_space<semaphore_mem>>) src(%dma_wait3A_31 : memref<640x128xf32, #tpu.memory_space<vmem_shared>>) dst(%dma_wait3A_29 : memref<640x128xf32, #tpu.memory_space<hbm>>)
      tpu.yield
    }) : () -> ()
    return
  }
}

module attributes {stable_mosaic.version = 14 : i64} {
  func.func @_tc_first_body(%arg0: i32, %arg1: memref<2x640x128xf32, #tpu.memory_space<vmem>>, %arg2: memref<640x128xf32, #tpu.memory_space<vmem>>, %arg3: memref<128x128xf32, #tpu.memory_space<vmem>>, %arg4: memref<640x128xf32, #tpu.memory_space<vmem>>, %arg5: memref<640x128xf32, #tpu.memory_space<vmem>>) attributes {dimension_semantics = [#tpu.dimension_semantics<arbitrary>], iteration_bounds = array<i64: 16>, scalar_prefetch = 0 : i64, scratch_operands = 0 : i64, tpu.core_type = #tpu.core_type<tc>, window_params = [{transform_indices = @transform_0, window_bounds = array<i64: 2, 640, 128>}, {transform_indices = @transform_1, window_bounds = array<i64: 640, 128>}, {pipeline_mode = #tpu.pipeline_mode<synchronous>, transform_indices = @transform_2, window_bounds = array<i64: 128, 128>}, {transform_indices = @transform_3, window_bounds = array<i64: 640, 128>}, {transform_indices = @transform_4, window_bounds = array<i64: 640, 128>}]} {
    %get3A = arith.constant 0 : index
    %get3A_0 = arith.constant 0 : index
    %get3A_1 = arith.constant 0 : index
    %get3A_2 = vector.load %arg1[%get3A, %get3A_0, %get3A_1] : memref<2x640x128xf32, #tpu.memory_space<vmem>>, vector<1x640x1xf32>
    %get3A_3 = vector.shape_cast %get3A_2 : vector<1x640x1xf32> to vector<640x1xf32>
    %get3A_4 = arith.constant 1 : index
    %get3A_5 = arith.constant 0 : index
    %get3A_6 = arith.constant 0 : index
    %get3A_7 = vector.load %arg1[%get3A_4, %get3A_5, %get3A_6] : memref<2x640x128xf32, #tpu.memory_space<vmem>>, vector<1x640x1xf32>
    %get3A_8 = vector.shape_cast %get3A_7 : vector<1x640x1xf32> to vector<640x1xf32>
    %add3A = arith.addf %get3A_3, %get3A_8 : vector<640x1xf32>
    %add3A_9 = arith.constant 1.000000e+00 : f32
    %add3A_10 = vector.broadcast %add3A_9 : f32 to vector<640x1xf32>
    %add3A_11 = arith.addf %add3A, %add3A_10 : vector<640x1xf32>
    %rsqrt3A = math.rsqrt %add3A_11 : vector<640x1xf32>
    %broadcast_in_dim3A = vector.shape_cast %rsqrt3A : vector<640x1xf32> to vector<640x1xf32>
    %broadcast_in_dim3A_12 = vector.broadcast %broadcast_in_dim3A : vector<640x1xf32> to vector<640x128xf32>
    %swap3A = arith.constant 0 : index
    %swap3A_13 = arith.constant 0 : index
    %swap3A_14 = vector.load %arg4[%swap3A, %swap3A_13] : memref<640x128xf32, #tpu.memory_space<vmem>>, vector<640x128xf32>
    tpu.vector_store %arg4[%swap3A, %swap3A_13], %broadcast_in_dim3A_12 {strides = array<i32>} : memref<640x128xf32, #tpu.memory_space<vmem>>, vector<640x128xf32>,
    %get3A_15 = arith.constant 0 : index
    %get3A_16 = arith.constant 0 : index
    %get3A_17 = vector.load %arg2[%get3A_15, %get3A_16] : memref<640x128xf32, #tpu.memory_space<vmem>>, vector<640x128xf32>
    %get3A_18 = arith.constant 0 : index
    %get3A_19 = arith.constant 0 : index
    %get3A_20 = vector.load %arg3[%get3A_18, %get3A_19] : memref<128x128xf32, #tpu.memory_space<vmem>>, vector<128x128xf32>
    %dot_general3A = arith.constant dense<0.000000e+00> : vector<640x128xf32>
    %dot_general3A_21 = tpu.matmul %get3A_17, %get3A_20, %dot_general3A {dimension_numbers = #tpu.dot_dimension_numbers<[1], [0], [0], [1], [0, 0, 1, 1], [], []>, transpose_lhs_hint = false} : vector<640x128xf32>, vector<128x128xf32>, vector<640x128xf32> -> vector<640x128xf32>
    %mul3A = arith.mulf %broadcast_in_dim3A_12, %dot_general3A_21 : vector<640x128xf32>
    %swap3A_22 = arith.constant 0 : index
    %swap3A_23 = arith.constant 0 : index
    %swap3A_24 = vector.load %arg5[%swap3A_22, %swap3A_23] : memref<640x128xf32, #tpu.memory_space<vmem>>, vector<640x128xf32>
    tpu.vector_store %arg5[%swap3A_22, %swap3A_23], %mul3A {strides = array<i32>} : memref<640x128xf32, #tpu.memory_space<vmem>>, vector<640x128xf32>,
    return
  }
  func.func @transform_0(%arg0: i32) -> (i32, i32, i32) {
    %c0_i32 = arith.constant 0 : i32
    %c0_i32_0 = arith.constant 0 : i32
    %c0_i32_1 = arith.constant 0 : i32
    return %c0_i32, %arg0, %c0_i32_0 : i32, i32, i32
  }
  func.func @transform_1(%arg0: i32) -> (i32, i32) {
    %c0_i32 = arith.constant 0 : i32
    %c0_i32_0 = arith.constant 0 : i32
    return %arg0, %c0_i32 : i32, i32
  }
  func.func @transform_2(%arg0: i32) -> (i32, i32) {
    %c0_i32 = arith.constant 0 : i32
    %c0_i32_0 = arith.constant 0 : i32
    %c0_i32_1 = arith.constant 0 : i32
    return %c0_i32, %c0_i32_0 : i32, i32
  }
  func.func @transform_3(%arg0: i32) -> (i32, i32) {
    %c0_i32 = arith.constant 0 : i32
    %c0_i32_0 = arith.constant 0 : i32
    return %arg0, %c0_i32 : i32, i32
  }
  func.func @transform_4(%arg0: i32) -> (i32, i32) {
    %c0_i32 = arith.constant 0 : i32
    %c0_i32_0 = arith.constant 0 : i32
    return %arg0, %c0_i32 : i32, i32
  }
}

module attributes {stable_mosaic.version = 14 : i64} {
  func.func @_tc_mid_body(%arg0: i32, %arg1: memref<2x640x128xf32, #tpu.memory_space<vmem>>, %arg2: memref<640x128xf32, #tpu.memory_space<vmem>>, %arg3: memref<640x128xf32, #tpu.memory_space<vmem>>, %arg4: memref<1x128xf32, #tpu.memory_space<vmem>>, %arg5: memref<128x128xf32, #tpu.memory_space<vmem>>, %arg6: memref<640x128xf32, #tpu.memory_space<vmem>>) attributes {dimension_semantics = [#tpu.dimension_semantics<arbitrary>], iteration_bounds = array<i64: 16>, scalar_prefetch = 0 : i64, scratch_operands = 0 : i64, tpu.core_type = #tpu.core_type<tc>, window_params = [{transform_indices = @transform_0, window_bounds = array<i64: 2, 640, 128>}, {transform_indices = @transform_1, window_bounds = array<i64: 640, 128>}, {transform_indices = @transform_2, window_bounds = array<i64: 640, 128>}, {pipeline_mode = #tpu.pipeline_mode<synchronous>, transform_indices = @transform_3, window_bounds = array<i64: 1, 128>}, {pipeline_mode = #tpu.pipeline_mode<synchronous>, transform_indices = @transform_4, window_bounds = array<i64: 128, 128>}, {transform_indices = @transform_5, window_bounds = array<i64: 640, 128>}]} {
    %get3A = arith.constant 0 : index
    %get3A_0 = arith.constant 0 : index
    %get3A_1 = vector.load %arg3[%get3A, %get3A_0] : memref<640x128xf32, #tpu.memory_space<vmem>>, vector<640x128xf32>
    %get3A_2 = arith.constant 0 : index
    %get3A_3 = arith.constant 0 : index
    %get3A_4 = arith.constant 0 : index
    %get3A_5 = vector.load %arg1[%get3A_2, %get3A_3, %get3A_4] : memref<2x640x128xf32, #tpu.memory_space<vmem>>, vector<1x640x128xf32>
    %get3A_6 = vector.shape_cast %get3A_5 : vector<1x640x128xf32> to vector<640x128xf32>
    %get3A_7 = arith.constant 1 : index
    %get3A_8 = arith.constant 0 : index
    %get3A_9 = arith.constant 0 : index
    %get3A_10 = vector.load %arg1[%get3A_7, %get3A_8, %get3A_9] : memref<2x640x128xf32, #tpu.memory_space<vmem>>, vector<1x640x128xf32>
    %get3A_11 = vector.shape_cast %get3A_10 : vector<1x640x128xf32> to vector<640x128xf32>
    %add3A = arith.addf %get3A_6, %get3A_11 : vector<640x128xf32>
    %get3A_12 = arith.constant 0 : index
    %get3A_13 = arith.constant 0 : index
    %get3A_14 = vector.load %arg2[%get3A_12, %get3A_13] : memref<640x128xf32, #tpu.memory_space<vmem>>, vector<640x128xf32>
    %add3A_15 = arith.addf %add3A, %get3A_14 : vector<640x128xf32>
    %mul3A = arith.mulf %get3A_1, %add3A_15 : vector<640x128xf32>
    %get3A_16 = arith.constant 0 : index
    %get3A_17 = arith.constant 0 : index
    %get3A_18 = vector.load %arg4[%get3A_16, %get3A_17] : memref<1x128xf32, #tpu.memory_space<vmem>>, vector<1x128xf32>
    %add3A_19 = vector.broadcast %get3A_18 : vector<1x128xf32> to vector<640x128xf32>
    %add3A_20 = arith.addf %mul3A, %add3A_19 : vector<640x128xf32>
    %max3A = arith.constant 0.000000e+00 : f32
    %max3A_21 = vector.broadcast %max3A : f32 to vector<640x128xf32>
    %max3A_22 = arith.maximumf %add3A_20, %max3A_21 : vector<640x128xf32>
    %get3A_23 = arith.constant 0 : index
    %get3A_24 = arith.constant 0 : index
    %get3A_25 = vector.load %arg5[%get3A_23, %get3A_24] : memref<128x128xf32, #tpu.memory_space<vmem>>, vector<128x128xf32>
    %dot_general3A = arith.constant dense<0.000000e+00> : vector<640x128xf32>
    %dot_general3A_26 = tpu.matmul %max3A_22, %get3A_25, %dot_general3A {dimension_numbers = #tpu.dot_dimension_numbers<[1], [0], [0], [1], [0, 0, 1, 1], [], []>, transpose_lhs_hint = false} : vector<640x128xf32>, vector<128x128xf32>, vector<640x128xf32> -> vector<640x128xf32>
    %mul3A_27 = arith.mulf %get3A_1, %dot_general3A_26 : vector<640x128xf32>
    %swap3A = arith.constant 0 : index
    %swap3A_28 = arith.constant 0 : index
    %swap3A_29 = vector.load %arg6[%swap3A, %swap3A_28] : memref<640x128xf32, #tpu.memory_space<vmem>>, vector<640x128xf32>
    tpu.vector_store %arg6[%swap3A, %swap3A_28], %mul3A_27 {strides = array<i32>} : memref<640x128xf32, #tpu.memory_space<vmem>>, vector<640x128xf32>,
    return
  }
  func.func @transform_0(%arg0: i32) -> (i32, i32, i32) {
    %c0_i32 = arith.constant 0 : i32
    %c0_i32_0 = arith.constant 0 : i32
    %c0_i32_1 = arith.constant 0 : i32
    return %c0_i32, %arg0, %c0_i32_0 : i32, i32, i32
  }
  func.func @transform_1(%arg0: i32) -> (i32, i32) {
    %c0_i32 = arith.constant 0 : i32
    %c0_i32_0 = arith.constant 0 : i32
    return %arg0, %c0_i32 : i32, i32
  }
  func.func @transform_2(%arg0: i32) -> (i32, i32) {
    %c0_i32 = arith.constant 0 : i32
    %c0_i32_0 = arith.constant 0 : i32
    return %arg0, %c0_i32 : i32, i32
  }
  func.func @transform_3(%arg0: i32) -> (i32, i32) {
    %c0_i32 = arith.constant 0 : i32
    %c0_i32_0 = arith.constant 0 : i32
    %c0_i32_1 = arith.constant 0 : i32
    return %c0_i32, %c0_i32_0 : i32, i32
  }
  func.func @transform_4(%arg0: i32) -> (i32, i32) {
    %c0_i32 = arith.constant 0 : i32
    %c0_i32_0 = arith.constant 0 : i32
    %c0_i32_1 = arith.constant 0 : i32
    return %c0_i32, %c0_i32_0 : i32, i32
  }
  func.func @transform_5(%arg0: i32) -> (i32, i32) {
    %c0_i32 = arith.constant 0 : i32
    %c0_i32_0 = arith.constant 0 : i32
    return %arg0, %c0_i32 : i32, i32
  }
}

module attributes {stable_mosaic.version = 14 : i64} {
  func.func @_tc_final_body(%arg0: i32, %arg1: memref<2x640x128xf32, #tpu.memory_space<vmem>>, %arg2: memref<640x128xf32, #tpu.memory_space<vmem>>, %arg3: memref<640x128xf32, #tpu.memory_space<vmem>>, %arg4: memref<1x128xf32, #tpu.memory_space<vmem>>, %arg5: memref<1x1x640xi32, #tpu.memory_space<vmem>>, %arg6: memref<128x128xf32, #tpu.memory_space<vmem>>, %arg7: memref<1x128xf32, #tpu.memory_space<vmem>>, %arg8: memref<1x128xf32, #tpu.memory_space<vmem>>, %arg9: memref<1x128xf32, #tpu.memory_space<vmem>>, %arg10: memref<128x128xf32, #tpu.memory_space<vmem>>, %arg11: memref<1x128xf32, #tpu.memory_space<vmem>>, %arg12: memref<64x128xf32, #tpu.memory_space<vmem>>, %arg13: memref<64x128xf32, #tpu.memory_space<vmem>>) attributes {dimension_semantics = [#tpu.dimension_semantics<arbitrary>], iteration_bounds = array<i64: 16>, scalar_prefetch = 0 : i64, scratch_operands = 1 : i64, tpu.core_type = #tpu.core_type<tc>, window_params = [{transform_indices = @transform_0, window_bounds = array<i64: 2, 640, 128>}, {transform_indices = @transform_1, window_bounds = array<i64: 640, 128>}, {transform_indices = @transform_2, window_bounds = array<i64: 640, 128>}, {pipeline_mode = #tpu.pipeline_mode<synchronous>, transform_indices = @transform_3, window_bounds = array<i64: 1, 128>}, {transform_indices = @transform_4, window_bounds = array<i64: 1, 1, 640>}, {pipeline_mode = #tpu.pipeline_mode<synchronous>, transform_indices = @transform_5, window_bounds = array<i64: 128, 128>}, {pipeline_mode = #tpu.pipeline_mode<synchronous>, transform_indices = @transform_6, window_bounds = array<i64: 1, 128>}, {pipeline_mode = #tpu.pipeline_mode<synchronous>, transform_indices = @transform_7, window_bounds = array<i64: 1, 128>}, {pipeline_mode = #tpu.pipeline_mode<synchronous>, transform_indices = @transform_8, window_bounds = array<i64: 1, 128>}, {pipeline_mode = #tpu.pipeline_mode<synchronous>, transform_indices = @transform_9, window_bounds = array<i64: 128, 128>}, {pipeline_mode = #tpu.pipeline_mode<synchronous>, transform_indices = @transform_10, window_bounds = array<i64: 1, 128>}, {pipeline_mode = #tpu.pipeline_mode<synchronous>, transform_indices = @transform_11, window_bounds = array<i64: 64, 128>}]} {
    %get3A = arith.constant 0 : index
    %get3A_0 = arith.constant 0 : index
    %get3A_1 = vector.load %arg3[%get3A, %get3A_0] : memref<640x128xf32, #tpu.memory_space<vmem>>, vector<640x128xf32>
    %get3A_2 = arith.constant 0 : index
    %get3A_3 = arith.constant 0 : index
    %get3A_4 = arith.constant 0 : index
    %get3A_5 = vector.load %arg1[%get3A_2, %get3A_3, %get3A_4] : memref<2x640x128xf32, #tpu.memory_space<vmem>>, vector<1x640x128xf32>
    %get3A_6 = vector.shape_cast %get3A_5 : vector<1x640x128xf32> to vector<640x128xf32>
    %get3A_7 = arith.constant 1 : index
    %get3A_8 = arith.constant 0 : index
    %get3A_9 = arith.constant 0 : index
    %get3A_10 = vector.load %arg1[%get3A_7, %get3A_8, %get3A_9] : memref<2x640x128xf32, #tpu.memory_space<vmem>>, vector<1x640x128xf32>
    %get3A_11 = vector.shape_cast %get3A_10 : vector<1x640x128xf32> to vector<640x128xf32>
    %add3A = arith.addf %get3A_6, %get3A_11 : vector<640x128xf32>
    %get3A_12 = arith.constant 0 : index
    %get3A_13 = arith.constant 0 : index
    %get3A_14 = vector.load %arg2[%get3A_12, %get3A_13] : memref<640x128xf32, #tpu.memory_space<vmem>>, vector<640x128xf32>
    %add3A_15 = arith.addf %add3A, %get3A_14 : vector<640x128xf32>
    %mul3A = arith.mulf %get3A_1, %add3A_15 : vector<640x128xf32>
    %get3A_16 = arith.constant 0 : index
    %get3A_17 = arith.constant 0 : index
    %get3A_18 = vector.load %arg4[%get3A_16, %get3A_17] : memref<1x128xf32, #tpu.memory_space<vmem>>, vector<1x128xf32>
    %add3A_19 = vector.broadcast %get3A_18 : vector<1x128xf32> to vector<640x128xf32>
    %add3A_20 = arith.addf %mul3A, %add3A_19 : vector<640x128xf32>
    %get3A_21 = arith.constant 0 : index
    %get3A_22 = arith.constant 0 : index
    %get3A_23 = arith.constant 0 : index
    %get3A_24 = vector.load %arg5[%get3A_21, %get3A_22, %get3A_23] : memref<1x1x640xi32, #tpu.memory_space<vmem>>, vector<1x1x640xi32>
    %get3A_25 = vector.shape_cast %get3A_24 : vector<1x1x640xi32> to vector<1x640xi32>
    %iota3A = tpu.iota {dimensions = array<i32: 0>} : vector<64x640xi32>
    %eq3A = vector.broadcast %get3A_25 : vector<1x640xi32> to vector<64x640xi32>
    %eq3A_26 = arith.cmpi eq, %eq3A, %iota3A : vector<64x640xi32>
    %convert_element_type3A = arith.extui %eq3A_26 : vector<64x640xi1> to vector<64x640xi32>
    %convert_element_type3A_27 = arith.sitofp %convert_element_type3A : vector<64x640xi32> to vector<64x640xf32>
    %dot_general3A = arith.constant dense<0.000000e+00> : vector<64x128xf32>
    %dot_general3A_28 = tpu.matmul %convert_element_type3A_27, %add3A_20, %dot_general3A {dimension_numbers = #tpu.dot_dimension_numbers<[1], [0], [0], [1], [0, 0, 1, 1], [], []>, precision = #tpu.contract_precision<fp32>, transpose_lhs_hint = false} : vector<64x640xf32>, vector<640x128xf32>, vector<64x128xf32> -> vector<64x128xf32>
    %eq3A_29 = arith.constant 0 : i32
    %eq3A_30 = arith.cmpi eq, %arg0, %eq3A_29 : i32
    %convert_element_type3A_31 = arith.extui %eq3A_30 : i1 to i32
    %cond3A = arith.constant 0 : i32
    %cond3A_32 = arith.cmpi ne, %convert_element_type3A_31, %cond3A : i32
    scf.if %cond3A_32 {
      %swap3A = arith.constant 0 : index
      %swap3A_42 = arith.constant 0 : index
      %swap3A_43 = vector.load %arg13[%swap3A, %swap3A_42] : memref<64x128xf32, #tpu.memory_space<vmem>>, vector<64x128xf32>
      tpu.vector_store %arg13[%swap3A, %swap3A_42], %dot_general3A_28 {strides = array<i32>} : memref<64x128xf32, #tpu.memory_space<vmem>>, vector<64x128xf32>,
    } else {
    }
    %gt3A = arith.constant 0 : i32
    %gt3A_33 = arith.cmpi sgt, %arg0, %gt3A : i32
    %convert_element_type3A_34 = arith.extui %gt3A_33 : i1 to i32
    %cond3A_35 = arith.constant 0 : i32
    %cond3A_36 = arith.cmpi ne, %convert_element_type3A_34, %cond3A_35 : i32
    scf.if %cond3A_36 {
      %get3A_42 = arith.constant 0 : index
      %get3A_43 = arith.constant 0 : index
      %get3A_44 = vector.load %arg13[%get3A_42, %get3A_43] : memref<64x128xf32, #tpu.memory_space<vmem>>, vector<64x128xf32>
      %add3A_45 = arith.addf %get3A_44, %dot_general3A_28 : vector<64x128xf32>
      %swap3A = arith.constant 0 : index
      %swap3A_46 = arith.constant 0 : index
      %swap3A_47 = vector.load %arg13[%swap3A, %swap3A_46] : memref<64x128xf32, #tpu.memory_space<vmem>>, vector<64x128xf32>
      tpu.vector_store %arg13[%swap3A, %swap3A_46], %add3A_45 {strides = array<i32>} : memref<64x128xf32, #tpu.memory_space<vmem>>, vector<64x128xf32>,
    } else {
    }
    %eq3A_37 = arith.constant 15 : i32
    %eq3A_38 = arith.cmpi eq, %arg0, %eq3A_37 : i32
    %convert_element_type3A_39 = arith.extui %eq3A_38 : i1 to i32
    %cond3A_40 = arith.constant 0 : i32
    %cond3A_41 = arith.cmpi ne, %convert_element_type3A_39, %cond3A_40 : i32
    scf.if %cond3A_41 {
      %get3A_42 = arith.constant 0 : index
      %get3A_43 = arith.constant 0 : index
      %get3A_44 = vector.load %arg13[%get3A_42, %get3A_43] : memref<64x128xf32, #tpu.memory_space<vmem>>, vector<64x128xf32>
      %get3A_45 = arith.constant 0 : index
      %get3A_46 = arith.constant 0 : index
      %get3A_47 = vector.load %arg6[%get3A_45, %get3A_46] : memref<128x128xf32, #tpu.memory_space<vmem>>, vector<128x128xf32>
      %dot_general3A_48 = arith.constant dense<0.000000e+00> : vector<64x128xf32>
      %dot_general3A_49 = tpu.matmul %get3A_44, %get3A_47, %dot_general3A_48 {dimension_numbers = #tpu.dot_dimension_numbers<[1], [0], [0], [1], [0, 0, 1, 1], [], []>, transpose_lhs_hint = false} : vector<64x128xf32>, vector<128x128xf32>, vector<64x128xf32> -> vector<64x128xf32>
      %get3A_50 = arith.constant 0 : index
      %get3A_51 = arith.constant 0 : index
      %get3A_52 = vector.load %arg7[%get3A_50, %get3A_51] : memref<1x128xf32, #tpu.memory_space<vmem>>, vector<1x128xf32>
      %add3A_53 = vector.broadcast %get3A_52 : vector<1x128xf32> to vector<64x128xf32>
      %add3A_54 = arith.addf %dot_general3A_49, %add3A_53 : vector<64x128xf32>
      %reduce_sum3A = arith.constant dense<0.000000e+00> : vector<128xf32>
      %reduce_sum3A_55 = vector.multi_reduction <add>, %add3A_54, %reduce_sum3A [0] : vector<64x128xf32> to vector<128xf32>
      %broadcast_in_dim3A = vector.shape_cast %reduce_sum3A_55 : vector<128xf32> to vector<1x128xf32>
      %div3A = arith.constant 6.400000e+01 : f32
      %div3A_56 = vector.broadcast %div3A : f32 to vector<1x128xf32>
      %div3A_57 = arith.divf %broadcast_in_dim3A, %div3A_56 : vector<1x128xf32>
      %sub3A = vector.broadcast %div3A_57 : vector<1x128xf32> to vector<64x128xf32>
      %sub3A_58 = arith.subf %add3A_54, %sub3A : vector<64x128xf32>
      %sub3A_59 = vector.broadcast %div3A_57 : vector<1x128xf32> to vector<64x128xf32>
      %sub3A_60 = arith.subf %add3A_54, %sub3A_59 : vector<64x128xf32>
      %mul3A_61 = arith.mulf %sub3A_58, %sub3A_60 : vector<64x128xf32>
      %reduce_sum3A_62 = arith.constant dense<0.000000e+00> : vector<128xf32>
      %reduce_sum3A_63 = vector.multi_reduction <add>, %mul3A_61, %reduce_sum3A_62 [0] : vector<64x128xf32> to vector<128xf32>
      %broadcast_in_dim3A_64 = vector.shape_cast %reduce_sum3A_63 : vector<128xf32> to vector<1x128xf32>
      %div3A_65 = arith.constant 6.400000e+01 : f32
      %div3A_66 = vector.broadcast %div3A_65 : f32 to vector<1x128xf32>
      %div3A_67 = arith.divf %broadcast_in_dim3A_64, %div3A_66 : vector<1x128xf32>
      %sub3A_68 = vector.broadcast %div3A_57 : vector<1x128xf32> to vector<64x128xf32>
      %sub3A_69 = arith.subf %add3A_54, %sub3A_68 : vector<64x128xf32>
      %add3A_70 = arith.constant 9.99999974E-6 : f32
      %add3A_71 = vector.broadcast %add3A_70 : f32 to vector<1x128xf32>
      %add3A_72 = arith.addf %div3A_67, %add3A_71 : vector<1x128xf32>
      %rsqrt3A = math.rsqrt %add3A_72 : vector<1x128xf32>
      %mul3A_73 = vector.broadcast %rsqrt3A : vector<1x128xf32> to vector<64x128xf32>
      %mul3A_74 = arith.mulf %sub3A_69, %mul3A_73 : vector<64x128xf32>
      %get3A_75 = arith.constant 0 : index
      %get3A_76 = arith.constant 0 : index
      %get3A_77 = vector.load %arg8[%get3A_75, %get3A_76] : memref<1x128xf32, #tpu.memory_space<vmem>>, vector<1x128xf32>
      %mul3A_78 = vector.broadcast %get3A_77 : vector<1x128xf32> to vector<64x128xf32>
      %mul3A_79 = arith.mulf %mul3A_74, %mul3A_78 : vector<64x128xf32>
      %get3A_80 = arith.constant 0 : index
      %get3A_81 = arith.constant 0 : index
      %get3A_82 = vector.load %arg9[%get3A_80, %get3A_81] : memref<1x128xf32, #tpu.memory_space<vmem>>, vector<1x128xf32>
      %add3A_83 = vector.broadcast %get3A_82 : vector<1x128xf32> to vector<64x128xf32>
      %add3A_84 = arith.addf %mul3A_79, %add3A_83 : vector<64x128xf32>
      %max3A = arith.constant 0.000000e+00 : f32
      %max3A_85 = vector.broadcast %max3A : f32 to vector<64x128xf32>
      %max3A_86 = arith.maximumf %add3A_84, %max3A_85 : vector<64x128xf32>
      %get3A_87 = arith.constant 0 : index
      %get3A_88 = arith.constant 0 : index
      %get3A_89 = vector.load %arg10[%get3A_87, %get3A_88] : memref<128x128xf32, #tpu.memory_space<vmem>>, vector<128x128xf32>
      %dot_general3A_90 = arith.constant dense<0.000000e+00> : vector<64x128xf32>
      %dot_general3A_91 = tpu.matmul %max3A_86, %get3A_89, %dot_general3A_90 {dimension_numbers = #tpu.dot_dimension_numbers<[1], [0], [0], [1], [0, 0, 1, 1], [], []>, transpose_lhs_hint = false} : vector<64x128xf32>, vector<128x128xf32>, vector<64x128xf32> -> vector<64x128xf32>
      %get3A_92 = arith.constant 0 : index
      %get3A_93 = arith.constant 0 : index
      %get3A_94 = vector.load %arg11[%get3A_92, %get3A_93] : memref<1x128xf32, #tpu.memory_space<vmem>>, vector<1x128xf32>
      %add3A_95 = vector.broadcast %get3A_94 : vector<1x128xf32> to vector<64x128xf32>
      %add3A_96 = arith.addf %dot_general3A_91, %add3A_95 : vector<64x128xf32>
      %iota3A_97 = tpu.iota {dimensions = array<i32: 1>} : vector<64x128xi32>
      %lt3A = arith.constant 10 : i32
      %lt3A_98 = vector.broadcast %lt3A : i32 to vector<64x128xi32>
      %lt3A_99 = arith.cmpi slt, %iota3A_97, %lt3A_98 : vector<64x128xi32>
      %jit3A = arith.constant 0xFF800000 : f32
      %broadcast_in_dim3A_100 = vector.broadcast %jit3A : f32 to vector<64x128xf32>
      %select_n3A = arith.select %lt3A_99, %add3A_96, %broadcast_in_dim3A_100 : vector<64x128xi1>, vector<64x128xf32>
      %reduce_max3A = arith.constant dense<0xFF800000> : vector<64xf32>
      %reduce_max3A_101 = vector.multi_reduction <maximumf>, %select_n3A, %reduce_max3A [1] : vector<64x128xf32> to vector<64xf32>
      %broadcast_in_dim3A_102 = vector.shape_cast %reduce_max3A_101 : vector<64xf32> to vector<64x1xf32>
      %sub3A_103 = vector.broadcast %broadcast_in_dim3A_102 : vector<64x1xf32> to vector<64x128xf32>
      %sub3A_104 = arith.subf %add3A_96, %sub3A_103 : vector<64x128xf32>
      %exp3A = math.exp %sub3A_104 : vector<64x128xf32>
      %jit3A_105 = arith.constant 0.000000e+00 : f32
      %broadcast_in_dim3A_106 = vector.broadcast %jit3A_105 : f32 to vector<64x128xf32>
      %select_n3A_107 = arith.select %lt3A_99, %exp3A, %broadcast_in_dim3A_106 : vector<64x128xi1>, vector<64x128xf32>
      %reduce_sum3A_108 = arith.constant dense<0.000000e+00> : vector<64xf32>
      %reduce_sum3A_109 = vector.multi_reduction <add>, %select_n3A_107, %reduce_sum3A_108 [1] : vector<64x128xf32> to vector<64xf32>
      %broadcast_in_dim3A_110 = vector.shape_cast %reduce_sum3A_109 : vector<64xf32> to vector<64x1xf32>
      %log3A = math.log %broadcast_in_dim3A_110 : vector<64x1xf32>
      %sub3A_111 = vector.broadcast %broadcast_in_dim3A_102 : vector<64x1xf32> to vector<64x128xf32>
      %sub3A_112 = arith.subf %add3A_96, %sub3A_111 : vector<64x128xf32>
      %sub3A_113 = vector.broadcast %log3A : vector<64x1xf32> to vector<64x128xf32>
      %sub3A_114 = arith.subf %sub3A_112, %sub3A_113 : vector<64x128xf32>
      %swap3A = arith.constant 0 : index
      %swap3A_115 = arith.constant 0 : index
      %swap3A_116 = vector.load %arg12[%swap3A, %swap3A_115] : memref<64x128xf32, #tpu.memory_space<vmem>>, vector<64x128xf32>
      tpu.vector_store %arg12[%swap3A, %swap3A_115], %sub3A_114 {strides = array<i32>} : memref<64x128xf32, #tpu.memory_space<vmem>>, vector<64x128xf32>,
    } else {
    }
    return
  }
  func.func @transform_0(%arg0: i32) -> (i32, i32, i32) {
    %c0_i32 = arith.constant 0 : i32
    %c0_i32_0 = arith.constant 0 : i32
    %c0_i32_1 = arith.constant 0 : i32
    return %c0_i32, %arg0, %c0_i32_0 : i32, i32, i32
  }
  func.func @transform_1(%arg0: i32) -> (i32, i32) {
    %c0_i32 = arith.constant 0 : i32
    %c0_i32_0 = arith.constant 0 : i32
    return %arg0, %c0_i32 : i32, i32
  }
  func.func @transform_2(%arg0: i32) -> (i32, i32) {
    %c0_i32 = arith.constant 0 : i32
    %c0_i32_0 = arith.constant 0 : i32
    return %arg0, %c0_i32 : i32, i32
  }
  func.func @transform_3(%arg0: i32) -> (i32, i32) {
    %c0_i32 = arith.constant 0 : i32
    %c0_i32_0 = arith.constant 0 : i32
    %c0_i32_1 = arith.constant 0 : i32
    return %c0_i32, %c0_i32_0 : i32, i32
  }
  func.func @transform_4(%arg0: i32) -> (i32, i32, i32) {
    %c0_i32 = arith.constant 0 : i32
    %c0_i32_0 = arith.constant 0 : i32
    %c0_i32_1 = arith.constant 0 : i32
    return %arg0, %c0_i32, %c0_i32_0 : i32, i32, i32
  }
  func.func @transform_5(%arg0: i32) -> (i32, i32) {
    %c0_i32 = arith.constant 0 : i32
    %c0_i32_0 = arith.constant 0 : i32
    %c0_i32_1 = arith.constant 0 : i32
    return %c0_i32, %c0_i32_0 : i32, i32
  }
  func.func @transform_6(%arg0: i32) -> (i32, i32) {
    %c0_i32 = arith.constant 0 : i32
    %c0_i32_0 = arith.constant 0 : i32
    %c0_i32_1 = arith.constant 0 : i32
    return %c0_i32, %c0_i32_0 : i32, i32
  }
  func.func @transform_7(%arg0: i32) -> (i32, i32) {
    %c0_i32 = arith.constant 0 : i32
    %c0_i32_0 = arith.constant 0 : i32
    %c0_i32_1 = arith.constant 0 : i32
    return %c0_i32, %c0_i32_0 : i32, i32
  }
  func.func @transform_8(%arg0: i32) -> (i32, i32) {
    %c0_i32 = arith.constant 0 : i32
    %c0_i32_0 = arith.constant 0 : i32
    %c0_i32_1 = arith.constant 0 : i32
    return %c0_i32, %c0_i32_0 : i32, i32
  }
  func.func @transform_9(%arg0: i32) -> (i32, i32) {
    %c0_i32 = arith.constant 0 : i32
    %c0_i32_0 = arith.constant 0 : i32
    %c0_i32_1 = arith.constant 0 : i32
    return %c0_i32, %c0_i32_0 : i32, i32
  }
  func.func @transform_10(%arg0: i32) -> (i32, i32) {
    %c0_i32 = arith.constant 0 : i32
    %c0_i32_0 = arith.constant 0 : i32
    %c0_i32_1 = arith.constant 0 : i32
    return %c0_i32, %c0_i32_0 : i32, i32
  }
  func.func @transform_11(%arg0: i32) -> (i32, i32) {
    %c0_i32 = arith.constant 0 : i32
    %c0_i32_0 = arith.constant 0 : i32
    %c0_i32_1 = arith.constant 0 : i32
    return %c0_i32, %c0_i32_0 : i32, i32
  }
}

</mosaic_0001>

<sc_bundles>
// kernel: kernel.12.cloned.1.call-start
scs
__scs_entry_jumppad:
0x0: {  	(pc) =	sbr.rel $0x88, $3  }
0x1: {  	(tag) =	ssettag $0x0;
	lr =	simm.s32 $0x1  }
0x2: {  	[smem:$0x3F90] =	sst lr;
	_ =	strace $0xD0000000  }
0x3: {  	_ = 	snop  }
0x4: {  	_ = 	snop  }
0x5: {  	_ = 	snop  }
0x6: {  	_ = 	snop  }
0x7: {  	_ = 	snop  }
__scs_overlays_trampoline_lowered:
0x8: {  	[smem:$0x3F9F] =	sst s0  }
0x9: {  	[smem:$0x3FA0] =	sst s1  }
0xa: {  	[smem:$0x3FA1] =	sst s2  }
0xb: {  	[smem:$0x3FA2] =	sst s3  }
0xc: {  	[smem:$0x3FA3] =	sst s4  }
0xd: {  	[smem:$0x3FA4] =	sst s5  }
0xe: {  	[smem:$0x3FA5] =	sst s6  }
0xf: {  	[smem:$0x3FA6] =	sst s7  }
0x10: {  	[smem:$0x3FA7] =	sst s8  }
0x11: {  	[smem:$0x3FA8] =	sst s9;
	s0 =	simm.s32 @!p0 $0x0  }
0x12: {  	s1 =	sld [smem:$0x3F8E];
	s0 =	simm.s32 @p0 $0x1  }
0x13: {  	[smem:$0x3FA9] =	sst s0;
	s0 =	simm.s32 @!p1 $0x0  }
0x14: {  	s2 =	sld [smem:$0x3F8D];
	s0 =	simm.s32 @p1 $0x1  }
0x15: {  	[smem:$0x3FAA] =	sst s0;
	s0 =	simm.s32 @!p2 $0x0  }
0x16: {  	s3 =	sld [smem:$0x3FDB];
	s0 =	simm.s32 @p2 $0x1  }
0x17: {  	s4 =	simm.s32 $0x1BF5;
	[smem:$0x3FAC] =	sst s0  }
0x18: {  	s0 =	sld [smem:$0x3F8F];
	_ =	swait.ge [sflag:s4], $0x0  }
0x19: {  	s7 =	sld [smem:$0x3F90]  }
0x1a: {  	s8 =	sadd.s32 $0xFFFFE003, lr  }
0x1b: {  	s9 =	sadd.s32 $0xFFFFFEF7, lr;
	s5 =	simm.s32 $0xFFFFFFFF;
	p2 =	slt.u32 s8, $0xFFFFF086  }
0x1c: {  	p1 =	slt.u32 s9, $0xF7A;
	s5 =	simm.s32 @!p2 $0x0  }
0x1d: {  	s5 =	simm.s32 @p1 $0x1;
	p0 =	seq.s32 s7, s2  }
0x1e: {  	s7 =	smul.u32 @!p0 $0xF7A, s2;
	p2 =	seq.s32 @!p0 s5, $0x0  }
0x1f: {  	s9 =	smul.u32 $0xF7A, s1;
	s8 =	simm.s32 @!p0 $0x1BF5;
	p2 =	por !p2, p0  }
0x20: {  	[sflag:s8] =	ssyncset.s32 @!p0 $0xFFFFF086;
	s6 =	sadd.s32 @!p0 s3, s7;
	s7 =	simm.s32 @!p0 $0x108  }
0x21: {  	s3 =	sadd.s32 s3, s9;
	s6 =	sadd.s32 @!p0 $0x88, s6;
	s7 =	simm.s32 @p2 $0x1082  }
0x22: {  	[simem:s7], [sflag:s8] =	dma.local @!p0 [hbm:s6], $0xF7A  }
0x23: {  	s9 =	sor.u32 $0xD0000000, s2;
	s6 =	simm.s32 $0x108;
	_ =	swait.ge @!p0 [sflag:s8], $0x0  }
0x24: {  	s3 =	sadd.s32 $0x88, s3;
	s6 =	simm.s32 @!p1 $0x1082;
	[sflag:s4] =	ssyncset.s32 $0xFFFFF086  }
0x25: {  	[simem:s6], [sflag:s4] =	dma.local [hbm:s3], $0xF7A  }
0x26: {  	[smem:$0x3F90] =	sst s1;
	(tag) =	ssettag s2;
	_ =	strace s9  }
0x27: {  	s1 =	sld [smem:$0x3FA0]  }
0x28: {  	s2 =	sld [smem:$0x3FA1]  }
0x29: {  	s4 =	sld [smem:$0x3FA3]  }
0x2a: {  	p0 =	seq.s32 s5, $0x0;
	s5 =	sld [smem:$0x3FA4]  }
0x2b: {  	s6 =	sld [smem:$0x3FA5]  }
0x2c: {  	s7 =	sld [smem:$0x3FA6]  }
0x2d: {  	s3 =	simm.s32 $0x108;
	s8 =	sld [smem:$0x3FA7]  }
0x2e: {  	s3 =	simm.s32 @!p0 $0x1082;
	s9 =	sld [smem:$0x3FA8]  }
0x2f: {  	lr =	sadd.s32 s0, s3;
	s0 =	sld [smem:$0x3F9F]  }
0x30: {  	s3 =	sld [smem:$0x3FA2]  }
0x31: {  	[smem:$0x3FAB] =	sst s10  }
0x32: {  	s10 =	sld [smem:$0x3FA9];
	_ =	sdelay $0x3  }
0x33: {  	p0 =	seq.s32 s10, $0x1;
	s10 =	sld [smem:$0x3FAB];
	_ =	sdelay $0x3  }
0x34: {  	[smem:$0x3FAB] =	sst s10  }
0x35: {  	s10 =	sld [smem:$0x3FAA];
	_ =	sdelay $0x3  }
0x36: {  	p1 =	seq.s32 s10, $0x1;
	s10 =	sld [smem:$0x3FAB];
	_ =	sdelay $0x3  }
0x37: {  	[smem:$0x3FAB] =	sst s10  }
0x38: {  	s10 =	sld [smem:$0x3FAC]  }
0x39: {  	_ = 	snop;
	(pc) =	sbr.ind lr, $3  }
0x3a: {  	_ = 	snop  }
0x3b: {  	_ = 	snop  }
0x3c: {  	p2 =	seq.s32 s10, $0x1;
	s10 =	sld [smem:$0x3FAB]  }
0x3d: {  	_ =	shalt  }
0x3e: {  	_ =	shalt  }
0x3f: {  	_ =	shalt  }
0x40: {  	_ =	shalt  }
0x41: {  	_ =	shalt  }
0x42: {  	_ =	shalt  }
0x43: {  	_ =	shalt  }
0x44: {  	_ =	shalt  }
0x45: {  	_ =	shalt  }
0x46: {  	_ =	shalt  }
0x47: {  	_ =	shalt  }
0x48: {  	_ =	shalt  }
0x49: {  	_ =	shalt  }
0x4a: {  	_ =	shalt  }
0x4b: {  	_ =	shalt  }
0x4c: {  	_ =	shalt  }
0x4d: {  	_ =	shalt  }
0x4e: {  	_ =	shalt  }
0x4f: {  	_ =	shalt  }
0x50: {  	_ =	shalt  }
0x51: {  	_ =	shalt  }
0x52: {  	_ =	shalt  }
0x53: {  	_ =	shalt  }
0x54: {  	_ =	shalt  }
0x55: {  	_ =	shalt  }
0x56: {  	_ =	shalt  }
0x57: {  	_ =	shalt  }
0x58: {  	_ =	shalt  }
0x59: {  	_ =	shalt  }
0x5a: {  	_ =	shalt  }
0x5b: {  	_ =	shalt  }
0x5c: {  	_ =	shalt  }
0x5d: {  	_ =	shalt  }
0x5e: {  	_ =	shalt  }
0x5f: {  	_ =	shalt  }
0x60: {  	_ =	shalt  }
0x61: {  	_ =	shalt  }
0x62: {  	_ =	shalt  }
0x63: {  	_ =	shalt  }
0x64: {  	_ =	shalt  }
0x65: {  	_ =	shalt  }
0x66: {  	_ =	shalt  }
0x67: {  	_ =	shalt  }
0x68: {  	_ =	shalt  }
0x69: {  	_ =	shalt  }
0x6a: {  	_ =	shalt  }
0x6b: {  	_ =	shalt  }
0x6c: {  	_ =	shalt  }
0x6d: {  	_ =	shalt  }
0x6e: {  	_ =	shalt  }
0x6f: {  	_ =	shalt  }
0x70: {  	_ =	shalt  }
0x71: {  	_ =	shalt  }
0x72: {  	_ =	shalt  }
0x73: {  	_ =	shalt  }
0x74: {  	_ =	shalt  }
0x75: {  	_ =	shalt  }
0x76: {  	_ =	shalt  }
0x77: {  	_ =	shalt  }
0x78: {  	_ =	shalt  }
0x79: {  	_ =	shalt  }
0x7a: {  	_ =	shalt  }
0x7b: {  	_ =	shalt  }
0x7c: {  	_ =	shalt  }
0x7d: {  	_ =	shalt  }
0x7e: {  	_ =	shalt  }
0x7f: {  	_ =	shalt  }
0x80: {  	_ =	shalt  }
0x81: {  	_ =	shalt  }
0x82: {  	_ =	shalt  }
0x83: {  	_ =	shalt  }
0x84: {  	_ =	shalt  }
0x85: {  	_ =	shalt  }
0x86: {  	_ =	shalt  }
0x87: {  	_ =	shalt  }
.Lfunc_end0:
.L_simem_size_0:
called_computation_lowered:
.L_overlay_start_0:
0x88: {  	s2 =	sld [smem:$0x3FD9]  }
0x89: {  	s3 =	sld [smem:$0x3FFE];
	_ =	sdelay $0x1  }
0x8a: {  	s1 =	srdreg.scid  }
0x8b: {  	s0 =	sand.u32 $0x1, s1  }
0x8c: {  	s16 =	sshll.u32 s0, $0xA;
	s2 =	sadd.s32 s3, s2  }
0x8d: {  	s2 =	sadd.s32 s2, s16  }
0x8e: {  	[smem:$0x3FB7] =	sst s2  }
0x8f: {  	_ = 	snop  }
0x90: {  	(tm) =	ssettm $0x1  }
0x91: {  	s17 =	sld [smem:$0x3FFB];
	_ =	sdelay $0x3  }
0x92: {  	_ =	strace s17  }
0x93: {  	s2 =	sld [smem:$0x3FFC];
	_ =	sdelay $0x3  }
0x94: {  	_ =	strace s2  }
0x95: {  	s2 =	sld [smem:$0x3FFD];
	_ =	sdelay $0x3  }
0x96: {  	_ =	strace s2  }
0x97: {  	_ =	strace $0x8FFFFFFF  }
0x98: {  	s18 =	sld [smem:$0x3FDB];
	_ =	sdelay $0x1  }
0x99: {  	s19 =	simm.s32 $_scs_section_size  }
0x9a: {  	s4 =	simm.s32 $_size__tile_overlayer_lowered;
	s5 =	simm.s32 $_tile_overlayer_lowered  }
0x9b: {  	s22 =	simm.s32 $0x1BFF;
	s21 =	sshll.u32 s5, $0x1;
	s2 =	sadd.s32 s19, s18  }
0x9c: {  	s6 =	simm.s32 $0x0;
	s20 =	sshll.u32 s4, $0x1;
	s4 =	sadd.s32 s21, s2  }
0x9d: {  	[timem:s6], [sflag:s22] =	dma.local [hbm:s4], s20  }
0x9e: {  	_ =	swait.ge [sflag:s22], s20  }
0x9f: {  	s3 =	ssub.s32 $0x0, s20;
	[sflag:s22] =	ssyncset.done $0x0  }
0xa0: {  	[sflag:s22] =	ssyncadd.s32 s3;
	_ =	sdelay $0x1  }
0xa1: {  	s23 =	simm.s32 $0x1B8B  }
0xa2: {  	_ =	swait.ge [sflag:s23], $0x1  }
0xa3: {  	[sflag:s23] =	ssyncset.done $0x0  }
0xa4: {  	s25 =	simm.s32 $0x1B8E;
	s24 =	sld [smem:$0x3FFE];
	[sflag:s23] =	ssyncadd.s32 $0xFFFFFFFF  }
0xa5: {  	s26 =	simm.s32 $execute0_lowered;
	[smem:$0x3FD2] =	sst s25  }
0xa6: {  	s4 =	sshll.u32 s26, $0x1;
	_ =	strace $0x80000046;
	[dreg:$0x1] =	wrdreg $0xFFFFFFFF  }
0xa7: {  	s28 =	simm.s32 $_size_execute0_lowered;
	s2 =	sadd.s32 s2, s4;
	[dreg:$0x0] =	wrdreg $0x0  }
0xa8: {  	s4 =	sshll.u32 s28, $0x1;
	[dreg:$0x2] =	wrdreg s2  }
0xa9: {  	[dreg:$0x3] =	wrdreg s4  }
0xaa: {  	[dreg:$0x4] =	wrdreg $0xC0  }
0xab: {  	_ =	task [dreg:s6], $0x5FFFF  }
0xac: {  	[dreg:$0x1] =	wrdreg $0xFFFFFFFF  }
0xad: {  	[dreg:$0x0] =	wrdreg $0x60  }
0xae: {  	[dreg:$0x2] =	wrdreg s24  }
0xaf: {  	[dreg:$0x3] =	wrdreg $0x68000  }
0xb0: {  	[dreg:$0x4] =	wrdreg $0x9  }
0xb1: {  	_ =	task.clear_ibuf [dreg:s6], $0x5FFFF;
	_ =	strace $0x90000046  }
0xb2: {  	s29 =	simm.s32 $0x9;
	_ =	strace $0x80000048  }
0xb3: {  	_ =	swait.ge [sflag:s29], $0x1  }
0xb4: {  	[sflag:s29] =	ssyncadd.s32 $0xFFFFFFFF  }
0xb5: {  	_ =	strace $0x90000048  }
0xb6: {  	_ =	sfence  }
0xb7: {  	s30 =	sld [smem:$0x0];
	_ =	sdelay $0x2  }
0xb8: {  	s31 =	sshll.u32 s1, $0xD;
	s1 =	sshrl.u32 s1, $0x2  }
0xb9: {  	s3 =	sand.u32 $0x4000, s31;
	s1 =	sadd.s32 s1, s30  }
0xba: {  	s0 =	sor.u32 s3, s0;
	s1 =	sshll.u32 s1, $0x11  }
0xbb: {  	s0 =	sor.u32 s1, s0  }
0xbc: {  	s0 =	sadd.s32 $0x8F2B, s0  }
0xbd: {  	[sflag:s0] =	ssyncadd.remote.s32 $0x1  }
0xbe: {  	_ =	sfence.sel $0xFFFF  }
0xbf: {  	[dreg:$0x0] =	wrdreg $0xFFFFFFFF;
	(pc) =	sbr.abs _section_cstart, $3  }
0xc0: {  	[dreg:$0x1] =	wrdreg $0xFFFFFFFF  }
0xc1: {  	_ =	task.clear_ibuf [dreg:s6], $0x2FFFF;
	_ =	strace $0x9FFFFFFF  }
0xc2: {  	(tm) =	ssettm $0x7FFFFFFF  }
0xc3: {  	_ =	shalt  }
tec
execute0_lowered:
.L_overlay_start_1:
0x0: {  	(tag) =	ssettag $0x1  }
0x1: {  	s1 =	srdreg.scid;
	s5 =	rddreg [dreg:$0x0]  }
0x2: {  	s0 =	stileid.u32;
	s2 =	rddreg [dreg:$0x1];
	s3 =	simm.s32 $0x0  }
0x3: {  	s13 =	simm.s32 $0x80;
	s14 =	simm.s32 $0x0;
	s6 =	sand.u32 $0x1, s1  }
0x4: {  	s28 =	sshll.u32 s0, $0x1;
	s1 =	rddreg [dreg:$0x2];
	s7 =	smul.u32 $0x14000, s0  }
0x5: {  	[smem:$0x7FF] =	sst s3;
	s29 =	smul.u32 $0x50000, s0;
	s31 =	sshll.u32 s0, $0x6  }
0x6: {  	s4 =	sor.u32 s6, s28;
	_ =	strace $0x80000047;
	s8 =	smul.u32 $0x140000, s6  }
0x7: {  	s6 =	ssub.s32 $0x2, s6;
	s4 =	smul.u32 $0x500, s4;
	s10 =	sshrl.u32 s7, $0x3  }
0x8: {  	s11 =	sshrl.u32 s6, $0x1;
	s30 =	sshrl.u32 s29, $0x2;
	s7 =	sadd.s32 s7, s8  }
0x9: {  	s10 =	sadd.s32 s10, s5;
	s11 =	ssub.s32 s6, s11;
	s12 =	sadd.s32 s30, s2  }
0xa: {  	s9 =	sadd.s32 s4, s5;
	s4 =	sadd.s32 $0x36600, s5;
	s7 =	sshrl.u32 s7, $0x3  }
0xb: {  	s6 =	sadd.s32 $0xE600, s10;
	s8 =	smax.u32 s11, $0x1;
	s10 =	simm.s32 $0x1  }
0xc: {  	s11 =	sor.u32 $0x1C01, s31;
	s12 =	sshrl.u32 s12, $0x3;
	s7 =	sadd.s32 s7, s5  }
0xd: {  	s5 =	sadd.s32 $0x4600, s9;
	s9 =	simm.s32 $0x2800;
	s7 =	sadd.s32 $0x36E00, s7  }
.LBB2_1:
0xe: {  	[tilespmem:s9], [sflag:$0x1] =	stream.linear.gather [hbm4b:s4+s3], $0x4000, $0x38;
	[tilespmem:$0x1A800] =	vst v63  }
0xf: {  	_ =	swait.ge [sflag:s10], $0x4000  }
0x10: {  	[sflag:s10] =	ssyncset.done $0x0  }
0x11: {  	[sflag:s10] =	ssyncadd.s32 $0xFFFFC000  }
0x12: {  	[tilespmem:s3], [sflag:$0x1] =	stream.linear.gather [hbm4b:s5+s3], $0x2780, $0x38;
	[tilespmem:$0x1A800] =	vst v63  }
0x13: {  	_ =	swait.ge [sflag:s10], $0x2780  }
0x14: {  	[sflag:s10] =	ssyncset.done $0x0  }
0x15: {  	[sflag:s10] =	ssyncadd.s32 $0xFFFFD880  }
0x16: {  	[spmem:s12], [sflag:s11] =	dma.local [hbm:s6], $0x2800  }
0x17: {  	_ =	swait.ge [sflag:s10], $0x2800  }
0x18: {  	[sflag:s10] =	ssyncset.done $0x0  }
0x19: {  	[sflag:s10] =	ssyncadd.s32 $0xFFFFD800  }
0x1a: {  	s15 =	simm.s32 $0x0;
	[bflag:$0x0] =	sbarrier.arrive $0xFFFF  }
0x1b: {  	[spmem:s2] =	stream.indirect.scatter.add.f32 [tilespmem:s9], [sflag:$0x1], $0x80, s15, s13, $0xb8;
	[tilespmem:$0x1A800] =	vst v63  }
0x1c: {  	_ =	swait.ge [sflag:s10], $0x4000  }
0x1d: {  	s15 =	simm.s32 $0x200;
	[sflag:s10] =	ssyncset.done $0x0  }
.LBB2_2:
0x1e: {  	s16 =	sshra.s32 s15, $0x2;
	[sflag:s10] =	ssyncadd.s32 $0xFFFFC000;
	p0 =	sne.s32 s15, $0x9C00  }
0x1f: {  	[spmem:s2] =	stream.indirect.scatter.add.f32 [tilespmem:s9], [sflag:$0x1], $0x80, s16, s13, $0xb8;
	[tilespmem:$0x1A800] =	vst v63  }
.Ltmp0:
0x20: {  	_ = 	snop;
	(pc) =	sbr.rel @p0 .LBB2_2-.Ltmp0, $4  }
0x21: {  	_ = 	snop  }
0x22: {  	s15 =	sadd.s32 $0x200, s15  }
0x23: {  	_ =	swait.ge [sflag:s10], $0x4000  }
0x24: {  	[sflag:s10] =	ssyncset.done $0x0  }
0x25: {  	s14 =	sadd.s32 $0x1, s14  }
0x26: {  	[sflag:s10] =	ssyncadd.s32 $0xFFFFC000;
	p0 =	sne.s32 s14, s8  }
.Ltmp1:
0x27: {  	[bflag:$0x0] =	sbarrier.arrive $0xFFFF;
	(pc) =	sbr.rel @p0 .LBB2_1-.Ltmp1, $4  }
0x28: {  	[hbm:s7], [sflag:s11] =	dma.local [spmem:s12], $0x2800  }
0x29: {  	_ =	swait.ge [sflag:s10], $0x2800  }
0x2a: {  	[sflag:s10] =	ssyncset.done $0x0  }
0x2b: {  	[sflag:s10] =	ssyncadd.s32 $0xFFFFD800  }
0x2c: {  	_ =	sfence.sel $0x180000  }
0x2d: {  	[bflag:$0x0] =	sbarrier.arrive $0xFFFF  }
0x2e: {  	p0 =	sne.s32 s0, $0x0;
	_ =	strace $0x90000047  }
0x2f: {  	s0 =	sadd.s32 @!p0 $0x100000, s1;
	[bflag:$0x2] =	sbarrier.arrive $0xFFFF  }
0x30: {  	[sflag:s0] =	ssyncadd.tile.s32 @!p0 $0x1;
	_ =	shalt  }
.Lfunc_end2:
_tile_overlayer_lowered:
.L_overlay_start_2:
0x31: {  	(tag) =	ssettag $0x2  }
0x32: {  	s0 =	rddreg [dreg:$0x0];
	s2 =	stileid.u32  }
0x33: {  	s1 =	rddreg [dreg:$0x1];
	p0 =	sne.s32 s2, $0x0  }
0x34: {  	s3 =	rddreg [dreg:$0x2];
	[bflag:$0x3] =	sbarrier.arrive $0xFFFF;
	s2 =	simm.s32 @!p0 $0x1C01  }
0x35: {  	[timem:s3], [sflag:s2] =	dma.local @!p0 [hbm:s0], s1  }
0x36: {  	s0 =	simm.s32 @!p0 $0x1  }
0x37: {  	_ =	swait.ge @!p0 [sflag:s0], s1  }
0x38: {  	s1 =	ssub.s32 @!p0 $0x0, s1;
	[sflag:s0] =	ssyncset.done @!p0 $0x0  }
0x39: {  	[sflag:s0] =	ssyncadd.s32 @!p0 s1  }
0x3a: {  	[bflag:$0x3] =	sbarrier.arrive $0xFFFF  }
0x3b: {  	_ =	shalt  }

// kernel: kernel.15.cloned.1.call-start
scs
__scs_entry_jumppad:
0x0: {  	(pc) =	sbr.rel $0x88, $3  }
0x1: {  	(tag) =	ssettag $0x0;
	lr =	simm.s32 $0x1  }
0x2: {  	[smem:$0x3F90] =	sst lr;
	_ =	strace $0xD0000000  }
0x3: {  	_ = 	snop  }
0x4: {  	_ = 	snop  }
0x5: {  	_ = 	snop  }
0x6: {  	_ = 	snop  }
0x7: {  	_ = 	snop  }
__scs_overlays_trampoline_lowered:
0x8: {  	[smem:$0x3F9F] =	sst s0  }
0x9: {  	[smem:$0x3FA0] =	sst s1  }
0xa: {  	[smem:$0x3FA1] =	sst s2  }
0xb: {  	[smem:$0x3FA2] =	sst s3  }
0xc: {  	[smem:$0x3FA3] =	sst s4  }
0xd: {  	[smem:$0x3FA4] =	sst s5  }
0xe: {  	[smem:$0x3FA5] =	sst s6  }
0xf: {  	[smem:$0x3FA6] =	sst s7  }
0x10: {  	[smem:$0x3FA7] =	sst s8  }
0x11: {  	[smem:$0x3FA8] =	sst s9;
	s0 =	simm.s32 @!p0 $0x0  }
0x12: {  	s1 =	sld [smem:$0x3F8E];
	s0 =	simm.s32 @p0 $0x1  }
0x13: {  	[smem:$0x3FA9] =	sst s0;
	s0 =	simm.s32 @!p1 $0x0  }
0x14: {  	s2 =	sld [smem:$0x3F8D];
	s0 =	simm.s32 @p1 $0x1  }
0x15: {  	[smem:$0x3FAA] =	sst s0;
	s0 =	simm.s32 @!p2 $0x0  }
0x16: {  	s3 =	sld [smem:$0x3FDB];
	s0 =	simm.s32 @p2 $0x1  }
0x17: {  	s4 =	simm.s32 $0x1BF5;
	[smem:$0x3FAC] =	sst s0  }
0x18: {  	s0 =	sld [smem:$0x3F8F];
	_ =	swait.ge [sflag:s4], $0x0  }
0x19: {  	s7 =	sld [smem:$0x3F90]  }
0x1a: {  	s8 =	sadd.s32 $0xFFFFE003, lr  }
0x1b: {  	s9 =	sadd.s32 $0xFFFFFEF7, lr;
	s5 =	simm.s32 $0xFFFFFFFF;
	p2 =	slt.u32 s8, $0xFFFFF086  }
0x1c: {  	p1 =	slt.u32 s9, $0xF7A;
	s5 =	simm.s32 @!p2 $0x0  }
0x1d: {  	s5 =	simm.s32 @p1 $0x1;
	p0 =	seq.s32 s7, s2  }
0x1e: {  	s7 =	smul.u32 @!p0 $0xF7A, s2;
	p2 =	seq.s32 @!p0 s5, $0x0  }
0x1f: {  	s9 =	smul.u32 $0xF7A, s1;
	s8 =	simm.s32 @!p0 $0x1BF5;
	p2 =	por !p2, p0  }
0x20: {  	[sflag:s8] =	ssyncset.s32 @!p0 $0xFFFFF086;
	s6 =	sadd.s32 @!p0 s3, s7;
	s7 =	simm.s32 @!p0 $0x108  }
0x21: {  	s3 =	sadd.s32 s3, s9;
	s6 =	sadd.s32 @!p0 $0x88, s6;
	s7 =	simm.s32 @p2 $0x1082  }
0x22: {  	[simem:s7], [sflag:s8] =	dma.local @!p0 [hbm:s6], $0xF7A  }
0x23: {  	s9 =	sor.u32 $0xD0000000, s2;
	s6 =	simm.s32 $0x108;
	_ =	swait.ge @!p0 [sflag:s8], $0x0  }
0x24: {  	s3 =	sadd.s32 $0x88, s3;
	s6 =	simm.s32 @!p1 $0x1082;
	[sflag:s4] =	ssyncset.s32 $0xFFFFF086  }
0x25: {  	[simem:s6], [sflag:s4] =	dma.local [hbm:s3], $0xF7A  }
0x26: {  	[smem:$0x3F90] =	sst s1;
	(tag) =	ssettag s2;
	_ =	strace s9  }
0x27: {  	s1 =	sld [smem:$0x3FA0]  }
0x28: {  	s2 =	sld [smem:$0x3FA1]  }
0x29: {  	s4 =	sld [smem:$0x3FA3]  }
0x2a: {  	p0 =	seq.s32 s5, $0x0;
	s5 =	sld [smem:$0x3FA4]  }
0x2b: {  	s6 =	sld [smem:$0x3FA5]  }
0x2c: {  	s7 =	sld [smem:$0x3FA6]  }
0x2d: {  	s3 =	simm.s32 $0x108;
	s8 =	sld [smem:$0x3FA7]  }
0x2e: {  	s3 =	simm.s32 @!p0 $0x1082;
	s9 =	sld [smem:$0x3FA8]  }
0x2f: {  	lr =	sadd.s32 s0, s3;
	s0 =	sld [smem:$0x3F9F]  }
0x30: {  	s3 =	sld [smem:$0x3FA2]  }
0x31: {  	[smem:$0x3FAB] =	sst s10  }
0x32: {  	s10 =	sld [smem:$0x3FA9];
	_ =	sdelay $0x3  }
0x33: {  	p0 =	seq.s32 s10, $0x1;
	s10 =	sld [smem:$0x3FAB];
	_ =	sdelay $0x3  }
0x34: {  	[smem:$0x3FAB] =	sst s10  }
0x35: {  	s10 =	sld [smem:$0x3FAA];
	_ =	sdelay $0x3  }
0x36: {  	p1 =	seq.s32 s10, $0x1;
	s10 =	sld [smem:$0x3FAB];
	_ =	sdelay $0x3  }
0x37: {  	[smem:$0x3FAB] =	sst s10  }
0x38: {  	s10 =	sld [smem:$0x3FAC]  }
0x39: {  	_ = 	snop;
	(pc) =	sbr.ind lr, $3  }
0x3a: {  	_ = 	snop  }
0x3b: {  	_ = 	snop  }
0x3c: {  	p2 =	seq.s32 s10, $0x1;
	s10 =	sld [smem:$0x3FAB]  }
0x3d: {  	_ =	shalt  }
0x3e: {  	_ =	shalt  }
0x3f: {  	_ =	shalt  }
0x40: {  	_ =	shalt  }
0x41: {  	_ =	shalt  }
0x42: {  	_ =	shalt  }
0x43: {  	_ =	shalt  }
0x44: {  	_ =	shalt  }
0x45: {  	_ =	shalt  }
0x46: {  	_ =	shalt  }
0x47: {  	_ =	shalt  }
0x48: {  	_ =	shalt  }
0x49: {  	_ =	shalt  }
0x4a: {  	_ =	shalt  }
0x4b: {  	_ =	shalt  }
0x4c: {  	_ =	shalt  }
0x4d: {  	_ =	shalt  }
0x4e: {  	_ =	shalt  }
0x4f: {  	_ =	shalt  }
0x50: {  	_ =	shalt  }
0x51: {  	_ =	shalt  }
0x52: {  	_ =	shalt  }
0x53: {  	_ =	shalt  }
0x54: {  	_ =	shalt  }
0x55: {  	_ =	shalt  }
0x56: {  	_ =	shalt  }
0x57: {  	_ =	shalt  }
0x58: {  	_ =	shalt  }
0x59: {  	_ =	shalt  }
0x5a: {  	_ =	shalt  }
0x5b: {  	_ =	shalt  }
0x5c: {  	_ =	shalt  }
0x5d: {  	_ =	shalt  }
0x5e: {  	_ =	shalt  }
0x5f: {  	_ =	shalt  }
0x60: {  	_ =	shalt  }
0x61: {  	_ =	shalt  }
0x62: {  	_ =	shalt  }
0x63: {  	_ =	shalt  }
0x64: {  	_ =	shalt  }
0x65: {  	_ =	shalt  }
0x66: {  	_ =	shalt  }
0x67: {  	_ =	shalt  }
0x68: {  	_ =	shalt  }
0x69: {  	_ =	shalt  }
0x6a: {  	_ =	shalt  }
0x6b: {  	_ =	shalt  }
0x6c: {  	_ =	shalt  }
0x6d: {  	_ =	shalt  }
0x6e: {  	_ =	shalt  }
0x6f: {  	_ =	shalt  }
0x70: {  	_ =	shalt  }
0x71: {  	_ =	shalt  }
0x72: {  	_ =	shalt  }
0x73: {  	_ =	shalt  }
0x74: {  	_ =	shalt  }
0x75: {  	_ =	shalt  }
0x76: {  	_ =	shalt  }
0x77: {  	_ =	shalt  }
0x78: {  	_ =	shalt  }
0x79: {  	_ =	shalt  }
0x7a: {  	_ =	shalt  }
0x7b: {  	_ =	shalt  }
0x7c: {  	_ =	shalt  }
0x7d: {  	_ =	shalt  }
0x7e: {  	_ =	shalt  }
0x7f: {  	_ =	shalt  }
0x80: {  	_ =	shalt  }
0x81: {  	_ =	shalt  }
0x82: {  	_ =	shalt  }
0x83: {  	_ =	shalt  }
0x84: {  	_ =	shalt  }
0x85: {  	_ =	shalt  }
0x86: {  	_ =	shalt  }
0x87: {  	_ =	shalt  }
.Lfunc_end0:
.L_simem_size_0:
called_computation.1_lowered:
.L_overlay_start_0:
0x88: {  	s2 =	sld [smem:$0x3FD9]  }
0x89: {  	s3 =	sld [smem:$0x3FFE];
	_ =	sdelay $0x1  }
0x8a: {  	s1 =	srdreg.scid  }
0x8b: {  	s0 =	sand.u32 $0x1, s1  }
0x8c: {  	s16 =	sshll.u32 s0, $0xA;
	s2 =	sadd.s32 s3, s2  }
0x8d: {  	s2 =	sadd.s32 s2, s16  }
0x8e: {  	[smem:$0x3FB7] =	sst s2  }
0x8f: {  	_ = 	snop  }
0x90: {  	(tm) =	ssettm $0x1  }
0x91: {  	s17 =	sld [smem:$0x3FFB];
	_ =	sdelay $0x3  }
0x92: {  	_ =	strace s17  }
0x93: {  	s2 =	sld [smem:$0x3FFC];
	_ =	sdelay $0x3  }
0x94: {  	_ =	strace s2  }
0x95: {  	s2 =	sld [smem:$0x3FFD];
	_ =	sdelay $0x3  }
0x96: {  	_ =	strace s2  }
0x97: {  	_ =	strace $0x8FFFFFFF  }
0x98: {  	s18 =	sld [smem:$0x3FDB];
	_ =	sdelay $0x1  }
0x99: {  	s19 =	simm.s32 $_scs_section_size  }
0x9a: {  	s4 =	simm.s32 $_size__tile_overlayer_lowered;
	s5 =	simm.s32 $_tile_overlayer_lowered  }
0x9b: {  	s22 =	simm.s32 $0x1BFF;
	s21 =	sshll.u32 s5, $0x1;
	s2 =	sadd.s32 s19, s18  }
0x9c: {  	s6 =	simm.s32 $0x0;
	s20 =	sshll.u32 s4, $0x1;
	s4 =	sadd.s32 s21, s2  }
0x9d: {  	[timem:s6], [sflag:s22] =	dma.local [hbm:s4], s20  }
0x9e: {  	_ =	swait.ge [sflag:s22], s20  }
0x9f: {  	s3 =	ssub.s32 $0x0, s20;
	[sflag:s22] =	ssyncset.done $0x0  }
0xa0: {  	[sflag:s22] =	ssyncadd.s32 s3;
	_ =	sdelay $0x1  }
0xa1: {  	s23 =	simm.s32 $0x1B8B  }
0xa2: {  	_ =	swait.ge [sflag:s23], $0x1  }
0xa3: {  	[sflag:s23] =	ssyncset.done $0x0  }
0xa4: {  	s25 =	simm.s32 $0x1B8E;
	s24 =	sld [smem:$0x3FFE];
	[sflag:s23] =	ssyncadd.s32 $0xFFFFFFFF  }
0xa5: {  	s26 =	simm.s32 $execute0_lowered;
	[smem:$0x3FD2] =	sst s25  }
0xa6: {  	s4 =	sshll.u32 s26, $0x1;
	_ =	strace $0x80000049;
	[dreg:$0x1] =	wrdreg $0xFFFFFFFF  }
0xa7: {  	s28 =	simm.s32 $_size_execute0_lowered;
	s2 =	sadd.s32 s2, s4;
	[dreg:$0x0] =	wrdreg $0x0  }
0xa8: {  	s4 =	sshll.u32 s28, $0x1;
	[dreg:$0x2] =	wrdreg s2  }
0xa9: {  	[dreg:$0x3] =	wrdreg s4  }
0xaa: {  	[dreg:$0x4] =	wrdreg $0xC0  }
0xab: {  	_ =	task [dreg:s6], $0x5FFFF  }
0xac: {  	[dreg:$0x1] =	wrdreg $0xFFFFFFFF  }
0xad: {  	[dreg:$0x0] =	wrdreg $0x60  }
0xae: {  	[dreg:$0x2] =	wrdreg s24  }
0xaf: {  	[dreg:$0x3] =	wrdreg $0xB8000  }
0xb0: {  	[dreg:$0x4] =	wrdreg $0x9  }
0xb1: {  	_ =	task.clear_ibuf [dreg:s6], $0x5FFFF;
	_ =	strace $0x90000049  }
0xb2: {  	s29 =	simm.s32 $0x9;
	_ =	strace $0x8000004B  }
0xb3: {  	_ =	swait.ge [sflag:s29], $0x1  }
0xb4: {  	[sflag:s29] =	ssyncadd.s32 $0xFFFFFFFF  }
0xb5: {  	_ =	strace $0x9000004B  }
0xb6: {  	_ =	sfence  }
0xb7: {  	s30 =	sld [smem:$0x0];
	_ =	sdelay $0x2  }
0xb8: {  	s31 =	sshll.u32 s1, $0xD;
	s1 =	sshrl.u32 s1, $0x2  }
0xb9: {  	s3 =	sand.u32 $0x4000, s31;
	s1 =	sadd.s32 s1, s30  }
0xba: {  	s0 =	sor.u32 s3, s0;
	s1 =	sshll.u32 s1, $0x11  }
0xbb: {  	s0 =	sor.u32 s1, s0  }
0xbc: {  	s0 =	sadd.s32 $0x8F2B, s0  }
0xbd: {  	[sflag:s0] =	ssyncadd.remote.s32 $0x1  }
0xbe: {  	_ =	sfence.sel $0xFFFF  }
0xbf: {  	[dreg:$0x0] =	wrdreg $0xFFFFFFFF;
	(pc) =	sbr.abs _section_cstart, $3  }
0xc0: {  	[dreg:$0x1] =	wrdreg $0xFFFFFFFF  }
0xc1: {  	_ =	task.clear_ibuf [dreg:s6], $0x2FFFF;
	_ =	strace $0x9FFFFFFF  }
0xc2: {  	(tm) =	ssettm $0x7FFFFFFF  }
0xc3: {  	_ =	shalt  }
tec
execute0_lowered:
.L_overlay_start_1:
0x0: {  	(tag) =	ssettag $0x1  }
0x1: {  	s6 =	rddreg [dreg:$0x0]  }
0x2: {  	s2 =	rddreg [dreg:$0x1]  }
0x3: {  	s0 =	rddreg [dreg:$0x2]  }
0x4: {  	s3 =	simm.s32 $0x0;
	s1 =	stileid.u32;
	s4 =	srdreg.scid  }
0x5: {  	s17 =	simm.s32 $0x3800;
	s18 =	simm.s32 $0x7800;
	s19 =	simm.s32 $0x1  }
0x6: {  	s20 =	simm.s32 $0x2;
	s21 =	simm.s32 $0x1C00;
	s22 =	simm.s32 $0x0  }
0x7: {  	[smem:$0x7FF] =	sst s3;
	s7 =	smul.u32 $0x14000, s1;
	s4 =	sand.u32 $0x1, s4  }
0x8: {  	s5 =	sadd.s32 $0x36600, s6;
	s10 =	sadd.s32 $0x86E00, s6;
	s12 =	smul.u32 $0x50000, s1  }
0x9: {  	s11 =	sadd.s32 $0x94E00, s6;
	s28 =	sshll.u32 s1, $0x1;
	s14 =	smul.u32 $0x7000, s1  }
0xa: {  	s30 =	sshll.u32 s1, $0x6;
	_ =	strace $0x8000004A;
	s8 =	smul.u32 $0x140000, s4  }
0xb: {  	s25 =	ssub.s32 $0x2, s4;
	p0 =	sne.s32 s4, $0x0;
	s9 =	sshrl.u32 s7, $0x3  }
0xc: {  	s26 =	sshrl.u32 s25, $0x1;
	s12 =	sshrl.u32 s12, $0x2;
	s31 =	sshrl.u32 s14, $0x3  }
0xd: {  	s9 =	sadd.s32 s9, s6;
	s7 =	sadd.s32 s7, s8;
	s15 =	ssub.s32 s25, s26  }
0xe: {  	s16 =	sadd.s32 s12, s2;
	s14 =	sadd.s32 $0x380, s31;
	s7 =	sshrl.u32 s7, $0x3  }
.Ltmp0:
0xf: {  	s13 =	sadd.s32 s7, s6;
	s7 =	sor.u32 s4, s28;
	(pc) =	sbr.rel .LBB2_1-.Ltmp0, $4  }
0x10: {  	s6 =	sadd.s32 $0xE600, s9;
	s29 =	smul.u32 $0x700, s7;
	s7 =	sor.u32 $0x1C03, s30  }
0x11: {  	s12 =	sadd.s32 $0xA2E00, s13;
	s13 =	smax.u32 s15, $0x1;
	s15 =	simm.s32 $0x3  }
0x12: {  	s8 =	sadd.s32 s10, s29;
	s9 =	sadd.s32 s11, s29;
	s10 =	sadd.s32 s10, s14  }
0x13: {  	s11 =	sadd.s32 s11, s14;
	s14 =	sshrl.u32 s16, $0x3;
	s16 =	simm.s32 $0x80  }
.LBB2_6:
0x14: {  	s23 =	sshra.s32 s23, $0x2;
	[sflag:s15] =	ssyncadd.s32 $0xFFFFC000  }
0x15: {  	[tilespmem:s17], [sflag:$0x1] =	stream.indirect.gather [hbm4b:s5+s16], $0x80, s23, s16, $0xb8;
	[tilespmem:$0x1F800] =	vst v63  }
0x16: {  	s24 =	sadd.s32 $0x80, s23  }
0x17: {  	[tilespmem:s18], [sflag:$0x2] =	stream.indirect.gather [hbm4b:s5+s16], $0x80, s24, s16, $0xb8;
	[tilespmem:$0x1F800] =	vst v63  }
0x18: {  	_ =	swait.ge [sflag:s19], $0x4000  }
0x19: {  	[sflag:s19] =	ssyncset.done $0x0  }
0x1a: {  	s31 =	sadd.s32 $0x1C00, s23;
	[sflag:s19] =	ssyncadd.s32 $0xFFFFC000  }
0x1b: {  	[spmem:s2] =	stream.indirect.scatter.add.f32 [tilespmem:s17], [sflag:$0x3], $0x80, s31, s16, $0xb8;
	[tilespmem:$0x1F800] =	vst v63  }
0x1c: {  	_ =	swait.ge [sflag:s15], $0x4000  }
0x1d: {  	[sflag:s15] =	ssyncset.done $0x0  }
0x1e: {  	[sflag:s15] =	ssyncadd.s32 $0xFFFFC000  }
0x1f: {  	_ =	swait.ge [sflag:s20], $0x4000  }
0x20: {  	[sflag:s20] =	ssyncset.done $0x0  }
0x21: {  	s23 =	sadd.s32 $0x1C80, s23;
	[sflag:s20] =	ssyncadd.s32 $0xFFFFC000  }
0x22: {  	[spmem:s2] =	stream.indirect.scatter.add.f32 [tilespmem:s18], [sflag:$0x3], $0x80, s23, s16, $0xb8;
	[tilespmem:$0x1F800] =	vst v63  }
0x23: {  	_ =	swait.ge [sflag:s15], $0x4000  }
0x24: {  	[sflag:s15] =	ssyncset.done $0x0  }
0x25: {  	[sflag:s15] =	ssyncadd.s32 $0xFFFFC000  }
.LBB2_7:
0x26: {  	s22 =	sadd.s32 $0x1, s22  }
0x27: {  	p1 =	sne.s32 s22, s13  }
.Ltmp1:
0x28: {  	[bflag:$0x0] =	sbarrier.arrive $0xFFFF;
	(pc) =	sbr.rel @!p1 .LBB2_8-.Ltmp1, $4  }
0x29: {  	[hbm:s12], [sflag:s7] =	dma.local [spmem:s14], $0x2800  }
0x2a: {  	_ =	swait.ge [sflag:s15], $0x2800  }
0x2b: {  	[sflag:s15] =	ssyncset.done $0x0  }
0x2c: {  	[sflag:s15] =	ssyncadd.s32 $0xFFFFD800  }
.LBB2_1:
0x2d: {  	[spmem:s14], [sflag:s7] =	dma.local [hbm:s6], $0x2800  }
0x2e: {  	_ =	swait.ge [sflag:s15], $0x2800  }
0x2f: {  	[sflag:s15] =	ssyncset.done $0x0  }
0x30: {  	[sflag:s15] =	ssyncadd.s32 $0xFFFFD800  }
0x31: {  	[bflag:$0x0] =	sbarrier.arrive $0xFFFF  }
0x32: {  	[tilespmem:s3], [sflag:$0x3] =	stream.linear.gather [hbm4b:s8+s3], $0x1B00, $0x38;
	[tilespmem:$0x1F800] =	vst v63  }
0x33: {  	_ =	swait.ge [sflag:s15], $0x1B00  }
0x34: {  	[sflag:s15] =	ssyncset.done $0x0  }
0x35: {  	[sflag:s15] =	ssyncadd.s32 $0xFFFFE500  }
0x36: {  	[tilespmem:s21], [sflag:$0x3] =	stream.linear.gather [hbm4b:s9+s3], $0x1B00, $0x38;
	[tilespmem:$0x1F800] =	vst v63  }
0x37: {  	_ =	swait.ge [sflag:s15], $0x1B00  }
0x38: {  	s23 =	simm.s32 $0x1C00;
	[sflag:s15] =	ssyncset.done $0x0  }
0x39: {  	s24 =	simm.s32 $0x0;
	s25 =	simm.s32 $0x1;
	[sflag:s15] =	ssyncadd.s32 $0xFFFFE500  }
.LBB2_2:
0x3a: {  	[tilespmem:s17], [sflag:$0x1] =	stream.indirect.gather [hbm4b:s5+s16], $0x80, s24, s16, $0xb8;
	[tilespmem:$0x1F800] =	vst v63  }
0x3b: {  	s26 =	sadd.s32 $0x80, s24  }
0x3c: {  	[tilespmem:s18], [sflag:$0x2] =	stream.indirect.gather [hbm4b:s5+s16], $0x80, s26, s16, $0xb8;
	[tilespmem:$0x1F800] =	vst v63  }
0x3d: {  	_ =	swait.ge [sflag:s19], $0x4000  }
0x3e: {  	[sflag:s19] =	ssyncset.done $0x0  }
0x3f: {  	[sflag:s19] =	ssyncadd.s32 $0xFFFFC000  }
0x40: {  	[spmem:s2] =	stream.indirect.scatter.add.f32 [tilespmem:s17], [sflag:$0x3], $0x80, s23, s16, $0xb8;
	[tilespmem:$0x1F800] =	vst v63  }
0x41: {  	_ =	swait.ge [sflag:s15], $0x4000  }
0x42: {  	[sflag:s15] =	ssyncset.done $0x0  }
0x43: {  	[sflag:s15] =	ssyncadd.s32 $0xFFFFC000  }
0x44: {  	s31 =	sxor.u32 s25, s4;
	_ =	swait.ge [sflag:s20], $0x4000  }
0x45: {  	p1 =	sne.s32 s31, $0x1B;
	[sflag:s20] =	ssyncset.done $0x0  }
.Ltmp2:
0x46: {  	s30 =	sadd.s32 $0x80, s23;
	[sflag:s20] =	ssyncadd.s32 $0xFFFFC000;
	(pc) =	sbr.rel @p1 .LBB2_2-.Ltmp2, $4  }
0x47: {  	[spmem:s2] =	stream.indirect.scatter.add.f32 [tilespmem:s18], [sflag:$0x3], $0x80, s30, s16, $0xb8;
	[tilespmem:$0x1F800] =	vst v63  }
0x48: {  	_ =	swait.ge [sflag:s15], $0x4000  }
0x49: {  	s25 =	sadd.s32 $0x1, s25;
	[sflag:s15] =	ssyncset.done $0x0  }
0x4a: {  	s24 =	sadd.s32 $0x100, s24;
	s23 =	sadd.s32 $0x100, s23;
	[sflag:s15] =	ssyncadd.s32 $0xFFFFC000  }
.Ltmp3:
0x4b: {  	(pc) =	sbr.rel @p0 .LBB2_7-.Ltmp3, $1  }
0x4c: {  	_ =	sdelay $0x3  }
0x4d: {  	s23 =	simm.s32 $0x0  }
0x4e: {  	[tilespmem:s23], [sflag:$0x3] =	stream.linear.gather [hbm4b:s10+s23], $0x1B00, $0x38;
	[tilespmem:$0x1F800] =	vst v63  }
0x4f: {  	_ =	swait.ge [sflag:s15], $0x1B00  }
0x50: {  	[sflag:s15] =	ssyncset.done $0x0  }
0x51: {  	[sflag:s15] =	ssyncadd.s32 $0xFFFFE500  }
0x52: {  	[tilespmem:s21], [sflag:$0x3] =	stream.linear.gather [hbm4b:s11+s23], $0x1B00, $0x38;
	[tilespmem:$0x1F800] =	vst v63  }
0x53: {  	_ =	swait.ge [sflag:s15], $0x1B00  }
0x54: {  	[sflag:s15] =	ssyncset.done $0x0  }
0x55: {  	s28 =	simm.s32 $0x0;
	[sflag:s15] =	ssyncadd.s32 $0xFFFFE500  }
0x56: {  	[tilespmem:s17], [sflag:$0x1] =	stream.indirect.gather [hbm4b:s5+s16], $0x80, s28, s16, $0xb8;
	[tilespmem:$0x1F800] =	vst v63  }
0x57: {  	s29 =	simm.s32 $0x80  }
0x58: {  	[tilespmem:s18], [sflag:$0x2] =	stream.indirect.gather [hbm4b:s5+s16], $0x80, s29, s16, $0xb8;
	[tilespmem:$0x1F800] =	vst v63  }
0x59: {  	_ =	swait.ge [sflag:s19], $0x4000  }
0x5a: {  	[sflag:s19] =	ssyncset.done $0x0  }
0x5b: {  	s30 =	simm.s32 $0x1C00;
	[sflag:s19] =	ssyncadd.s32 $0xFFFFC000  }
0x5c: {  	[spmem:s2] =	stream.indirect.scatter.add.f32 [tilespmem:s17], [sflag:$0x3], $0x80, s30, s16, $0xb8;
	[tilespmem:$0x1F800] =	vst v63  }
0x5d: {  	_ =	swait.ge [sflag:s15], $0x4000  }
0x5e: {  	[sflag:s15] =	ssyncset.done $0x0  }
0x5f: {  	[sflag:s15] =	ssyncadd.s32 $0xFFFFC000  }
0x60: {  	_ =	swait.ge [sflag:s20], $0x4000  }
0x61: {  	[sflag:s20] =	ssyncset.done $0x0  }
0x62: {  	s31 =	simm.s32 $0x1C80;
	[sflag:s20] =	ssyncadd.s32 $0xFFFFC000  }
0x63: {  	[spmem:s2] =	stream.indirect.scatter.add.f32 [tilespmem:s18], [sflag:$0x3], $0x80, s31, s16, $0xb8;
	[tilespmem:$0x1F800] =	vst v63  }
0x64: {  	_ =	swait.ge [sflag:s15], $0x4000  }
0x65: {  	s24 =	simm.s32 $0x800;
	s23 =	simm.s32 $0x400;
	[sflag:s15] =	ssyncset.done $0x0  }
.LBB2_5:
0x66: {  	s25 =	sshra.s32 s23, $0x2  }
0x67: {  	[sflag:s15] =	ssyncadd.s32 $0xFFFFC000;
	s23 =	smov.u32 s24;
	s26 =	sadd.s32 $0x400, s24  }
0x68: {  	[tilespmem:s17], [sflag:$0x1] =	stream.indirect.gather [hbm4b:s5+s16], $0x80, s25, s16, $0xb8;
	[tilespmem:$0x1F800] =	vst v63  }
0x69: {  	p1 =	sne.s32 s24, $0x6400;
	s24 =	sadd.s32 $0x80, s25  }
0x6a: {  	[tilespmem:s18], [sflag:$0x2] =	stream.indirect.gather [hbm4b:s5+s16], $0x80, s24, s16, $0xb8;
	[tilespmem:$0x1F800] =	vst v63  }
0x6b: {  	_ =	swait.ge [sflag:s19], $0x4000  }
0x6c: {  	[sflag:s19] =	ssyncset.done $0x0  }
0x6d: {  	s24 =	sadd.s32 $0x1C00, s25;
	[sflag:s19] =	ssyncadd.s32 $0xFFFFC000  }
0x6e: {  	[spmem:s2] =	stream.indirect.scatter.add.f32 [tilespmem:s17], [sflag:$0x3], $0x80, s24, s16, $0xb8;
	[tilespmem:$0x1F800] =	vst v63  }
0x6f: {  	_ =	swait.ge [sflag:s15], $0x4000  }
0x70: {  	[sflag:s15] =	ssyncset.done $0x0  }
0x71: {  	[sflag:s15] =	ssyncadd.s32 $0xFFFFC000  }
0x72: {  	_ =	swait.ge [sflag:s20], $0x4000  }
.Ltmp4:
0x73: {  	[sflag:s20] =	ssyncset.done $0x0;
	(pc) =	sbr.rel @p1 .LBB2_5-.Ltmp4, $4  }
0x74: {  	s24 =	sadd.s32 $0x1C80, s25;
	[sflag:s20] =	ssyncadd.s32 $0xFFFFC000  }
0x75: {  	[spmem:s2] =	stream.indirect.scatter.add.f32 [tilespmem:s18], [sflag:$0x3], $0x80, s24, s16, $0xb8;
	[tilespmem:$0x1F800] =	vst v63  }
0x76: {  	_ =	swait.ge [sflag:s15], $0x4000  }
0x77: {  	s24 =	smov.u32 s26;
	[sflag:s15] =	ssyncset.done $0x0  }
.Ltmp5:
0x78: {  	_ = 	snop;
	(pc) =	sbr.rel .LBB2_6-.Ltmp5, $1  }
0x79: {  	_ =	sdelay $0x3  }
.LBB2_8:
0x7a: {  	_ =	sfence.sel $0x180000  }
0x7b: {  	[bflag:$0x0] =	sbarrier.arrive $0xFFFF  }
0x7c: {  	p0 =	sne.s32 s1, $0x0;
	_ =	strace $0x9000004A  }
0x7d: {  	s0 =	sadd.s32 @!p0 $0x100000, s0;
	[bflag:$0x2] =	sbarrier.arrive $0xFFFF  }
0x7e: {  	[sflag:s0] =	ssyncadd.tile.s32 @!p0 $0x1;
	_ =	shalt  }
.Lfunc_end2:
_tile_overlayer_lowered:
.L_overlay_start_2:
0x7f: {  	(tag) =	ssettag $0x2  }
0x80: {  	s0 =	rddreg [dreg:$0x0];
	s2 =	stileid.u32  }
0x81: {  	s1 =	rddreg [dreg:$0x1];
	p0 =	sne.s32 s2, $0x0  }
0x82: {  	s3 =	rddreg [dreg:$0x2];
	[bflag:$0x3] =	sbarrier.arrive $0xFFFF;
	s2 =	simm.s32 @!p0 $0x1C03  }
0x83: {  	[timem:s3], [sflag:s2] =	dma.local @!p0 [hbm:s0], s1  }
0x84: {  	s0 =	simm.s32 @!p0 $0x3  }
0x85: {  	_ =	swait.ge @!p0 [sflag:s0], s1  }
0x86: {  	s1 =	ssub.s32 @!p0 $0x0, s1;
	[sflag:s0] =	ssyncset.done @!p0 $0x0  }
0x87: {  	[sflag:s0] =	ssyncadd.s32 @!p0 s1  }
0x88: {  	[bflag:$0x3] =	sbarrier.arrive $0xFFFF  }
0x89: {  	_ =	shalt  }

// kernel: kernel.18.cloned.1.call-start
scs
__scs_entry_jumppad:
0x0: {  	(pc) =	sbr.rel $0x88, $3  }
0x1: {  	(tag) =	ssettag $0x0;
	lr =	simm.s32 $0x1  }
0x2: {  	[smem:$0x3F90] =	sst lr;
	_ =	strace $0xD0000000  }
0x3: {  	_ = 	snop  }
0x4: {  	_ = 	snop  }
0x5: {  	_ = 	snop  }
0x6: {  	_ = 	snop  }
0x7: {  	_ = 	snop  }
__scs_overlays_trampoline_lowered:
0x8: {  	[smem:$0x3F9F] =	sst s0  }
0x9: {  	[smem:$0x3FA0] =	sst s1  }
0xa: {  	[smem:$0x3FA1] =	sst s2  }
0xb: {  	[smem:$0x3FA2] =	sst s3  }
0xc: {  	[smem:$0x3FA3] =	sst s4  }
0xd: {  	[smem:$0x3FA4] =	sst s5  }
0xe: {  	[smem:$0x3FA5] =	sst s6  }
0xf: {  	[smem:$0x3FA6] =	sst s7  }
0x10: {  	[smem:$0x3FA7] =	sst s8  }
0x11: {  	[smem:$0x3FA8] =	sst s9;
	s0 =	simm.s32 @!p0 $0x0  }
0x12: {  	s1 =	sld [smem:$0x3F8E];
	s0 =	simm.s32 @p0 $0x1  }
0x13: {  	[smem:$0x3FA9] =	sst s0;
	s0 =	simm.s32 @!p1 $0x0  }
0x14: {  	s2 =	sld [smem:$0x3F8D];
	s0 =	simm.s32 @p1 $0x1  }
0x15: {  	[smem:$0x3FAA] =	sst s0;
	s0 =	simm.s32 @!p2 $0x0  }
0x16: {  	s3 =	sld [smem:$0x3FDB];
	s0 =	simm.s32 @p2 $0x1  }
0x17: {  	s4 =	simm.s32 $0x1BF5;
	[smem:$0x3FAC] =	sst s0  }
0x18: {  	s0 =	sld [smem:$0x3F8F];
	_ =	swait.ge [sflag:s4], $0x0  }
0x19: {  	s7 =	sld [smem:$0x3F90]  }
0x1a: {  	s8 =	sadd.s32 $0xFFFFE003, lr  }
0x1b: {  	s9 =	sadd.s32 $0xFFFFFEF7, lr;
	s5 =	simm.s32 $0xFFFFFFFF;
	p2 =	slt.u32 s8, $0xFFFFF086  }
0x1c: {  	p1 =	slt.u32 s9, $0xF7A;
	s5 =	simm.s32 @!p2 $0x0  }
0x1d: {  	s5 =	simm.s32 @p1 $0x1;
	p0 =	seq.s32 s7, s2  }
0x1e: {  	s7 =	smul.u32 @!p0 $0xF7A, s2;
	p2 =	seq.s32 @!p0 s5, $0x0  }
0x1f: {  	s9 =	smul.u32 $0xF7A, s1;
	s8 =	simm.s32 @!p0 $0x1BF5;
	p2 =	por !p2, p0  }
0x20: {  	[sflag:s8] =	ssyncset.s32 @!p0 $0xFFFFF086;
	s6 =	sadd.s32 @!p0 s3, s7;
	s7 =	simm.s32 @!p0 $0x108  }
0x21: {  	s3 =	sadd.s32 s3, s9;
	s6 =	sadd.s32 @!p0 $0x88, s6;
	s7 =	simm.s32 @p2 $0x1082  }
0x22: {  	[simem:s7], [sflag:s8] =	dma.local @!p0 [hbm:s6], $0xF7A  }
0x23: {  	s9 =	sor.u32 $0xD0000000, s2;
	s6 =	simm.s32 $0x108;
	_ =	swait.ge @!p0 [sflag:s8], $0x0  }
0x24: {  	s3 =	sadd.s32 $0x88, s3;
	s6 =	simm.s32 @!p1 $0x1082;
	[sflag:s4] =	ssyncset.s32 $0xFFFFF086  }
0x25: {  	[simem:s6], [sflag:s4] =	dma.local [hbm:s3], $0xF7A  }
0x26: {  	[smem:$0x3F90] =	sst s1;
	(tag) =	ssettag s2;
	_ =	strace s9  }
0x27: {  	s1 =	sld [smem:$0x3FA0]  }
0x28: {  	s2 =	sld [smem:$0x3FA1]  }
0x29: {  	s4 =	sld [smem:$0x3FA3]  }
0x2a: {  	p0 =	seq.s32 s5, $0x0;
	s5 =	sld [smem:$0x3FA4]  }
0x2b: {  	s6 =	sld [smem:$0x3FA5]  }
0x2c: {  	s7 =	sld [smem:$0x3FA6]  }
0x2d: {  	s3 =	simm.s32 $0x108;
	s8 =	sld [smem:$0x3FA7]  }
0x2e: {  	s3 =	simm.s32 @!p0 $0x1082;
	s9 =	sld [smem:$0x3FA8]  }
0x2f: {  	lr =	sadd.s32 s0, s3;
	s0 =	sld [smem:$0x3F9F]  }
0x30: {  	s3 =	sld [smem:$0x3FA2]  }
0x31: {  	[smem:$0x3FAB] =	sst s10  }
0x32: {  	s10 =	sld [smem:$0x3FA9];
	_ =	sdelay $0x3  }
0x33: {  	p0 =	seq.s32 s10, $0x1;
	s10 =	sld [smem:$0x3FAB];
	_ =	sdelay $0x3  }
0x34: {  	[smem:$0x3FAB] =	sst s10  }
0x35: {  	s10 =	sld [smem:$0x3FAA];
	_ =	sdelay $0x3  }
0x36: {  	p1 =	seq.s32 s10, $0x1;
	s10 =	sld [smem:$0x3FAB];
	_ =	sdelay $0x3  }
0x37: {  	[smem:$0x3FAB] =	sst s10  }
0x38: {  	s10 =	sld [smem:$0x3FAC]  }
0x39: {  	_ = 	snop;
	(pc) =	sbr.ind lr, $3  }
0x3a: {  	_ = 	snop  }
0x3b: {  	_ = 	snop  }
0x3c: {  	p2 =	seq.s32 s10, $0x1;
	s10 =	sld [smem:$0x3FAB]  }
0x3d: {  	_ =	shalt  }
0x3e: {  	_ =	shalt  }
0x3f: {  	_ =	shalt  }
0x40: {  	_ =	shalt  }
0x41: {  	_ =	shalt  }
0x42: {  	_ =	shalt  }
0x43: {  	_ =	shalt  }
0x44: {  	_ =	shalt  }
0x45: {  	_ =	shalt  }
0x46: {  	_ =	shalt  }
0x47: {  	_ =	shalt  }
0x48: {  	_ =	shalt  }
0x49: {  	_ =	shalt  }
0x4a: {  	_ =	shalt  }
0x4b: {  	_ =	shalt  }
0x4c: {  	_ =	shalt  }
0x4d: {  	_ =	shalt  }
0x4e: {  	_ =	shalt  }
0x4f: {  	_ =	shalt  }
0x50: {  	_ =	shalt  }
0x51: {  	_ =	shalt  }
0x52: {  	_ =	shalt  }
0x53: {  	_ =	shalt  }
0x54: {  	_ =	shalt  }
0x55: {  	_ =	shalt  }
0x56: {  	_ =	shalt  }
0x57: {  	_ =	shalt  }
0x58: {  	_ =	shalt  }
0x59: {  	_ =	shalt  }
0x5a: {  	_ =	shalt  }
0x5b: {  	_ =	shalt  }
0x5c: {  	_ =	shalt  }
0x5d: {  	_ =	shalt  }
0x5e: {  	_ =	shalt  }
0x5f: {  	_ =	shalt  }
0x60: {  	_ =	shalt  }
0x61: {  	_ =	shalt  }
0x62: {  	_ =	shalt  }
0x63: {  	_ =	shalt  }
0x64: {  	_ =	shalt  }
0x65: {  	_ =	shalt  }
0x66: {  	_ =	shalt  }
0x67: {  	_ =	shalt  }
0x68: {  	_ =	shalt  }
0x69: {  	_ =	shalt  }
0x6a: {  	_ =	shalt  }
0x6b: {  	_ =	shalt  }
0x6c: {  	_ =	shalt  }
0x6d: {  	_ =	shalt  }
0x6e: {  	_ =	shalt  }
0x6f: {  	_ =	shalt  }
0x70: {  	_ =	shalt  }
0x71: {  	_ =	shalt  }
0x72: {  	_ =	shalt  }
0x73: {  	_ =	shalt  }
0x74: {  	_ =	shalt  }
0x75: {  	_ =	shalt  }
0x76: {  	_ =	shalt  }
0x77: {  	_ =	shalt  }
0x78: {  	_ =	shalt  }
0x79: {  	_ =	shalt  }
0x7a: {  	_ =	shalt  }
0x7b: {  	_ =	shalt  }
0x7c: {  	_ =	shalt  }
0x7d: {  	_ =	shalt  }
0x7e: {  	_ =	shalt  }
0x7f: {  	_ =	shalt  }
0x80: {  	_ =	shalt  }
0x81: {  	_ =	shalt  }
0x82: {  	_ =	shalt  }
0x83: {  	_ =	shalt  }
0x84: {  	_ =	shalt  }
0x85: {  	_ =	shalt  }
0x86: {  	_ =	shalt  }
0x87: {  	_ =	shalt  }
.Lfunc_end0:
.L_simem_size_0:
called_computation.2_lowered:
.L_overlay_start_0:
0x88: {  	s2 =	sld [smem:$0x3FD9]  }
0x89: {  	s3 =	sld [smem:$0x3FFE];
	_ =	sdelay $0x1  }
0x8a: {  	s1 =	srdreg.scid  }
0x8b: {  	s0 =	sand.u32 $0x1, s1  }
0x8c: {  	s16 =	sshll.u32 s0, $0xA;
	s2 =	sadd.s32 s3, s2  }
0x8d: {  	s2 =	sadd.s32 s2, s16  }
0x8e: {  	[smem:$0x3FB7] =	sst s2  }
0x8f: {  	_ = 	snop  }
0x90: {  	(tm) =	ssettm $0x1  }
0x91: {  	s17 =	sld [smem:$0x3FFB];
	_ =	sdelay $0x3  }
0x92: {  	_ =	strace s17  }
0x93: {  	s2 =	sld [smem:$0x3FFC];
	_ =	sdelay $0x3  }
0x94: {  	_ =	strace s2  }
0x95: {  	s2 =	sld [smem:$0x3FFD];
	_ =	sdelay $0x3  }
0x96: {  	_ =	strace s2  }
0x97: {  	_ =	strace $0x8FFFFFFF  }
0x98: {  	s18 =	sld [smem:$0x3FDB];
	_ =	sdelay $0x1  }
0x99: {  	s19 =	simm.s32 $_scs_section_size  }
0x9a: {  	s4 =	simm.s32 $_size__tile_overlayer_lowered;
	s5 =	simm.s32 $_tile_overlayer_lowered  }
0x9b: {  	s22 =	simm.s32 $0x1BFF;
	s21 =	sshll.u32 s5, $0x1;
	s2 =	sadd.s32 s19, s18  }
0x9c: {  	s6 =	simm.s32 $0x0;
	s20 =	sshll.u32 s4, $0x1;
	s4 =	sadd.s32 s21, s2  }
0x9d: {  	[timem:s6], [sflag:s22] =	dma.local [hbm:s4], s20  }
0x9e: {  	_ =	swait.ge [sflag:s22], s20  }
0x9f: {  	s3 =	ssub.s32 $0x0, s20;
	[sflag:s22] =	ssyncset.done $0x0  }
0xa0: {  	[sflag:s22] =	ssyncadd.s32 s3;
	_ =	sdelay $0x1  }
0xa1: {  	s23 =	simm.s32 $0x1B8B  }
0xa2: {  	_ =	swait.ge [sflag:s23], $0x1  }
0xa3: {  	[sflag:s23] =	ssyncset.done $0x0  }
0xa4: {  	s25 =	simm.s32 $0x1B8E;
	s24 =	sld [smem:$0x3FFE];
	[sflag:s23] =	ssyncadd.s32 $0xFFFFFFFF  }
0xa5: {  	s26 =	simm.s32 $execute0_lowered;
	[smem:$0x3FD2] =	sst s25  }
0xa6: {  	s4 =	sshll.u32 s26, $0x1;
	_ =	strace $0x8000004C;
	[dreg:$0x1] =	wrdreg $0xFFFFFFFF  }
0xa7: {  	s28 =	simm.s32 $_size_execute0_lowered;
	s2 =	sadd.s32 s2, s4;
	[dreg:$0x0] =	wrdreg $0x0  }
0xa8: {  	s4 =	sshll.u32 s28, $0x1;
	[dreg:$0x2] =	wrdreg s2  }
0xa9: {  	[dreg:$0x3] =	wrdreg s4  }
0xaa: {  	[dreg:$0x4] =	wrdreg $0xC0  }
0xab: {  	_ =	task [dreg:s6], $0x5FFFF  }
0xac: {  	[dreg:$0x1] =	wrdreg $0xFFFFFFFF  }
0xad: {  	[dreg:$0x0] =	wrdreg $0x60  }
0xae: {  	[dreg:$0x2] =	wrdreg s24  }
0xaf: {  	[dreg:$0x3] =	wrdreg $0xB8000  }
0xb0: {  	[dreg:$0x4] =	wrdreg $0x9  }
0xb1: {  	_ =	task.clear_ibuf [dreg:s6], $0x5FFFF;
	_ =	strace $0x9000004C  }
0xb2: {  	s29 =	simm.s32 $0x9;
	_ =	strace $0x8000004E  }
0xb3: {  	_ =	swait.ge [sflag:s29], $0x1  }
0xb4: {  	[sflag:s29] =	ssyncadd.s32 $0xFFFFFFFF  }
0xb5: {  	_ =	strace $0x9000004E  }
0xb6: {  	_ =	sfence  }
0xb7: {  	s30 =	sld [smem:$0x0];
	_ =	sdelay $0x2  }
0xb8: {  	s31 =	sshll.u32 s1, $0xD;
	s1 =	sshrl.u32 s1, $0x2  }
0xb9: {  	s3 =	sand.u32 $0x4000, s31;
	s1 =	sadd.s32 s1, s30  }
0xba: {  	s0 =	sor.u32 s3, s0;
	s1 =	sshll.u32 s1, $0x11  }
0xbb: {  	s0 =	sor.u32 s1, s0  }
0xbc: {  	s0 =	sadd.s32 $0x8F2B, s0  }
0xbd: {  	[sflag:s0] =	ssyncadd.remote.s32 $0x1  }
0xbe: {  	_ =	sfence.sel $0xFFFF  }
0xbf: {  	[dreg:$0x0] =	wrdreg $0xFFFFFFFF;
	(pc) =	sbr.abs _section_cstart, $3  }
0xc0: {  	[dreg:$0x1] =	wrdreg $0xFFFFFFFF  }
0xc1: {  	_ =	task.clear_ibuf [dreg:s6], $0x2FFFF;
	_ =	strace $0x9FFFFFFF  }
0xc2: {  	(tm) =	ssettm $0x7FFFFFFF  }
0xc3: {  	_ =	shalt  }
tec
execute0_lowered:
.L_overlay_start_1:
0x0: {  	(tag) =	ssettag $0x1  }
0x1: {  	s6 =	rddreg [dreg:$0x0]  }
0x2: {  	s2 =	rddreg [dreg:$0x1]  }
0x3: {  	s0 =	rddreg [dreg:$0x2]  }
0x4: {  	s3 =	simm.s32 $0x0;
	s1 =	stileid.u32;
	s4 =	srdreg.scid  }
0x5: {  	s17 =	simm.s32 $0x3800;
	s18 =	simm.s32 $0x7800;
	s19 =	simm.s32 $0x1  }
0x6: {  	s20 =	simm.s32 $0x2;
	s21 =	simm.s32 $0x1C00;
	s22 =	simm.s32 $0x0  }
0x7: {  	[smem:$0x7FF] =	sst s3;
	s7 =	smul.u32 $0x14000, s1;
	s4 =	sand.u32 $0x1, s4  }
0x8: {  	s5 =	sadd.s32 $0x36600, s6;
	s10 =	sadd.s32 $0x86E00, s6;
	s12 =	smul.u32 $0x50000, s1  }
0x9: {  	s11 =	sadd.s32 $0x94E00, s6;
	s28 =	sshll.u32 s1, $0x1;
	s14 =	smul.u32 $0x7000, s1  }
0xa: {  	s30 =	sshll.u32 s1, $0x6;
	_ =	strace $0x8000004D;
	s8 =	smul.u32 $0x140000, s4  }
0xb: {  	s25 =	ssub.s32 $0x2, s4;
	p0 =	sne.s32 s4, $0x0;
	s9 =	sshrl.u32 s7, $0x3  }
0xc: {  	s26 =	sshrl.u32 s25, $0x1;
	s12 =	sshrl.u32 s12, $0x2;
	s31 =	sshrl.u32 s14, $0x3  }
0xd: {  	s9 =	sadd.s32 s9, s6;
	s7 =	sadd.s32 s7, s8;
	s15 =	ssub.s32 s25, s26  }
0xe: {  	s16 =	sadd.s32 s12, s2;
	s14 =	sadd.s32 $0x380, s31;
	s7 =	sshrl.u32 s7, $0x3  }
.Ltmp0:
0xf: {  	s13 =	sadd.s32 s7, s6;
	s7 =	sor.u32 s4, s28;
	(pc) =	sbr.rel .LBB2_1-.Ltmp0, $4  }
0x10: {  	s6 =	sadd.s32 $0xE600, s9;
	s29 =	smul.u32 $0x700, s7;
	s7 =	sor.u32 $0x1C03, s30  }
0x11: {  	s12 =	sadd.s32 $0xA2E00, s13;
	s13 =	smax.u32 s15, $0x1;
	s15 =	simm.s32 $0x3  }
0x12: {  	s8 =	sadd.s32 s10, s29;
	s9 =	sadd.s32 s11, s29;
	s10 =	sadd.s32 s10, s14  }
0x13: {  	s11 =	sadd.s32 s11, s14;
	s14 =	sshrl.u32 s16, $0x3;
	s16 =	simm.s32 $0x80  }
.LBB2_6:
0x14: {  	s23 =	sshra.s32 s23, $0x2;
	[sflag:s15] =	ssyncadd.s32 $0xFFFFC000  }
0x15: {  	[tilespmem:s17], [sflag:$0x1] =	stream.indirect.gather [hbm4b:s5+s16], $0x80, s23, s16, $0xb8;
	[tilespmem:$0x1F800] =	vst v63  }
0x16: {  	s24 =	sadd.s32 $0x80, s23  }
0x17: {  	[tilespmem:s18], [sflag:$0x2] =	stream.indirect.gather [hbm4b:s5+s16], $0x80, s24, s16, $0xb8;
	[tilespmem:$0x1F800] =	vst v63  }
0x18: {  	_ =	swait.ge [sflag:s19], $0x4000  }
0x19: {  	[sflag:s19] =	ssyncset.done $0x0  }
0x1a: {  	s31 =	sadd.s32 $0x1C00, s23;
	[sflag:s19] =	ssyncadd.s32 $0xFFFFC000  }
0x1b: {  	[spmem:s2] =	stream.indirect.scatter.add.f32 [tilespmem:s17], [sflag:$0x3], $0x80, s31, s16, $0xb8;
	[tilespmem:$0x1F800] =	vst v63  }
0x1c: {  	_ =	swait.ge [sflag:s15], $0x4000  }
0x1d: {  	[sflag:s15] =	ssyncset.done $0x0  }
0x1e: {  	[sflag:s15] =	ssyncadd.s32 $0xFFFFC000  }
0x1f: {  	_ =	swait.ge [sflag:s20], $0x4000  }
0x20: {  	[sflag:s20] =	ssyncset.done $0x0  }
0x21: {  	s23 =	sadd.s32 $0x1C80, s23;
	[sflag:s20] =	ssyncadd.s32 $0xFFFFC000  }
0x22: {  	[spmem:s2] =	stream.indirect.scatter.add.f32 [tilespmem:s18], [sflag:$0x3], $0x80, s23, s16, $0xb8;
	[tilespmem:$0x1F800] =	vst v63  }
0x23: {  	_ =	swait.ge [sflag:s15], $0x4000  }
0x24: {  	[sflag:s15] =	ssyncset.done $0x0  }
0x25: {  	[sflag:s15] =	ssyncadd.s32 $0xFFFFC000  }
.LBB2_7:
0x26: {  	s22 =	sadd.s32 $0x1, s22  }
0x27: {  	p1 =	sne.s32 s22, s13  }
.Ltmp1:
0x28: {  	[bflag:$0x0] =	sbarrier.arrive $0xFFFF;
	(pc) =	sbr.rel @!p1 .LBB2_8-.Ltmp1, $4  }
0x29: {  	[hbm:s12], [sflag:s7] =	dma.local [spmem:s14], $0x2800  }
0x2a: {  	_ =	swait.ge [sflag:s15], $0x2800  }
0x2b: {  	[sflag:s15] =	ssyncset.done $0x0  }
0x2c: {  	[sflag:s15] =	ssyncadd.s32 $0xFFFFD800  }
.LBB2_1:
0x2d: {  	[spmem:s14], [sflag:s7] =	dma.local [hbm:s6], $0x2800  }
0x2e: {  	_ =	swait.ge [sflag:s15], $0x2800  }
0x2f: {  	[sflag:s15] =	ssyncset.done $0x0  }
0x30: {  	[sflag:s15] =	ssyncadd.s32 $0xFFFFD800  }
0x31: {  	[bflag:$0x0] =	sbarrier.arrive $0xFFFF  }
0x32: {  	[tilespmem:s3], [sflag:$0x3] =	stream.linear.gather [hbm4b:s8+s3], $0x1B00, $0x38;
	[tilespmem:$0x1F800] =	vst v63  }
0x33: {  	_ =	swait.ge [sflag:s15], $0x1B00  }
0x34: {  	[sflag:s15] =	ssyncset.done $0x0  }
0x35: {  	[sflag:s15] =	ssyncadd.s32 $0xFFFFE500  }
0x36: {  	[tilespmem:s21], [sflag:$0x3] =	stream.linear.gather [hbm4b:s9+s3], $0x1B00, $0x38;
	[tilespmem:$0x1F800] =	vst v63  }
0x37: {  	_ =	swait.ge [sflag:s15], $0x1B00  }
0x38: {  	s23 =	simm.s32 $0x1C00;
	[sflag:s15] =	ssyncset.done $0x0  }
0x39: {  	s24 =	simm.s32 $0x0;
	s25 =	simm.s32 $0x1;
	[sflag:s15] =	ssyncadd.s32 $0xFFFFE500  }
.LBB2_2:
0x3a: {  	[tilespmem:s17], [sflag:$0x1] =	stream.indirect.gather [hbm4b:s5+s16], $0x80, s24, s16, $0xb8;
	[tilespmem:$0x1F800] =	vst v63  }
0x3b: {  	s26 =	sadd.s32 $0x80, s24  }
0x3c: {  	[tilespmem:s18], [sflag:$0x2] =	stream.indirect.gather [hbm4b:s5+s16], $0x80, s26, s16, $0xb8;
	[tilespmem:$0x1F800] =	vst v63  }
0x3d: {  	_ =	swait.ge [sflag:s19], $0x4000  }
0x3e: {  	[sflag:s19] =	ssyncset.done $0x0  }
0x3f: {  	[sflag:s19] =	ssyncadd.s32 $0xFFFFC000  }
0x40: {  	[spmem:s2] =	stream.indirect.scatter.add.f32 [tilespmem:s17], [sflag:$0x3], $0x80, s23, s16, $0xb8;
	[tilespmem:$0x1F800] =	vst v63  }
0x41: {  	_ =	swait.ge [sflag:s15], $0x4000  }
0x42: {  	[sflag:s15] =	ssyncset.done $0x0  }
0x43: {  	[sflag:s15] =	ssyncadd.s32 $0xFFFFC000  }
0x44: {  	s31 =	sxor.u32 s25, s4;
	_ =	swait.ge [sflag:s20], $0x4000  }
0x45: {  	p1 =	sne.s32 s31, $0x1B;
	[sflag:s20] =	ssyncset.done $0x0  }
.Ltmp2:
0x46: {  	s30 =	sadd.s32 $0x80, s23;
	[sflag:s20] =	ssyncadd.s32 $0xFFFFC000;
	(pc) =	sbr.rel @p1 .LBB2_2-.Ltmp2, $4  }
0x47: {  	[spmem:s2] =	stream.indirect.scatter.add.f32 [tilespmem:s18], [sflag:$0x3], $0x80, s30, s16, $0xb8;
	[tilespmem:$0x1F800] =	vst v63  }
0x48: {  	_ =	swait.ge [sflag:s15], $0x4000  }
0x49: {  	s25 =	sadd.s32 $0x1, s25;
	[sflag:s15] =	ssyncset.done $0x0  }
0x4a: {  	s24 =	sadd.s32 $0x100, s24;
	s23 =	sadd.s32 $0x100, s23;
	[sflag:s15] =	ssyncadd.s32 $0xFFFFC000  }
.Ltmp3:
0x4b: {  	(pc) =	sbr.rel @p0 .LBB2_7-.Ltmp3, $1  }
0x4c: {  	_ =	sdelay $0x3  }
0x4d: {  	s23 =	simm.s32 $0x0  }
0x4e: {  	[tilespmem:s23], [sflag:$0x3] =	stream.linear.gather [hbm4b:s10+s23], $0x1B00, $0x38;
	[tilespmem:$0x1F800] =	vst v63  }
0x4f: {  	_ =	swait.ge [sflag:s15], $0x1B00  }
0x50: {  	[sflag:s15] =	ssyncset.done $0x0  }
0x51: {  	[sflag:s15] =	ssyncadd.s32 $0xFFFFE500  }
0x52: {  	[tilespmem:s21], [sflag:$0x3] =	stream.linear.gather [hbm4b:s11+s23], $0x1B00, $0x38;
	[tilespmem:$0x1F800] =	vst v63  }
0x53: {  	_ =	swait.ge [sflag:s15], $0x1B00  }
0x54: {  	[sflag:s15] =	ssyncset.done $0x0  }
0x55: {  	s28 =	simm.s32 $0x0;
	[sflag:s15] =	ssyncadd.s32 $0xFFFFE500  }
0x56: {  	[tilespmem:s17], [sflag:$0x1] =	stream.indirect.gather [hbm4b:s5+s16], $0x80, s28, s16, $0xb8;
	[tilespmem:$0x1F800] =	vst v63  }
0x57: {  	s29 =	simm.s32 $0x80  }
0x58: {  	[tilespmem:s18], [sflag:$0x2] =	stream.indirect.gather [hbm4b:s5+s16], $0x80, s29, s16, $0xb8;
	[tilespmem:$0x1F800] =	vst v63  }
0x59: {  	_ =	swait.ge [sflag:s19], $0x4000  }
0x5a: {  	[sflag:s19] =	ssyncset.done $0x0  }
0x5b: {  	s30 =	simm.s32 $0x1C00;
	[sflag:s19] =	ssyncadd.s32 $0xFFFFC000  }
0x5c: {  	[spmem:s2] =	stream.indirect.scatter.add.f32 [tilespmem:s17], [sflag:$0x3], $0x80, s30, s16, $0xb8;
	[tilespmem:$0x1F800] =	vst v63  }
0x5d: {  	_ =	swait.ge [sflag:s15], $0x4000  }
0x5e: {  	[sflag:s15] =	ssyncset.done $0x0  }
0x5f: {  	[sflag:s15] =	ssyncadd.s32 $0xFFFFC000  }
0x60: {  	_ =	swait.ge [sflag:s20], $0x4000  }
0x61: {  	[sflag:s20] =	ssyncset.done $0x0  }
0x62: {  	s31 =	simm.s32 $0x1C80;
	[sflag:s20] =	ssyncadd.s32 $0xFFFFC000  }
0x63: {  	[spmem:s2] =	stream.indirect.scatter.add.f32 [tilespmem:s18], [sflag:$0x3], $0x80, s31, s16, $0xb8;
	[tilespmem:$0x1F800] =	vst v63  }
0x64: {  	_ =	swait.ge [sflag:s15], $0x4000  }
0x65: {  	s24 =	simm.s32 $0x800;
	s23 =	simm.s32 $0x400;
	[sflag:s15] =	ssyncset.done $0x0  }
.LBB2_5:
0x66: {  	s25 =	sshra.s32 s23, $0x2  }
0x67: {  	[sflag:s15] =	ssyncadd.s32 $0xFFFFC000;
	s23 =	smov.u32 s24;
	s26 =	sadd.s32 $0x400, s24  }
0x68: {  	[tilespmem:s17], [sflag:$0x1] =	stream.indirect.gather [hbm4b:s5+s16], $0x80, s25, s16, $0xb8;
	[tilespmem:$0x1F800] =	vst v63  }
0x69: {  	p1 =	sne.s32 s24, $0x6400;
	s24 =	sadd.s32 $0x80, s25  }
0x6a: {  	[tilespmem:s18], [sflag:$0x2] =	stream.indirect.gather [hbm4b:s5+s16], $0x80, s24, s16, $0xb8;
	[tilespmem:$0x1F800] =	vst v63  }
0x6b: {  	_ =	swait.ge [sflag:s19], $0x4000  }
0x6c: {  	[sflag:s19] =	ssyncset.done $0x0  }
0x6d: {  	s24 =	sadd.s32 $0x1C00, s25;
	[sflag:s19] =	ssyncadd.s32 $0xFFFFC000  }
0x6e: {  	[spmem:s2] =	stream.indirect.scatter.add.f32 [tilespmem:s17], [sflag:$0x3], $0x80, s24, s16, $0xb8;
	[tilespmem:$0x1F800] =	vst v63  }
0x6f: {  	_ =	swait.ge [sflag:s15], $0x4000  }
0x70: {  	[sflag:s15] =	ssyncset.done $0x0  }
0x71: {  	[sflag:s15] =	ssyncadd.s32 $0xFFFFC000  }
0x72: {  	_ =	swait.ge [sflag:s20], $0x4000  }
.Ltmp4:
0x73: {  	[sflag:s20] =	ssyncset.done $0x0;
	(pc) =	sbr.rel @p1 .LBB2_5-.Ltmp4, $4  }
0x74: {  	s24 =	sadd.s32 $0x1C80, s25;
	[sflag:s20] =	ssyncadd.s32 $0xFFFFC000  }
0x75: {  	[spmem:s2] =	stream.indirect.scatter.add.f32 [tilespmem:s18], [sflag:$0x3], $0x80, s24, s16, $0xb8;
	[tilespmem:$0x1F800] =	vst v63  }
0x76: {  	_ =	swait.ge [sflag:s15], $0x4000  }
0x77: {  	s24 =	smov.u32 s26;
	[sflag:s15] =	ssyncset.done $0x0  }
.Ltmp5:
0x78: {  	_ = 	snop;
	(pc) =	sbr.rel .LBB2_6-.Ltmp5, $1  }
0x79: {  	_ =	sdelay $0x3  }
.LBB2_8:
0x7a: {  	_ =	sfence.sel $0x180000  }
0x7b: {  	[bflag:$0x0] =	sbarrier.arrive $0xFFFF  }
0x7c: {  	p0 =	sne.s32 s1, $0x0;
	_ =	strace $0x9000004D  }
0x7d: {  	s0 =	sadd.s32 @!p0 $0x100000, s0;
	[bflag:$0x2] =	sbarrier.arrive $0xFFFF  }
0x7e: {  	[sflag:s0] =	ssyncadd.tile.s32 @!p0 $0x1;
	_ =	shalt  }
.Lfunc_end2:
_tile_overlayer_lowered:
.L_overlay_start_2:
0x7f: {  	(tag) =	ssettag $0x2  }
0x80: {  	s0 =	rddreg [dreg:$0x0];
	s2 =	stileid.u32  }
0x81: {  	s1 =	rddreg [dreg:$0x1];
	p0 =	sne.s32 s2, $0x0  }
0x82: {  	s3 =	rddreg [dreg:$0x2];
	[bflag:$0x3] =	sbarrier.arrive $0xFFFF;
	s2 =	simm.s32 @!p0 $0x1C03  }
0x83: {  	[timem:s3], [sflag:s2] =	dma.local @!p0 [hbm:s0], s1  }
0x84: {  	s0 =	simm.s32 @!p0 $0x3  }
0x85: {  	_ =	swait.ge @!p0 [sflag:s0], s1  }
0x86: {  	s1 =	ssub.s32 @!p0 $0x0, s1;
	[sflag:s0] =	ssyncset.done @!p0 $0x0  }
0x87: {  	[sflag:s0] =	ssyncadd.s32 @!p0 s1  }
0x88: {  	[bflag:$0x3] =	sbarrier.arrive $0xFFFF  }
0x89: {  	_ =	shalt  }

// kernel: kernel.21.cloned.1.call-start
scs
__scs_entry_jumppad:
0x0: {  	(pc) =	sbr.rel $0x88, $3  }
0x1: {  	(tag) =	ssettag $0x0;
	lr =	simm.s32 $0x1  }
0x2: {  	[smem:$0x3F90] =	sst lr;
	_ =	strace $0xD0000000  }
0x3: {  	_ = 	snop  }
0x4: {  	_ = 	snop  }
0x5: {  	_ = 	snop  }
0x6: {  	_ = 	snop  }
0x7: {  	_ = 	snop  }
__scs_overlays_trampoline_lowered:
0x8: {  	[smem:$0x3F9F] =	sst s0  }
0x9: {  	[smem:$0x3FA0] =	sst s1  }
0xa: {  	[smem:$0x3FA1] =	sst s2  }
0xb: {  	[smem:$0x3FA2] =	sst s3  }
0xc: {  	[smem:$0x3FA3] =	sst s4  }
0xd: {  	[smem:$0x3FA4] =	sst s5  }
0xe: {  	[smem:$0x3FA5] =	sst s6  }
0xf: {  	[smem:$0x3FA6] =	sst s7  }
0x10: {  	[smem:$0x3FA7] =	sst s8  }
0x11: {  	[smem:$0x3FA8] =	sst s9;
	s0 =	simm.s32 @!p0 $0x0  }
0x12: {  	s1 =	sld [smem:$0x3F8E];
	s0 =	simm.s32 @p0 $0x1  }
0x13: {  	[smem:$0x3FA9] =	sst s0;
	s0 =	simm.s32 @!p1 $0x0  }
0x14: {  	s2 =	sld [smem:$0x3F8D];
	s0 =	simm.s32 @p1 $0x1  }
0x15: {  	[smem:$0x3FAA] =	sst s0;
	s0 =	simm.s32 @!p2 $0x0  }
0x16: {  	s3 =	sld [smem:$0x3FDB];
	s0 =	simm.s32 @p2 $0x1  }
0x17: {  	s4 =	simm.s32 $0x1BF5;
	[smem:$0x3FAC] =	sst s0  }
0x18: {  	s0 =	sld [smem:$0x3F8F];
	_ =	swait.ge [sflag:s4], $0x0  }
0x19: {  	s7 =	sld [smem:$0x3F90]  }
0x1a: {  	s8 =	sadd.s32 $0xFFFFE003, lr  }
0x1b: {  	s9 =	sadd.s32 $0xFFFFFEF7, lr;
	s5 =	simm.s32 $0xFFFFFFFF;
	p2 =	slt.u32 s8, $0xFFFFF086  }
0x1c: {  	p1 =	slt.u32 s9, $0xF7A;
	s5 =	simm.s32 @!p2 $0x0  }
0x1d: {  	s5 =	simm.s32 @p1 $0x1;
	p0 =	seq.s32 s7, s2  }
0x1e: {  	s7 =	smul.u32 @!p0 $0xF7A, s2;
	p2 =	seq.s32 @!p0 s5, $0x0  }
0x1f: {  	s9 =	smul.u32 $0xF7A, s1;
	s8 =	simm.s32 @!p0 $0x1BF5;
	p2 =	por !p2, p0  }
0x20: {  	[sflag:s8] =	ssyncset.s32 @!p0 $0xFFFFF086;
	s6 =	sadd.s32 @!p0 s3, s7;
	s7 =	simm.s32 @!p0 $0x108  }
0x21: {  	s3 =	sadd.s32 s3, s9;
	s6 =	sadd.s32 @!p0 $0x88, s6;
	s7 =	simm.s32 @p2 $0x1082  }
0x22: {  	[simem:s7], [sflag:s8] =	dma.local @!p0 [hbm:s6], $0xF7A  }
0x23: {  	s9 =	sor.u32 $0xD0000000, s2;
	s6 =	simm.s32 $0x108;
	_ =	swait.ge @!p0 [sflag:s8], $0x0  }
0x24: {  	s3 =	sadd.s32 $0x88, s3;
	s6 =	simm.s32 @!p1 $0x1082;
	[sflag:s4] =	ssyncset.s32 $0xFFFFF086  }
0x25: {  	[simem:s6], [sflag:s4] =	dma.local [hbm:s3], $0xF7A  }
0x26: {  	[smem:$0x3F90] =	sst s1;
	(tag) =	ssettag s2;
	_ =	strace s9  }
0x27: {  	s1 =	sld [smem:$0x3FA0]  }
0x28: {  	s2 =	sld [smem:$0x3FA1]  }
0x29: {  	s4 =	sld [smem:$0x3FA3]  }
0x2a: {  	p0 =	seq.s32 s5, $0x0;
	s5 =	sld [smem:$0x3FA4]  }
0x2b: {  	s6 =	sld [smem:$0x3FA5]  }
0x2c: {  	s7 =	sld [smem:$0x3FA6]  }
0x2d: {  	s3 =	simm.s32 $0x108;
	s8 =	sld [smem:$0x3FA7]  }
0x2e: {  	s3 =	simm.s32 @!p0 $0x1082;
	s9 =	sld [smem:$0x3FA8]  }
0x2f: {  	lr =	sadd.s32 s0, s3;
	s0 =	sld [smem:$0x3F9F]  }
0x30: {  	s3 =	sld [smem:$0x3FA2]  }
0x31: {  	[smem:$0x3FAB] =	sst s10  }
0x32: {  	s10 =	sld [smem:$0x3FA9];
	_ =	sdelay $0x3  }
0x33: {  	p0 =	seq.s32 s10, $0x1;
	s10 =	sld [smem:$0x3FAB];
	_ =	sdelay $0x3  }
0x34: {  	[smem:$0x3FAB] =	sst s10  }
0x35: {  	s10 =	sld [smem:$0x3FAA];
	_ =	sdelay $0x3  }
0x36: {  	p1 =	seq.s32 s10, $0x1;
	s10 =	sld [smem:$0x3FAB];
	_ =	sdelay $0x3  }
0x37: {  	[smem:$0x3FAB] =	sst s10  }
0x38: {  	s10 =	sld [smem:$0x3FAC]  }
0x39: {  	_ = 	snop;
	(pc) =	sbr.ind lr, $3  }
0x3a: {  	_ = 	snop  }
0x3b: {  	_ = 	snop  }
0x3c: {  	p2 =	seq.s32 s10, $0x1;
	s10 =	sld [smem:$0x3FAB]  }
0x3d: {  	_ =	shalt  }
0x3e: {  	_ =	shalt  }
0x3f: {  	_ =	shalt  }
0x40: {  	_ =	shalt  }
0x41: {  	_ =	shalt  }
0x42: {  	_ =	shalt  }
0x43: {  	_ =	shalt  }
0x44: {  	_ =	shalt  }
0x45: {  	_ =	shalt  }
0x46: {  	_ =	shalt  }
0x47: {  	_ =	shalt  }
0x48: {  	_ =	shalt  }
0x49: {  	_ =	shalt  }
0x4a: {  	_ =	shalt  }
0x4b: {  	_ =	shalt  }
0x4c: {  	_ =	shalt  }
0x4d: {  	_ =	shalt  }
0x4e: {  	_ =	shalt  }
0x4f: {  	_ =	shalt  }
0x50: {  	_ =	shalt  }
0x51: {  	_ =	shalt  }
0x52: {  	_ =	shalt  }
0x53: {  	_ =	shalt  }
0x54: {  	_ =	shalt  }
0x55: {  	_ =	shalt  }
0x56: {  	_ =	shalt  }
0x57: {  	_ =	shalt  }
0x58: {  	_ =	shalt  }
0x59: {  	_ =	shalt  }
0x5a: {  	_ =	shalt  }
0x5b: {  	_ =	shalt  }
0x5c: {  	_ =	shalt  }
0x5d: {  	_ =	shalt  }
0x5e: {  	_ =	shalt  }
0x5f: {  	_ =	shalt  }
0x60: {  	_ =	shalt  }
0x61: {  	_ =	shalt  }
0x62: {  	_ =	shalt  }
0x63: {  	_ =	shalt  }
0x64: {  	_ =	shalt  }
0x65: {  	_ =	shalt  }
0x66: {  	_ =	shalt  }
0x67: {  	_ =	shalt  }
0x68: {  	_ =	shalt  }
0x69: {  	_ =	shalt  }
0x6a: {  	_ =	shalt  }
0x6b: {  	_ =	shalt  }
0x6c: {  	_ =	shalt  }
0x6d: {  	_ =	shalt  }
0x6e: {  	_ =	shalt  }
0x6f: {  	_ =	shalt  }
0x70: {  	_ =	shalt  }
0x71: {  	_ =	shalt  }
0x72: {  	_ =	shalt  }
0x73: {  	_ =	shalt  }
0x74: {  	_ =	shalt  }
0x75: {  	_ =	shalt  }
0x76: {  	_ =	shalt  }
0x77: {  	_ =	shalt  }
0x78: {  	_ =	shalt  }
0x79: {  	_ =	shalt  }
0x7a: {  	_ =	shalt  }
0x7b: {  	_ =	shalt  }
0x7c: {  	_ =	shalt  }
0x7d: {  	_ =	shalt  }
0x7e: {  	_ =	shalt  }
0x7f: {  	_ =	shalt  }
0x80: {  	_ =	shalt  }
0x81: {  	_ =	shalt  }
0x82: {  	_ =	shalt  }
0x83: {  	_ =	shalt  }
0x84: {  	_ =	shalt  }
0x85: {  	_ =	shalt  }
0x86: {  	_ =	shalt  }
0x87: {  	_ =	shalt  }
.Lfunc_end0:
.L_simem_size_0:
called_computation.3_lowered:
.L_overlay_start_0:
0x88: {  	s2 =	sld [smem:$0x3FD9]  }
0x89: {  	s3 =	sld [smem:$0x3FFE];
	_ =	sdelay $0x1  }
0x8a: {  	s1 =	srdreg.scid  }
0x8b: {  	s0 =	sand.u32 $0x1, s1  }
0x8c: {  	s16 =	sshll.u32 s0, $0xA;
	s2 =	sadd.s32 s3, s2  }
0x8d: {  	s2 =	sadd.s32 s2, s16  }
0x8e: {  	[smem:$0x3FB7] =	sst s2  }
0x8f: {  	_ = 	snop  }
0x90: {  	(tm) =	ssettm $0x1  }
0x91: {  	s17 =	sld [smem:$0x3FFB];
	_ =	sdelay $0x3  }
0x92: {  	_ =	strace s17  }
0x93: {  	s2 =	sld [smem:$0x3FFC];
	_ =	sdelay $0x3  }
0x94: {  	_ =	strace s2  }
0x95: {  	s2 =	sld [smem:$0x3FFD];
	_ =	sdelay $0x3  }
0x96: {  	_ =	strace s2  }
0x97: {  	_ =	strace $0x8FFFFFFF  }
0x98: {  	s18 =	sld [smem:$0x3FDB];
	_ =	sdelay $0x1  }
0x99: {  	s19 =	simm.s32 $_scs_section_size  }
0x9a: {  	s4 =	simm.s32 $_size__tile_overlayer_lowered;
	s5 =	simm.s32 $_tile_overlayer_lowered  }
0x9b: {  	s22 =	simm.s32 $0x1BFF;
	s21 =	sshll.u32 s5, $0x1;
	s2 =	sadd.s32 s19, s18  }
0x9c: {  	s6 =	simm.s32 $0x0;
	s20 =	sshll.u32 s4, $0x1;
	s4 =	sadd.s32 s21, s2  }
0x9d: {  	[timem:s6], [sflag:s22] =	dma.local [hbm:s4], s20  }
0x9e: {  	_ =	swait.ge [sflag:s22], s20  }
0x9f: {  	s3 =	ssub.s32 $0x0, s20;
	[sflag:s22] =	ssyncset.done $0x0  }
0xa0: {  	[sflag:s22] =	ssyncadd.s32 s3;
	_ =	sdelay $0x1  }
0xa1: {  	s23 =	simm.s32 $0x1B8B  }
0xa2: {  	_ =	swait.ge [sflag:s23], $0x1  }
0xa3: {  	[sflag:s23] =	ssyncset.done $0x0  }
0xa4: {  	s25 =	simm.s32 $0x1B8E;
	s24 =	sld [smem:$0x3FFE];
	[sflag:s23] =	ssyncadd.s32 $0xFFFFFFFF  }
0xa5: {  	s26 =	simm.s32 $execute0_lowered;
	[smem:$0x3FD2] =	sst s25  }
0xa6: {  	s4 =	sshll.u32 s26, $0x1;
	_ =	strace $0x8000004F;
	[dreg:$0x1] =	wrdreg $0xFFFFFFFF  }
0xa7: {  	s28 =	simm.s32 $_size_execute0_lowered;
	s2 =	sadd.s32 s2, s4;
	[dreg:$0x0] =	wrdreg $0x0  }
0xa8: {  	s4 =	sshll.u32 s28, $0x1;
	[dreg:$0x2] =	wrdreg s2  }
0xa9: {  	[dreg:$0x3] =	wrdreg s4  }
0xaa: {  	[dreg:$0x4] =	wrdreg $0xC0  }
0xab: {  	_ =	task [dreg:s6], $0x5FFFF  }
0xac: {  	[dreg:$0x1] =	wrdreg $0xFFFFFFFF  }
0xad: {  	[dreg:$0x0] =	wrdreg $0x60  }
0xae: {  	[dreg:$0x2] =	wrdreg s24  }
0xaf: {  	[dreg:$0x3] =	wrdreg $0xB8000  }
0xb0: {  	[dreg:$0x4] =	wrdreg $0x9  }
0xb1: {  	_ =	task.clear_ibuf [dreg:s6], $0x5FFFF;
	_ =	strace $0x9000004F  }
0xb2: {  	s29 =	simm.s32 $0x9;
	_ =	strace $0x80000051  }
0xb3: {  	_ =	swait.ge [sflag:s29], $0x1  }
0xb4: {  	[sflag:s29] =	ssyncadd.s32 $0xFFFFFFFF  }
0xb5: {  	_ =	strace $0x90000051  }
0xb6: {  	_ =	sfence  }
0xb7: {  	s30 =	sld [smem:$0x0];
	_ =	sdelay $0x2  }
0xb8: {  	s31 =	sshll.u32 s1, $0xD;
	s1 =	sshrl.u32 s1, $0x2  }
0xb9: {  	s3 =	sand.u32 $0x4000, s31;
	s1 =	sadd.s32 s1, s30  }
0xba: {  	s0 =	sor.u32 s3, s0;
	s1 =	sshll.u32 s1, $0x11  }
0xbb: {  	s0 =	sor.u32 s1, s0  }
0xbc: {  	s0 =	sadd.s32 $0x8F2B, s0  }
0xbd: {  	[sflag:s0] =	ssyncadd.remote.s32 $0x1  }
0xbe: {  	_ =	sfence.sel $0xFFFF  }
0xbf: {  	[dreg:$0x0] =	wrdreg $0xFFFFFFFF;
	(pc) =	sbr.abs _section_cstart, $3  }
0xc0: {  	[dreg:$0x1] =	wrdreg $0xFFFFFFFF  }
0xc1: {  	_ =	task.clear_ibuf [dreg:s6], $0x2FFFF;
	_ =	strace $0x9FFFFFFF  }
0xc2: {  	(tm) =	ssettm $0x7FFFFFFF  }
0xc3: {  	_ =	shalt  }
tec
execute0_lowered:
.L_overlay_start_1:
0x0: {  	(tag) =	ssettag $0x1  }
0x1: {  	s6 =	rddreg [dreg:$0x0]  }
0x2: {  	s2 =	rddreg [dreg:$0x1]  }
0x3: {  	s0 =	rddreg [dreg:$0x2]  }
0x4: {  	s3 =	simm.s32 $0x0;
	s1 =	stileid.u32;
	s4 =	srdreg.scid  }
0x5: {  	s17 =	simm.s32 $0x3800;
	s18 =	simm.s32 $0x7800;
	s19 =	simm.s32 $0x1  }
0x6: {  	s20 =	simm.s32 $0x2;
	s21 =	simm.s32 $0x1C00;
	s22 =	simm.s32 $0x0  }
0x7: {  	[smem:$0x7FF] =	sst s3;
	s7 =	smul.u32 $0x14000, s1;
	s4 =	sand.u32 $0x1, s4  }
0x8: {  	s5 =	sadd.s32 $0x36600, s6;
	s10 =	sadd.s32 $0x86E00, s6;
	s12 =	smul.u32 $0x50000, s1  }
0x9: {  	s11 =	sadd.s32 $0x94E00, s6;
	s28 =	sshll.u32 s1, $0x1;
	s14 =	smul.u32 $0x7000, s1  }
0xa: {  	s30 =	sshll.u32 s1, $0x6;
	_ =	strace $0x80000050;
	s8 =	smul.u32 $0x140000, s4  }
0xb: {  	s25 =	ssub.s32 $0x2, s4;
	p0 =	sne.s32 s4, $0x0;
	s9 =	sshrl.u32 s7, $0x3  }
0xc: {  	s26 =	sshrl.u32 s25, $0x1;
	s12 =	sshrl.u32 s12, $0x2;
	s31 =	sshrl.u32 s14, $0x3  }
0xd: {  	s9 =	sadd.s32 s9, s6;
	s7 =	sadd.s32 s7, s8;
	s15 =	ssub.s32 s25, s26  }
0xe: {  	s16 =	sadd.s32 s12, s2;
	s14 =	sadd.s32 $0x380, s31;
	s7 =	sshrl.u32 s7, $0x3  }
.Ltmp0:
0xf: {  	s13 =	sadd.s32 s7, s6;
	s7 =	sor.u32 s4, s28;
	(pc) =	sbr.rel .LBB2_1-.Ltmp0, $4  }
0x10: {  	s6 =	sadd.s32 $0xE600, s9;
	s29 =	smul.u32 $0x700, s7;
	s7 =	sor.u32 $0x1C03, s30  }
0x11: {  	s12 =	sadd.s32 $0xA2E00, s13;
	s13 =	smax.u32 s15, $0x1;
	s15 =	simm.s32 $0x3  }
0x12: {  	s8 =	sadd.s32 s10, s29;
	s9 =	sadd.s32 s11, s29;
	s10 =	sadd.s32 s10, s14  }
0x13: {  	s11 =	sadd.s32 s11, s14;
	s14 =	sshrl.u32 s16, $0x3;
	s16 =	simm.s32 $0x80  }
.LBB2_6:
0x14: {  	s23 =	sshra.s32 s23, $0x2;
	[sflag:s15] =	ssyncadd.s32 $0xFFFFC000  }
0x15: {  	[tilespmem:s17], [sflag:$0x1] =	stream.indirect.gather [hbm4b:s5+s16], $0x80, s23, s16, $0xb8;
	[tilespmem:$0x1F800] =	vst v63  }
0x16: {  	s24 =	sadd.s32 $0x80, s23  }
0x17: {  	[tilespmem:s18], [sflag:$0x2] =	stream.indirect.gather [hbm4b:s5+s16], $0x80, s24, s16, $0xb8;
	[tilespmem:$0x1F800] =	vst v63  }
0x18: {  	_ =	swait.ge [sflag:s19], $0x4000  }
0x19: {  	[sflag:s19] =	ssyncset.done $0x0  }
0x1a: {  	s31 =	sadd.s32 $0x1C00, s23;
	[sflag:s19] =	ssyncadd.s32 $0xFFFFC000  }
0x1b: {  	[spmem:s2] =	stream.indirect.scatter.add.f32 [tilespmem:s17], [sflag:$0x3], $0x80, s31, s16, $0xb8;
	[tilespmem:$0x1F800] =	vst v63  }
0x1c: {  	_ =	swait.ge [sflag:s15], $0x4000  }
0x1d: {  	[sflag:s15] =	ssyncset.done $0x0  }
0x1e: {  	[sflag:s15] =	ssyncadd.s32 $0xFFFFC000  }
0x1f: {  	_ =	swait.ge [sflag:s20], $0x4000  }
0x20: {  	[sflag:s20] =	ssyncset.done $0x0  }
0x21: {  	s23 =	sadd.s32 $0x1C80, s23;
	[sflag:s20] =	ssyncadd.s32 $0xFFFFC000  }
0x22: {  	[spmem:s2] =	stream.indirect.scatter.add.f32 [tilespmem:s18], [sflag:$0x3], $0x80, s23, s16, $0xb8;
	[tilespmem:$0x1F800] =	vst v63  }
0x23: {  	_ =	swait.ge [sflag:s15], $0x4000  }
0x24: {  	[sflag:s15] =	ssyncset.done $0x0  }
0x25: {  	[sflag:s15] =	ssyncadd.s32 $0xFFFFC000  }
.LBB2_7:
0x26: {  	s22 =	sadd.s32 $0x1, s22  }
0x27: {  	p1 =	sne.s32 s22, s13  }
.Ltmp1:
0x28: {  	[bflag:$0x0] =	sbarrier.arrive $0xFFFF;
	(pc) =	sbr.rel @!p1 .LBB2_8-.Ltmp1, $4  }
0x29: {  	[hbm:s12], [sflag:s7] =	dma.local [spmem:s14], $0x2800  }
0x2a: {  	_ =	swait.ge [sflag:s15], $0x2800  }
0x2b: {  	[sflag:s15] =	ssyncset.done $0x0  }
0x2c: {  	[sflag:s15] =	ssyncadd.s32 $0xFFFFD800  }
.LBB2_1:
0x2d: {  	[spmem:s14], [sflag:s7] =	dma.local [hbm:s6], $0x2800  }
0x2e: {  	_ =	swait.ge [sflag:s15], $0x2800  }
0x2f: {  	[sflag:s15] =	ssyncset.done $0x0  }
0x30: {  	[sflag:s15] =	ssyncadd.s32 $0xFFFFD800  }
0x31: {  	[bflag:$0x0] =	sbarrier.arrive $0xFFFF  }
0x32: {  	[tilespmem:s3], [sflag:$0x3] =	stream.linear.gather [hbm4b:s8+s3], $0x1B00, $0x38;
	[tilespmem:$0x1F800] =	vst v63  }
0x33: {  	_ =	swait.ge [sflag:s15], $0x1B00  }
0x34: {  	[sflag:s15] =	ssyncset.done $0x0  }
0x35: {  	[sflag:s15] =	ssyncadd.s32 $0xFFFFE500  }
0x36: {  	[tilespmem:s21], [sflag:$0x3] =	stream.linear.gather [hbm4b:s9+s3], $0x1B00, $0x38;
	[tilespmem:$0x1F800] =	vst v63  }
0x37: {  	_ =	swait.ge [sflag:s15], $0x1B00  }
0x38: {  	s23 =	simm.s32 $0x1C00;
	[sflag:s15] =	ssyncset.done $0x0  }
0x39: {  	s24 =	simm.s32 $0x0;
	s25 =	simm.s32 $0x1;
	[sflag:s15] =	ssyncadd.s32 $0xFFFFE500  }
.LBB2_2:
0x3a: {  	[tilespmem:s17], [sflag:$0x1] =	stream.indirect.gather [hbm4b:s5+s16], $0x80, s24, s16, $0xb8;
	[tilespmem:$0x1F800] =	vst v63  }
0x3b: {  	s26 =	sadd.s32 $0x80, s24  }
0x3c: {  	[tilespmem:s18], [sflag:$0x2] =	stream.indirect.gather [hbm4b:s5+s16], $0x80, s26, s16, $0xb8;
	[tilespmem:$0x1F800] =	vst v63  }
0x3d: {  	_ =	swait.ge [sflag:s19], $0x4000  }
0x3e: {  	[sflag:s19] =	ssyncset.done $0x0  }
0x3f: {  	[sflag:s19] =	ssyncadd.s32 $0xFFFFC000  }
0x40: {  	[spmem:s2] =	stream.indirect.scatter.add.f32 [tilespmem:s17], [sflag:$0x3], $0x80, s23, s16, $0xb8;
	[tilespmem:$0x1F800] =	vst v63  }
0x41: {  	_ =	swait.ge [sflag:s15], $0x4000  }
0x42: {  	[sflag:s15] =	ssyncset.done $0x0  }
0x43: {  	[sflag:s15] =	ssyncadd.s32 $0xFFFFC000  }
0x44: {  	s31 =	sxor.u32 s25, s4;
	_ =	swait.ge [sflag:s20], $0x4000  }
0x45: {  	p1 =	sne.s32 s31, $0x1B;
	[sflag:s20] =	ssyncset.done $0x0  }
.Ltmp2:
0x46: {  	s30 =	sadd.s32 $0x80, s23;
	[sflag:s20] =	ssyncadd.s32 $0xFFFFC000;
	(pc) =	sbr.rel @p1 .LBB2_2-.Ltmp2, $4  }
0x47: {  	[spmem:s2] =	stream.indirect.scatter.add.f32 [tilespmem:s18], [sflag:$0x3], $0x80, s30, s16, $0xb8;
	[tilespmem:$0x1F800] =	vst v63  }
0x48: {  	_ =	swait.ge [sflag:s15], $0x4000  }
0x49: {  	s25 =	sadd.s32 $0x1, s25;
	[sflag:s15] =	ssyncset.done $0x0  }
0x4a: {  	s24 =	sadd.s32 $0x100, s24;
	s23 =	sadd.s32 $0x100, s23;
	[sflag:s15] =	ssyncadd.s32 $0xFFFFC000  }
.Ltmp3:
0x4b: {  	(pc) =	sbr.rel @p0 .LBB2_7-.Ltmp3, $1  }
0x4c: {  	_ =	sdelay $0x3  }
0x4d: {  	s23 =	simm.s32 $0x0  }
0x4e: {  	[tilespmem:s23], [sflag:$0x3] =	stream.linear.gather [hbm4b:s10+s23], $0x1B00, $0x38;
	[tilespmem:$0x1F800] =	vst v63  }
0x4f: {  	_ =	swait.ge [sflag:s15], $0x1B00  }
0x50: {  	[sflag:s15] =	ssyncset.done $0x0  }
0x51: {  	[sflag:s15] =	ssyncadd.s32 $0xFFFFE500  }
0x52: {  	[tilespmem:s21], [sflag:$0x3] =	stream.linear.gather [hbm4b:s11+s23], $0x1B00, $0x38;
	[tilespmem:$0x1F800] =	vst v63  }
0x53: {  	_ =	swait.ge [sflag:s15], $0x1B00  }
0x54: {  	[sflag:s15] =	ssyncset.done $0x0  }
0x55: {  	s28 =	simm.s32 $0x0;
	[sflag:s15] =	ssyncadd.s32 $0xFFFFE500  }
0x56: {  	[tilespmem:s17], [sflag:$0x1] =	stream.indirect.gather [hbm4b:s5+s16], $0x80, s28, s16, $0xb8;
	[tilespmem:$0x1F800] =	vst v63  }
0x57: {  	s29 =	simm.s32 $0x80  }
0x58: {  	[tilespmem:s18], [sflag:$0x2] =	stream.indirect.gather [hbm4b:s5+s16], $0x80, s29, s16, $0xb8;
	[tilespmem:$0x1F800] =	vst v63  }
0x59: {  	_ =	swait.ge [sflag:s19], $0x4000  }
0x5a: {  	[sflag:s19] =	ssyncset.done $0x0  }
0x5b: {  	s30 =	simm.s32 $0x1C00;
	[sflag:s19] =	ssyncadd.s32 $0xFFFFC000  }
0x5c: {  	[spmem:s2] =	stream.indirect.scatter.add.f32 [tilespmem:s17], [sflag:$0x3], $0x80, s30, s16, $0xb8;
	[tilespmem:$0x1F800] =	vst v63  }
0x5d: {  	_ =	swait.ge [sflag:s15], $0x4000  }
0x5e: {  	[sflag:s15] =	ssyncset.done $0x0  }
0x5f: {  	[sflag:s15] =	ssyncadd.s32 $0xFFFFC000  }
0x60: {  	_ =	swait.ge [sflag:s20], $0x4000  }
0x61: {  	[sflag:s20] =	ssyncset.done $0x0  }
0x62: {  	s31 =	simm.s32 $0x1C80;
	[sflag:s20] =	ssyncadd.s32 $0xFFFFC000  }
0x63: {  	[spmem:s2] =	stream.indirect.scatter.add.f32 [tilespmem:s18], [sflag:$0x3], $0x80, s31, s16, $0xb8;
	[tilespmem:$0x1F800] =	vst v63  }
0x64: {  	_ =	swait.ge [sflag:s15], $0x4000  }
0x65: {  	s24 =	simm.s32 $0x800;
	s23 =	simm.s32 $0x400;
	[sflag:s15] =	ssyncset.done $0x0  }
.LBB2_5:
0x66: {  	s25 =	sshra.s32 s23, $0x2  }
0x67: {  	[sflag:s15] =	ssyncadd.s32 $0xFFFFC000;
	s23 =	smov.u32 s24;
	s26 =	sadd.s32 $0x400, s24  }
0x68: {  	[tilespmem:s17], [sflag:$0x1] =	stream.indirect.gather [hbm4b:s5+s16], $0x80, s25, s16, $0xb8;
	[tilespmem:$0x1F800] =	vst v63  }
0x69: {  	p1 =	sne.s32 s24, $0x6400;
	s24 =	sadd.s32 $0x80, s25  }
0x6a: {  	[tilespmem:s18], [sflag:$0x2] =	stream.indirect.gather [hbm4b:s5+s16], $0x80, s24, s16, $0xb8;
	[tilespmem:$0x1F800] =	vst v63  }
0x6b: {  	_ =	swait.ge [sflag:s19], $0x4000  }
0x6c: {  	[sflag:s19] =	ssyncset.done $0x0  }
0x6d: {  	s24 =	sadd.s32 $0x1C00, s25;
	[sflag:s19] =	ssyncadd.s32 $0xFFFFC000  }
0x6e: {  	[spmem:s2] =	stream.indirect.scatter.add.f32 [tilespmem:s17], [sflag:$0x3], $0x80, s24, s16, $0xb8;
	[tilespmem:$0x1F800] =	vst v63  }
0x6f: {  	_ =	swait.ge [sflag:s15], $0x4000  }
0x70: {  	[sflag:s15] =	ssyncset.done $0x0  }
0x71: {  	[sflag:s15] =	ssyncadd.s32 $0xFFFFC000  }
0x72: {  	_ =	swait.ge [sflag:s20], $0x4000  }
.Ltmp4:
0x73: {  	[sflag:s20] =	ssyncset.done $0x0;
	(pc) =	sbr.rel @p1 .LBB2_5-.Ltmp4, $4  }
0x74: {  	s24 =	sadd.s32 $0x1C80, s25;
	[sflag:s20] =	ssyncadd.s32 $0xFFFFC000  }
0x75: {  	[spmem:s2] =	stream.indirect.scatter.add.f32 [tilespmem:s18], [sflag:$0x3], $0x80, s24, s16, $0xb8;
	[tilespmem:$0x1F800] =	vst v63  }
0x76: {  	_ =	swait.ge [sflag:s15], $0x4000  }
0x77: {  	s24 =	smov.u32 s26;
	[sflag:s15] =	ssyncset.done $0x0  }
.Ltmp5:
0x78: {  	_ = 	snop;
	(pc) =	sbr.rel .LBB2_6-.Ltmp5, $1  }
0x79: {  	_ =	sdelay $0x3  }
.LBB2_8:
0x7a: {  	_ =	sfence.sel $0x180000  }
0x7b: {  	[bflag:$0x0] =	sbarrier.arrive $0xFFFF  }
0x7c: {  	p0 =	sne.s32 s1, $0x0;
	_ =	strace $0x90000050  }
0x7d: {  	s0 =	sadd.s32 @!p0 $0x100000, s0;
	[bflag:$0x2] =	sbarrier.arrive $0xFFFF  }
0x7e: {  	[sflag:s0] =	ssyncadd.tile.s32 @!p0 $0x1;
	_ =	shalt  }
.Lfunc_end2:
_tile_overlayer_lowered:
.L_overlay_start_2:
0x7f: {  	(tag) =	ssettag $0x2  }
0x80: {  	s0 =	rddreg [dreg:$0x0];
	s2 =	stileid.u32  }
0x81: {  	s1 =	rddreg [dreg:$0x1];
	p0 =	sne.s32 s2, $0x0  }
0x82: {  	s3 =	rddreg [dreg:$0x2];
	[bflag:$0x3] =	sbarrier.arrive $0xFFFF;
	s2 =	simm.s32 @!p0 $0x1C03  }
0x83: {  	[timem:s3], [sflag:s2] =	dma.local @!p0 [hbm:s0], s1  }
0x84: {  	s0 =	simm.s32 @!p0 $0x3  }
0x85: {  	_ =	swait.ge @!p0 [sflag:s0], s1  }
0x86: {  	s1 =	ssub.s32 @!p0 $0x0, s1;
	[sflag:s0] =	ssyncset.done @!p0 $0x0  }
0x87: {  	[sflag:s0] =	ssyncadd.s32 @!p0 s1  }
0x88: {  	[bflag:$0x3] =	sbarrier.arrive $0xFFFF  }
0x89: {  	_ =	shalt  }

// kernel: kernel.24.cloned.1.call-start
scs
__scs_entry_jumppad:
0x0: {  	(pc) =	sbr.rel $0x88, $3  }
0x1: {  	(tag) =	ssettag $0x0;
	lr =	simm.s32 $0x1  }
0x2: {  	[smem:$0x3F90] =	sst lr;
	_ =	strace $0xD0000000  }
0x3: {  	_ = 	snop  }
0x4: {  	_ = 	snop  }
0x5: {  	_ = 	snop  }
0x6: {  	_ = 	snop  }
0x7: {  	_ = 	snop  }
__scs_overlays_trampoline_lowered:
0x8: {  	[smem:$0x3F9F] =	sst s0  }
0x9: {  	[smem:$0x3FA0] =	sst s1  }
0xa: {  	[smem:$0x3FA1] =	sst s2  }
0xb: {  	[smem:$0x3FA2] =	sst s3  }
0xc: {  	[smem:$0x3FA3] =	sst s4  }
0xd: {  	[smem:$0x3FA4] =	sst s5  }
0xe: {  	[smem:$0x3FA5] =	sst s6  }
0xf: {  	[smem:$0x3FA6] =	sst s7  }
0x10: {  	[smem:$0x3FA7] =	sst s8  }
0x11: {  	[smem:$0x3FA8] =	sst s9;
	s0 =	simm.s32 @!p0 $0x0  }
0x12: {  	s1 =	sld [smem:$0x3F8E];
	s0 =	simm.s32 @p0 $0x1  }
0x13: {  	[smem:$0x3FA9] =	sst s0;
	s0 =	simm.s32 @!p1 $0x0  }
0x14: {  	s2 =	sld [smem:$0x3F8D];
	s0 =	simm.s32 @p1 $0x1  }
0x15: {  	[smem:$0x3FAA] =	sst s0;
	s0 =	simm.s32 @!p2 $0x0  }
0x16: {  	s3 =	sld [smem:$0x3FDB];
	s0 =	simm.s32 @p2 $0x1  }
0x17: {  	s4 =	simm.s32 $0x1BF5;
	[smem:$0x3FAC] =	sst s0  }
0x18: {  	s0 =	sld [smem:$0x3F8F];
	_ =	swait.ge [sflag:s4], $0x0  }
0x19: {  	s7 =	sld [smem:$0x3F90]  }
0x1a: {  	s8 =	sadd.s32 $0xFFFFE003, lr  }
0x1b: {  	s9 =	sadd.s32 $0xFFFFFEF7, lr;
	s5 =	simm.s32 $0xFFFFFFFF;
	p2 =	slt.u32 s8, $0xFFFFF086  }
0x1c: {  	p1 =	slt.u32 s9, $0xF7A;
	s5 =	simm.s32 @!p2 $0x0  }
0x1d: {  	s5 =	simm.s32 @p1 $0x1;
	p0 =	seq.s32 s7, s2  }
0x1e: {  	s7 =	smul.u32 @!p0 $0xF7A, s2;
	p2 =	seq.s32 @!p0 s5, $0x0  }
0x1f: {  	s9 =	smul.u32 $0xF7A, s1;
	s8 =	simm.s32 @!p0 $0x1BF5;
	p2 =	por !p2, p0  }
0x20: {  	[sflag:s8] =	ssyncset.s32 @!p0 $0xFFFFF086;
	s6 =	sadd.s32 @!p0 s3, s7;
	s7 =	simm.s32 @!p0 $0x108  }
0x21: {  	s3 =	sadd.s32 s3, s9;
	s6 =	sadd.s32 @!p0 $0x88, s6;
	s7 =	simm.s32 @p2 $0x1082  }
0x22: {  	[simem:s7], [sflag:s8] =	dma.local @!p0 [hbm:s6], $0xF7A  }
0x23: {  	s9 =	sor.u32 $0xD0000000, s2;
	s6 =	simm.s32 $0x108;
	_ =	swait.ge @!p0 [sflag:s8], $0x0  }
0x24: {  	s3 =	sadd.s32 $0x88, s3;
	s6 =	simm.s32 @!p1 $0x1082;
	[sflag:s4] =	ssyncset.s32 $0xFFFFF086  }
0x25: {  	[simem:s6], [sflag:s4] =	dma.local [hbm:s3], $0xF7A  }
0x26: {  	[smem:$0x3F90] =	sst s1;
	(tag) =	ssettag s2;
	_ =	strace s9  }
0x27: {  	s1 =	sld [smem:$0x3FA0]  }
0x28: {  	s2 =	sld [smem:$0x3FA1]  }
0x29: {  	s4 =	sld [smem:$0x3FA3]  }
0x2a: {  	p0 =	seq.s32 s5, $0x0;
	s5 =	sld [smem:$0x3FA4]  }
0x2b: {  	s6 =	sld [smem:$0x3FA5]  }
0x2c: {  	s7 =	sld [smem:$0x3FA6]  }
0x2d: {  	s3 =	simm.s32 $0x108;
	s8 =	sld [smem:$0x3FA7]  }
0x2e: {  	s3 =	simm.s32 @!p0 $0x1082;
	s9 =	sld [smem:$0x3FA8]  }
0x2f: {  	lr =	sadd.s32 s0, s3;
	s0 =	sld [smem:$0x3F9F]  }
0x30: {  	s3 =	sld [smem:$0x3FA2]  }
0x31: {  	[smem:$0x3FAB] =	sst s10  }
0x32: {  	s10 =	sld [smem:$0x3FA9];
	_ =	sdelay $0x3  }
0x33: {  	p0 =	seq.s32 s10, $0x1;
	s10 =	sld [smem:$0x3FAB];
	_ =	sdelay $0x3  }
0x34: {  	[smem:$0x3FAB] =	sst s10  }
0x35: {  	s10 =	sld [smem:$0x3FAA];
	_ =	sdelay $0x3  }
0x36: {  	p1 =	seq.s32 s10, $0x1;
	s10 =	sld [smem:$0x3FAB];
	_ =	sdelay $0x3  }
0x37: {  	[smem:$0x3FAB] =	sst s10  }
0x38: {  	s10 =	sld [smem:$0x3FAC]  }
0x39: {  	_ = 	snop;
	(pc) =	sbr.ind lr, $3  }
0x3a: {  	_ = 	snop  }
0x3b: {  	_ = 	snop  }
0x3c: {  	p2 =	seq.s32 s10, $0x1;
	s10 =	sld [smem:$0x3FAB]  }
0x3d: {  	_ =	shalt  }
0x3e: {  	_ =	shalt  }
0x3f: {  	_ =	shalt  }
0x40: {  	_ =	shalt  }
0x41: {  	_ =	shalt  }
0x42: {  	_ =	shalt  }
0x43: {  	_ =	shalt  }
0x44: {  	_ =	shalt  }
0x45: {  	_ =	shalt  }
0x46: {  	_ =	shalt  }
0x47: {  	_ =	shalt  }
0x48: {  	_ =	shalt  }
0x49: {  	_ =	shalt  }
0x4a: {  	_ =	shalt  }
0x4b: {  	_ =	shalt  }
0x4c: {  	_ =	shalt  }
0x4d: {  	_ =	shalt  }
0x4e: {  	_ =	shalt  }
0x4f: {  	_ =	shalt  }
0x50: {  	_ =	shalt  }
0x51: {  	_ =	shalt  }
0x52: {  	_ =	shalt  }
0x53: {  	_ =	shalt  }
0x54: {  	_ =	shalt  }
0x55: {  	_ =	shalt  }
0x56: {  	_ =	shalt  }
0x57: {  	_ =	shalt  }
0x58: {  	_ =	shalt  }
0x59: {  	_ =	shalt  }
0x5a: {  	_ =	shalt  }
0x5b: {  	_ =	shalt  }
0x5c: {  	_ =	shalt  }
0x5d: {  	_ =	shalt  }
0x5e: {  	_ =	shalt  }
0x5f: {  	_ =	shalt  }
0x60: {  	_ =	shalt  }
0x61: {  	_ =	shalt  }
0x62: {  	_ =	shalt  }
0x63: {  	_ =	shalt  }
0x64: {  	_ =	shalt  }
0x65: {  	_ =	shalt  }
0x66: {  	_ =	shalt  }
0x67: {  	_ =	shalt  }
0x68: {  	_ =	shalt  }
0x69: {  	_ =	shalt  }
0x6a: {  	_ =	shalt  }
0x6b: {  	_ =	shalt  }
0x6c: {  	_ =	shalt  }
0x6d: {  	_ =	shalt  }
0x6e: {  	_ =	shalt  }
0x6f: {  	_ =	shalt  }
0x70: {  	_ =	shalt  }
0x71: {  	_ =	shalt  }
0x72: {  	_ =	shalt  }
0x73: {  	_ =	shalt  }
0x74: {  	_ =	shalt  }
0x75: {  	_ =	shalt  }
0x76: {  	_ =	shalt  }
0x77: {  	_ =	shalt  }
0x78: {  	_ =	shalt  }
0x79: {  	_ =	shalt  }
0x7a: {  	_ =	shalt  }
0x7b: {  	_ =	shalt  }
0x7c: {  	_ =	shalt  }
0x7d: {  	_ =	shalt  }
0x7e: {  	_ =	shalt  }
0x7f: {  	_ =	shalt  }
0x80: {  	_ =	shalt  }
0x81: {  	_ =	shalt  }
0x82: {  	_ =	shalt  }
0x83: {  	_ =	shalt  }
0x84: {  	_ =	shalt  }
0x85: {  	_ =	shalt  }
0x86: {  	_ =	shalt  }
0x87: {  	_ =	shalt  }
.Lfunc_end0:
.L_simem_size_0:
called_computation.4_lowered:
.L_overlay_start_0:
0x88: {  	s2 =	sld [smem:$0x3FD9]  }
0x89: {  	s3 =	sld [smem:$0x3FFE];
	_ =	sdelay $0x1  }
0x8a: {  	s1 =	srdreg.scid  }
0x8b: {  	s0 =	sand.u32 $0x1, s1  }
0x8c: {  	s16 =	sshll.u32 s0, $0xA;
	s2 =	sadd.s32 s3, s2  }
0x8d: {  	s2 =	sadd.s32 s2, s16  }
0x8e: {  	[smem:$0x3FB7] =	sst s2  }
0x8f: {  	_ = 	snop  }
0x90: {  	(tm) =	ssettm $0x1  }
0x91: {  	s17 =	sld [smem:$0x3FFB];
	_ =	sdelay $0x3  }
0x92: {  	_ =	strace s17  }
0x93: {  	s2 =	sld [smem:$0x3FFC];
	_ =	sdelay $0x3  }
0x94: {  	_ =	strace s2  }
0x95: {  	s2 =	sld [smem:$0x3FFD];
	_ =	sdelay $0x3  }
0x96: {  	_ =	strace s2  }
0x97: {  	_ =	strace $0x8FFFFFFF  }
0x98: {  	s18 =	sld [smem:$0x3FDB];
	_ =	sdelay $0x1  }
0x99: {  	s19 =	simm.s32 $_scs_section_size  }
0x9a: {  	s4 =	simm.s32 $_size__tile_overlayer_lowered;
	s5 =	simm.s32 $_tile_overlayer_lowered  }
0x9b: {  	s22 =	simm.s32 $0x1BFF;
	s21 =	sshll.u32 s5, $0x1;
	s2 =	sadd.s32 s19, s18  }
0x9c: {  	s6 =	simm.s32 $0x0;
	s20 =	sshll.u32 s4, $0x1;
	s4 =	sadd.s32 s21, s2  }
0x9d: {  	[timem:s6], [sflag:s22] =	dma.local [hbm:s4], s20  }
0x9e: {  	_ =	swait.ge [sflag:s22], s20  }
0x9f: {  	s3 =	ssub.s32 $0x0, s20;
	[sflag:s22] =	ssyncset.done $0x0  }
0xa0: {  	[sflag:s22] =	ssyncadd.s32 s3;
	_ =	sdelay $0x1  }
0xa1: {  	s23 =	simm.s32 $0x1B8B  }
0xa2: {  	_ =	swait.ge [sflag:s23], $0x1  }
0xa3: {  	[sflag:s23] =	ssyncset.done $0x0  }
0xa4: {  	s25 =	simm.s32 $0x1B8E;
	s24 =	sld [smem:$0x3FFE];
	[sflag:s23] =	ssyncadd.s32 $0xFFFFFFFF  }
0xa5: {  	s26 =	simm.s32 $execute0_lowered;
	[smem:$0x3FD2] =	sst s25  }
0xa6: {  	s4 =	sshll.u32 s26, $0x1;
	_ =	strace $0x80000052;
	[dreg:$0x1] =	wrdreg $0xFFFFFFFF  }
0xa7: {  	s28 =	simm.s32 $_size_execute0_lowered;
	s2 =	sadd.s32 s2, s4;
	[dreg:$0x0] =	wrdreg $0x0  }
0xa8: {  	s4 =	sshll.u32 s28, $0x1;
	[dreg:$0x2] =	wrdreg s2  }
0xa9: {  	[dreg:$0x3] =	wrdreg s4  }
0xaa: {  	[dreg:$0x4] =	wrdreg $0xC0  }
0xab: {  	_ =	task [dreg:s6], $0x5FFFF  }
0xac: {  	[dreg:$0x1] =	wrdreg $0xFFFFFFFF  }
0xad: {  	[dreg:$0x0] =	wrdreg $0x60  }
0xae: {  	[dreg:$0x2] =	wrdreg s24  }
0xaf: {  	[dreg:$0x3] =	wrdreg $0xB8000  }
0xb0: {  	[dreg:$0x4] =	wrdreg $0x9  }
0xb1: {  	_ =	task.clear_ibuf [dreg:s6], $0x5FFFF;
	_ =	strace $0x90000052  }
0xb2: {  	s29 =	simm.s32 $0x9;
	_ =	strace $0x80000054  }
0xb3: {  	_ =	swait.ge [sflag:s29], $0x1  }
0xb4: {  	[sflag:s29] =	ssyncadd.s32 $0xFFFFFFFF  }
0xb5: {  	_ =	strace $0x90000054  }
0xb6: {  	_ =	sfence  }
0xb7: {  	s30 =	sld [smem:$0x0];
	_ =	sdelay $0x2  }
0xb8: {  	s31 =	sshll.u32 s1, $0xD;
	s1 =	sshrl.u32 s1, $0x2  }
0xb9: {  	s3 =	sand.u32 $0x4000, s31;
	s1 =	sadd.s32 s1, s30  }
0xba: {  	s0 =	sor.u32 s3, s0;
	s1 =	sshll.u32 s1, $0x11  }
0xbb: {  	s0 =	sor.u32 s1, s0  }
0xbc: {  	s0 =	sadd.s32 $0x8F2B, s0  }
0xbd: {  	[sflag:s0] =	ssyncadd.remote.s32 $0x1  }
0xbe: {  	_ =	sfence.sel $0xFFFF  }
0xbf: {  	[dreg:$0x0] =	wrdreg $0xFFFFFFFF;
	(pc) =	sbr.abs _section_cstart, $3  }
0xc0: {  	[dreg:$0x1] =	wrdreg $0xFFFFFFFF  }
0xc1: {  	_ =	task.clear_ibuf [dreg:s6], $0x2FFFF;
	_ =	strace $0x9FFFFFFF  }
0xc2: {  	(tm) =	ssettm $0x7FFFFFFF  }
0xc3: {  	_ =	shalt  }
tec
execute0_lowered:
.L_overlay_start_1:
0x0: {  	(tag) =	ssettag $0x1  }
0x1: {  	s6 =	rddreg [dreg:$0x0]  }
0x2: {  	s2 =	rddreg [dreg:$0x1]  }
0x3: {  	s0 =	rddreg [dreg:$0x2]  }
0x4: {  	s3 =	simm.s32 $0x0;
	s1 =	stileid.u32;
	s4 =	srdreg.scid  }
0x5: {  	s17 =	simm.s32 $0x3800;
	s18 =	simm.s32 $0x7800;
	s19 =	simm.s32 $0x1  }
0x6: {  	s20 =	simm.s32 $0x2;
	s21 =	simm.s32 $0x1C00;
	s22 =	simm.s32 $0x0  }
0x7: {  	[smem:$0x7FF] =	sst s3;
	s7 =	smul.u32 $0x14000, s1;
	s4 =	sand.u32 $0x1, s4  }
0x8: {  	s5 =	sadd.s32 $0x36600, s6;
	s10 =	sadd.s32 $0x86E00, s6;
	s12 =	smul.u32 $0x50000, s1  }
0x9: {  	s11 =	sadd.s32 $0x94E00, s6;
	s28 =	sshll.u32 s1, $0x1;
	s14 =	smul.u32 $0x7000, s1  }
0xa: {  	s30 =	sshll.u32 s1, $0x6;
	_ =	strace $0x80000053;
	s8 =	smul.u32 $0x140000, s4  }
0xb: {  	s25 =	ssub.s32 $0x2, s4;
	p0 =	sne.s32 s4, $0x0;
	s9 =	sshrl.u32 s7, $0x3  }
0xc: {  	s26 =	sshrl.u32 s25, $0x1;
	s12 =	sshrl.u32 s12, $0x2;
	s31 =	sshrl.u32 s14, $0x3  }
0xd: {  	s9 =	sadd.s32 s9, s6;
	s7 =	sadd.s32 s7, s8;
	s15 =	ssub.s32 s25, s26  }
0xe: {  	s16 =	sadd.s32 s12, s2;
	s14 =	sadd.s32 $0x380, s31;
	s7 =	sshrl.u32 s7, $0x3  }
.Ltmp0:
0xf: {  	s13 =	sadd.s32 s7, s6;
	s7 =	sor.u32 s4, s28;
	(pc) =	sbr.rel .LBB2_1-.Ltmp0, $4  }
0x10: {  	s6 =	sadd.s32 $0xE600, s9;
	s29 =	smul.u32 $0x700, s7;
	s7 =	sor.u32 $0x1C03, s30  }
0x11: {  	s12 =	sadd.s32 $0xA2E00, s13;
	s13 =	smax.u32 s15, $0x1;
	s15 =	simm.s32 $0x3  }
0x12: {  	s8 =	sadd.s32 s10, s29;
	s9 =	sadd.s32 s11, s29;
	s10 =	sadd.s32 s10, s14  }
0x13: {  	s11 =	sadd.s32 s11, s14;
	s14 =	sshrl.u32 s16, $0x3;
	s16 =	simm.s32 $0x80  }
.LBB2_6:
0x14: {  	s23 =	sshra.s32 s23, $0x2;
	[sflag:s15] =	ssyncadd.s32 $0xFFFFC000  }
0x15: {  	[tilespmem:s17], [sflag:$0x1] =	stream.indirect.gather [hbm4b:s5+s16], $0x80, s23, s16, $0xb8;
	[tilespmem:$0x1F800] =	vst v63  }
0x16: {  	s24 =	sadd.s32 $0x80, s23  }
0x17: {  	[tilespmem:s18], [sflag:$0x2] =	stream.indirect.gather [hbm4b:s5+s16], $0x80, s24, s16, $0xb8;
	[tilespmem:$0x1F800] =	vst v63  }
0x18: {  	_ =	swait.ge [sflag:s19], $0x4000  }
0x19: {  	[sflag:s19] =	ssyncset.done $0x0  }
0x1a: {  	s31 =	sadd.s32 $0x1C00, s23;
	[sflag:s19] =	ssyncadd.s32 $0xFFFFC000  }
0x1b: {  	[spmem:s2] =	stream.indirect.scatter.add.f32 [tilespmem:s17], [sflag:$0x3], $0x80, s31, s16, $0xb8;
	[tilespmem:$0x1F800] =	vst v63  }
0x1c: {  	_ =	swait.ge [sflag:s15], $0x4000  }
0x1d: {  	[sflag:s15] =	ssyncset.done $0x0  }
0x1e: {  	[sflag:s15] =	ssyncadd.s32 $0xFFFFC000  }
0x1f: {  	_ =	swait.ge [sflag:s20], $0x4000  }
0x20: {  	[sflag:s20] =	ssyncset.done $0x0  }
0x21: {  	s23 =	sadd.s32 $0x1C80, s23;
	[sflag:s20] =	ssyncadd.s32 $0xFFFFC000  }
0x22: {  	[spmem:s2] =	stream.indirect.scatter.add.f32 [tilespmem:s18], [sflag:$0x3], $0x80, s23, s16, $0xb8;
	[tilespmem:$0x1F800] =	vst v63  }
0x23: {  	_ =	swait.ge [sflag:s15], $0x4000  }
0x24: {  	[sflag:s15] =	ssyncset.done $0x0  }
0x25: {  	[sflag:s15] =	ssyncadd.s32 $0xFFFFC000  }
.LBB2_7:
0x26: {  	s22 =	sadd.s32 $0x1, s22  }
0x27: {  	p1 =	sne.s32 s22, s13  }
.Ltmp1:
0x28: {  	[bflag:$0x0] =	sbarrier.arrive $0xFFFF;
	(pc) =	sbr.rel @!p1 .LBB2_8-.Ltmp1, $4  }
0x29: {  	[hbm:s12], [sflag:s7] =	dma.local [spmem:s14], $0x2800  }
0x2a: {  	_ =	swait.ge [sflag:s15], $0x2800  }
0x2b: {  	[sflag:s15] =	ssyncset.done $0x0  }
0x2c: {  	[sflag:s15] =	ssyncadd.s32 $0xFFFFD800  }
.LBB2_1:
0x2d: {  	[spmem:s14], [sflag:s7] =	dma.local [hbm:s6], $0x2800  }
0x2e: {  	_ =	swait.ge [sflag:s15], $0x2800  }
0x2f: {  	[sflag:s15] =	ssyncset.done $0x0  }
0x30: {  	[sflag:s15] =	ssyncadd.s32 $0xFFFFD800  }
0x31: {  	[bflag:$0x0] =	sbarrier.arrive $0xFFFF  }
0x32: {  	[tilespmem:s3], [sflag:$0x3] =	stream.linear.gather [hbm4b:s8+s3], $0x1B00, $0x38;
	[tilespmem:$0x1F800] =	vst v63  }
0x33: {  	_ =	swait.ge [sflag:s15], $0x1B00  }
0x34: {  	[sflag:s15] =	ssyncset.done $0x0  }
0x35: {  	[sflag:s15] =	ssyncadd.s32 $0xFFFFE500  }
0x36: {  	[tilespmem:s21], [sflag:$0x3] =	stream.linear.gather [hbm4b:s9+s3], $0x1B00, $0x38;
	[tilespmem:$0x1F800] =	vst v63  }
0x37: {  	_ =	swait.ge [sflag:s15], $0x1B00  }
0x38: {  	s23 =	simm.s32 $0x1C00;
	[sflag:s15] =	ssyncset.done $0x0  }
0x39: {  	s24 =	simm.s32 $0x0;
	s25 =	simm.s32 $0x1;
	[sflag:s15] =	ssyncadd.s32 $0xFFFFE500  }
.LBB2_2:
0x3a: {  	[tilespmem:s17], [sflag:$0x1] =	stream.indirect.gather [hbm4b:s5+s16], $0x80, s24, s16, $0xb8;
	[tilespmem:$0x1F800] =	vst v63  }
0x3b: {  	s26 =	sadd.s32 $0x80, s24  }
0x3c: {  	[tilespmem:s18], [sflag:$0x2] =	stream.indirect.gather [hbm4b:s5+s16], $0x80, s26, s16, $0xb8;
	[tilespmem:$0x1F800] =	vst v63  }
0x3d: {  	_ =	swait.ge [sflag:s19], $0x4000  }
0x3e: {  	[sflag:s19] =	ssyncset.done $0x0  }
0x3f: {  	[sflag:s19] =	ssyncadd.s32 $0xFFFFC000  }
0x40: {  	[spmem:s2] =	stream.indirect.scatter.add.f32 [tilespmem:s17], [sflag:$0x3], $0x80, s23, s16, $0xb8;
	[tilespmem:$0x1F800] =	vst v63  }
0x41: {  	_ =	swait.ge [sflag:s15], $0x4000  }
0x42: {  	[sflag:s15] =	ssyncset.done $0x0  }
0x43: {  	[sflag:s15] =	ssyncadd.s32 $0xFFFFC000  }
0x44: {  	s31 =	sxor.u32 s25, s4;
	_ =	swait.ge [sflag:s20], $0x4000  }
0x45: {  	p1 =	sne.s32 s31, $0x1B;
	[sflag:s20] =	ssyncset.done $0x0  }
.Ltmp2:
0x46: {  	s30 =	sadd.s32 $0x80, s23;
	[sflag:s20] =	ssyncadd.s32 $0xFFFFC000;
	(pc) =	sbr.rel @p1 .LBB2_2-.Ltmp2, $4  }
0x47: {  	[spmem:s2] =	stream.indirect.scatter.add.f32 [tilespmem:s18], [sflag:$0x3], $0x80, s30, s16, $0xb8;
	[tilespmem:$0x1F800] =	vst v63  }
0x48: {  	_ =	swait.ge [sflag:s15], $0x4000  }
0x49: {  	s25 =	sadd.s32 $0x1, s25;
	[sflag:s15] =	ssyncset.done $0x0  }
0x4a: {  	s24 =	sadd.s32 $0x100, s24;
	s23 =	sadd.s32 $0x100, s23;
	[sflag:s15] =	ssyncadd.s32 $0xFFFFC000  }
.Ltmp3:
0x4b: {  	(pc) =	sbr.rel @p0 .LBB2_7-.Ltmp3, $1  }
0x4c: {  	_ =	sdelay $0x3  }
0x4d: {  	s23 =	simm.s32 $0x0  }
0x4e: {  	[tilespmem:s23], [sflag:$0x3] =	stream.linear.gather [hbm4b:s10+s23], $0x1B00, $0x38;
	[tilespmem:$0x1F800] =	vst v63  }
0x4f: {  	_ =	swait.ge [sflag:s15], $0x1B00  }
0x50: {  	[sflag:s15] =	ssyncset.done $0x0  }
0x51: {  	[sflag:s15] =	ssyncadd.s32 $0xFFFFE500  }
0x52: {  	[tilespmem:s21], [sflag:$0x3] =	stream.linear.gather [hbm4b:s11+s23], $0x1B00, $0x38;
	[tilespmem:$0x1F800] =	vst v63  }
0x53: {  	_ =	swait.ge [sflag:s15], $0x1B00  }
0x54: {  	[sflag:s15] =	ssyncset.done $0x0  }
0x55: {  	s28 =	simm.s32 $0x0;
	[sflag:s15] =	ssyncadd.s32 $0xFFFFE500  }
0x56: {  	[tilespmem:s17], [sflag:$0x1] =	stream.indirect.gather [hbm4b:s5+s16], $0x80, s28, s16, $0xb8;
	[tilespmem:$0x1F800] =	vst v63  }
0x57: {  	s29 =	simm.s32 $0x80  }
0x58: {  	[tilespmem:s18], [sflag:$0x2] =	stream.indirect.gather [hbm4b:s5+s16], $0x80, s29, s16, $0xb8;
	[tilespmem:$0x1F800] =	vst v63  }
0x59: {  	_ =	swait.ge [sflag:s19], $0x4000  }
0x5a: {  	[sflag:s19] =	ssyncset.done $0x0  }
0x5b: {  	s30 =	simm.s32 $0x1C00;
	[sflag:s19] =	ssyncadd.s32 $0xFFFFC000  }
0x5c: {  	[spmem:s2] =	stream.indirect.scatter.add.f32 [tilespmem:s17], [sflag:$0x3], $0x80, s30, s16, $0xb8;
	[tilespmem:$0x1F800] =	vst v63  }
0x5d: {  	_ =	swait.ge [sflag:s15], $0x4000  }
0x5e: {  	[sflag:s15] =	ssyncset.done $0x0  }
0x5f: {  	[sflag:s15] =	ssyncadd.s32 $0xFFFFC000  }
0x60: {  	_ =	swait.ge [sflag:s20], $0x4000  }
0x61: {  	[sflag:s20] =	ssyncset.done $0x0  }
0x62: {  	s31 =	simm.s32 $0x1C80;
	[sflag:s20] =	ssyncadd.s32 $0xFFFFC000  }
0x63: {  	[spmem:s2] =	stream.indirect.scatter.add.f32 [tilespmem:s18], [sflag:$0x3], $0x80, s31, s16, $0xb8;
	[tilespmem:$0x1F800] =	vst v63  }
0x64: {  	_ =	swait.ge [sflag:s15], $0x4000  }
0x65: {  	s24 =	simm.s32 $0x800;
	s23 =	simm.s32 $0x400;
	[sflag:s15] =	ssyncset.done $0x0  }
.LBB2_5:
0x66: {  	s25 =	sshra.s32 s23, $0x2  }
0x67: {  	[sflag:s15] =	ssyncadd.s32 $0xFFFFC000;
	s23 =	smov.u32 s24;
	s26 =	sadd.s32 $0x400, s24  }
0x68: {  	[tilespmem:s17], [sflag:$0x1] =	stream.indirect.gather [hbm4b:s5+s16], $0x80, s25, s16, $0xb8;
	[tilespmem:$0x1F800] =	vst v63  }
0x69: {  	p1 =	sne.s32 s24, $0x6400;
	s24 =	sadd.s32 $0x80, s25  }
0x6a: {  	[tilespmem:s18], [sflag:$0x2] =	stream.indirect.gather [hbm4b:s5+s16], $0x80, s24, s16, $0xb8;
	[tilespmem:$0x1F800] =	vst v63  }
0x6b: {  	_ =	swait.ge [sflag:s19], $0x4000  }
0x6c: {  	[sflag:s19] =	ssyncset.done $0x0  }
0x6d: {  	s24 =	sadd.s32 $0x1C00, s25;
	[sflag:s19] =	ssyncadd.s32 $0xFFFFC000  }
0x6e: {  	[spmem:s2] =	stream.indirect.scatter.add.f32 [tilespmem:s17], [sflag:$0x3], $0x80, s24, s16, $0xb8;
	[tilespmem:$0x1F800] =	vst v63  }
0x6f: {  	_ =	swait.ge [sflag:s15], $0x4000  }
0x70: {  	[sflag:s15] =	ssyncset.done $0x0  }
0x71: {  	[sflag:s15] =	ssyncadd.s32 $0xFFFFC000  }
0x72: {  	_ =	swait.ge [sflag:s20], $0x4000  }
.Ltmp4:
0x73: {  	[sflag:s20] =	ssyncset.done $0x0;
	(pc) =	sbr.rel @p1 .LBB2_5-.Ltmp4, $4  }
0x74: {  	s24 =	sadd.s32 $0x1C80, s25;
	[sflag:s20] =	ssyncadd.s32 $0xFFFFC000  }
0x75: {  	[spmem:s2] =	stream.indirect.scatter.add.f32 [tilespmem:s18], [sflag:$0x3], $0x80, s24, s16, $0xb8;
	[tilespmem:$0x1F800] =	vst v63  }
0x76: {  	_ =	swait.ge [sflag:s15], $0x4000  }
0x77: {  	s24 =	smov.u32 s26;
	[sflag:s15] =	ssyncset.done $0x0  }
.Ltmp5:
0x78: {  	_ = 	snop;
	(pc) =	sbr.rel .LBB2_6-.Ltmp5, $1  }
0x79: {  	_ =	sdelay $0x3  }
.LBB2_8:
0x7a: {  	_ =	sfence.sel $0x180000  }
0x7b: {  	[bflag:$0x0] =	sbarrier.arrive $0xFFFF  }
0x7c: {  	p0 =	sne.s32 s1, $0x0;
	_ =	strace $0x90000053  }
0x7d: {  	s0 =	sadd.s32 @!p0 $0x100000, s0;
	[bflag:$0x2] =	sbarrier.arrive $0xFFFF  }
0x7e: {  	[sflag:s0] =	ssyncadd.tile.s32 @!p0 $0x1;
	_ =	shalt  }
.Lfunc_end2:
_tile_overlayer_lowered:
.L_overlay_start_2:
0x7f: {  	(tag) =	ssettag $0x2  }
0x80: {  	s0 =	rddreg [dreg:$0x0];
	s2 =	stileid.u32  }
0x81: {  	s1 =	rddreg [dreg:$0x1];
	p0 =	sne.s32 s2, $0x0  }
0x82: {  	s3 =	rddreg [dreg:$0x2];
	[bflag:$0x3] =	sbarrier.arrive $0xFFFF;
	s2 =	simm.s32 @!p0 $0x1C03  }
0x83: {  	[timem:s3], [sflag:s2] =	dma.local @!p0 [hbm:s0], s1  }
0x84: {  	s0 =	simm.s32 @!p0 $0x3  }
0x85: {  	_ =	swait.ge @!p0 [sflag:s0], s1  }
0x86: {  	s1 =	ssub.s32 @!p0 $0x0, s1;
	[sflag:s0] =	ssyncset.done @!p0 $0x0  }
0x87: {  	[sflag:s0] =	ssyncadd.s32 @!p0 s1  }
0x88: {  	[bflag:$0x3] =	sbarrier.arrive $0xFFFF  }
0x89: {  	_ =	shalt  }

</sc_bundles>
